<compile_context>
chip_gen: v7x
topology: tpu7x:2x2x1
jax: 0.10.2.dev20260603
libtpu: 0.0.44.dev20260713+nightly
codegen_flags: <defaults>
</compile_context>

<pallas_src>
import functools

import jax
import jax.numpy as jnp
from jax import lax
from jax.experimental import pallas as pl
from jax.experimental.pallas import tpu as pltpu
from jax.experimental.pallas import tpu_sc as plsc

N = 10000
E = 320000
D = 128

NC = 2
NS = 16
NW = NC * NS
EPW = E // NW
CHUNK = 80
NCHUNK = EPW // CHUNK
DR = 624
DRL = N - 15 * DR
ZR = 16


def _sc_segment_sum(x, edge_flat):
    mesh = plsc.VectorSubcoreMesh(core_axis_name="c", subcore_axis_name="s")

    @functools.partial(
        pl.kernel,
        mesh=mesh,
        out_type=jax.ShapeDtypeStruct((NC, N, D), jnp.float32),
        scratch_types=[
            pltpu.VMEM((4, CHUNK), jnp.int32),
            pltpu.VMEM((4, CHUNK), jnp.int32),
            pltpu.VMEM((4, CHUNK), jnp.int32),
            pltpu.VMEM((4, CHUNK, D), jnp.float32),
            pltpu.VMEM((ZR, D), jnp.float32),
            pltpu.VMEM_SHARED((N, D), jnp.float32),
            [pltpu.SemaphoreType.DMA] * 4,
            [pltpu.SemaphoreType.DMA] * 4,
            [pltpu.SemaphoreType.DMA] * 4,
            pltpu.SemaphoreType.DMA,
        ],
    )
    def body(x_hbm, ei_hbm, out_hbm, src_v, dst_v, sidx_v, rows_v, zero_v,
             acc_sh, isems, gsems, ssems, zsem):
        c = lax.axis_index("c")
        s = lax.axis_index("s")
        wid = s * NC + c
        base_w = wid * EPW

        def idx_load(ci, j):
            q = j % 4
            off = base_w + ci * CHUNK
            pltpu.make_async_copy(
                ei_hbm.at[pl.ds(off, CHUNK)], src_v.at[q],
                isems[q]).start()
            pltpu.make_async_copy(
                ei_hbm.at[pl.ds(E + off, CHUNK)], dst_v.at[q],
                isems[q]).start()

        def idx_wait(j):
            q = j % 4
            pltpu.make_async_copy(
                ei_hbm.at[pl.ds(0, CHUNK)], src_v.at[q], isems[q]).wait()
            pltpu.make_async_copy(
                ei_hbm.at[pl.ds(0, CHUNK)], dst_v.at[q], isems[q]).wait()

        def gather_start(j):
            q = j % 4
            pltpu.make_async_copy(
                x_hbm.at[src_v.at[q]], rows_v.at[q], gsems[q]).start()

        def gather_wait(j):
            q = j % 4
            pltpu.make_async_copy(
                x_hbm.at[src_v.at[q]], rows_v.at[q], gsems[q]).wait()

        def scat_start(j):
            q = j % 4
            def cp(i, carry):
                sidx_v[q, pl.ds(i * 16, 16)] = dst_v[q, pl.ds(i * 16, 16)]
                return carry
            lax.fori_loop(0, CHUNK // 16, cp, 0)
            pltpu.make_async_copy(
                rows_v.at[q], acc_sh.at[sidx_v.at[q]],
                ssems[q]).start(add=True)

        def scat_wait(j):
            q = j % 4
            pltpu.make_async_copy(
                rows_v.at[q], acc_sh.at[sidx_v.at[q]], ssems[q]).wait()

        for cj in range(4):
            idx_load(cj, cj)

        def zrow(i, carry):
            def zcol(jj, carry2):
                zero_v[i, pl.ds(jj * 16, 16)] = jnp.zeros((16,),
                                                          jnp.float32)
                return carry2
            return lax.fori_loop(0, D // 16, zcol, carry)
        lax.fori_loop(0, ZR, zrow, 0)

        @pl.when(s < 15)
        def _():
            for z in range(DR // ZR):
                pltpu.make_async_copy(
                    zero_v, acc_sh.at[pl.ds(s * DR + z * ZR, ZR)],
                    zsem).start()
            for z in range(DR // ZR):
                pltpu.make_async_copy(
                    zero_v, acc_sh.at[pl.ds(s * DR + z * ZR, ZR)],
                    zsem).wait()

        @pl.when(s == 15)
        def _():
            for z in range(DRL // ZR):
                pltpu.make_async_copy(
                    zero_v, acc_sh.at[pl.ds(15 * DR + z * ZR, ZR)],
                    zsem).start()
            for z in range(DRL // ZR):
                pltpu.make_async_copy(
                    zero_v, acc_sh.at[pl.ds(15 * DR + z * ZR, ZR)],
                    zsem).wait()

        idx_wait(0)
        gather_start(0)
        idx_wait(1)
        gather_start(1)

        plsc.subcore_barrier()

        def step(ci, j, lo_ok, hi4_ok, hi2_ok):
            gather_wait(j)
            scat_start(j)
            if lo_ok:
                scat_wait(j + 2)
            if hi4_ok:
                idx_load(ci + 4, j)
            if hi2_ok:
                idx_wait(j + 2)
                gather_start(j + 2)

        for j in range(4):
            step(j, j, j >= 2, True, True)

        def quad(k, carry):
            for j in range(4):
                step(4 * k + j, j, True, True, True)
            return carry
        lax.fori_loop(1, NCHUNK // 4 - 1, quad, 0)

        for j in range(4):
            ci = NCHUNK - 5 + j
            step(ci, j, True, ci + 4 < NCHUNK, ci + 2 < NCHUNK)
        step(NCHUNK - 1, 0, True, False, False)

        scat_wait(NCHUNK - 2)
        scat_wait(NCHUNK - 1)

        plsc.subcore_barrier()

        @pl.when(s < 15)
        def _():
            pltpu.sync_copy(acc_sh.at[pl.ds(s * DR, DR)],
                            out_hbm.at[c, pl.ds(s * DR, DR)])

        @pl.when(s == 15)
        def _():
            pltpu.sync_copy(acc_sh.at[pl.ds(15 * DR, DRL)],
                            out_hbm.at[c, pl.ds(15 * DR, DRL)])

    return body(x, edge_flat)


BLK = 1000


def _tc_self(x, weight_self):

    def body(x_ref, ws_ref, o_ref):
        o_ref[...] = jnp.dot(x_ref[...], ws_ref[...],
                             preferred_element_type=jnp.float32)

    return pl.pallas_call(
        body,
        grid=(N // BLK,),
        in_specs=[
            pl.BlockSpec((BLK, D), lambda i: (i, 0)),
            pl.BlockSpec((D, D), lambda i: (0, 0)),
        ],
        out_specs=pl.BlockSpec((BLK, D), lambda i: (i, 0)),
        out_shape=jax.ShapeDtypeStruct((N, D), jnp.float32),
    )(x, weight_self)


def _tc_combine(part, xs, weight):

    def body(p_ref, xs_ref, w_ref, o_ref):
        agg = p_ref[0] + p_ref[1]
        o_ref[...] = (
            jnp.dot(agg, w_ref[...], preferred_element_type=jnp.float32)
            + xs_ref[...]
        )

    return pl.pallas_call(
        body,
        grid=(N // BLK,),
        in_specs=[
            pl.BlockSpec((NC, BLK, D), lambda i: (0, i, 0)),
            pl.BlockSpec((BLK, D), lambda i: (i, 0)),
            pl.BlockSpec((D, D), lambda i: (0, 0)),
        ],
        out_specs=pl.BlockSpec((BLK, D), lambda i: (i, 0)),
        out_shape=jax.ShapeDtypeStruct((N, D), jnp.float32),
    )(part, xs, weight)


def kernel(x, edge_index, weight, weight_self):
    xs = _tc_self(x, weight_self)
    part = _sc_segment_sum(x, edge_index.reshape(-1))
    return _tc_combine(part, xs, weight)

# --- scband reference (transcript-rebuilt; emitter-appended) ---
"""Pipeline reference for scband-general-conv-4363686772850 (READ-ONLY COPY).

The authoritative reference and input builder live on the scoring server;
editing this copy changes nothing except your own understanding.
"""

import jax, jax.numpy as jnp
import numpy as np

N_NODES = 10000
N_EDGES = 320000
D_IN = 128
D_OUT = 128


def _glorot(key, shape):
    fan_in, fan_out = shape[0], shape[1]
    s = np.sqrt(6.0 / (fan_in + fan_out))
    return jax.random.uniform(key, shape, dtype=jnp.float32, minval=-s, maxval=s)


def setup_inputs(seed: int = 0) -> dict:
    key = jax.random.key(seed)
    k1, k2, k3, k4 = jax.random.split(key, 4)
    x = jax.random.normal(k1, (N_NODES, D_IN), dtype=jnp.float32)
    edge_index = jax.random.randint(k2, (2, N_EDGES), 0, N_NODES, dtype=jnp.int32)
    weight = _glorot(k3, (D_IN, D_OUT))
    weight_self = _glorot(k4, (D_IN, D_OUT))
    return {"x": x, "edge_index": edge_index, "weight": weight, "weight_self": weight_self}


def reference(x, edge_index, weight, weight_self):
    # GeneralConvLayer forward with GraphGym defaults:
    #   cfg.gnn.self_msg == 'concat' (separate self weight, added to aggregated msg)
    #   cfg.gnn.normalize_adj == False -> norm is None, message = x_j
    #   cfg.gnn.agg == 'add' -> sum aggregation at target nodes
    #   bias=False (GeneralConv passes bias=False)
    x_self = jnp.matmul(x, weight_self)
    xw = jnp.matmul(x, weight)
    src = edge_index[0]
    dst = edge_index[1]
    msg = jnp.take(xw, src, axis=0)          # gather x_j (memory-bound)
    x_msg = jax.ops.segment_sum(msg, dst, num_segments=N_NODES)  # scatter-add
    return x_msg + x_self

if __name__ == "__main__":
    import jax
    _d = setup_inputs()
    print(jax.jit(kernel)(*tuple(_d.values())))

</pallas_src>

<mosaic_0001>
#map = affine_map<(d0, d1) -> (0, 0)>
#map1 = affine_map<(d0, d1) -> (0)>
#map2 = affine_map<(d0, d1) -> (0, 0, 0)>
module attributes {stable_mosaic.version = 14 : i64} {
  func.func @body(%arg0: i32, %arg1: i32, %arg2: memref<10000x128xf32, #tpu.memory_space<hbm>>, %arg3: memref<640000xi32, #tpu.memory_space<hbm>>, %arg4: memref<2x10000x128xf32, #tpu.memory_space<hbm>>, %arg5: memref<4x80xi32, #tpu.memory_space<vmem>>, %arg6: memref<4x80xi32, #tpu.memory_space<vmem>>, %arg7: memref<4x80xi32, #tpu.memory_space<vmem>>, %arg8: memref<4x80x128xf32, #tpu.memory_space<vmem>>, %arg9: memref<16x128xf32, #tpu.memory_space<vmem>>, %arg10: memref<10000x128xf32, #tpu.memory_space<vmem_shared>>, %arg11: memref<!tpu.dma_semaphore, #tpu.memory_space<semaphore_mem>>, %arg12: memref<!tpu.dma_semaphore, #tpu.memory_space<semaphore_mem>>, %arg13: memref<!tpu.dma_semaphore, #tpu.memory_space<semaphore_mem>>, %arg14: memref<!tpu.dma_semaphore, #tpu.memory_space<semaphore_mem>>, %arg15: memref<!tpu.dma_semaphore, #tpu.memory_space<semaphore_mem>>, %arg16: memref<!tpu.dma_semaphore, #tpu.memory_space<semaphore_mem>>, %arg17: memref<!tpu.dma_semaphore, #tpu.memory_space<semaphore_mem>>, %arg18: memref<!tpu.dma_semaphore, #tpu.memory_space<semaphore_mem>>, %arg19: memref<!tpu.dma_semaphore, #tpu.memory_space<semaphore_mem>>, %arg20: memref<!tpu.dma_semaphore, #tpu.memory_space<semaphore_mem>>, %arg21: memref<!tpu.dma_semaphore, #tpu.memory_space<semaphore_mem>>, %arg22: memref<!tpu.dma_semaphore, #tpu.memory_space<semaphore_mem>>, %arg23: memref<!tpu.dma_semaphore, #tpu.memory_space<semaphore_mem>>) attributes {dimension_semantics = [#tpu.dimension_semantics<core_parallel>, #tpu.dimension_semantics<subcore_parallel>], iteration_bounds = array<i64: 2, 16>, scalar_prefetch = 0 : i64, scratch_operands = 19 : i64, tpu.core_type = #tpu.core_type<sc_vector_subcore>, window_params = [{transform_indices = #map}, {transform_indices = #map1}, {transform_indices = #map2}]} {
    %mul3A = arith.constant 2 : i32
    %mul3A_0 = arith.muli %arg1, %mul3A : i32
    %add3A = arith.addi %mul3A_0, %arg0 : i32
    %mul3A_1 = arith.constant 10000 : i32
    %mul3A_2 = arith.muli %add3A, %mul3A_1 : i32
    %add3A_3 = arith.constant 0 : i32
    %add3A_4 = arith.addi %mul3A_2, %add3A_3 : i32
    %dma_start3A = arith.constant 0 : i32
    %dma_start3A_5 = arith.constant 0 : i32
    %dma_start3A_6 = tpu.memref_slice %arg5[%dma_start3A, %dma_start3A_5] : memref<4x80xi32, #tpu.memory_space<vmem>> -> memref<1x80xi32, #tpu.memory_space<vmem>>
    %dma_start3A_7 = tpu.memref_squeeze %dma_start3A_6 : memref<1x80xi32, #tpu.memory_space<vmem>> -> memref<80xi32, #tpu.memory_space<vmem>>
    %dma_start3A_8 = tpu.memref_slice %arg3[%add3A_4] : memref<640000xi32, #tpu.memory_space<hbm>> -> memref<80xi32, #tpu.memory_space<hbm>>
    %dma_start3A_9 = arith.constant 0 : i32
    %dma_start3A_10 = tpu.memref_slice %arg5[%dma_start3A, %dma_start3A_9] : memref<4x80xi32, #tpu.memory_space<vmem>> -> memref<1x80xi32, #tpu.memory_space<vmem>>
    %dma_start3A_11 = tpu.memref_squeeze %dma_start3A_10 : memref<1x80xi32, #tpu.memory_space<vmem>> -> memref<80xi32, #tpu.memory_space<vmem>>
    %dma_start3A_12 = tpu.memref_slice %arg3[%add3A_4] : memref<640000xi32, #tpu.memory_space<hbm>> -> memref<80xi32, #tpu.memory_space<hbm>>
    tpu.enqueue_dma source(%dma_start3A_12 : memref<80xi32, #tpu.memory_space<hbm>>) target(%dma_start3A_11 : memref<80xi32, #tpu.memory_space<vmem>>) target_semaphore(%arg11 : memref<!tpu.dma_semaphore, #tpu.memory_space<semaphore_mem>>)
    %add3A_13 = arith.constant 320000 : i32
    %add3A_14 = arith.addi %add3A_13, %add3A_4 : i32
    %dma_start3A_15 = arith.constant 0 : i32
    %dma_start3A_16 = arith.constant 0 : i32
    %dma_start3A_17 = tpu.memref_slice %arg6[%dma_start3A_15, %dma_start3A_16] : memref<4x80xi32, #tpu.memory_space<vmem>> -> memref<1x80xi32, #tpu.memory_space<vmem>>
    %dma_start3A_18 = tpu.memref_squeeze %dma_start3A_17 : memref<1x80xi32, #tpu.memory_space<vmem>> -> memref<80xi32, #tpu.memory_space<vmem>>
    %dma_start3A_19 = tpu.memref_slice %arg3[%add3A_14] : memref<640000xi32, #tpu.memory_space<hbm>> -> memref<80xi32, #tpu.memory_space<hbm>>
    %dma_start3A_20 = arith.constant 0 : i32
    %dma_start3A_21 = tpu.memref_slice %arg6[%dma_start3A_15, %dma_start3A_20] : memref<4x80xi32, #tpu.memory_space<vmem>> -> memref<1x80xi32, #tpu.memory_space<vmem>>
    %dma_start3A_22 = tpu.memref_squeeze %dma_start3A_21 : memref<1x80xi32, #tpu.memory_space<vmem>> -> memref<80xi32, #tpu.memory_space<vmem>>
    %dma_start3A_23 = tpu.memref_slice %arg3[%add3A_14] : memref<640000xi32, #tpu.memory_space<hbm>> -> memref<80xi32, #tpu.memory_space<hbm>>
    tpu.enqueue_dma source(%dma_start3A_23 : memref<80xi32, #tpu.memory_space<hbm>>) target(%dma_start3A_22 : memref<80xi32, #tpu.memory_space<vmem>>) target_semaphore(%arg11 : memref<!tpu.dma_semaphore, #tpu.memory_space<semaphore_mem>>)
    %add3A_24 = arith.constant 80 : i32
    %add3A_25 = arith.addi %mul3A_2, %add3A_24 : i32
    %dma_start3A_26 = arith.constant 1 : i32
    %dma_start3A_27 = arith.constant 0 : i32
    %dma_start3A_28 = tpu.memref_slice %arg5[%dma_start3A_26, %dma_start3A_27] : memref<4x80xi32, #tpu.memory_space<vmem>> -> memref<1x80xi32, #tpu.memory_space<vmem>>
    %dma_start3A_29 = tpu.memref_squeeze %dma_start3A_28 : memref<1x80xi32, #tpu.memory_space<vmem>> -> memref<80xi32, #tpu.memory_space<vmem>>
    %dma_start3A_30 = tpu.memref_slice %arg3[%add3A_25] : memref<640000xi32, #tpu.memory_space<hbm>> -> memref<80xi32, #tpu.memory_space<hbm>>
    %dma_start3A_31 = arith.constant 0 : i32
    %dma_start3A_32 = tpu.memref_slice %arg5[%dma_start3A_26, %dma_start3A_31] : memref<4x80xi32, #tpu.memory_space<vmem>> -> memref<1x80xi32, #tpu.memory_space<vmem>>
    %dma_start3A_33 = tpu.memref_squeeze %dma_start3A_32 : memref<1x80xi32, #tpu.memory_space<vmem>> -> memref<80xi32, #tpu.memory_space<vmem>>
    %dma_start3A_34 = tpu.memref_slice %arg3[%add3A_25] : memref<640000xi32, #tpu.memory_space<hbm>> -> memref<80xi32, #tpu.memory_space<hbm>>
    tpu.enqueue_dma source(%dma_start3A_34 : memref<80xi32, #tpu.memory_space<hbm>>) target(%dma_start3A_33 : memref<80xi32, #tpu.memory_space<vmem>>) target_semaphore(%arg12 : memref<!tpu.dma_semaphore, #tpu.memory_space<semaphore_mem>>)
    %add3A_35 = arith.constant 320000 : i32
    %add3A_36 = arith.addi %add3A_35, %add3A_25 : i32
    %dma_start3A_37 = arith.constant 1 : i32
    %dma_start3A_38 = arith.constant 0 : i32
    %dma_start3A_39 = tpu.memref_slice %arg6[%dma_start3A_37, %dma_start3A_38] : memref<4x80xi32, #tpu.memory_space<vmem>> -> memref<1x80xi32, #tpu.memory_space<vmem>>
    %dma_start3A_40 = tpu.memref_squeeze %dma_start3A_39 : memref<1x80xi32, #tpu.memory_space<vmem>> -> memref<80xi32, #tpu.memory_space<vmem>>
    %dma_start3A_41 = tpu.memref_slice %arg3[%add3A_36] : memref<640000xi32, #tpu.memory_space<hbm>> -> memref<80xi32, #tpu.memory_space<hbm>>
    %dma_start3A_42 = arith.constant 0 : i32
    %dma_start3A_43 = tpu.memref_slice %arg6[%dma_start3A_37, %dma_start3A_42] : memref<4x80xi32, #tpu.memory_space<vmem>> -> memref<1x80xi32, #tpu.memory_space<vmem>>
    %dma_start3A_44 = tpu.memref_squeeze %dma_start3A_43 : memref<1x80xi32, #tpu.memory_space<vmem>> -> memref<80xi32, #tpu.memory_space<vmem>>
    %dma_start3A_45 = tpu.memref_slice %arg3[%add3A_36] : memref<640000xi32, #tpu.memory_space<hbm>> -> memref<80xi32, #tpu.memory_space<hbm>>
    tpu.enqueue_dma source(%dma_start3A_45 : memref<80xi32, #tpu.memory_space<hbm>>) target(%dma_start3A_44 : memref<80xi32, #tpu.memory_space<vmem>>) target_semaphore(%arg12 : memref<!tpu.dma_semaphore, #tpu.memory_space<semaphore_mem>>)
    %add3A_46 = arith.constant 160 : i32
    %add3A_47 = arith.addi %mul3A_2, %add3A_46 : i32
    %dma_start3A_48 = arith.constant 2 : i32
    %dma_start3A_49 = arith.constant 0 : i32
    %dma_start3A_50 = tpu.memref_slice %arg5[%dma_start3A_48, %dma_start3A_49] : memref<4x80xi32, #tpu.memory_space<vmem>> -> memref<1x80xi32, #tpu.memory_space<vmem>>
    %dma_start3A_51 = tpu.memref_squeeze %dma_start3A_50 : memref<1x80xi32, #tpu.memory_space<vmem>> -> memref<80xi32, #tpu.memory_space<vmem>>
    %dma_start3A_52 = tpu.memref_slice %arg3[%add3A_47] : memref<640000xi32, #tpu.memory_space<hbm>> -> memref<80xi32, #tpu.memory_space<hbm>>
    %dma_start3A_53 = arith.constant 0 : i32
    %dma_start3A_54 = tpu.memref_slice %arg5[%dma_start3A_48, %dma_start3A_53] : memref<4x80xi32, #tpu.memory_space<vmem>> -> memref<1x80xi32, #tpu.memory_space<vmem>>
    %dma_start3A_55 = tpu.memref_squeeze %dma_start3A_54 : memref<1x80xi32, #tpu.memory_space<vmem>> -> memref<80xi32, #tpu.memory_space<vmem>>
    %dma_start3A_56 = tpu.memref_slice %arg3[%add3A_47] : memref<640000xi32, #tpu.memory_space<hbm>> -> memref<80xi32, #tpu.memory_space<hbm>>
    tpu.enqueue_dma source(%dma_start3A_56 : memref<80xi32, #tpu.memory_space<hbm>>) target(%dma_start3A_55 : memref<80xi32, #tpu.memory_space<vmem>>) target_semaphore(%arg13 : memref<!tpu.dma_semaphore, #tpu.memory_space<semaphore_mem>>)
    %add3A_57 = arith.constant 320000 : i32
    %add3A_58 = arith.addi %add3A_57, %add3A_47 : i32
    %dma_start3A_59 = arith.constant 2 : i32
    %dma_start3A_60 = arith.constant 0 : i32
    %dma_start3A_61 = tpu.memref_slice %arg6[%dma_start3A_59, %dma_start3A_60] : memref<4x80xi32, #tpu.memory_space<vmem>> -> memref<1x80xi32, #tpu.memory_space<vmem>>
    %dma_start3A_62 = tpu.memref_squeeze %dma_start3A_61 : memref<1x80xi32, #tpu.memory_space<vmem>> -> memref<80xi32, #tpu.memory_space<vmem>>
    %dma_start3A_63 = tpu.memref_slice %arg3[%add3A_58] : memref<640000xi32, #tpu.memory_space<hbm>> -> memref<80xi32, #tpu.memory_space<hbm>>
    %dma_start3A_64 = arith.constant 0 : i32
    %dma_start3A_65 = tpu.memref_slice %arg6[%dma_start3A_59, %dma_start3A_64] : memref<4x80xi32, #tpu.memory_space<vmem>> -> memref<1x80xi32, #tpu.memory_space<vmem>>
    %dma_start3A_66 = tpu.memref_squeeze %dma_start3A_65 : memref<1x80xi32, #tpu.memory_space<vmem>> -> memref<80xi32, #tpu.memory_space<vmem>>
    %dma_start3A_67 = tpu.memref_slice %arg3[%add3A_58] : memref<640000xi32, #tpu.memory_space<hbm>> -> memref<80xi32, #tpu.memory_space<hbm>>
    tpu.enqueue_dma source(%dma_start3A_67 : memref<80xi32, #tpu.memory_space<hbm>>) target(%dma_start3A_66 : memref<80xi32, #tpu.memory_space<vmem>>) target_semaphore(%arg13 : memref<!tpu.dma_semaphore, #tpu.memory_space<semaphore_mem>>)
    %add3A_68 = arith.constant 240 : i32
    %add3A_69 = arith.addi %mul3A_2, %add3A_68 : i32
    %dma_start3A_70 = arith.constant 3 : i32
    %dma_start3A_71 = arith.constant 0 : i32
    %dma_start3A_72 = tpu.memref_slice %arg5[%dma_start3A_70, %dma_start3A_71] : memref<4x80xi32, #tpu.memory_space<vmem>> -> memref<1x80xi32, #tpu.memory_space<vmem>>
    %dma_start3A_73 = tpu.memref_squeeze %dma_start3A_72 : memref<1x80xi32, #tpu.memory_space<vmem>> -> memref<80xi32, #tpu.memory_space<vmem>>
    %dma_start3A_74 = tpu.memref_slice %arg3[%add3A_69] : memref<640000xi32, #tpu.memory_space<hbm>> -> memref<80xi32, #tpu.memory_space<hbm>>
    %dma_start3A_75 = arith.constant 0 : i32
    %dma_start3A_76 = tpu.memref_slice %arg5[%dma_start3A_70, %dma_start3A_75] : memref<4x80xi32, #tpu.memory_space<vmem>> -> memref<1x80xi32, #tpu.memory_space<vmem>>
    %dma_start3A_77 = tpu.memref_squeeze %dma_start3A_76 : memref<1x80xi32, #tpu.memory_space<vmem>> -> memref<80xi32, #tpu.memory_space<vmem>>
    %dma_start3A_78 = tpu.memref_slice %arg3[%add3A_69] : memref<640000xi32, #tpu.memory_space<hbm>> -> memref<80xi32, #tpu.memory_space<hbm>>
    tpu.enqueue_dma source(%dma_start3A_78 : memref<80xi32, #tpu.memory_space<hbm>>) target(%dma_start3A_77 : memref<80xi32, #tpu.memory_space<vmem>>) target_semaphore(%arg14 : memref<!tpu.dma_semaphore, #tpu.memory_space<semaphore_mem>>)
    %add3A_79 = arith.constant 320000 : i32
    %add3A_80 = arith.addi %add3A_79, %add3A_69 : i32
    %dma_start3A_81 = arith.constant 3 : i32
    %dma_start3A_82 = arith.constant 0 : i32
    %dma_start3A_83 = tpu.memref_slice %arg6[%dma_start3A_81, %dma_start3A_82] : memref<4x80xi32, #tpu.memory_space<vmem>> -> memref<1x80xi32, #tpu.memory_space<vmem>>
    %dma_start3A_84 = tpu.memref_squeeze %dma_start3A_83 : memref<1x80xi32, #tpu.memory_space<vmem>> -> memref<80xi32, #tpu.memory_space<vmem>>
    %dma_start3A_85 = tpu.memref_slice %arg3[%add3A_80] : memref<640000xi32, #tpu.memory_space<hbm>> -> memref<80xi32, #tpu.memory_space<hbm>>
    %dma_start3A_86 = arith.constant 0 : i32
    %dma_start3A_87 = tpu.memref_slice %arg6[%dma_start3A_81, %dma_start3A_86] : memref<4x80xi32, #tpu.memory_space<vmem>> -> memref<1x80xi32, #tpu.memory_space<vmem>>
    %dma_start3A_88 = tpu.memref_squeeze %dma_start3A_87 : memref<1x80xi32, #tpu.memory_space<vmem>> -> memref<80xi32, #tpu.memory_space<vmem>>
    %dma_start3A_89 = tpu.memref_slice %arg3[%add3A_80] : memref<640000xi32, #tpu.memory_space<hbm>> -> memref<80xi32, #tpu.memory_space<hbm>>
    tpu.enqueue_dma source(%dma_start3A_89 : memref<80xi32, #tpu.memory_space<hbm>>) target(%dma_start3A_88 : memref<80xi32, #tpu.memory_space<vmem>>) target_semaphore(%arg14 : memref<!tpu.dma_semaphore, #tpu.memory_space<semaphore_mem>>)
    %scan3A = arith.constant 0 : i32
    %scan3A_90 = arith.constant 0 : i32
    %scan3A_91 = arith.constant 16 : i32
    %scan3A_92 = arith.addi %scan3A_90, %scan3A_91 : i32
    %scan3A_93 = arith.constant 1 : i32
    scf.for %scan3A_911 = %scan3A_90 to %scan3A_92 step %scan3A_93  : i32 {
      %scan3A_912 = arith.constant 0 : i32
      %scan3A_913 = arith.constant 8 : i32
      %scan3A_914 = arith.addi %scan3A_912, %scan3A_913 : i32
      %scan3A_915 = arith.constant 1 : i32
      scf.for %scan3A_917 = %scan3A_912 to %scan3A_914 step %scan3A_915  : i32 {
        %broadcast_in_dim3A = arith.constant 0.000000e+00 : f32
        %broadcast_in_dim3A_918 = vector.broadcast %broadcast_in_dim3A : f32 to vector<16xf32>
        %mul3A_919 = arith.constant 16 : i32
        %mul3A_920 = arith.muli %scan3A_917, %mul3A_919 : i32
        %swap3A = arith.index_cast %scan3A_911 : i32 to index
        %swap3A_921 = arith.index_cast %mul3A_920 : i32 to index
        %swap3A_922 = tpu.vector_load %arg9[%swap3A, %swap3A_921] {strides = array<i32>} : memref<16x128xf32, #tpu.memory_space<vmem>>, vector<1x16xf32>,
        %swap3A_923 = vector.shape_cast %swap3A_922 : vector<1x16xf32> to vector<16xf32>
        %swap3A_924 = vector.shape_cast %broadcast_in_dim3A_918 : vector<16xf32> to vector<1x16xf32>
        tpu.vector_store %arg9[%swap3A, %swap3A_921], %swap3A_924 {strides = array<i32>} : memref<16x128xf32, #tpu.memory_space<vmem>>, vector<1x16xf32>,
      }
      %scan3A_916 = arith.constant 8 : i32
    }
    %scan3A_94 = arith.constant 16 : i32
    %lt3A = arith.constant 15 : i32
    %lt3A_95 = arith.cmpi slt, %arg1, %lt3A : i32
    %convert_element_type3A = arith.extui %lt3A_95 : i1 to i32
    %cond3A = arith.constant 0 : i32
    %cond3A_96 = arith.cmpi ne, %convert_element_type3A, %cond3A : i32
    scf.if %cond3A_96 {
      %mul3A_911 = arith.constant 624 : i32
      %mul3A_912 = arith.muli %arg1, %mul3A_911 : i32
      %add3A_913 = arith.constant 0 : i32
      %add3A_914 = arith.addi %mul3A_912, %add3A_913 : i32
      %dma_start3A_915 = arith.constant 0 : i32
      %dma_start3A_916 = tpu.memref_slice %arg10[%add3A_914, %dma_start3A_915] : memref<10000x128xf32, #tpu.memory_space<vmem_shared>> -> memref<16x128xf32, #tpu.memory_space<vmem_shared>>
      %dma_start3A_917 = arith.constant 0 : i32
      %dma_start3A_918 = tpu.memref_slice %arg10[%add3A_914, %dma_start3A_917] : memref<10000x128xf32, #tpu.memory_space<vmem_shared>> -> memref<16x128xf32, #tpu.memory_space<vmem_shared>>
      tpu.enqueue_dma source(%arg9 : memref<16x128xf32, #tpu.memory_space<vmem>>) target(%dma_start3A_918 : memref<16x128xf32, #tpu.memory_space<vmem_shared>>) target_semaphore(%arg23 : memref<!tpu.dma_semaphore, #tpu.memory_space<semaphore_mem>>)
      %mul3A_919 = arith.constant 624 : i32
      %mul3A_920 = arith.muli %arg1, %mul3A_919 : i32
      %add3A_921 = arith.constant 16 : i32
      %add3A_922 = arith.addi %mul3A_920, %add3A_921 : i32
      %dma_start3A_923 = arith.constant 0 : i32
      %dma_start3A_924 = tpu.memref_slice %arg10[%add3A_922, %dma_start3A_923] : memref<10000x128xf32, #tpu.memory_space<vmem_shared>> -> memref<16x128xf32, #tpu.memory_space<vmem_shared>>
      %dma_start3A_925 = arith.constant 0 : i32
      %dma_start3A_926 = tpu.memref_slice %arg10[%add3A_922, %dma_start3A_925] : memref<10000x128xf32, #tpu.memory_space<vmem_shared>> -> memref<16x128xf32, #tpu.memory_space<vmem_shared>>
      tpu.enqueue_dma source(%arg9 : memref<16x128xf32, #tpu.memory_space<vmem>>) target(%dma_start3A_926 : memref<16x128xf32, #tpu.memory_space<vmem_shared>>) target_semaphore(%arg23 : memref<!tpu.dma_semaphore, #tpu.memory_space<semaphore_mem>>)
      %mul3A_927 = arith.constant 624 : i32
      %mul3A_928 = arith.muli %arg1, %mul3A_927 : i32
      %add3A_929 = arith.constant 32 : i32
      %add3A_930 = arith.addi %mul3A_928, %add3A_929 : i32
      %dma_start3A_931 = arith.constant 0 : i32
      %dma_start3A_932 = tpu.memref_slice %arg10[%add3A_930, %dma_start3A_931] : memref<10000x128xf32, #tpu.memory_space<vmem_shared>> -> memref<16x128xf32, #tpu.memory_space<vmem_shared>>
      %dma_start3A_933 = arith.constant 0 : i32
      %dma_start3A_934 = tpu.memref_slice %arg10[%add3A_930, %dma_start3A_933] : memref<10000x128xf32, #tpu.memory_space<vmem_shared>> -> memref<16x128xf32, #tpu.memory_space<vmem_shared>>
      tpu.enqueue_dma source(%arg9 : memref<16x128xf32, #tpu.memory_space<vmem>>) target(%dma_start3A_934 : memref<16x128xf32, #tpu.memory_space<vmem_shared>>) target_semaphore(%arg23 : memref<!tpu.dma_semaphore, #tpu.memory_space<semaphore_mem>>)
      %mul3A_935 = arith.constant 624 : i32
      %mul3A_936 = arith.muli %arg1, %mul3A_935 : i32
      %add3A_937 = arith.constant 48 : i32
      %add3A_938 = arith.addi %mul3A_936, %add3A_937 : i32
      %dma_start3A_939 = arith.constant 0 : i32
      %dma_start3A_940 = tpu.memref_slice %arg10[%add3A_938, %dma_start3A_939] : memref<10000x128xf32, #tpu.memory_space<vmem_shared>> -> memref<16x128xf32, #tpu.memory_space<vmem_shared>>
      %dma_start3A_941 = arith.constant 0 : i32
      %dma_start3A_942 = tpu.memref_slice %arg10[%add3A_938, %dma_start3A_941] : memref<10000x128xf32, #tpu.memory_space<vmem_shared>> -> memref<16x128xf32, #tpu.memory_space<vmem_shared>>
      tpu.enqueue_dma source(%arg9 : memref<16x128xf32, #tpu.memory_space<vmem>>) target(%dma_start3A_942 : memref<16x128xf32, #tpu.memory_space<vmem_shared>>) target_semaphore(%arg23 : memref<!tpu.dma_semaphore, #tpu.memory_space<semaphore_mem>>)
      %mul3A_943 = arith.constant 624 : i32
      %mul3A_944 = arith.muli %arg1, %mul3A_943 : i32
      %add3A_945 = arith.constant 64 : i32
      %add3A_946 = arith.addi %mul3A_944, %add3A_945 : i32
      %dma_start3A_947 = arith.constant 0 : i32
      %dma_start3A_948 = tpu.memref_slice %arg10[%add3A_946, %dma_start3A_947] : memref<10000x128xf32, #tpu.memory_space<vmem_shared>> -> memref<16x128xf32, #tpu.memory_space<vmem_shared>>
      %dma_start3A_949 = arith.constant 0 : i32
      %dma_start3A_950 = tpu.memref_slice %arg10[%add3A_946, %dma_start3A_949] : memref<10000x128xf32, #tpu.memory_space<vmem_shared>> -> memref<16x128xf32, #tpu.memory_space<vmem_shared>>
      tpu.enqueue_dma source(%arg9 : memref<16x128xf32, #tpu.memory_space<vmem>>) target(%dma_start3A_950 : memref<16x128xf32, #tpu.memory_space<vmem_shared>>) target_semaphore(%arg23 : memref<!tpu.dma_semaphore, #tpu.memory_space<semaphore_mem>>)
      %mul3A_951 = arith.constant 624 : i32
      %mul3A_952 = arith.muli %arg1, %mul3A_951 : i32
      %add3A_953 = arith.constant 80 : i32
      %add3A_954 = arith.addi %mul3A_952, %add3A_953 : i32
      %dma_start3A_955 = arith.constant 0 : i32
      %dma_start3A_956 = tpu.memref_slice %arg10[%add3A_954, %dma_start3A_955] : memref<10000x128xf32, #tpu.memory_space<vmem_shared>> -> memref<16x128xf32, #tpu.memory_space<vmem_shared>>
      %dma_start3A_957 = arith.constant 0 : i32
      %dma_start3A_958 = tpu.memref_slice %arg10[%add3A_954, %dma_start3A_957] : memref<10000x128xf32, #tpu.memory_space<vmem_shared>> -> memref<16x128xf32, #tpu.memory_space<vmem_shared>>
      tpu.enqueue_dma source(%arg9 : memref<16x128xf32, #tpu.memory_space<vmem>>) target(%dma_start3A_958 : memref<16x128xf32, #tpu.memory_space<vmem_shared>>) target_semaphore(%arg23 : memref<!tpu.dma_semaphore, #tpu.memory_space<semaphore_mem>>)
      %mul3A_959 = arith.constant 624 : i32
      %mul3A_960 = arith.muli %arg1, %mul3A_959 : i32
      %add3A_961 = arith.constant 96 : i32
      %add3A_962 = arith.addi %mul3A_960, %add3A_961 : i32
      %dma_start3A_963 = arith.constant 0 : i32
      %dma_start3A_964 = tpu.memref_slice %arg10[%add3A_962, %dma_start3A_963] : memref<10000x128xf32, #tpu.memory_space<vmem_shared>> -> memref<16x128xf32, #tpu.memory_space<vmem_shared>>
      %dma_start3A_965 = arith.constant 0 : i32
      %dma_start3A_966 = tpu.memref_slice %arg10[%add3A_962, %dma_start3A_965] : memref<10000x128xf32, #tpu.memory_space<vmem_shared>> -> memref<16x128xf32, #tpu.memory_space<vmem_shared>>
      tpu.enqueue_dma source(%arg9 : memref<16x128xf32, #tpu.memory_space<vmem>>) target(%dma_start3A_966 : memref<16x128xf32, #tpu.memory_space<vmem_shared>>) target_semaphore(%arg23 : memref<!tpu.dma_semaphore, #tpu.memory_space<semaphore_mem>>)
      %mul3A_967 = arith.constant 624 : i32
      %mul3A_968 = arith.muli %arg1, %mul3A_967 : i32
      %add3A_969 = arith.constant 112 : i32
      %add3A_970 = arith.addi %mul3A_968, %add3A_969 : i32
      %dma_start3A_971 = arith.constant 0 : i32
      %dma_start3A_972 = tpu.memref_slice %arg10[%add3A_970, %dma_start3A_971] : memref<10000x128xf32, #tpu.memory_space<vmem_shared>> -> memref<16x128xf32, #tpu.memory_space<vmem_shared>>
      %dma_start3A_973 = arith.constant 0 : i32
      %dma_start3A_974 = tpu.memref_slice %arg10[%add3A_970, %dma_start3A_973] : memref<10000x128xf32, #tpu.memory_space<vmem_shared>> -> memref<16x128xf32, #tpu.memory_space<vmem_shared>>
      tpu.enqueue_dma source(%arg9 : memref<16x128xf32, #tpu.memory_space<vmem>>) target(%dma_start3A_974 : memref<16x128xf32, #tpu.memory_space<vmem_shared>>) target_semaphore(%arg23 : memref<!tpu.dma_semaphore, #tpu.memory_space<semaphore_mem>>)
      %mul3A_975 = arith.constant 624 : i32
      %mul3A_976 = arith.muli %arg1, %mul3A_975 : i32
      %add3A_977 = arith.constant 128 : i32
      %add3A_978 = arith.addi %mul3A_976, %add3A_977 : i32
      %dma_start3A_979 = arith.constant 0 : i32
      %dma_start3A_980 = tpu.memref_slice %arg10[%add3A_978, %dma_start3A_979] : memref<10000x128xf32, #tpu.memory_space<vmem_shared>> -> memref<16x128xf32, #tpu.memory_space<vmem_shared>>
      %dma_start3A_981 = arith.constant 0 : i32
      %dma_start3A_982 = tpu.memref_slice %arg10[%add3A_978, %dma_start3A_981] : memref<10000x128xf32, #tpu.memory_space<vmem_shared>> -> memref<16x128xf32, #tpu.memory_space<vmem_shared>>
      tpu.enqueue_dma source(%arg9 : memref<16x128xf32, #tpu.memory_space<vmem>>) target(%dma_start3A_982 : memref<16x128xf32, #tpu.memory_space<vmem_shared>>) target_semaphore(%arg23 : memref<!tpu.dma_semaphore, #tpu.memory_space<semaphore_mem>>)
      %mul3A_983 = arith.constant 624 : i32
      %mul3A_984 = arith.muli %arg1, %mul3A_983 : i32
      %add3A_985 = arith.constant 144 : i32
      %add3A_986 = arith.addi %mul3A_984, %add3A_985 : i32
      %dma_start3A_987 = arith.constant 0 : i32
      %dma_start3A_988 = tpu.memref_slice %arg10[%add3A_986, %dma_start3A_987] : memref<10000x128xf32, #tpu.memory_space<vmem_shared>> -> memref<16x128xf32, #tpu.memory_space<vmem_shared>>
      %dma_start3A_989 = arith.constant 0 : i32
      %dma_start3A_990 = tpu.memref_slice %arg10[%add3A_986, %dma_start3A_989] : memref<10000x128xf32, #tpu.memory_space<vmem_shared>> -> memref<16x128xf32, #tpu.memory_space<vmem_shared>>
      tpu.enqueue_dma source(%arg9 : memref<16x128xf32, #tpu.memory_space<vmem>>) target(%dma_start3A_990 : memref<16x128xf32, #tpu.memory_space<vmem_shared>>) target_semaphore(%arg23 : memref<!tpu.dma_semaphore, #tpu.memory_space<semaphore_mem>>)
      %mul3A_991 = arith.constant 624 : i32
      %mul3A_992 = arith.muli %arg1, %mul3A_991 : i32
      %add3A_993 = arith.constant 160 : i32
      %add3A_994 = arith.addi %mul3A_992, %add3A_993 : i32
      %dma_start3A_995 = arith.constant 0 : i32
      %dma_start3A_996 = tpu.memref_slice %arg10[%add3A_994, %dma_start3A_995] : memref<10000x128xf32, #tpu.memory_space<vmem_shared>> -> memref<16x128xf32, #tpu.memory_space<vmem_shared>>
      %dma_start3A_997 = arith.constant 0 : i32
      %dma_start3A_998 = tpu.memref_slice %arg10[%add3A_994, %dma_start3A_997] : memref<10000x128xf32, #tpu.memory_space<vmem_shared>> -> memref<16x128xf32, #tpu.memory_space<vmem_shared>>
      tpu.enqueue_dma source(%arg9 : memref<16x128xf32, #tpu.memory_space<vmem>>) target(%dma_start3A_998 : memref<16x128xf32, #tpu.memory_space<vmem_shared>>) target_semaphore(%arg23 : memref<!tpu.dma_semaphore, #tpu.memory_space<semaphore_mem>>)
      %mul3A_999 = arith.constant 624 : i32
      %mul3A_1000 = arith.muli %arg1, %mul3A_999 : i32
      %add3A_1001 = arith.constant 176 : i32
      %add3A_1002 = arith.addi %mul3A_1000, %add3A_1001 : i32
      %dma_start3A_1003 = arith.constant 0 : i32
      %dma_start3A_1004 = tpu.memref_slice %arg10[%add3A_1002, %dma_start3A_1003] : memref<10000x128xf32, #tpu.memory_space<vmem_shared>> -> memref<16x128xf32, #tpu.memory_space<vmem_shared>>
      %dma_start3A_1005 = arith.constant 0 : i32
      %dma_start3A_1006 = tpu.memref_slice %arg10[%add3A_1002, %dma_start3A_1005] : memref<10000x128xf32, #tpu.memory_space<vmem_shared>> -> memref<16x128xf32, #tpu.memory_space<vmem_shared>>
      tpu.enqueue_dma source(%arg9 : memref<16x128xf32, #tpu.memory_space<vmem>>) target(%dma_start3A_1006 : memref<16x128xf32, #tpu.memory_space<vmem_shared>>) target_semaphore(%arg23 : memref<!tpu.dma_semaphore, #tpu.memory_space<semaphore_mem>>)
      %mul3A_1007 = arith.constant 624 : i32
      %mul3A_1008 = arith.muli %arg1, %mul3A_1007 : i32
      %add3A_1009 = arith.constant 192 : i32
      %add3A_1010 = arith.addi %mul3A_1008, %add3A_1009 : i32
      %dma_start3A_1011 = arith.constant 0 : i32
      %dma_start3A_1012 = tpu.memref_slice %arg10[%add3A_1010, %dma_start3A_1011] : memref<10000x128xf32, #tpu.memory_space<vmem_shared>> -> memref<16x128xf32, #tpu.memory_space<vmem_shared>>
      %dma_start3A_1013 = arith.constant 0 : i32
      %dma_start3A_1014 = tpu.memref_slice %arg10[%add3A_1010, %dma_start3A_1013] : memref<10000x128xf32, #tpu.memory_space<vmem_shared>> -> memref<16x128xf32, #tpu.memory_space<vmem_shared>>
      tpu.enqueue_dma source(%arg9 : memref<16x128xf32, #tpu.memory_space<vmem>>) target(%dma_start3A_1014 : memref<16x128xf32, #tpu.memory_space<vmem_shared>>) target_semaphore(%arg23 : memref<!tpu.dma_semaphore, #tpu.memory_space<semaphore_mem>>)
      %mul3A_1015 = arith.constant 624 : i32
      %mul3A_1016 = arith.muli %arg1, %mul3A_1015 : i32
      %add3A_1017 = arith.constant 208 : i32
      %add3A_1018 = arith.addi %mul3A_1016, %add3A_1017 : i32
      %dma_start3A_1019 = arith.constant 0 : i32
      %dma_start3A_1020 = tpu.memref_slice %arg10[%add3A_1018, %dma_start3A_1019] : memref<10000x128xf32, #tpu.memory_space<vmem_shared>> -> memref<16x128xf32, #tpu.memory_space<vmem_shared>>
      %dma_start3A_1021 = arith.constant 0 : i32
      %dma_start3A_1022 = tpu.memref_slice %arg10[%add3A_1018, %dma_start3A_1021] : memref<10000x128xf32, #tpu.memory_space<vmem_shared>> -> memref<16x128xf32, #tpu.memory_space<vmem_shared>>
      tpu.enqueue_dma source(%arg9 : memref<16x128xf32, #tpu.memory_space<vmem>>) target(%dma_start3A_1022 : memref<16x128xf32, #tpu.memory_space<vmem_shared>>) target_semaphore(%arg23 : memref<!tpu.dma_semaphore, #tpu.memory_space<semaphore_mem>>)
      %mul3A_1023 = arith.constant 624 : i32
      %mul3A_1024 = arith.muli %arg1, %mul3A_1023 : i32
      %add3A_1025 = arith.constant 224 : i32
      %add3A_1026 = arith.addi %mul3A_1024, %add3A_1025 : i32
      %dma_start3A_1027 = arith.constant 0 : i32
      %dma_start3A_1028 = tpu.memref_slice %arg10[%add3A_1026, %dma_start3A_1027] : memref<10000x128xf32, #tpu.memory_space<vmem_shared>> -> memref<16x128xf32, #tpu.memory_space<vmem_shared>>
      %dma_start3A_1029 = arith.constant 0 : i32
      %dma_start3A_1030 = tpu.memref_slice %arg10[%add3A_1026, %dma_start3A_1029] : memref<10000x128xf32, #tpu.memory_space<vmem_shared>> -> memref<16x128xf32, #tpu.memory_space<vmem_shared>>
      tpu.enqueue_dma source(%arg9 : memref<16x128xf32, #tpu.memory_space<vmem>>) target(%dma_start3A_1030 : memref<16x128xf32, #tpu.memory_space<vmem_shared>>) target_semaphore(%arg23 : memref<!tpu.dma_semaphore, #tpu.memory_space<semaphore_mem>>)
      %mul3A_1031 = arith.constant 624 : i32
      %mul3A_1032 = arith.muli %arg1, %mul3A_1031 : i32
      %add3A_1033 = arith.constant 240 : i32
      %add3A_1034 = arith.addi %mul3A_1032, %add3A_1033 : i32
      %dma_start3A_1035 = arith.constant 0 : i32
      %dma_start3A_1036 = tpu.memref_slice %arg10[%add3A_1034, %dma_start3A_1035] : memref<10000x128xf32, #tpu.memory_space<vmem_shared>> -> memref<16x128xf32, #tpu.memory_space<vmem_shared>>
      %dma_start3A_1037 = arith.constant 0 : i32
      %dma_start3A_1038 = tpu.memref_slice %arg10[%add3A_1034, %dma_start3A_1037] : memref<10000x128xf32, #tpu.memory_space<vmem_shared>> -> memref<16x128xf32, #tpu.memory_space<vmem_shared>>
      tpu.enqueue_dma source(%arg9 : memref<16x128xf32, #tpu.memory_space<vmem>>) target(%dma_start3A_1038 : memref<16x128xf32, #tpu.memory_space<vmem_shared>>) target_semaphore(%arg23 : memref<!tpu.dma_semaphore, #tpu.memory_space<semaphore_mem>>)
      %mul3A_1039 = arith.constant 624 : i32
      %mul3A_1040 = arith.muli %arg1, %mul3A_1039 : i32
      %add3A_1041 = arith.constant 256 : i32
      %add3A_1042 = arith.addi %mul3A_1040, %add3A_1041 : i32
      %dma_start3A_1043 = arith.constant 0 : i32
      %dma_start3A_1044 = tpu.memref_slice %arg10[%add3A_1042, %dma_start3A_1043] : memref<10000x128xf32, #tpu.memory_space<vmem_shared>> -> memref<16x128xf32, #tpu.memory_space<vmem_shared>>
      %dma_start3A_1045 = arith.constant 0 : i32
      %dma_start3A_1046 = tpu.memref_slice %arg10[%add3A_1042, %dma_start3A_1045] : memref<10000x128xf32, #tpu.memory_space<vmem_shared>> -> memref<16x128xf32, #tpu.memory_space<vmem_shared>>
      tpu.enqueue_dma source(%arg9 : memref<16x128xf32, #tpu.memory_space<vmem>>) target(%dma_start3A_1046 : memref<16x128xf32, #tpu.memory_space<vmem_shared>>) target_semaphore(%arg23 : memref<!tpu.dma_semaphore, #tpu.memory_space<semaphore_mem>>)
      %mul3A_1047 = arith.constant 624 : i32
      %mul3A_1048 = arith.muli %arg1, %mul3A_1047 : i32
      %add3A_1049 = arith.constant 272 : i32
      %add3A_1050 = arith.addi %mul3A_1048, %add3A_1049 : i32
      %dma_start3A_1051 = arith.constant 0 : i32
      %dma_start3A_1052 = tpu.memref_slice %arg10[%add3A_1050, %dma_start3A_1051] : memref<10000x128xf32, #tpu.memory_space<vmem_shared>> -> memref<16x128xf32, #tpu.memory_space<vmem_shared>>
      %dma_start3A_1053 = arith.constant 0 : i32
      %dma_start3A_1054 = tpu.memref_slice %arg10[%add3A_1050, %dma_start3A_1053] : memref<10000x128xf32, #tpu.memory_space<vmem_shared>> -> memref<16x128xf32, #tpu.memory_space<vmem_shared>>
      tpu.enqueue_dma source(%arg9 : memref<16x128xf32, #tpu.memory_space<vmem>>) target(%dma_start3A_1054 : memref<16x128xf32, #tpu.memory_space<vmem_shared>>) target_semaphore(%arg23 : memref<!tpu.dma_semaphore, #tpu.memory_space<semaphore_mem>>)
      %mul3A_1055 = arith.constant 624 : i32
      %mul3A_1056 = arith.muli %arg1, %mul3A_1055 : i32
      %add3A_1057 = arith.constant 288 : i32
      %add3A_1058 = arith.addi %mul3A_1056, %add3A_1057 : i32
      %dma_start3A_1059 = arith.constant 0 : i32
      %dma_start3A_1060 = tpu.memref_slice %arg10[%add3A_1058, %dma_start3A_1059] : memref<10000x128xf32, #tpu.memory_space<vmem_shared>> -> memref<16x128xf32, #tpu.memory_space<vmem_shared>>
      %dma_start3A_1061 = arith.constant 0 : i32
      %dma_start3A_1062 = tpu.memref_slice %arg10[%add3A_1058, %dma_start3A_1061] : memref<10000x128xf32, #tpu.memory_space<vmem_shared>> -> memref<16x128xf32, #tpu.memory_space<vmem_shared>>
      tpu.enqueue_dma source(%arg9 : memref<16x128xf32, #tpu.memory_space<vmem>>) target(%dma_start3A_1062 : memref<16x128xf32, #tpu.memory_space<vmem_shared>>) target_semaphore(%arg23 : memref<!tpu.dma_semaphore, #tpu.memory_space<semaphore_mem>>)
      %mul3A_1063 = arith.constant 624 : i32
      %mul3A_1064 = arith.muli %arg1, %mul3A_1063 : i32
      %add3A_1065 = arith.constant 304 : i32
      %add3A_1066 = arith.addi %mul3A_1064, %add3A_1065 : i32
      %dma_start3A_1067 = arith.constant 0 : i32
      %dma_start3A_1068 = tpu.memref_slice %arg10[%add3A_1066, %dma_start3A_1067] : memref<10000x128xf32, #tpu.memory_space<vmem_shared>> -> memref<16x128xf32, #tpu.memory_space<vmem_shared>>
      %dma_start3A_1069 = arith.constant 0 : i32
      %dma_start3A_1070 = tpu.memref_slice %arg10[%add3A_1066, %dma_start3A_1069] : memref<10000x128xf32, #tpu.memory_space<vmem_shared>> -> memref<16x128xf32, #tpu.memory_space<vmem_shared>>
      tpu.enqueue_dma source(%arg9 : memref<16x128xf32, #tpu.memory_space<vmem>>) target(%dma_start3A_1070 : memref<16x128xf32, #tpu.memory_space<vmem_shared>>) target_semaphore(%arg23 : memref<!tpu.dma_semaphore, #tpu.memory_space<semaphore_mem>>)
      %mul3A_1071 = arith.constant 624 : i32
      %mul3A_1072 = arith.muli %arg1, %mul3A_1071 : i32
      %add3A_1073 = arith.constant 320 : i32
      %add3A_1074 = arith.addi %mul3A_1072, %add3A_1073 : i32
      %dma_start3A_1075 = arith.constant 0 : i32
      %dma_start3A_1076 = tpu.memref_slice %arg10[%add3A_1074, %dma_start3A_1075] : memref<10000x128xf32, #tpu.memory_space<vmem_shared>> -> memref<16x128xf32, #tpu.memory_space<vmem_shared>>
      %dma_start3A_1077 = arith.constant 0 : i32
      %dma_start3A_1078 = tpu.memref_slice %arg10[%add3A_1074, %dma_start3A_1077] : memref<10000x128xf32, #tpu.memory_space<vmem_shared>> -> memref<16x128xf32, #tpu.memory_space<vmem_shared>>
      tpu.enqueue_dma source(%arg9 : memref<16x128xf32, #tpu.memory_space<vmem>>) target(%dma_start3A_1078 : memref<16x128xf32, #tpu.memory_space<vmem_shared>>) target_semaphore(%arg23 : memref<!tpu.dma_semaphore, #tpu.memory_space<semaphore_mem>>)
      %mul3A_1079 = arith.constant 624 : i32
      %mul3A_1080 = arith.muli %arg1, %mul3A_1079 : i32
      %add3A_1081 = arith.constant 336 : i32
      %add3A_1082 = arith.addi %mul3A_1080, %add3A_1081 : i32
      %dma_start3A_1083 = arith.constant 0 : i32
      %dma_start3A_1084 = tpu.memref_slice %arg10[%add3A_1082, %dma_start3A_1083] : memref<10000x128xf32, #tpu.memory_space<vmem_shared>> -> memref<16x128xf32, #tpu.memory_space<vmem_shared>>
      %dma_start3A_1085 = arith.constant 0 : i32
      %dma_start3A_1086 = tpu.memref_slice %arg10[%add3A_1082, %dma_start3A_1085] : memref<10000x128xf32, #tpu.memory_space<vmem_shared>> -> memref<16x128xf32, #tpu.memory_space<vmem_shared>>
      tpu.enqueue_dma source(%arg9 : memref<16x128xf32, #tpu.memory_space<vmem>>) target(%dma_start3A_1086 : memref<16x128xf32, #tpu.memory_space<vmem_shared>>) target_semaphore(%arg23 : memref<!tpu.dma_semaphore, #tpu.memory_space<semaphore_mem>>)
      %mul3A_1087 = arith.constant 624 : i32
      %mul3A_1088 = arith.muli %arg1, %mul3A_1087 : i32
      %add3A_1089 = arith.constant 352 : i32
      %add3A_1090 = arith.addi %mul3A_1088, %add3A_1089 : i32
      %dma_start3A_1091 = arith.constant 0 : i32
      %dma_start3A_1092 = tpu.memref_slice %arg10[%add3A_1090, %dma_start3A_1091] : memref<10000x128xf32, #tpu.memory_space<vmem_shared>> -> memref<16x128xf32, #tpu.memory_space<vmem_shared>>
      %dma_start3A_1093 = arith.constant 0 : i32
      %dma_start3A_1094 = tpu.memref_slice %arg10[%add3A_1090, %dma_start3A_1093] : memref<10000x128xf32, #tpu.memory_space<vmem_shared>> -> memref<16x128xf32, #tpu.memory_space<vmem_shared>>
      tpu.enqueue_dma source(%arg9 : memref<16x128xf32, #tpu.memory_space<vmem>>) target(%dma_start3A_1094 : memref<16x128xf32, #tpu.memory_space<vmem_shared>>) target_semaphore(%arg23 : memref<!tpu.dma_semaphore, #tpu.memory_space<semaphore_mem>>)
      %mul3A_1095 = arith.constant 624 : i32
      %mul3A_1096 = arith.muli %arg1, %mul3A_1095 : i32
      %add3A_1097 = arith.constant 368 : i32
      %add3A_1098 = arith.addi %mul3A_1096, %add3A_1097 : i32
      %dma_start3A_1099 = arith.constant 0 : i32
      %dma_start3A_1100 = tpu.memref_slice %arg10[%add3A_1098, %dma_start3A_1099] : memref<10000x128xf32, #tpu.memory_space<vmem_shared>> -> memref<16x128xf32, #tpu.memory_space<vmem_shared>>
      %dma_start3A_1101 = arith.constant 0 : i32
      %dma_start3A_1102 = tpu.memref_slice %arg10[%add3A_1098, %dma_start3A_1101] : memref<10000x128xf32, #tpu.memory_space<vmem_shared>> -> memref<16x128xf32, #tpu.memory_space<vmem_shared>>
      tpu.enqueue_dma source(%arg9 : memref<16x128xf32, #tpu.memory_space<vmem>>) target(%dma_start3A_1102 : memref<16x128xf32, #tpu.memory_space<vmem_shared>>) target_semaphore(%arg23 : memref<!tpu.dma_semaphore, #tpu.memory_space<semaphore_mem>>)
      %mul3A_1103 = arith.constant 624 : i32
      %mul3A_1104 = arith.muli %arg1, %mul3A_1103 : i32
      %add3A_1105 = arith.constant 384 : i32
      %add3A_1106 = arith.addi %mul3A_1104, %add3A_1105 : i32
      %dma_start3A_1107 = arith.constant 0 : i32
      %dma_start3A_1108 = tpu.memref_slice %arg10[%add3A_1106, %dma_start3A_1107] : memref<10000x128xf32, #tpu.memory_space<vmem_shared>> -> memref<16x128xf32, #tpu.memory_space<vmem_shared>>
      %dma_start3A_1109 = arith.constant 0 : i32
      %dma_start3A_1110 = tpu.memref_slice %arg10[%add3A_1106, %dma_start3A_1109] : memref<10000x128xf32, #tpu.memory_space<vmem_shared>> -> memref<16x128xf32, #tpu.memory_space<vmem_shared>>
      tpu.enqueue_dma source(%arg9 : memref<16x128xf32, #tpu.memory_space<vmem>>) target(%dma_start3A_1110 : memref<16x128xf32, #tpu.memory_space<vmem_shared>>) target_semaphore(%arg23 : memref<!tpu.dma_semaphore, #tpu.memory_space<semaphore_mem>>)
      %mul3A_1111 = arith.constant 624 : i32
      %mul3A_1112 = arith.muli %arg1, %mul3A_1111 : i32
      %add3A_1113 = arith.constant 400 : i32
      %add3A_1114 = arith.addi %mul3A_1112, %add3A_1113 : i32
      %dma_start3A_1115 = arith.constant 0 : i32
      %dma_start3A_1116 = tpu.memref_slice %arg10[%add3A_1114, %dma_start3A_1115] : memref<10000x128xf32, #tpu.memory_space<vmem_shared>> -> memref<16x128xf32, #tpu.memory_space<vmem_shared>>
      %dma_start3A_1117 = arith.constant 0 : i32
      %dma_start3A_1118 = tpu.memref_slice %arg10[%add3A_1114, %dma_start3A_1117] : memref<10000x128xf32, #tpu.memory_space<vmem_shared>> -> memref<16x128xf32, #tpu.memory_space<vmem_shared>>
      tpu.enqueue_dma source(%arg9 : memref<16x128xf32, #tpu.memory_space<vmem>>) target(%dma_start3A_1118 : memref<16x128xf32, #tpu.memory_space<vmem_shared>>) target_semaphore(%arg23 : memref<!tpu.dma_semaphore, #tpu.memory_space<semaphore_mem>>)
      %mul3A_1119 = arith.constant 624 : i32
      %mul3A_1120 = arith.muli %arg1, %mul3A_1119 : i32
      %add3A_1121 = arith.constant 416 : i32
      %add3A_1122 = arith.addi %mul3A_1120, %add3A_1121 : i32
      %dma_start3A_1123 = arith.constant 0 : i32
      %dma_start3A_1124 = tpu.memref_slice %arg10[%add3A_1122, %dma_start3A_1123] : memref<10000x128xf32, #tpu.memory_space<vmem_shared>> -> memref<16x128xf32, #tpu.memory_space<vmem_shared>>
      %dma_start3A_1125 = arith.constant 0 : i32
      %dma_start3A_1126 = tpu.memref_slice %arg10[%add3A_1122, %dma_start3A_1125] : memref<10000x128xf32, #tpu.memory_space<vmem_shared>> -> memref<16x128xf32, #tpu.memory_space<vmem_shared>>
      tpu.enqueue_dma source(%arg9 : memref<16x128xf32, #tpu.memory_space<vmem>>) target(%dma_start3A_1126 : memref<16x128xf32, #tpu.memory_space<vmem_shared>>) target_semaphore(%arg23 : memref<!tpu.dma_semaphore, #tpu.memory_space<semaphore_mem>>)
      %mul3A_1127 = arith.constant 624 : i32
      %mul3A_1128 = arith.muli %arg1, %mul3A_1127 : i32
      %add3A_1129 = arith.constant 432 : i32
      %add3A_1130 = arith.addi %mul3A_1128, %add3A_1129 : i32
      %dma_start3A_1131 = arith.constant 0 : i32
      %dma_start3A_1132 = tpu.memref_slice %arg10[%add3A_1130, %dma_start3A_1131] : memref<10000x128xf32, #tpu.memory_space<vmem_shared>> -> memref<16x128xf32, #tpu.memory_space<vmem_shared>>
      %dma_start3A_1133 = arith.constant 0 : i32
      %dma_start3A_1134 = tpu.memref_slice %arg10[%add3A_1130, %dma_start3A_1133] : memref<10000x128xf32, #tpu.memory_space<vmem_shared>> -> memref<16x128xf32, #tpu.memory_space<vmem_shared>>
      tpu.enqueue_dma source(%arg9 : memref<16x128xf32, #tpu.memory_space<vmem>>) target(%dma_start3A_1134 : memref<16x128xf32, #tpu.memory_space<vmem_shared>>) target_semaphore(%arg23 : memref<!tpu.dma_semaphore, #tpu.memory_space<semaphore_mem>>)
      %mul3A_1135 = arith.constant 624 : i32
      %mul3A_1136 = arith.muli %arg1, %mul3A_1135 : i32
      %add3A_1137 = arith.constant 448 : i32
      %add3A_1138 = arith.addi %mul3A_1136, %add3A_1137 : i32
      %dma_start3A_1139 = arith.constant 0 : i32
      %dma_start3A_1140 = tpu.memref_slice %arg10[%add3A_1138, %dma_start3A_1139] : memref<10000x128xf32, #tpu.memory_space<vmem_shared>> -> memref<16x128xf32, #tpu.memory_space<vmem_shared>>
      %dma_start3A_1141 = arith.constant 0 : i32
      %dma_start3A_1142 = tpu.memref_slice %arg10[%add3A_1138, %dma_start3A_1141] : memref<10000x128xf32, #tpu.memory_space<vmem_shared>> -> memref<16x128xf32, #tpu.memory_space<vmem_shared>>
      tpu.enqueue_dma source(%arg9 : memref<16x128xf32, #tpu.memory_space<vmem>>) target(%dma_start3A_1142 : memref<16x128xf32, #tpu.memory_space<vmem_shared>>) target_semaphore(%arg23 : memref<!tpu.dma_semaphore, #tpu.memory_space<semaphore_mem>>)
      %mul3A_1143 = arith.constant 624 : i32
      %mul3A_1144 = arith.muli %arg1, %mul3A_1143 : i32
      %add3A_1145 = arith.constant 464 : i32
      %add3A_1146 = arith.addi %mul3A_1144, %add3A_1145 : i32
      %dma_start3A_1147 = arith.constant 0 : i32
      %dma_start3A_1148 = tpu.memref_slice %arg10[%add3A_1146, %dma_start3A_1147] : memref<10000x128xf32, #tpu.memory_space<vmem_shared>> -> memref<16x128xf32, #tpu.memory_space<vmem_shared>>
      %dma_start3A_1149 = arith.constant 0 : i32
      %dma_start3A_1150 = tpu.memref_slice %arg10[%add3A_1146, %dma_start3A_1149] : memref<10000x128xf32, #tpu.memory_space<vmem_shared>> -> memref<16x128xf32, #tpu.memory_space<vmem_shared>>
      tpu.enqueue_dma source(%arg9 : memref<16x128xf32, #tpu.memory_space<vmem>>) target(%dma_start3A_1150 : memref<16x128xf32, #tpu.memory_space<vmem_shared>>) target_semaphore(%arg23 : memref<!tpu.dma_semaphore, #tpu.memory_space<semaphore_mem>>)
      %mul3A_1151 = arith.constant 624 : i32
      %mul3A_1152 = arith.muli %arg1, %mul3A_1151 : i32
      %add3A_1153 = arith.constant 480 : i32
      %add3A_1154 = arith.addi %mul3A_1152, %add3A_1153 : i32
      %dma_start3A_1155 = arith.constant 0 : i32
      %dma_start3A_1156 = tpu.memref_slice %arg10[%add3A_1154, %dma_start3A_1155] : memref<10000x128xf32, #tpu.memory_space<vmem_shared>> -> memref<16x128xf32, #tpu.memory_space<vmem_shared>>
      %dma_start3A_1157 = arith.constant 0 : i32
      %dma_start3A_1158 = tpu.memref_slice %arg10[%add3A_1154, %dma_start3A_1157] : memref<10000x128xf32, #tpu.memory_space<vmem_shared>> -> memref<16x128xf32, #tpu.memory_space<vmem_shared>>
      tpu.enqueue_dma source(%arg9 : memref<16x128xf32, #tpu.memory_space<vmem>>) target(%dma_start3A_1158 : memref<16x128xf32, #tpu.memory_space<vmem_shared>>) target_semaphore(%arg23 : memref<!tpu.dma_semaphore, #tpu.memory_space<semaphore_mem>>)
      %mul3A_1159 = arith.constant 624 : i32
      %mul3A_1160 = arith.muli %arg1, %mul3A_1159 : i32
      %add3A_1161 = arith.constant 496 : i32
      %add3A_1162 = arith.addi %mul3A_1160, %add3A_1161 : i32
      %dma_start3A_1163 = arith.constant 0 : i32
      %dma_start3A_1164 = tpu.memref_slice %arg10[%add3A_1162, %dma_start3A_1163] : memref<10000x128xf32, #tpu.memory_space<vmem_shared>> -> memref<16x128xf32, #tpu.memory_space<vmem_shared>>
      %dma_start3A_1165 = arith.constant 0 : i32
      %dma_start3A_1166 = tpu.memref_slice %arg10[%add3A_1162, %dma_start3A_1165] : memref<10000x128xf32, #tpu.memory_space<vmem_shared>> -> memref<16x128xf32, #tpu.memory_space<vmem_shared>>
      tpu.enqueue_dma source(%arg9 : memref<16x128xf32, #tpu.memory_space<vmem>>) target(%dma_start3A_1166 : memref<16x128xf32, #tpu.memory_space<vmem_shared>>) target_semaphore(%arg23 : memref<!tpu.dma_semaphore, #tpu.memory_space<semaphore_mem>>)
      %mul3A_1167 = arith.constant 624 : i32
      %mul3A_1168 = arith.muli %arg1, %mul3A_1167 : i32
      %add3A_1169 = arith.constant 512 : i32
      %add3A_1170 = arith.addi %mul3A_1168, %add3A_1169 : i32
      %dma_start3A_1171 = arith.constant 0 : i32
      %dma_start3A_1172 = tpu.memref_slice %arg10[%add3A_1170, %dma_start3A_1171] : memref<10000x128xf32, #tpu.memory_space<vmem_shared>> -> memref<16x128xf32, #tpu.memory_space<vmem_shared>>
      %dma_start3A_1173 = arith.constant 0 : i32
      %dma_start3A_1174 = tpu.memref_slice %arg10[%add3A_1170, %dma_start3A_1173] : memref<10000x128xf32, #tpu.memory_space<vmem_shared>> -> memref<16x128xf32, #tpu.memory_space<vmem_shared>>
      tpu.enqueue_dma source(%arg9 : memref<16x128xf32, #tpu.memory_space<vmem>>) target(%dma_start3A_1174 : memref<16x128xf32, #tpu.memory_space<vmem_shared>>) target_semaphore(%arg23 : memref<!tpu.dma_semaphore, #tpu.memory_space<semaphore_mem>>)
      %mul3A_1175 = arith.constant 624 : i32
      %mul3A_1176 = arith.muli %arg1, %mul3A_1175 : i32
      %add3A_1177 = arith.constant 528 : i32
      %add3A_1178 = arith.addi %mul3A_1176, %add3A_1177 : i32
      %dma_start3A_1179 = arith.constant 0 : i32
      %dma_start3A_1180 = tpu.memref_slice %arg10[%add3A_1178, %dma_start3A_1179] : memref<10000x128xf32, #tpu.memory_space<vmem_shared>> -> memref<16x128xf32, #tpu.memory_space<vmem_shared>>
      %dma_start3A_1181 = arith.constant 0 : i32
      %dma_start3A_1182 = tpu.memref_slice %arg10[%add3A_1178, %dma_start3A_1181] : memref<10000x128xf32, #tpu.memory_space<vmem_shared>> -> memref<16x128xf32, #tpu.memory_space<vmem_shared>>
      tpu.enqueue_dma source(%arg9 : memref<16x128xf32, #tpu.memory_space<vmem>>) target(%dma_start3A_1182 : memref<16x128xf32, #tpu.memory_space<vmem_shared>>) target_semaphore(%arg23 : memref<!tpu.dma_semaphore, #tpu.memory_space<semaphore_mem>>)
      %mul3A_1183 = arith.constant 624 : i32
      %mul3A_1184 = arith.muli %arg1, %mul3A_1183 : i32
      %add3A_1185 = arith.constant 544 : i32
      %add3A_1186 = arith.addi %mul3A_1184, %add3A_1185 : i32
      %dma_start3A_1187 = arith.constant 0 : i32
      %dma_start3A_1188 = tpu.memref_slice %arg10[%add3A_1186, %dma_start3A_1187] : memref<10000x128xf32, #tpu.memory_space<vmem_shared>> -> memref<16x128xf32, #tpu.memory_space<vmem_shared>>
      %dma_start3A_1189 = arith.constant 0 : i32
      %dma_start3A_1190 = tpu.memref_slice %arg10[%add3A_1186, %dma_start3A_1189] : memref<10000x128xf32, #tpu.memory_space<vmem_shared>> -> memref<16x128xf32, #tpu.memory_space<vmem_shared>>
      tpu.enqueue_dma source(%arg9 : memref<16x128xf32, #tpu.memory_space<vmem>>) target(%dma_start3A_1190 : memref<16x128xf32, #tpu.memory_space<vmem_shared>>) target_semaphore(%arg23 : memref<!tpu.dma_semaphore, #tpu.memory_space<semaphore_mem>>)
      %mul3A_1191 = arith.constant 624 : i32
      %mul3A_1192 = arith.muli %arg1, %mul3A_1191 : i32
      %add3A_1193 = arith.constant 560 : i32
      %add3A_1194 = arith.addi %mul3A_1192, %add3A_1193 : i32
      %dma_start3A_1195 = arith.constant 0 : i32
      %dma_start3A_1196 = tpu.memref_slice %arg10[%add3A_1194, %dma_start3A_1195] : memref<10000x128xf32, #tpu.memory_space<vmem_shared>> -> memref<16x128xf32, #tpu.memory_space<vmem_shared>>
      %dma_start3A_1197 = arith.constant 0 : i32
      %dma_start3A_1198 = tpu.memref_slice %arg10[%add3A_1194, %dma_start3A_1197] : memref<10000x128xf32, #tpu.memory_space<vmem_shared>> -> memref<16x128xf32, #tpu.memory_space<vmem_shared>>
      tpu.enqueue_dma source(%arg9 : memref<16x128xf32, #tpu.memory_space<vmem>>) target(%dma_start3A_1198 : memref<16x128xf32, #tpu.memory_space<vmem_shared>>) target_semaphore(%arg23 : memref<!tpu.dma_semaphore, #tpu.memory_space<semaphore_mem>>)
      %mul3A_1199 = arith.constant 624 : i32
      %mul3A_1200 = arith.muli %arg1, %mul3A_1199 : i32
      %add3A_1201 = arith.constant 576 : i32
      %add3A_1202 = arith.addi %mul3A_1200, %add3A_1201 : i32
      %dma_start3A_1203 = arith.constant 0 : i32
      %dma_start3A_1204 = tpu.memref_slice %arg10[%add3A_1202, %dma_start3A_1203] : memref<10000x128xf32, #tpu.memory_space<vmem_shared>> -> memref<16x128xf32, #tpu.memory_space<vmem_shared>>
      %dma_start3A_1205 = arith.constant 0 : i32
      %dma_start3A_1206 = tpu.memref_slice %arg10[%add3A_1202, %dma_start3A_1205] : memref<10000x128xf32, #tpu.memory_space<vmem_shared>> -> memref<16x128xf32, #tpu.memory_space<vmem_shared>>
      tpu.enqueue_dma source(%arg9 : memref<16x128xf32, #tpu.memory_space<vmem>>) target(%dma_start3A_1206 : memref<16x128xf32, #tpu.memory_space<vmem_shared>>) target_semaphore(%arg23 : memref<!tpu.dma_semaphore, #tpu.memory_space<semaphore_mem>>)
      %mul3A_1207 = arith.constant 624 : i32
      %mul3A_1208 = arith.muli %arg1, %mul3A_1207 : i32
      %add3A_1209 = arith.constant 592 : i32
      %add3A_1210 = arith.addi %mul3A_1208, %add3A_1209 : i32
      %dma_start3A_1211 = arith.constant 0 : i32
      %dma_start3A_1212 = tpu.memref_slice %arg10[%add3A_1210, %dma_start3A_1211] : memref<10000x128xf32, #tpu.memory_space<vmem_shared>> -> memref<16x128xf32, #tpu.memory_space<vmem_shared>>
      %dma_start3A_1213 = arith.constant 0 : i32
      %dma_start3A_1214 = tpu.memref_slice %arg10[%add3A_1210, %dma_start3A_1213] : memref<10000x128xf32, #tpu.memory_space<vmem_shared>> -> memref<16x128xf32, #tpu.memory_space<vmem_shared>>
      tpu.enqueue_dma source(%arg9 : memref<16x128xf32, #tpu.memory_space<vmem>>) target(%dma_start3A_1214 : memref<16x128xf32, #tpu.memory_space<vmem_shared>>) target_semaphore(%arg23 : memref<!tpu.dma_semaphore, #tpu.memory_space<semaphore_mem>>)
      %mul3A_1215 = arith.constant 624 : i32
      %mul3A_1216 = arith.muli %arg1, %mul3A_1215 : i32
      %add3A_1217 = arith.constant 608 : i32
      %add3A_1218 = arith.addi %mul3A_1216, %add3A_1217 : i32
      %dma_start3A_1219 = arith.constant 0 : i32
      %dma_start3A_1220 = tpu.memref_slice %arg10[%add3A_1218, %dma_start3A_1219] : memref<10000x128xf32, #tpu.memory_space<vmem_shared>> -> memref<16x128xf32, #tpu.memory_space<vmem_shared>>
      %dma_start3A_1221 = arith.constant 0 : i32
      %dma_start3A_1222 = tpu.memref_slice %arg10[%add3A_1218, %dma_start3A_1221] : memref<10000x128xf32, #tpu.memory_space<vmem_shared>> -> memref<16x128xf32, #tpu.memory_space<vmem_shared>>
      tpu.enqueue_dma source(%arg9 : memref<16x128xf32, #tpu.memory_space<vmem>>) target(%dma_start3A_1222 : memref<16x128xf32, #tpu.memory_space<vmem_shared>>) target_semaphore(%arg23 : memref<!tpu.dma_semaphore, #tpu.memory_space<semaphore_mem>>)
      %mul3A_1223 = arith.constant 624 : i32
      %mul3A_1224 = arith.muli %arg1, %mul3A_1223 : i32
      %add3A_1225 = arith.constant 0 : i32
      %add3A_1226 = arith.addi %mul3A_1224, %add3A_1225 : i32
      %dma_wait3A_1227 = arith.constant 0 : i32
      %dma_wait3A_1228 = tpu.memref_slice %arg10[%add3A_1226, %dma_wait3A_1227] : memref<10000x128xf32, #tpu.memory_space<vmem_shared>> -> memref<16x128xf32, #tpu.memory_space<vmem_shared>>
      %dma_wait3A_1229 = arith.constant 0 : i32
      %dma_wait3A_1230 = tpu.memref_slice %arg10[%add3A_1226, %dma_wait3A_1229] : memref<10000x128xf32, #tpu.memory_space<vmem_shared>> -> memref<16x128xf32, #tpu.memory_space<vmem_shared>>
      tpu.wait_dma2 semaphore(%arg23 : memref<!tpu.dma_semaphore, #tpu.memory_space<semaphore_mem>>) src(%arg9 : memref<16x128xf32, #tpu.memory_space<vmem>>) dst(%dma_wait3A_1230 : memref<16x128xf32, #tpu.memory_space<vmem_shared>>)
      %mul3A_1231 = arith.constant 624 : i32
      %mul3A_1232 = arith.muli %arg1, %mul3A_1231 : i32
      %add3A_1233 = arith.constant 16 : i32
      %add3A_1234 = arith.addi %mul3A_1232, %add3A_1233 : i32
      %dma_wait3A_1235 = arith.constant 0 : i32
      %dma_wait3A_1236 = tpu.memref_slice %arg10[%add3A_1234, %dma_wait3A_1235] : memref<10000x128xf32, #tpu.memory_space<vmem_shared>> -> memref<16x128xf32, #tpu.memory_space<vmem_shared>>
      %dma_wait3A_1237 = arith.constant 0 : i32
      %dma_wait3A_1238 = tpu.memref_slice %arg10[%add3A_1234, %dma_wait3A_1237] : memref<10000x128xf32, #tpu.memory_space<vmem_shared>> -> memref<16x128xf32, #tpu.memory_space<vmem_shared>>
      tpu.wait_dma2 semaphore(%arg23 : memref<!tpu.dma_semaphore, #tpu.memory_space<semaphore_mem>>) src(%arg9 : memref<16x128xf32, #tpu.memory_space<vmem>>) dst(%dma_wait3A_1238 : memref<16x128xf32, #tpu.memory_space<vmem_shared>>)
      %mul3A_1239 = arith.constant 624 : i32
      %mul3A_1240 = arith.muli %arg1, %mul3A_1239 : i32
      %add3A_1241 = arith.constant 32 : i32
      %add3A_1242 = arith.addi %mul3A_1240, %add3A_1241 : i32
      %dma_wait3A_1243 = arith.constant 0 : i32
      %dma_wait3A_1244 = tpu.memref_slice %arg10[%add3A_1242, %dma_wait3A_1243] : memref<10000x128xf32, #tpu.memory_space<vmem_shared>> -> memref<16x128xf32, #tpu.memory_space<vmem_shared>>
      %dma_wait3A_1245 = arith.constant 0 : i32
      %dma_wait3A_1246 = tpu.memref_slice %arg10[%add3A_1242, %dma_wait3A_1245] : memref<10000x128xf32, #tpu.memory_space<vmem_shared>> -> memref<16x128xf32, #tpu.memory_space<vmem_shared>>
      tpu.wait_dma2 semaphore(%arg23 : memref<!tpu.dma_semaphore, #tpu.memory_space<semaphore_mem>>) src(%arg9 : memref<16x128xf32, #tpu.memory_space<vmem>>) dst(%dma_wait3A_1246 : memref<16x128xf32, #tpu.memory_space<vmem_shared>>)
      %mul3A_1247 = arith.constant 624 : i32
      %mul3A_1248 = arith.muli %arg1, %mul3A_1247 : i32
      %add3A_1249 = arith.constant 48 : i32
      %add3A_1250 = arith.addi %mul3A_1248, %add3A_1249 : i32
      %dma_wait3A_1251 = arith.constant 0 : i32
      %dma_wait3A_1252 = tpu.memref_slice %arg10[%add3A_1250, %dma_wait3A_1251] : memref<10000x128xf32, #tpu.memory_space<vmem_shared>> -> memref<16x128xf32, #tpu.memory_space<vmem_shared>>
      %dma_wait3A_1253 = arith.constant 0 : i32
      %dma_wait3A_1254 = tpu.memref_slice %arg10[%add3A_1250, %dma_wait3A_1253] : memref<10000x128xf32, #tpu.memory_space<vmem_shared>> -> memref<16x128xf32, #tpu.memory_space<vmem_shared>>
      tpu.wait_dma2 semaphore(%arg23 : memref<!tpu.dma_semaphore, #tpu.memory_space<semaphore_mem>>) src(%arg9 : memref<16x128xf32, #tpu.memory_space<vmem>>) dst(%dma_wait3A_1254 : memref<16x128xf32, #tpu.memory_space<vmem_shared>>)
      %mul3A_1255 = arith.constant 624 : i32
      %mul3A_1256 = arith.muli %arg1, %mul3A_1255 : i32
      %add3A_1257 = arith.constant 64 : i32
      %add3A_1258 = arith.addi %mul3A_1256, %add3A_1257 : i32
      %dma_wait3A_1259 = arith.constant 0 : i32
      %dma_wait3A_1260 = tpu.memref_slice %arg10[%add3A_1258, %dma_wait3A_1259] : memref<10000x128xf32, #tpu.memory_space<vmem_shared>> -> memref<16x128xf32, #tpu.memory_space<vmem_shared>>
      %dma_wait3A_1261 = arith.constant 0 : i32
      %dma_wait3A_1262 = tpu.memref_slice %arg10[%add3A_1258, %dma_wait3A_1261] : memref<10000x128xf32, #tpu.memory_space<vmem_shared>> -> memref<16x128xf32, #tpu.memory_space<vmem_shared>>
      tpu.wait_dma2 semaphore(%arg23 : memref<!tpu.dma_semaphore, #tpu.memory_space<semaphore_mem>>) src(%arg9 : memref<16x128xf32, #tpu.memory_space<vmem>>) dst(%dma_wait3A_1262 : memref<16x128xf32, #tpu.memory_space<vmem_shared>>)
      %mul3A_1263 = arith.constant 624 : i32
      %mul3A_1264 = arith.muli %arg1, %mul3A_1263 : i32
      %add3A_1265 = arith.constant 80 : i32
      %add3A_1266 = arith.addi %mul3A_1264, %add3A_1265 : i32
      %dma_wait3A_1267 = arith.constant 0 : i32
      %dma_wait3A_1268 = tpu.memref_slice %arg10[%add3A_1266, %dma_wait3A_1267] : memref<10000x128xf32, #tpu.memory_space<vmem_shared>> -> memref<16x128xf32, #tpu.memory_space<vmem_shared>>
      %dma_wait3A_1269 = arith.constant 0 : i32
      %dma_wait3A_1270 = tpu.memref_slice %arg10[%add3A_1266, %dma_wait3A_1269] : memref<10000x128xf32, #tpu.memory_space<vmem_shared>> -> memref<16x128xf32, #tpu.memory_space<vmem_shared>>
      tpu.wait_dma2 semaphore(%arg23 : memref<!tpu.dma_semaphore, #tpu.memory_space<semaphore_mem>>) src(%arg9 : memref<16x128xf32, #tpu.memory_space<vmem>>) dst(%dma_wait3A_1270 : memref<16x128xf32, #tpu.memory_space<vmem_shared>>)
      %mul3A_1271 = arith.constant 624 : i32
      %mul3A_1272 = arith.muli %arg1, %mul3A_1271 : i32
      %add3A_1273 = arith.constant 96 : i32
      %add3A_1274 = arith.addi %mul3A_1272, %add3A_1273 : i32
      %dma_wait3A_1275 = arith.constant 0 : i32
      %dma_wait3A_1276 = tpu.memref_slice %arg10[%add3A_1274, %dma_wait3A_1275] : memref<10000x128xf32, #tpu.memory_space<vmem_shared>> -> memref<16x128xf32, #tpu.memory_space<vmem_shared>>
      %dma_wait3A_1277 = arith.constant 0 : i32
      %dma_wait3A_1278 = tpu.memref_slice %arg10[%add3A_1274, %dma_wait3A_1277] : memref<10000x128xf32, #tpu.memory_space<vmem_shared>> -> memref<16x128xf32, #tpu.memory_space<vmem_shared>>
      tpu.wait_dma2 semaphore(%arg23 : memref<!tpu.dma_semaphore, #tpu.memory_space<semaphore_mem>>) src(%arg9 : memref<16x128xf32, #tpu.memory_space<vmem>>) dst(%dma_wait3A_1278 : memref<16x128xf32, #tpu.memory_space<vmem_shared>>)
      %mul3A_1279 = arith.constant 624 : i32
      %mul3A_1280 = arith.muli %arg1, %mul3A_1279 : i32
      %add3A_1281 = arith.constant 112 : i32
      %add3A_1282 = arith.addi %mul3A_1280, %add3A_1281 : i32
      %dma_wait3A_1283 = arith.constant 0 : i32
      %dma_wait3A_1284 = tpu.memref_slice %arg10[%add3A_1282, %dma_wait3A_1283] : memref<10000x128xf32, #tpu.memory_space<vmem_shared>> -> memref<16x128xf32, #tpu.memory_space<vmem_shared>>
      %dma_wait3A_1285 = arith.constant 0 : i32
      %dma_wait3A_1286 = tpu.memref_slice %arg10[%add3A_1282, %dma_wait3A_1285] : memref<10000x128xf32, #tpu.memory_space<vmem_shared>> -> memref<16x128xf32, #tpu.memory_space<vmem_shared>>
      tpu.wait_dma2 semaphore(%arg23 : memref<!tpu.dma_semaphore, #tpu.memory_space<semaphore_mem>>) src(%arg9 : memref<16x128xf32, #tpu.memory_space<vmem>>) dst(%dma_wait3A_1286 : memref<16x128xf32, #tpu.memory_space<vmem_shared>>)
      %mul3A_1287 = arith.constant 624 : i32
      %mul3A_1288 = arith.muli %arg1, %mul3A_1287 : i32
      %add3A_1289 = arith.constant 128 : i32
      %add3A_1290 = arith.addi %mul3A_1288, %add3A_1289 : i32
      %dma_wait3A_1291 = arith.constant 0 : i32
      %dma_wait3A_1292 = tpu.memref_slice %arg10[%add3A_1290, %dma_wait3A_1291] : memref<10000x128xf32, #tpu.memory_space<vmem_shared>> -> memref<16x128xf32, #tpu.memory_space<vmem_shared>>
      %dma_wait3A_1293 = arith.constant 0 : i32
      %dma_wait3A_1294 = tpu.memref_slice %arg10[%add3A_1290, %dma_wait3A_1293] : memref<10000x128xf32, #tpu.memory_space<vmem_shared>> -> memref<16x128xf32, #tpu.memory_space<vmem_shared>>
      tpu.wait_dma2 semaphore(%arg23 : memref<!tpu.dma_semaphore, #tpu.memory_space<semaphore_mem>>) src(%arg9 : memref<16x128xf32, #tpu.memory_space<vmem>>) dst(%dma_wait3A_1294 : memref<16x128xf32, #tpu.memory_space<vmem_shared>>)
      %mul3A_1295 = arith.constant 624 : i32
      %mul3A_1296 = arith.muli %arg1, %mul3A_1295 : i32
      %add3A_1297 = arith.constant 144 : i32
      %add3A_1298 = arith.addi %mul3A_1296, %add3A_1297 : i32
      %dma_wait3A_1299 = arith.constant 0 : i32
      %dma_wait3A_1300 = tpu.memref_slice %arg10[%add3A_1298, %dma_wait3A_1299] : memref<10000x128xf32, #tpu.memory_space<vmem_shared>> -> memref<16x128xf32, #tpu.memory_space<vmem_shared>>
      %dma_wait3A_1301 = arith.constant 0 : i32
      %dma_wait3A_1302 = tpu.memref_slice %arg10[%add3A_1298, %dma_wait3A_1301] : memref<10000x128xf32, #tpu.memory_space<vmem_shared>> -> memref<16x128xf32, #tpu.memory_space<vmem_shared>>
      tpu.wait_dma2 semaphore(%arg23 : memref<!tpu.dma_semaphore, #tpu.memory_space<semaphore_mem>>) src(%arg9 : memref<16x128xf32, #tpu.memory_space<vmem>>) dst(%dma_wait3A_1302 : memref<16x128xf32, #tpu.memory_space<vmem_shared>>)
      %mul3A_1303 = arith.constant 624 : i32
      %mul3A_1304 = arith.muli %arg1, %mul3A_1303 : i32
      %add3A_1305 = arith.constant 160 : i32
      %add3A_1306 = arith.addi %mul3A_1304, %add3A_1305 : i32
      %dma_wait3A_1307 = arith.constant 0 : i32
      %dma_wait3A_1308 = tpu.memref_slice %arg10[%add3A_1306, %dma_wait3A_1307] : memref<10000x128xf32, #tpu.memory_space<vmem_shared>> -> memref<16x128xf32, #tpu.memory_space<vmem_shared>>
      %dma_wait3A_1309 = arith.constant 0 : i32
      %dma_wait3A_1310 = tpu.memref_slice %arg10[%add3A_1306, %dma_wait3A_1309] : memref<10000x128xf32, #tpu.memory_space<vmem_shared>> -> memref<16x128xf32, #tpu.memory_space<vmem_shared>>
      tpu.wait_dma2 semaphore(%arg23 : memref<!tpu.dma_semaphore, #tpu.memory_space<semaphore_mem>>) src(%arg9 : memref<16x128xf32, #tpu.memory_space<vmem>>) dst(%dma_wait3A_1310 : memref<16x128xf32, #tpu.memory_space<vmem_shared>>)
      %mul3A_1311 = arith.constant 624 : i32
      %mul3A_1312 = arith.muli %arg1, %mul3A_1311 : i32
      %add3A_1313 = arith.constant 176 : i32
      %add3A_1314 = arith.addi %mul3A_1312, %add3A_1313 : i32
      %dma_wait3A_1315 = arith.constant 0 : i32
      %dma_wait3A_1316 = tpu.memref_slice %arg10[%add3A_1314, %dma_wait3A_1315] : memref<10000x128xf32, #tpu.memory_space<vmem_shared>> -> memref<16x128xf32, #tpu.memory_space<vmem_shared>>
      %dma_wait3A_1317 = arith.constant 0 : i32
      %dma_wait3A_1318 = tpu.memref_slice %arg10[%add3A_1314, %dma_wait3A_1317] : memref<10000x128xf32, #tpu.memory_space<vmem_shared>> -> memref<16x128xf32, #tpu.memory_space<vmem_shared>>
      tpu.wait_dma2 semaphore(%arg23 : memref<!tpu.dma_semaphore, #tpu.memory_space<semaphore_mem>>) src(%arg9 : memref<16x128xf32, #tpu.memory_space<vmem>>) dst(%dma_wait3A_1318 : memref<16x128xf32, #tpu.memory_space<vmem_shared>>)
      %mul3A_1319 = arith.constant 624 : i32
      %mul3A_1320 = arith.muli %arg1, %mul3A_1319 : i32
      %add3A_1321 = arith.constant 192 : i32
      %add3A_1322 = arith.addi %mul3A_1320, %add3A_1321 : i32
      %dma_wait3A_1323 = arith.constant 0 : i32
      %dma_wait3A_1324 = tpu.memref_slice %arg10[%add3A_1322, %dma_wait3A_1323] : memref<10000x128xf32, #tpu.memory_space<vmem_shared>> -> memref<16x128xf32, #tpu.memory_space<vmem_shared>>
      %dma_wait3A_1325 = arith.constant 0 : i32
      %dma_wait3A_1326 = tpu.memref_slice %arg10[%add3A_1322, %dma_wait3A_1325] : memref<10000x128xf32, #tpu.memory_space<vmem_shared>> -> memref<16x128xf32, #tpu.memory_space<vmem_shared>>
      tpu.wait_dma2 semaphore(%arg23 : memref<!tpu.dma_semaphore, #tpu.memory_space<semaphore_mem>>) src(%arg9 : memref<16x128xf32, #tpu.memory_space<vmem>>) dst(%dma_wait3A_1326 : memref<16x128xf32, #tpu.memory_space<vmem_shared>>)
      %mul3A_1327 = arith.constant 624 : i32
      %mul3A_1328 = arith.muli %arg1, %mul3A_1327 : i32
      %add3A_1329 = arith.constant 208 : i32
      %add3A_1330 = arith.addi %mul3A_1328, %add3A_1329 : i32
      %dma_wait3A_1331 = arith.constant 0 : i32
      %dma_wait3A_1332 = tpu.memref_slice %arg10[%add3A_1330, %dma_wait3A_1331] : memref<10000x128xf32, #tpu.memory_space<vmem_shared>> -> memref<16x128xf32, #tpu.memory_space<vmem_shared>>
      %dma_wait3A_1333 = arith.constant 0 : i32
      %dma_wait3A_1334 = tpu.memref_slice %arg10[%add3A_1330, %dma_wait3A_1333] : memref<10000x128xf32, #tpu.memory_space<vmem_shared>> -> memref<16x128xf32, #tpu.memory_space<vmem_shared>>
      tpu.wait_dma2 semaphore(%arg23 : memref<!tpu.dma_semaphore, #tpu.memory_space<semaphore_mem>>) src(%arg9 : memref<16x128xf32, #tpu.memory_space<vmem>>) dst(%dma_wait3A_1334 : memref<16x128xf32, #tpu.memory_space<vmem_shared>>)
      %mul3A_1335 = arith.constant 624 : i32
      %mul3A_1336 = arith.muli %arg1, %mul3A_1335 : i32
      %add3A_1337 = arith.constant 224 : i32
      %add3A_1338 = arith.addi %mul3A_1336, %add3A_1337 : i32
      %dma_wait3A_1339 = arith.constant 0 : i32
      %dma_wait3A_1340 = tpu.memref_slice %arg10[%add3A_1338, %dma_wait3A_1339] : memref<10000x128xf32, #tpu.memory_space<vmem_shared>> -> memref<16x128xf32, #tpu.memory_space<vmem_shared>>
      %dma_wait3A_1341 = arith.constant 0 : i32
      %dma_wait3A_1342 = tpu.memref_slice %arg10[%add3A_1338, %dma_wait3A_1341] : memref<10000x128xf32, #tpu.memory_space<vmem_shared>> -> memref<16x128xf32, #tpu.memory_space<vmem_shared>>
      tpu.wait_dma2 semaphore(%arg23 : memref<!tpu.dma_semaphore, #tpu.memory_space<semaphore_mem>>) src(%arg9 : memref<16x128xf32, #tpu.memory_space<vmem>>) dst(%dma_wait3A_1342 : memref<16x128xf32, #tpu.memory_space<vmem_shared>>)
      %mul3A_1343 = arith.constant 624 : i32
      %mul3A_1344 = arith.muli %arg1, %mul3A_1343 : i32
      %add3A_1345 = arith.constant 240 : i32
      %add3A_1346 = arith.addi %mul3A_1344, %add3A_1345 : i32
      %dma_wait3A_1347 = arith.constant 0 : i32
      %dma_wait3A_1348 = tpu.memref_slice %arg10[%add3A_1346, %dma_wait3A_1347] : memref<10000x128xf32, #tpu.memory_space<vmem_shared>> -> memref<16x128xf32, #tpu.memory_space<vmem_shared>>
      %dma_wait3A_1349 = arith.constant 0 : i32
      %dma_wait3A_1350 = tpu.memref_slice %arg10[%add3A_1346, %dma_wait3A_1349] : memref<10000x128xf32, #tpu.memory_space<vmem_shared>> -> memref<16x128xf32, #tpu.memory_space<vmem_shared>>
      tpu.wait_dma2 semaphore(%arg23 : memref<!tpu.dma_semaphore, #tpu.memory_space<semaphore_mem>>) src(%arg9 : memref<16x128xf32, #tpu.memory_space<vmem>>) dst(%dma_wait3A_1350 : memref<16x128xf32, #tpu.memory_space<vmem_shared>>)
      %mul3A_1351 = arith.constant 624 : i32
      %mul3A_1352 = arith.muli %arg1, %mul3A_1351 : i32
      %add3A_1353 = arith.constant 256 : i32
      %add3A_1354 = arith.addi %mul3A_1352, %add3A_1353 : i32
      %dma_wait3A_1355 = arith.constant 0 : i32
      %dma_wait3A_1356 = tpu.memref_slice %arg10[%add3A_1354, %dma_wait3A_1355] : memref<10000x128xf32, #tpu.memory_space<vmem_shared>> -> memref<16x128xf32, #tpu.memory_space<vmem_shared>>
      %dma_wait3A_1357 = arith.constant 0 : i32
      %dma_wait3A_1358 = tpu.memref_slice %arg10[%add3A_1354, %dma_wait3A_1357] : memref<10000x128xf32, #tpu.memory_space<vmem_shared>> -> memref<16x128xf32, #tpu.memory_space<vmem_shared>>
      tpu.wait_dma2 semaphore(%arg23 : memref<!tpu.dma_semaphore, #tpu.memory_space<semaphore_mem>>) src(%arg9 : memref<16x128xf32, #tpu.memory_space<vmem>>) dst(%dma_wait3A_1358 : memref<16x128xf32, #tpu.memory_space<vmem_shared>>)
      %mul3A_1359 = arith.constant 624 : i32
      %mul3A_1360 = arith.muli %arg1, %mul3A_1359 : i32
      %add3A_1361 = arith.constant 272 : i32
      %add3A_1362 = arith.addi %mul3A_1360, %add3A_1361 : i32
      %dma_wait3A_1363 = arith.constant 0 : i32
      %dma_wait3A_1364 = tpu.memref_slice %arg10[%add3A_1362, %dma_wait3A_1363] : memref<10000x128xf32, #tpu.memory_space<vmem_shared>> -> memref<16x128xf32, #tpu.memory_space<vmem_shared>>
      %dma_wait3A_1365 = arith.constant 0 : i32
      %dma_wait3A_1366 = tpu.memref_slice %arg10[%add3A_1362, %dma_wait3A_1365] : memref<10000x128xf32, #tpu.memory_space<vmem_shared>> -> memref<16x128xf32, #tpu.memory_space<vmem_shared>>
      tpu.wait_dma2 semaphore(%arg23 : memref<!tpu.dma_semaphore, #tpu.memory_space<semaphore_mem>>) src(%arg9 : memref<16x128xf32, #tpu.memory_space<vmem>>) dst(%dma_wait3A_1366 : memref<16x128xf32, #tpu.memory_space<vmem_shared>>)
      %mul3A_1367 = arith.constant 624 : i32
      %mul3A_1368 = arith.muli %arg1, %mul3A_1367 : i32
      %add3A_1369 = arith.constant 288 : i32
      %add3A_1370 = arith.addi %mul3A_1368, %add3A_1369 : i32
      %dma_wait3A_1371 = arith.constant 0 : i32
      %dma_wait3A_1372 = tpu.memref_slice %arg10[%add3A_1370, %dma_wait3A_1371] : memref<10000x128xf32, #tpu.memory_space<vmem_shared>> -> memref<16x128xf32, #tpu.memory_space<vmem_shared>>
      %dma_wait3A_1373 = arith.constant 0 : i32
      %dma_wait3A_1374 = tpu.memref_slice %arg10[%add3A_1370, %dma_wait3A_1373] : memref<10000x128xf32, #tpu.memory_space<vmem_shared>> -> memref<16x128xf32, #tpu.memory_space<vmem_shared>>
      tpu.wait_dma2 semaphore(%arg23 : memref<!tpu.dma_semaphore, #tpu.memory_space<semaphore_mem>>) src(%arg9 : memref<16x128xf32, #tpu.memory_space<vmem>>) dst(%dma_wait3A_1374 : memref<16x128xf32, #tpu.memory_space<vmem_shared>>)
      %mul3A_1375 = arith.constant 624 : i32
      %mul3A_1376 = arith.muli %arg1, %mul3A_1375 : i32
      %add3A_1377 = arith.constant 304 : i32
      %add3A_1378 = arith.addi %mul3A_1376, %add3A_1377 : i32
      %dma_wait3A_1379 = arith.constant 0 : i32
      %dma_wait3A_1380 = tpu.memref_slice %arg10[%add3A_1378, %dma_wait3A_1379] : memref<10000x128xf32, #tpu.memory_space<vmem_shared>> -> memref<16x128xf32, #tpu.memory_space<vmem_shared>>
      %dma_wait3A_1381 = arith.constant 0 : i32
      %dma_wait3A_1382 = tpu.memref_slice %arg10[%add3A_1378, %dma_wait3A_1381] : memref<10000x128xf32, #tpu.memory_space<vmem_shared>> -> memref<16x128xf32, #tpu.memory_space<vmem_shared>>
      tpu.wait_dma2 semaphore(%arg23 : memref<!tpu.dma_semaphore, #tpu.memory_space<semaphore_mem>>) src(%arg9 : memref<16x128xf32, #tpu.memory_space<vmem>>) dst(%dma_wait3A_1382 : memref<16x128xf32, #tpu.memory_space<vmem_shared>>)
      %mul3A_1383 = arith.constant 624 : i32
      %mul3A_1384 = arith.muli %arg1, %mul3A_1383 : i32
      %add3A_1385 = arith.constant 320 : i32
      %add3A_1386 = arith.addi %mul3A_1384, %add3A_1385 : i32
      %dma_wait3A_1387 = arith.constant 0 : i32
      %dma_wait3A_1388 = tpu.memref_slice %arg10[%add3A_1386, %dma_wait3A_1387] : memref<10000x128xf32, #tpu.memory_space<vmem_shared>> -> memref<16x128xf32, #tpu.memory_space<vmem_shared>>
      %dma_wait3A_1389 = arith.constant 0 : i32
      %dma_wait3A_1390 = tpu.memref_slice %arg10[%add3A_1386, %dma_wait3A_1389] : memref<10000x128xf32, #tpu.memory_space<vmem_shared>> -> memref<16x128xf32, #tpu.memory_space<vmem_shared>>
      tpu.wait_dma2 semaphore(%arg23 : memref<!tpu.dma_semaphore, #tpu.memory_space<semaphore_mem>>) src(%arg9 : memref<16x128xf32, #tpu.memory_space<vmem>>) dst(%dma_wait3A_1390 : memref<16x128xf32, #tpu.memory_space<vmem_shared>>)
      %mul3A_1391 = arith.constant 624 : i32
      %mul3A_1392 = arith.muli %arg1, %mul3A_1391 : i32
      %add3A_1393 = arith.constant 336 : i32
      %add3A_1394 = arith.addi %mul3A_1392, %add3A_1393 : i32
      %dma_wait3A_1395 = arith.constant 0 : i32
      %dma_wait3A_1396 = tpu.memref_slice %arg10[%add3A_1394, %dma_wait3A_1395] : memref<10000x128xf32, #tpu.memory_space<vmem_shared>> -> memref<16x128xf32, #tpu.memory_space<vmem_shared>>
      %dma_wait3A_1397 = arith.constant 0 : i32
      %dma_wait3A_1398 = tpu.memref_slice %arg10[%add3A_1394, %dma_wait3A_1397] : memref<10000x128xf32, #tpu.memory_space<vmem_shared>> -> memref<16x128xf32, #tpu.memory_space<vmem_shared>>
      tpu.wait_dma2 semaphore(%arg23 : memref<!tpu.dma_semaphore, #tpu.memory_space<semaphore_mem>>) src(%arg9 : memref<16x128xf32, #tpu.memory_space<vmem>>) dst(%dma_wait3A_1398 : memref<16x128xf32, #tpu.memory_space<vmem_shared>>)
      %mul3A_1399 = arith.constant 624 : i32
      %mul3A_1400 = arith.muli %arg1, %mul3A_1399 : i32
      %add3A_1401 = arith.constant 352 : i32
      %add3A_1402 = arith.addi %mul3A_1400, %add3A_1401 : i32
      %dma_wait3A_1403 = arith.constant 0 : i32
      %dma_wait3A_1404 = tpu.memref_slice %arg10[%add3A_1402, %dma_wait3A_1403] : memref<10000x128xf32, #tpu.memory_space<vmem_shared>> -> memref<16x128xf32, #tpu.memory_space<vmem_shared>>
      %dma_wait3A_1405 = arith.constant 0 : i32
      %dma_wait3A_1406 = tpu.memref_slice %arg10[%add3A_1402, %dma_wait3A_1405] : memref<10000x128xf32, #tpu.memory_space<vmem_shared>> -> memref<16x128xf32, #tpu.memory_space<vmem_shared>>
      tpu.wait_dma2 semaphore(%arg23 : memref<!tpu.dma_semaphore, #tpu.memory_space<semaphore_mem>>) src(%arg9 : memref<16x128xf32, #tpu.memory_space<vmem>>) dst(%dma_wait3A_1406 : memref<16x128xf32, #tpu.memory_space<vmem_shared>>)
      %mul3A_1407 = arith.constant 624 : i32
      %mul3A_1408 = arith.muli %arg1, %mul3A_1407 : i32
      %add3A_1409 = arith.constant 368 : i32
      %add3A_1410 = arith.addi %mul3A_1408, %add3A_1409 : i32
      %dma_wait3A_1411 = arith.constant 0 : i32
      %dma_wait3A_1412 = tpu.memref_slice %arg10[%add3A_1410, %dma_wait3A_1411] : memref<10000x128xf32, #tpu.memory_space<vmem_shared>> -> memref<16x128xf32, #tpu.memory_space<vmem_shared>>
      %dma_wait3A_1413 = arith.constant 0 : i32
      %dma_wait3A_1414 = tpu.memref_slice %arg10[%add3A_1410, %dma_wait3A_1413] : memref<10000x128xf32, #tpu.memory_space<vmem_shared>> -> memref<16x128xf32, #tpu.memory_space<vmem_shared>>
      tpu.wait_dma2 semaphore(%arg23 : memref<!tpu.dma_semaphore, #tpu.memory_space<semaphore_mem>>) src(%arg9 : memref<16x128xf32, #tpu.memory_space<vmem>>) dst(%dma_wait3A_1414 : memref<16x128xf32, #tpu.memory_space<vmem_shared>>)
      %mul3A_1415 = arith.constant 624 : i32
      %mul3A_1416 = arith.muli %arg1, %mul3A_1415 : i32
      %add3A_1417 = arith.constant 384 : i32
      %add3A_1418 = arith.addi %mul3A_1416, %add3A_1417 : i32
      %dma_wait3A_1419 = arith.constant 0 : i32
      %dma_wait3A_1420 = tpu.memref_slice %arg10[%add3A_1418, %dma_wait3A_1419] : memref<10000x128xf32, #tpu.memory_space<vmem_shared>> -> memref<16x128xf32, #tpu.memory_space<vmem_shared>>
      %dma_wait3A_1421 = arith.constant 0 : i32
      %dma_wait3A_1422 = tpu.memref_slice %arg10[%add3A_1418, %dma_wait3A_1421] : memref<10000x128xf32, #tpu.memory_space<vmem_shared>> -> memref<16x128xf32, #tpu.memory_space<vmem_shared>>
      tpu.wait_dma2 semaphore(%arg23 : memref<!tpu.dma_semaphore, #tpu.memory_space<semaphore_mem>>) src(%arg9 : memref<16x128xf32, #tpu.memory_space<vmem>>) dst(%dma_wait3A_1422 : memref<16x128xf32, #tpu.memory_space<vmem_shared>>)
      %mul3A_1423 = arith.constant 624 : i32
      %mul3A_1424 = arith.muli %arg1, %mul3A_1423 : i32
      %add3A_1425 = arith.constant 400 : i32
      %add3A_1426 = arith.addi %mul3A_1424, %add3A_1425 : i32
      %dma_wait3A_1427 = arith.constant 0 : i32
      %dma_wait3A_1428 = tpu.memref_slice %arg10[%add3A_1426, %dma_wait3A_1427] : memref<10000x128xf32, #tpu.memory_space<vmem_shared>> -> memref<16x128xf32, #tpu.memory_space<vmem_shared>>
      %dma_wait3A_1429 = arith.constant 0 : i32
      %dma_wait3A_1430 = tpu.memref_slice %arg10[%add3A_1426, %dma_wait3A_1429] : memref<10000x128xf32, #tpu.memory_space<vmem_shared>> -> memref<16x128xf32, #tpu.memory_space<vmem_shared>>
      tpu.wait_dma2 semaphore(%arg23 : memref<!tpu.dma_semaphore, #tpu.memory_space<semaphore_mem>>) src(%arg9 : memref<16x128xf32, #tpu.memory_space<vmem>>) dst(%dma_wait3A_1430 : memref<16x128xf32, #tpu.memory_space<vmem_shared>>)
      %mul3A_1431 = arith.constant 624 : i32
      %mul3A_1432 = arith.muli %arg1, %mul3A_1431 : i32
      %add3A_1433 = arith.constant 416 : i32
      %add3A_1434 = arith.addi %mul3A_1432, %add3A_1433 : i32
      %dma_wait3A_1435 = arith.constant 0 : i32
      %dma_wait3A_1436 = tpu.memref_slice %arg10[%add3A_1434, %dma_wait3A_1435] : memref<10000x128xf32, #tpu.memory_space<vmem_shared>> -> memref<16x128xf32, #tpu.memory_space<vmem_shared>>
      %dma_wait3A_1437 = arith.constant 0 : i32
      %dma_wait3A_1438 = tpu.memref_slice %arg10[%add3A_1434, %dma_wait3A_1437] : memref<10000x128xf32, #tpu.memory_space<vmem_shared>> -> memref<16x128xf32, #tpu.memory_space<vmem_shared>>
      tpu.wait_dma2 semaphore(%arg23 : memref<!tpu.dma_semaphore, #tpu.memory_space<semaphore_mem>>) src(%arg9 : memref<16x128xf32, #tpu.memory_space<vmem>>) dst(%dma_wait3A_1438 : memref<16x128xf32, #tpu.memory_space<vmem_shared>>)
      %mul3A_1439 = arith.constant 624 : i32
      %mul3A_1440 = arith.muli %arg1, %mul3A_1439 : i32
      %add3A_1441 = arith.constant 432 : i32
      %add3A_1442 = arith.addi %mul3A_1440, %add3A_1441 : i32
      %dma_wait3A_1443 = arith.constant 0 : i32
      %dma_wait3A_1444 = tpu.memref_slice %arg10[%add3A_1442, %dma_wait3A_1443] : memref<10000x128xf32, #tpu.memory_space<vmem_shared>> -> memref<16x128xf32, #tpu.memory_space<vmem_shared>>
      %dma_wait3A_1445 = arith.constant 0 : i32
      %dma_wait3A_1446 = tpu.memref_slice %arg10[%add3A_1442, %dma_wait3A_1445] : memref<10000x128xf32, #tpu.memory_space<vmem_shared>> -> memref<16x128xf32, #tpu.memory_space<vmem_shared>>
      tpu.wait_dma2 semaphore(%arg23 : memref<!tpu.dma_semaphore, #tpu.memory_space<semaphore_mem>>) src(%arg9 : memref<16x128xf32, #tpu.memory_space<vmem>>) dst(%dma_wait3A_1446 : memref<16x128xf32, #tpu.memory_space<vmem_shared>>)
      %mul3A_1447 = arith.constant 624 : i32
      %mul3A_1448 = arith.muli %arg1, %mul3A_1447 : i32
      %add3A_1449 = arith.constant 448 : i32
      %add3A_1450 = arith.addi %mul3A_1448, %add3A_1449 : i32
      %dma_wait3A_1451 = arith.constant 0 : i32
      %dma_wait3A_1452 = tpu.memref_slice %arg10[%add3A_1450, %dma_wait3A_1451] : memref<10000x128xf32, #tpu.memory_space<vmem_shared>> -> memref<16x128xf32, #tpu.memory_space<vmem_shared>>
      %dma_wait3A_1453 = arith.constant 0 : i32
      %dma_wait3A_1454 = tpu.memref_slice %arg10[%add3A_1450, %dma_wait3A_1453] : memref<10000x128xf32, #tpu.memory_space<vmem_shared>> -> memref<16x128xf32, #tpu.memory_space<vmem_shared>>
      tpu.wait_dma2 semaphore(%arg23 : memref<!tpu.dma_semaphore, #tpu.memory_space<semaphore_mem>>) src(%arg9 : memref<16x128xf32, #tpu.memory_space<vmem>>) dst(%dma_wait3A_1454 : memref<16x128xf32, #tpu.memory_space<vmem_shared>>)
      %mul3A_1455 = arith.constant 624 : i32
      %mul3A_1456 = arith.muli %arg1, %mul3A_1455 : i32
      %add3A_1457 = arith.constant 464 : i32
      %add3A_1458 = arith.addi %mul3A_1456, %add3A_1457 : i32
      %dma_wait3A_1459 = arith.constant 0 : i32
      %dma_wait3A_1460 = tpu.memref_slice %arg10[%add3A_1458, %dma_wait3A_1459] : memref<10000x128xf32, #tpu.memory_space<vmem_shared>> -> memref<16x128xf32, #tpu.memory_space<vmem_shared>>
      %dma_wait3A_1461 = arith.constant 0 : i32
      %dma_wait3A_1462 = tpu.memref_slice %arg10[%add3A_1458, %dma_wait3A_1461] : memref<10000x128xf32, #tpu.memory_space<vmem_shared>> -> memref<16x128xf32, #tpu.memory_space<vmem_shared>>
      tpu.wait_dma2 semaphore(%arg23 : memref<!tpu.dma_semaphore, #tpu.memory_space<semaphore_mem>>) src(%arg9 : memref<16x128xf32, #tpu.memory_space<vmem>>) dst(%dma_wait3A_1462 : memref<16x128xf32, #tpu.memory_space<vmem_shared>>)
      %mul3A_1463 = arith.constant 624 : i32
      %mul3A_1464 = arith.muli %arg1, %mul3A_1463 : i32
      %add3A_1465 = arith.constant 480 : i32
      %add3A_1466 = arith.addi %mul3A_1464, %add3A_1465 : i32
      %dma_wait3A_1467 = arith.constant 0 : i32
      %dma_wait3A_1468 = tpu.memref_slice %arg10[%add3A_1466, %dma_wait3A_1467] : memref<10000x128xf32, #tpu.memory_space<vmem_shared>> -> memref<16x128xf32, #tpu.memory_space<vmem_shared>>
      %dma_wait3A_1469 = arith.constant 0 : i32
      %dma_wait3A_1470 = tpu.memref_slice %arg10[%add3A_1466, %dma_wait3A_1469] : memref<10000x128xf32, #tpu.memory_space<vmem_shared>> -> memref<16x128xf32, #tpu.memory_space<vmem_shared>>
      tpu.wait_dma2 semaphore(%arg23 : memref<!tpu.dma_semaphore, #tpu.memory_space<semaphore_mem>>) src(%arg9 : memref<16x128xf32, #tpu.memory_space<vmem>>) dst(%dma_wait3A_1470 : memref<16x128xf32, #tpu.memory_space<vmem_shared>>)
      %mul3A_1471 = arith.constant 624 : i32
      %mul3A_1472 = arith.muli %arg1, %mul3A_1471 : i32
      %add3A_1473 = arith.constant 496 : i32
      %add3A_1474 = arith.addi %mul3A_1472, %add3A_1473 : i32
      %dma_wait3A_1475 = arith.constant 0 : i32
      %dma_wait3A_1476 = tpu.memref_slice %arg10[%add3A_1474, %dma_wait3A_1475] : memref<10000x128xf32, #tpu.memory_space<vmem_shared>> -> memref<16x128xf32, #tpu.memory_space<vmem_shared>>
      %dma_wait3A_1477 = arith.constant 0 : i32
      %dma_wait3A_1478 = tpu.memref_slice %arg10[%add3A_1474, %dma_wait3A_1477] : memref<10000x128xf32, #tpu.memory_space<vmem_shared>> -> memref<16x128xf32, #tpu.memory_space<vmem_shared>>
      tpu.wait_dma2 semaphore(%arg23 : memref<!tpu.dma_semaphore, #tpu.memory_space<semaphore_mem>>) src(%arg9 : memref<16x128xf32, #tpu.memory_space<vmem>>) dst(%dma_wait3A_1478 : memref<16x128xf32, #tpu.memory_space<vmem_shared>>)
      %mul3A_1479 = arith.constant 624 : i32
      %mul3A_1480 = arith.muli %arg1, %mul3A_1479 : i32
      %add3A_1481 = arith.constant 512 : i32
      %add3A_1482 = arith.addi %mul3A_1480, %add3A_1481 : i32
      %dma_wait3A_1483 = arith.constant 0 : i32
      %dma_wait3A_1484 = tpu.memref_slice %arg10[%add3A_1482, %dma_wait3A_1483] : memref<10000x128xf32, #tpu.memory_space<vmem_shared>> -> memref<16x128xf32, #tpu.memory_space<vmem_shared>>
      %dma_wait3A_1485 = arith.constant 0 : i32
      %dma_wait3A_1486 = tpu.memref_slice %arg10[%add3A_1482, %dma_wait3A_1485] : memref<10000x128xf32, #tpu.memory_space<vmem_shared>> -> memref<16x128xf32, #tpu.memory_space<vmem_shared>>
      tpu.wait_dma2 semaphore(%arg23 : memref<!tpu.dma_semaphore, #tpu.memory_space<semaphore_mem>>) src(%arg9 : memref<16x128xf32, #tpu.memory_space<vmem>>) dst(%dma_wait3A_1486 : memref<16x128xf32, #tpu.memory_space<vmem_shared>>)
      %mul3A_1487 = arith.constant 624 : i32
      %mul3A_1488 = arith.muli %arg1, %mul3A_1487 : i32
      %add3A_1489 = arith.constant 528 : i32
      %add3A_1490 = arith.addi %mul3A_1488, %add3A_1489 : i32
      %dma_wait3A_1491 = arith.constant 0 : i32
      %dma_wait3A_1492 = tpu.memref_slice %arg10[%add3A_1490, %dma_wait3A_1491] : memref<10000x128xf32, #tpu.memory_space<vmem_shared>> -> memref<16x128xf32, #tpu.memory_space<vmem_shared>>
      %dma_wait3A_1493 = arith.constant 0 : i32
      %dma_wait3A_1494 = tpu.memref_slice %arg10[%add3A_1490, %dma_wait3A_1493] : memref<10000x128xf32, #tpu.memory_space<vmem_shared>> -> memref<16x128xf32, #tpu.memory_space<vmem_shared>>
      tpu.wait_dma2 semaphore(%arg23 : memref<!tpu.dma_semaphore, #tpu.memory_space<semaphore_mem>>) src(%arg9 : memref<16x128xf32, #tpu.memory_space<vmem>>) dst(%dma_wait3A_1494 : memref<16x128xf32, #tpu.memory_space<vmem_shared>>)
      %mul3A_1495 = arith.constant 624 : i32
      %mul3A_1496 = arith.muli %arg1, %mul3A_1495 : i32
      %add3A_1497 = arith.constant 544 : i32
      %add3A_1498 = arith.addi %mul3A_1496, %add3A_1497 : i32
      %dma_wait3A_1499 = arith.constant 0 : i32
      %dma_wait3A_1500 = tpu.memref_slice %arg10[%add3A_1498, %dma_wait3A_1499] : memref<10000x128xf32, #tpu.memory_space<vmem_shared>> -> memref<16x128xf32, #tpu.memory_space<vmem_shared>>
      %dma_wait3A_1501 = arith.constant 0 : i32
      %dma_wait3A_1502 = tpu.memref_slice %arg10[%add3A_1498, %dma_wait3A_1501] : memref<10000x128xf32, #tpu.memory_space<vmem_shared>> -> memref<16x128xf32, #tpu.memory_space<vmem_shared>>
      tpu.wait_dma2 semaphore(%arg23 : memref<!tpu.dma_semaphore, #tpu.memory_space<semaphore_mem>>) src(%arg9 : memref<16x128xf32, #tpu.memory_space<vmem>>) dst(%dma_wait3A_1502 : memref<16x128xf32, #tpu.memory_space<vmem_shared>>)
      %mul3A_1503 = arith.constant 624 : i32
      %mul3A_1504 = arith.muli %arg1, %mul3A_1503 : i32
      %add3A_1505 = arith.constant 560 : i32
      %add3A_1506 = arith.addi %mul3A_1504, %add3A_1505 : i32
      %dma_wait3A_1507 = arith.constant 0 : i32
      %dma_wait3A_1508 = tpu.memref_slice %arg10[%add3A_1506, %dma_wait3A_1507] : memref<10000x128xf32, #tpu.memory_space<vmem_shared>> -> memref<16x128xf32, #tpu.memory_space<vmem_shared>>
      %dma_wait3A_1509 = arith.constant 0 : i32
      %dma_wait3A_1510 = tpu.memref_slice %arg10[%add3A_1506, %dma_wait3A_1509] : memref<10000x128xf32, #tpu.memory_space<vmem_shared>> -> memref<16x128xf32, #tpu.memory_space<vmem_shared>>
      tpu.wait_dma2 semaphore(%arg23 : memref<!tpu.dma_semaphore, #tpu.memory_space<semaphore_mem>>) src(%arg9 : memref<16x128xf32, #tpu.memory_space<vmem>>) dst(%dma_wait3A_1510 : memref<16x128xf32, #tpu.memory_space<vmem_shared>>)
      %mul3A_1511 = arith.constant 624 : i32
      %mul3A_1512 = arith.muli %arg1, %mul3A_1511 : i32
      %add3A_1513 = arith.constant 576 : i32
      %add3A_1514 = arith.addi %mul3A_1512, %add3A_1513 : i32
      %dma_wait3A_1515 = arith.constant 0 : i32
      %dma_wait3A_1516 = tpu.memref_slice %arg10[%add3A_1514, %dma_wait3A_1515] : memref<10000x128xf32, #tpu.memory_space<vmem_shared>> -> memref<16x128xf32, #tpu.memory_space<vmem_shared>>
      %dma_wait3A_1517 = arith.constant 0 : i32
      %dma_wait3A_1518 = tpu.memref_slice %arg10[%add3A_1514, %dma_wait3A_1517] : memref<10000x128xf32, #tpu.memory_space<vmem_shared>> -> memref<16x128xf32, #tpu.memory_space<vmem_shared>>
      tpu.wait_dma2 semaphore(%arg23 : memref<!tpu.dma_semaphore, #tpu.memory_space<semaphore_mem>>) src(%arg9 : memref<16x128xf32, #tpu.memory_space<vmem>>) dst(%dma_wait3A_1518 : memref<16x128xf32, #tpu.memory_space<vmem_shared>>)
      %mul3A_1519 = arith.constant 624 : i32
      %mul3A_1520 = arith.muli %arg1, %mul3A_1519 : i32
      %add3A_1521 = arith.constant 592 : i32
      %add3A_1522 = arith.addi %mul3A_1520, %add3A_1521 : i32
      %dma_wait3A_1523 = arith.constant 0 : i32
      %dma_wait3A_1524 = tpu.memref_slice %arg10[%add3A_1522, %dma_wait3A_1523] : memref<10000x128xf32, #tpu.memory_space<vmem_shared>> -> memref<16x128xf32, #tpu.memory_space<vmem_shared>>
      %dma_wait3A_1525 = arith.constant 0 : i32
      %dma_wait3A_1526 = tpu.memref_slice %arg10[%add3A_1522, %dma_wait3A_1525] : memref<10000x128xf32, #tpu.memory_space<vmem_shared>> -> memref<16x128xf32, #tpu.memory_space<vmem_shared>>
      tpu.wait_dma2 semaphore(%arg23 : memref<!tpu.dma_semaphore, #tpu.memory_space<semaphore_mem>>) src(%arg9 : memref<16x128xf32, #tpu.memory_space<vmem>>) dst(%dma_wait3A_1526 : memref<16x128xf32, #tpu.memory_space<vmem_shared>>)
      %mul3A_1527 = arith.constant 624 : i32
      %mul3A_1528 = arith.muli %arg1, %mul3A_1527 : i32
      %add3A_1529 = arith.constant 608 : i32
      %add3A_1530 = arith.addi %mul3A_1528, %add3A_1529 : i32
      %dma_wait3A_1531 = arith.constant 0 : i32
      %dma_wait3A_1532 = tpu.memref_slice %arg10[%add3A_1530, %dma_wait3A_1531] : memref<10000x128xf32, #tpu.memory_space<vmem_shared>> -> memref<16x128xf32, #tpu.memory_space<vmem_shared>>
      %dma_wait3A_1533 = arith.constant 0 : i32
      %dma_wait3A_1534 = tpu.memref_slice %arg10[%add3A_1530, %dma_wait3A_1533] : memref<10000x128xf32, #tpu.memory_space<vmem_shared>> -> memref<16x128xf32, #tpu.memory_space<vmem_shared>>
      tpu.wait_dma2 semaphore(%arg23 : memref<!tpu.dma_semaphore, #tpu.memory_space<semaphore_mem>>) src(%arg9 : memref<16x128xf32, #tpu.memory_space<vmem>>) dst(%dma_wait3A_1534 : memref<16x128xf32, #tpu.memory_space<vmem_shared>>)
    } else {
    }
    %eq3A = arith.constant 15 : i32
    %eq3A_97 = arith.cmpi eq, %arg1, %eq3A : i32
    %convert_element_type3A_98 = arith.extui %eq3A_97 : i1 to i32
    %cond3A_99 = arith.constant 0 : i32
    %cond3A_100 = arith.cmpi ne, %convert_element_type3A_98, %cond3A_99 : i32
    scf.if %cond3A_100 {
      %dma_start3A_911 = arith.constant 9360 : i32
      %dma_start3A_912 = arith.constant 0 : i32
      %dma_start3A_913 = tpu.memref_slice %arg10[%dma_start3A_911, %dma_start3A_912] : memref<10000x128xf32, #tpu.memory_space<vmem_shared>> -> memref<16x128xf32, #tpu.memory_space<vmem_shared>>
      %dma_start3A_914 = arith.constant 9360 : i32
      %dma_start3A_915 = arith.constant 0 : i32
      %dma_start3A_916 = tpu.memref_slice %arg10[%dma_start3A_914, %dma_start3A_915] : memref<10000x128xf32, #tpu.memory_space<vmem_shared>> -> memref<16x128xf32, #tpu.memory_space<vmem_shared>>
      tpu.enqueue_dma source(%arg9 : memref<16x128xf32, #tpu.memory_space<vmem>>) target(%dma_start3A_916 : memref<16x128xf32, #tpu.memory_space<vmem_shared>>) target_semaphore(%arg23 : memref<!tpu.dma_semaphore, #tpu.memory_space<semaphore_mem>>)
      %dma_start3A_917 = arith.constant 9376 : i32
      %dma_start3A_918 = arith.constant 0 : i32
      %dma_start3A_919 = tpu.memref_slice %arg10[%dma_start3A_917, %dma_start3A_918] : memref<10000x128xf32, #tpu.memory_space<vmem_shared>> -> memref<16x128xf32, #tpu.memory_space<vmem_shared>>
      %dma_start3A_920 = arith.constant 9376 : i32
      %dma_start3A_921 = arith.constant 0 : i32
      %dma_start3A_922 = tpu.memref_slice %arg10[%dma_start3A_920, %dma_start3A_921] : memref<10000x128xf32, #tpu.memory_space<vmem_shared>> -> memref<16x128xf32, #tpu.memory_space<vmem_shared>>
      tpu.enqueue_dma source(%arg9 : memref<16x128xf32, #tpu.memory_space<vmem>>) target(%dma_start3A_922 : memref<16x128xf32, #tpu.memory_space<vmem_shared>>) target_semaphore(%arg23 : memref<!tpu.dma_semaphore, #tpu.memory_space<semaphore_mem>>)
      %dma_start3A_923 = arith.constant 9392 : i32
      %dma_start3A_924 = arith.constant 0 : i32
      %dma_start3A_925 = tpu.memref_slice %arg10[%dma_start3A_923, %dma_start3A_924] : memref<10000x128xf32, #tpu.memory_space<vmem_shared>> -> memref<16x128xf32, #tpu.memory_space<vmem_shared>>
      %dma_start3A_926 = arith.constant 9392 : i32
      %dma_start3A_927 = arith.constant 0 : i32
      %dma_start3A_928 = tpu.memref_slice %arg10[%dma_start3A_926, %dma_start3A_927] : memref<10000x128xf32, #tpu.memory_space<vmem_shared>> -> memref<16x128xf32, #tpu.memory_space<vmem_shared>>
      tpu.enqueue_dma source(%arg9 : memref<16x128xf32, #tpu.memory_space<vmem>>) target(%dma_start3A_928 : memref<16x128xf32, #tpu.memory_space<vmem_shared>>) target_semaphore(%arg23 : memref<!tpu.dma_semaphore, #tpu.memory_space<semaphore_mem>>)
      %dma_start3A_929 = arith.constant 9408 : i32
      %dma_start3A_930 = arith.constant 0 : i32
      %dma_start3A_931 = tpu.memref_slice %arg10[%dma_start3A_929, %dma_start3A_930] : memref<10000x128xf32, #tpu.memory_space<vmem_shared>> -> memref<16x128xf32, #tpu.memory_space<vmem_shared>>
      %dma_start3A_932 = arith.constant 9408 : i32
      %dma_start3A_933 = arith.constant 0 : i32
      %dma_start3A_934 = tpu.memref_slice %arg10[%dma_start3A_932, %dma_start3A_933] : memref<10000x128xf32, #tpu.memory_space<vmem_shared>> -> memref<16x128xf32, #tpu.memory_space<vmem_shared>>
      tpu.enqueue_dma source(%arg9 : memref<16x128xf32, #tpu.memory_space<vmem>>) target(%dma_start3A_934 : memref<16x128xf32, #tpu.memory_space<vmem_shared>>) target_semaphore(%arg23 : memref<!tpu.dma_semaphore, #tpu.memory_space<semaphore_mem>>)
      %dma_start3A_935 = arith.constant 9424 : i32
      %dma_start3A_936 = arith.constant 0 : i32
      %dma_start3A_937 = tpu.memref_slice %arg10[%dma_start3A_935, %dma_start3A_936] : memref<10000x128xf32, #tpu.memory_space<vmem_shared>> -> memref<16x128xf32, #tpu.memory_space<vmem_shared>>
      %dma_start3A_938 = arith.constant 9424 : i32
      %dma_start3A_939 = arith.constant 0 : i32
      %dma_start3A_940 = tpu.memref_slice %arg10[%dma_start3A_938, %dma_start3A_939] : memref<10000x128xf32, #tpu.memory_space<vmem_shared>> -> memref<16x128xf32, #tpu.memory_space<vmem_shared>>
      tpu.enqueue_dma source(%arg9 : memref<16x128xf32, #tpu.memory_space<vmem>>) target(%dma_start3A_940 : memref<16x128xf32, #tpu.memory_space<vmem_shared>>) target_semaphore(%arg23 : memref<!tpu.dma_semaphore, #tpu.memory_space<semaphore_mem>>)
      %dma_start3A_941 = arith.constant 9440 : i32
      %dma_start3A_942 = arith.constant 0 : i32
      %dma_start3A_943 = tpu.memref_slice %arg10[%dma_start3A_941, %dma_start3A_942] : memref<10000x128xf32, #tpu.memory_space<vmem_shared>> -> memref<16x128xf32, #tpu.memory_space<vmem_shared>>
      %dma_start3A_944 = arith.constant 9440 : i32
      %dma_start3A_945 = arith.constant 0 : i32
      %dma_start3A_946 = tpu.memref_slice %arg10[%dma_start3A_944, %dma_start3A_945] : memref<10000x128xf32, #tpu.memory_space<vmem_shared>> -> memref<16x128xf32, #tpu.memory_space<vmem_shared>>
      tpu.enqueue_dma source(%arg9 : memref<16x128xf32, #tpu.memory_space<vmem>>) target(%dma_start3A_946 : memref<16x128xf32, #tpu.memory_space<vmem_shared>>) target_semaphore(%arg23 : memref<!tpu.dma_semaphore, #tpu.memory_space<semaphore_mem>>)
      %dma_start3A_947 = arith.constant 9456 : i32
      %dma_start3A_948 = arith.constant 0 : i32
      %dma_start3A_949 = tpu.memref_slice %arg10[%dma_start3A_947, %dma_start3A_948] : memref<10000x128xf32, #tpu.memory_space<vmem_shared>> -> memref<16x128xf32, #tpu.memory_space<vmem_shared>>
      %dma_start3A_950 = arith.constant 9456 : i32
      %dma_start3A_951 = arith.constant 0 : i32
      %dma_start3A_952 = tpu.memref_slice %arg10[%dma_start3A_950, %dma_start3A_951] : memref<10000x128xf32, #tpu.memory_space<vmem_shared>> -> memref<16x128xf32, #tpu.memory_space<vmem_shared>>
      tpu.enqueue_dma source(%arg9 : memref<16x128xf32, #tpu.memory_space<vmem>>) target(%dma_start3A_952 : memref<16x128xf32, #tpu.memory_space<vmem_shared>>) target_semaphore(%arg23 : memref<!tpu.dma_semaphore, #tpu.memory_space<semaphore_mem>>)
      %dma_start3A_953 = arith.constant 9472 : i32
      %dma_start3A_954 = arith.constant 0 : i32
      %dma_start3A_955 = tpu.memref_slice %arg10[%dma_start3A_953, %dma_start3A_954] : memref<10000x128xf32, #tpu.memory_space<vmem_shared>> -> memref<16x128xf32, #tpu.memory_space<vmem_shared>>
      %dma_start3A_956 = arith.constant 9472 : i32
      %dma_start3A_957 = arith.constant 0 : i32
      %dma_start3A_958 = tpu.memref_slice %arg10[%dma_start3A_956, %dma_start3A_957] : memref<10000x128xf32, #tpu.memory_space<vmem_shared>> -> memref<16x128xf32, #tpu.memory_space<vmem_shared>>
      tpu.enqueue_dma source(%arg9 : memref<16x128xf32, #tpu.memory_space<vmem>>) target(%dma_start3A_958 : memref<16x128xf32, #tpu.memory_space<vmem_shared>>) target_semaphore(%arg23 : memref<!tpu.dma_semaphore, #tpu.memory_space<semaphore_mem>>)
      %dma_start3A_959 = arith.constant 9488 : i32
      %dma_start3A_960 = arith.constant 0 : i32
      %dma_start3A_961 = tpu.memref_slice %arg10[%dma_start3A_959, %dma_start3A_960] : memref<10000x128xf32, #tpu.memory_space<vmem_shared>> -> memref<16x128xf32, #tpu.memory_space<vmem_shared>>
      %dma_start3A_962 = arith.constant 9488 : i32
      %dma_start3A_963 = arith.constant 0 : i32
      %dma_start3A_964 = tpu.memref_slice %arg10[%dma_start3A_962, %dma_start3A_963] : memref<10000x128xf32, #tpu.memory_space<vmem_shared>> -> memref<16x128xf32, #tpu.memory_space<vmem_shared>>
      tpu.enqueue_dma source(%arg9 : memref<16x128xf32, #tpu.memory_space<vmem>>) target(%dma_start3A_964 : memref<16x128xf32, #tpu.memory_space<vmem_shared>>) target_semaphore(%arg23 : memref<!tpu.dma_semaphore, #tpu.memory_space<semaphore_mem>>)
      %dma_start3A_965 = arith.constant 9504 : i32
      %dma_start3A_966 = arith.constant 0 : i32
      %dma_start3A_967 = tpu.memref_slice %arg10[%dma_start3A_965, %dma_start3A_966] : memref<10000x128xf32, #tpu.memory_space<vmem_shared>> -> memref<16x128xf32, #tpu.memory_space<vmem_shared>>
      %dma_start3A_968 = arith.constant 9504 : i32
      %dma_start3A_969 = arith.constant 0 : i32
      %dma_start3A_970 = tpu.memref_slice %arg10[%dma_start3A_968, %dma_start3A_969] : memref<10000x128xf32, #tpu.memory_space<vmem_shared>> -> memref<16x128xf32, #tpu.memory_space<vmem_shared>>
      tpu.enqueue_dma source(%arg9 : memref<16x128xf32, #tpu.memory_space<vmem>>) target(%dma_start3A_970 : memref<16x128xf32, #tpu.memory_space<vmem_shared>>) target_semaphore(%arg23 : memref<!tpu.dma_semaphore, #tpu.memory_space<semaphore_mem>>)
      %dma_start3A_971 = arith.constant 9520 : i32
      %dma_start3A_972 = arith.constant 0 : i32
      %dma_start3A_973 = tpu.memref_slice %arg10[%dma_start3A_971, %dma_start3A_972] : memref<10000x128xf32, #tpu.memory_space<vmem_shared>> -> memref<16x128xf32, #tpu.memory_space<vmem_shared>>
      %dma_start3A_974 = arith.constant 9520 : i32
      %dma_start3A_975 = arith.constant 0 : i32
      %dma_start3A_976 = tpu.memref_slice %arg10[%dma_start3A_974, %dma_start3A_975] : memref<10000x128xf32, #tpu.memory_space<vmem_shared>> -> memref<16x128xf32, #tpu.memory_space<vmem_shared>>
      tpu.enqueue_dma source(%arg9 : memref<16x128xf32, #tpu.memory_space<vmem>>) target(%dma_start3A_976 : memref<16x128xf32, #tpu.memory_space<vmem_shared>>) target_semaphore(%arg23 : memref<!tpu.dma_semaphore, #tpu.memory_space<semaphore_mem>>)
      %dma_start3A_977 = arith.constant 9536 : i32
      %dma_start3A_978 = arith.constant 0 : i32
      %dma_start3A_979 = tpu.memref_slice %arg10[%dma_start3A_977, %dma_start3A_978] : memref<10000x128xf32, #tpu.memory_space<vmem_shared>> -> memref<16x128xf32, #tpu.memory_space<vmem_shared>>
      %dma_start3A_980 = arith.constant 9536 : i32
      %dma_start3A_981 = arith.constant 0 : i32
      %dma_start3A_982 = tpu.memref_slice %arg10[%dma_start3A_980, %dma_start3A_981] : memref<10000x128xf32, #tpu.memory_space<vmem_shared>> -> memref<16x128xf32, #tpu.memory_space<vmem_shared>>
      tpu.enqueue_dma source(%arg9 : memref<16x128xf32, #tpu.memory_space<vmem>>) target(%dma_start3A_982 : memref<16x128xf32, #tpu.memory_space<vmem_shared>>) target_semaphore(%arg23 : memref<!tpu.dma_semaphore, #tpu.memory_space<semaphore_mem>>)
      %dma_start3A_983 = arith.constant 9552 : i32
      %dma_start3A_984 = arith.constant 0 : i32
      %dma_start3A_985 = tpu.memref_slice %arg10[%dma_start3A_983, %dma_start3A_984] : memref<10000x128xf32, #tpu.memory_space<vmem_shared>> -> memref<16x128xf32, #tpu.memory_space<vmem_shared>>
      %dma_start3A_986 = arith.constant 9552 : i32
      %dma_start3A_987 = arith.constant 0 : i32
      %dma_start3A_988 = tpu.memref_slice %arg10[%dma_start3A_986, %dma_start3A_987] : memref<10000x128xf32, #tpu.memory_space<vmem_shared>> -> memref<16x128xf32, #tpu.memory_space<vmem_shared>>
      tpu.enqueue_dma source(%arg9 : memref<16x128xf32, #tpu.memory_space<vmem>>) target(%dma_start3A_988 : memref<16x128xf32, #tpu.memory_space<vmem_shared>>) target_semaphore(%arg23 : memref<!tpu.dma_semaphore, #tpu.memory_space<semaphore_mem>>)
      %dma_start3A_989 = arith.constant 9568 : i32
      %dma_start3A_990 = arith.constant 0 : i32
      %dma_start3A_991 = tpu.memref_slice %arg10[%dma_start3A_989, %dma_start3A_990] : memref<10000x128xf32, #tpu.memory_space<vmem_shared>> -> memref<16x128xf32, #tpu.memory_space<vmem_shared>>
      %dma_start3A_992 = arith.constant 9568 : i32
      %dma_start3A_993 = arith.constant 0 : i32
      %dma_start3A_994 = tpu.memref_slice %arg10[%dma_start3A_992, %dma_start3A_993] : memref<10000x128xf32, #tpu.memory_space<vmem_shared>> -> memref<16x128xf32, #tpu.memory_space<vmem_shared>>
      tpu.enqueue_dma source(%arg9 : memref<16x128xf32, #tpu.memory_space<vmem>>) target(%dma_start3A_994 : memref<16x128xf32, #tpu.memory_space<vmem_shared>>) target_semaphore(%arg23 : memref<!tpu.dma_semaphore, #tpu.memory_space<semaphore_mem>>)
      %dma_start3A_995 = arith.constant 9584 : i32
      %dma_start3A_996 = arith.constant 0 : i32
      %dma_start3A_997 = tpu.memref_slice %arg10[%dma_start3A_995, %dma_start3A_996] : memref<10000x128xf32, #tpu.memory_space<vmem_shared>> -> memref<16x128xf32, #tpu.memory_space<vmem_shared>>
      %dma_start3A_998 = arith.constant 9584 : i32
      %dma_start3A_999 = arith.constant 0 : i32
      %dma_start3A_1000 = tpu.memref_slice %arg10[%dma_start3A_998, %dma_start3A_999] : memref<10000x128xf32, #tpu.memory_space<vmem_shared>> -> memref<16x128xf32, #tpu.memory_space<vmem_shared>>
      tpu.enqueue_dma source(%arg9 : memref<16x128xf32, #tpu.memory_space<vmem>>) target(%dma_start3A_1000 : memref<16x128xf32, #tpu.memory_space<vmem_shared>>) target_semaphore(%arg23 : memref<!tpu.dma_semaphore, #tpu.memory_space<semaphore_mem>>)
      %dma_start3A_1001 = arith.constant 9600 : i32
      %dma_start3A_1002 = arith.constant 0 : i32
      %dma_start3A_1003 = tpu.memref_slice %arg10[%dma_start3A_1001, %dma_start3A_1002] : memref<10000x128xf32, #tpu.memory_space<vmem_shared>> -> memref<16x128xf32, #tpu.memory_space<vmem_shared>>
      %dma_start3A_1004 = arith.constant 9600 : i32
      %dma_start3A_1005 = arith.constant 0 : i32
      %dma_start3A_1006 = tpu.memref_slice %arg10[%dma_start3A_1004, %dma_start3A_1005] : memref<10000x128xf32, #tpu.memory_space<vmem_shared>> -> memref<16x128xf32, #tpu.memory_space<vmem_shared>>
      tpu.enqueue_dma source(%arg9 : memref<16x128xf32, #tpu.memory_space<vmem>>) target(%dma_start3A_1006 : memref<16x128xf32, #tpu.memory_space<vmem_shared>>) target_semaphore(%arg23 : memref<!tpu.dma_semaphore, #tpu.memory_space<semaphore_mem>>)
      %dma_start3A_1007 = arith.constant 9616 : i32
      %dma_start3A_1008 = arith.constant 0 : i32
      %dma_start3A_1009 = tpu.memref_slice %arg10[%dma_start3A_1007, %dma_start3A_1008] : memref<10000x128xf32, #tpu.memory_space<vmem_shared>> -> memref<16x128xf32, #tpu.memory_space<vmem_shared>>
      %dma_start3A_1010 = arith.constant 9616 : i32
      %dma_start3A_1011 = arith.constant 0 : i32
      %dma_start3A_1012 = tpu.memref_slice %arg10[%dma_start3A_1010, %dma_start3A_1011] : memref<10000x128xf32, #tpu.memory_space<vmem_shared>> -> memref<16x128xf32, #tpu.memory_space<vmem_shared>>
      tpu.enqueue_dma source(%arg9 : memref<16x128xf32, #tpu.memory_space<vmem>>) target(%dma_start3A_1012 : memref<16x128xf32, #tpu.memory_space<vmem_shared>>) target_semaphore(%arg23 : memref<!tpu.dma_semaphore, #tpu.memory_space<semaphore_mem>>)
      %dma_start3A_1013 = arith.constant 9632 : i32
      %dma_start3A_1014 = arith.constant 0 : i32
      %dma_start3A_1015 = tpu.memref_slice %arg10[%dma_start3A_1013, %dma_start3A_1014] : memref<10000x128xf32, #tpu.memory_space<vmem_shared>> -> memref<16x128xf32, #tpu.memory_space<vmem_shared>>
      %dma_start3A_1016 = arith.constant 9632 : i32
      %dma_start3A_1017 = arith.constant 0 : i32
      %dma_start3A_1018 = tpu.memref_slice %arg10[%dma_start3A_1016, %dma_start3A_1017] : memref<10000x128xf32, #tpu.memory_space<vmem_shared>> -> memref<16x128xf32, #tpu.memory_space<vmem_shared>>
      tpu.enqueue_dma source(%arg9 : memref<16x128xf32, #tpu.memory_space<vmem>>) target(%dma_start3A_1018 : memref<16x128xf32, #tpu.memory_space<vmem_shared>>) target_semaphore(%arg23 : memref<!tpu.dma_semaphore, #tpu.memory_space<semaphore_mem>>)
      %dma_start3A_1019 = arith.constant 9648 : i32
      %dma_start3A_1020 = arith.constant 0 : i32
      %dma_start3A_1021 = tpu.memref_slice %arg10[%dma_start3A_1019, %dma_start3A_1020] : memref<10000x128xf32, #tpu.memory_space<vmem_shared>> -> memref<16x128xf32, #tpu.memory_space<vmem_shared>>
      %dma_start3A_1022 = arith.constant 9648 : i32
      %dma_start3A_1023 = arith.constant 0 : i32
      %dma_start3A_1024 = tpu.memref_slice %arg10[%dma_start3A_1022, %dma_start3A_1023] : memref<10000x128xf32, #tpu.memory_space<vmem_shared>> -> memref<16x128xf32, #tpu.memory_space<vmem_shared>>
      tpu.enqueue_dma source(%arg9 : memref<16x128xf32, #tpu.memory_space<vmem>>) target(%dma_start3A_1024 : memref<16x128xf32, #tpu.memory_space<vmem_shared>>) target_semaphore(%arg23 : memref<!tpu.dma_semaphore, #tpu.memory_space<semaphore_mem>>)
      %dma_start3A_1025 = arith.constant 9664 : i32
      %dma_start3A_1026 = arith.constant 0 : i32
      %dma_start3A_1027 = tpu.memref_slice %arg10[%dma_start3A_1025, %dma_start3A_1026] : memref<10000x128xf32, #tpu.memory_space<vmem_shared>> -> memref<16x128xf32, #tpu.memory_space<vmem_shared>>
      %dma_start3A_1028 = arith.constant 9664 : i32
      %dma_start3A_1029 = arith.constant 0 : i32
      %dma_start3A_1030 = tpu.memref_slice %arg10[%dma_start3A_1028, %dma_start3A_1029] : memref<10000x128xf32, #tpu.memory_space<vmem_shared>> -> memref<16x128xf32, #tpu.memory_space<vmem_shared>>
      tpu.enqueue_dma source(%arg9 : memref<16x128xf32, #tpu.memory_space<vmem>>) target(%dma_start3A_1030 : memref<16x128xf32, #tpu.memory_space<vmem_shared>>) target_semaphore(%arg23 : memref<!tpu.dma_semaphore, #tpu.memory_space<semaphore_mem>>)
      %dma_start3A_1031 = arith.constant 9680 : i32
      %dma_start3A_1032 = arith.constant 0 : i32
      %dma_start3A_1033 = tpu.memref_slice %arg10[%dma_start3A_1031, %dma_start3A_1032] : memref<10000x128xf32, #tpu.memory_space<vmem_shared>> -> memref<16x128xf32, #tpu.memory_space<vmem_shared>>
      %dma_start3A_1034 = arith.constant 9680 : i32
      %dma_start3A_1035 = arith.constant 0 : i32
      %dma_start3A_1036 = tpu.memref_slice %arg10[%dma_start3A_1034, %dma_start3A_1035] : memref<10000x128xf32, #tpu.memory_space<vmem_shared>> -> memref<16x128xf32, #tpu.memory_space<vmem_shared>>
      tpu.enqueue_dma source(%arg9 : memref<16x128xf32, #tpu.memory_space<vmem>>) target(%dma_start3A_1036 : memref<16x128xf32, #tpu.memory_space<vmem_shared>>) target_semaphore(%arg23 : memref<!tpu.dma_semaphore, #tpu.memory_space<semaphore_mem>>)
      %dma_start3A_1037 = arith.constant 9696 : i32
      %dma_start3A_1038 = arith.constant 0 : i32
      %dma_start3A_1039 = tpu.memref_slice %arg10[%dma_start3A_1037, %dma_start3A_1038] : memref<10000x128xf32, #tpu.memory_space<vmem_shared>> -> memref<16x128xf32, #tpu.memory_space<vmem_shared>>
      %dma_start3A_1040 = arith.constant 9696 : i32
      %dma_start3A_1041 = arith.constant 0 : i32
      %dma_start3A_1042 = tpu.memref_slice %arg10[%dma_start3A_1040, %dma_start3A_1041] : memref<10000x128xf32, #tpu.memory_space<vmem_shared>> -> memref<16x128xf32, #tpu.memory_space<vmem_shared>>
      tpu.enqueue_dma source(%arg9 : memref<16x128xf32, #tpu.memory_space<vmem>>) target(%dma_start3A_1042 : memref<16x128xf32, #tpu.memory_space<vmem_shared>>) target_semaphore(%arg23 : memref<!tpu.dma_semaphore, #tpu.memory_space<semaphore_mem>>)
      %dma_start3A_1043 = arith.constant 9712 : i32
      %dma_start3A_1044 = arith.constant 0 : i32
      %dma_start3A_1045 = tpu.memref_slice %arg10[%dma_start3A_1043, %dma_start3A_1044] : memref<10000x128xf32, #tpu.memory_space<vmem_shared>> -> memref<16x128xf32, #tpu.memory_space<vmem_shared>>
      %dma_start3A_1046 = arith.constant 9712 : i32
      %dma_start3A_1047 = arith.constant 0 : i32
      %dma_start3A_1048 = tpu.memref_slice %arg10[%dma_start3A_1046, %dma_start3A_1047] : memref<10000x128xf32, #tpu.memory_space<vmem_shared>> -> memref<16x128xf32, #tpu.memory_space<vmem_shared>>
      tpu.enqueue_dma source(%arg9 : memref<16x128xf32, #tpu.memory_space<vmem>>) target(%dma_start3A_1048 : memref<16x128xf32, #tpu.memory_space<vmem_shared>>) target_semaphore(%arg23 : memref<!tpu.dma_semaphore, #tpu.memory_space<semaphore_mem>>)
      %dma_start3A_1049 = arith.constant 9728 : i32
      %dma_start3A_1050 = arith.constant 0 : i32
      %dma_start3A_1051 = tpu.memref_slice %arg10[%dma_start3A_1049, %dma_start3A_1050] : memref<10000x128xf32, #tpu.memory_space<vmem_shared>> -> memref<16x128xf32, #tpu.memory_space<vmem_shared>>
      %dma_start3A_1052 = arith.constant 9728 : i32
      %dma_start3A_1053 = arith.constant 0 : i32
      %dma_start3A_1054 = tpu.memref_slice %arg10[%dma_start3A_1052, %dma_start3A_1053] : memref<10000x128xf32, #tpu.memory_space<vmem_shared>> -> memref<16x128xf32, #tpu.memory_space<vmem_shared>>
      tpu.enqueue_dma source(%arg9 : memref<16x128xf32, #tpu.memory_space<vmem>>) target(%dma_start3A_1054 : memref<16x128xf32, #tpu.memory_space<vmem_shared>>) target_semaphore(%arg23 : memref<!tpu.dma_semaphore, #tpu.memory_space<semaphore_mem>>)
      %dma_start3A_1055 = arith.constant 9744 : i32
      %dma_start3A_1056 = arith.constant 0 : i32
      %dma_start3A_1057 = tpu.memref_slice %arg10[%dma_start3A_1055, %dma_start3A_1056] : memref<10000x128xf32, #tpu.memory_space<vmem_shared>> -> memref<16x128xf32, #tpu.memory_space<vmem_shared>>
      %dma_start3A_1058 = arith.constant 9744 : i32
      %dma_start3A_1059 = arith.constant 0 : i32
      %dma_start3A_1060 = tpu.memref_slice %arg10[%dma_start3A_1058, %dma_start3A_1059] : memref<10000x128xf32, #tpu.memory_space<vmem_shared>> -> memref<16x128xf32, #tpu.memory_space<vmem_shared>>
      tpu.enqueue_dma source(%arg9 : memref<16x128xf32, #tpu.memory_space<vmem>>) target(%dma_start3A_1060 : memref<16x128xf32, #tpu.memory_space<vmem_shared>>) target_semaphore(%arg23 : memref<!tpu.dma_semaphore, #tpu.memory_space<semaphore_mem>>)
      %dma_start3A_1061 = arith.constant 9760 : i32
      %dma_start3A_1062 = arith.constant 0 : i32
      %dma_start3A_1063 = tpu.memref_slice %arg10[%dma_start3A_1061, %dma_start3A_1062] : memref<10000x128xf32, #tpu.memory_space<vmem_shared>> -> memref<16x128xf32, #tpu.memory_space<vmem_shared>>
      %dma_start3A_1064 = arith.constant 9760 : i32
      %dma_start3A_1065 = arith.constant 0 : i32
      %dma_start3A_1066 = tpu.memref_slice %arg10[%dma_start3A_1064, %dma_start3A_1065] : memref<10000x128xf32, #tpu.memory_space<vmem_shared>> -> memref<16x128xf32, #tpu.memory_space<vmem_shared>>
      tpu.enqueue_dma source(%arg9 : memref<16x128xf32, #tpu.memory_space<vmem>>) target(%dma_start3A_1066 : memref<16x128xf32, #tpu.memory_space<vmem_shared>>) target_semaphore(%arg23 : memref<!tpu.dma_semaphore, #tpu.memory_space<semaphore_mem>>)
      %dma_start3A_1067 = arith.constant 9776 : i32
      %dma_start3A_1068 = arith.constant 0 : i32
      %dma_start3A_1069 = tpu.memref_slice %arg10[%dma_start3A_1067, %dma_start3A_1068] : memref<10000x128xf32, #tpu.memory_space<vmem_shared>> -> memref<16x128xf32, #tpu.memory_space<vmem_shared>>
      %dma_start3A_1070 = arith.constant 9776 : i32
      %dma_start3A_1071 = arith.constant 0 : i32
      %dma_start3A_1072 = tpu.memref_slice %arg10[%dma_start3A_1070, %dma_start3A_1071] : memref<10000x128xf32, #tpu.memory_space<vmem_shared>> -> memref<16x128xf32, #tpu.memory_space<vmem_shared>>
      tpu.enqueue_dma source(%arg9 : memref<16x128xf32, #tpu.memory_space<vmem>>) target(%dma_start3A_1072 : memref<16x128xf32, #tpu.memory_space<vmem_shared>>) target_semaphore(%arg23 : memref<!tpu.dma_semaphore, #tpu.memory_space<semaphore_mem>>)
      %dma_start3A_1073 = arith.constant 9792 : i32
      %dma_start3A_1074 = arith.constant 0 : i32
      %dma_start3A_1075 = tpu.memref_slice %arg10[%dma_start3A_1073, %dma_start3A_1074] : memref<10000x128xf32, #tpu.memory_space<vmem_shared>> -> memref<16x128xf32, #tpu.memory_space<vmem_shared>>
      %dma_start3A_1076 = arith.constant 9792 : i32
      %dma_start3A_1077 = arith.constant 0 : i32
      %dma_start3A_1078 = tpu.memref_slice %arg10[%dma_start3A_1076, %dma_start3A_1077] : memref<10000x128xf32, #tpu.memory_space<vmem_shared>> -> memref<16x128xf32, #tpu.memory_space<vmem_shared>>
      tpu.enqueue_dma source(%arg9 : memref<16x128xf32, #tpu.memory_space<vmem>>) target(%dma_start3A_1078 : memref<16x128xf32, #tpu.memory_space<vmem_shared>>) target_semaphore(%arg23 : memref<!tpu.dma_semaphore, #tpu.memory_space<semaphore_mem>>)
      %dma_start3A_1079 = arith.constant 9808 : i32
      %dma_start3A_1080 = arith.constant 0 : i32
      %dma_start3A_1081 = tpu.memref_slice %arg10[%dma_start3A_1079, %dma_start3A_1080] : memref<10000x128xf32, #tpu.memory_space<vmem_shared>> -> memref<16x128xf32, #tpu.memory_space<vmem_shared>>
      %dma_start3A_1082 = arith.constant 9808 : i32
      %dma_start3A_1083 = arith.constant 0 : i32
      %dma_start3A_1084 = tpu.memref_slice %arg10[%dma_start3A_1082, %dma_start3A_1083] : memref<10000x128xf32, #tpu.memory_space<vmem_shared>> -> memref<16x128xf32, #tpu.memory_space<vmem_shared>>
      tpu.enqueue_dma source(%arg9 : memref<16x128xf32, #tpu.memory_space<vmem>>) target(%dma_start3A_1084 : memref<16x128xf32, #tpu.memory_space<vmem_shared>>) target_semaphore(%arg23 : memref<!tpu.dma_semaphore, #tpu.memory_space<semaphore_mem>>)
      %dma_start3A_1085 = arith.constant 9824 : i32
      %dma_start3A_1086 = arith.constant 0 : i32
      %dma_start3A_1087 = tpu.memref_slice %arg10[%dma_start3A_1085, %dma_start3A_1086] : memref<10000x128xf32, #tpu.memory_space<vmem_shared>> -> memref<16x128xf32, #tpu.memory_space<vmem_shared>>
      %dma_start3A_1088 = arith.constant 9824 : i32
      %dma_start3A_1089 = arith.constant 0 : i32
      %dma_start3A_1090 = tpu.memref_slice %arg10[%dma_start3A_1088, %dma_start3A_1089] : memref<10000x128xf32, #tpu.memory_space<vmem_shared>> -> memref<16x128xf32, #tpu.memory_space<vmem_shared>>
      tpu.enqueue_dma source(%arg9 : memref<16x128xf32, #tpu.memory_space<vmem>>) target(%dma_start3A_1090 : memref<16x128xf32, #tpu.memory_space<vmem_shared>>) target_semaphore(%arg23 : memref<!tpu.dma_semaphore, #tpu.memory_space<semaphore_mem>>)
      %dma_start3A_1091 = arith.constant 9840 : i32
      %dma_start3A_1092 = arith.constant 0 : i32
      %dma_start3A_1093 = tpu.memref_slice %arg10[%dma_start3A_1091, %dma_start3A_1092] : memref<10000x128xf32, #tpu.memory_space<vmem_shared>> -> memref<16x128xf32, #tpu.memory_space<vmem_shared>>
      %dma_start3A_1094 = arith.constant 9840 : i32
      %dma_start3A_1095 = arith.constant 0 : i32
      %dma_start3A_1096 = tpu.memref_slice %arg10[%dma_start3A_1094, %dma_start3A_1095] : memref<10000x128xf32, #tpu.memory_space<vmem_shared>> -> memref<16x128xf32, #tpu.memory_space<vmem_shared>>
      tpu.enqueue_dma source(%arg9 : memref<16x128xf32, #tpu.memory_space<vmem>>) target(%dma_start3A_1096 : memref<16x128xf32, #tpu.memory_space<vmem_shared>>) target_semaphore(%arg23 : memref<!tpu.dma_semaphore, #tpu.memory_space<semaphore_mem>>)
      %dma_start3A_1097 = arith.constant 9856 : i32
      %dma_start3A_1098 = arith.constant 0 : i32
      %dma_start3A_1099 = tpu.memref_slice %arg10[%dma_start3A_1097, %dma_start3A_1098] : memref<10000x128xf32, #tpu.memory_space<vmem_shared>> -> memref<16x128xf32, #tpu.memory_space<vmem_shared>>
      %dma_start3A_1100 = arith.constant 9856 : i32
      %dma_start3A_1101 = arith.constant 0 : i32
      %dma_start3A_1102 = tpu.memref_slice %arg10[%dma_start3A_1100, %dma_start3A_1101] : memref<10000x128xf32, #tpu.memory_space<vmem_shared>> -> memref<16x128xf32, #tpu.memory_space<vmem_shared>>
      tpu.enqueue_dma source(%arg9 : memref<16x128xf32, #tpu.memory_space<vmem>>) target(%dma_start3A_1102 : memref<16x128xf32, #tpu.memory_space<vmem_shared>>) target_semaphore(%arg23 : memref<!tpu.dma_semaphore, #tpu.memory_space<semaphore_mem>>)
      %dma_start3A_1103 = arith.constant 9872 : i32
      %dma_start3A_1104 = arith.constant 0 : i32
      %dma_start3A_1105 = tpu.memref_slice %arg10[%dma_start3A_1103, %dma_start3A_1104] : memref<10000x128xf32, #tpu.memory_space<vmem_shared>> -> memref<16x128xf32, #tpu.memory_space<vmem_shared>>
      %dma_start3A_1106 = arith.constant 9872 : i32
      %dma_start3A_1107 = arith.constant 0 : i32
      %dma_start3A_1108 = tpu.memref_slice %arg10[%dma_start3A_1106, %dma_start3A_1107] : memref<10000x128xf32, #tpu.memory_space<vmem_shared>> -> memref<16x128xf32, #tpu.memory_space<vmem_shared>>
      tpu.enqueue_dma source(%arg9 : memref<16x128xf32, #tpu.memory_space<vmem>>) target(%dma_start3A_1108 : memref<16x128xf32, #tpu.memory_space<vmem_shared>>) target_semaphore(%arg23 : memref<!tpu.dma_semaphore, #tpu.memory_space<semaphore_mem>>)
      %dma_start3A_1109 = arith.constant 9888 : i32
      %dma_start3A_1110 = arith.constant 0 : i32
      %dma_start3A_1111 = tpu.memref_slice %arg10[%dma_start3A_1109, %dma_start3A_1110] : memref<10000x128xf32, #tpu.memory_space<vmem_shared>> -> memref<16x128xf32, #tpu.memory_space<vmem_shared>>
      %dma_start3A_1112 = arith.constant 9888 : i32
      %dma_start3A_1113 = arith.constant 0 : i32
      %dma_start3A_1114 = tpu.memref_slice %arg10[%dma_start3A_1112, %dma_start3A_1113] : memref<10000x128xf32, #tpu.memory_space<vmem_shared>> -> memref<16x128xf32, #tpu.memory_space<vmem_shared>>
      tpu.enqueue_dma source(%arg9 : memref<16x128xf32, #tpu.memory_space<vmem>>) target(%dma_start3A_1114 : memref<16x128xf32, #tpu.memory_space<vmem_shared>>) target_semaphore(%arg23 : memref<!tpu.dma_semaphore, #tpu.memory_space<semaphore_mem>>)
      %dma_start3A_1115 = arith.constant 9904 : i32
      %dma_start3A_1116 = arith.constant 0 : i32
      %dma_start3A_1117 = tpu.memref_slice %arg10[%dma_start3A_1115, %dma_start3A_1116] : memref<10000x128xf32, #tpu.memory_space<vmem_shared>> -> memref<16x128xf32, #tpu.memory_space<vmem_shared>>
      %dma_start3A_1118 = arith.constant 9904 : i32
      %dma_start3A_1119 = arith.constant 0 : i32
      %dma_start3A_1120 = tpu.memref_slice %arg10[%dma_start3A_1118, %dma_start3A_1119] : memref<10000x128xf32, #tpu.memory_space<vmem_shared>> -> memref<16x128xf32, #tpu.memory_space<vmem_shared>>
      tpu.enqueue_dma source(%arg9 : memref<16x128xf32, #tpu.memory_space<vmem>>) target(%dma_start3A_1120 : memref<16x128xf32, #tpu.memory_space<vmem_shared>>) target_semaphore(%arg23 : memref<!tpu.dma_semaphore, #tpu.memory_space<semaphore_mem>>)
      %dma_start3A_1121 = arith.constant 9920 : i32
      %dma_start3A_1122 = arith.constant 0 : i32
      %dma_start3A_1123 = tpu.memref_slice %arg10[%dma_start3A_1121, %dma_start3A_1122] : memref<10000x128xf32, #tpu.memory_space<vmem_shared>> -> memref<16x128xf32, #tpu.memory_space<vmem_shared>>
      %dma_start3A_1124 = arith.constant 9920 : i32
      %dma_start3A_1125 = arith.constant 0 : i32
      %dma_start3A_1126 = tpu.memref_slice %arg10[%dma_start3A_1124, %dma_start3A_1125] : memref<10000x128xf32, #tpu.memory_space<vmem_shared>> -> memref<16x128xf32, #tpu.memory_space<vmem_shared>>
      tpu.enqueue_dma source(%arg9 : memref<16x128xf32, #tpu.memory_space<vmem>>) target(%dma_start3A_1126 : memref<16x128xf32, #tpu.memory_space<vmem_shared>>) target_semaphore(%arg23 : memref<!tpu.dma_semaphore, #tpu.memory_space<semaphore_mem>>)
      %dma_start3A_1127 = arith.constant 9936 : i32
      %dma_start3A_1128 = arith.constant 0 : i32
      %dma_start3A_1129 = tpu.memref_slice %arg10[%dma_start3A_1127, %dma_start3A_1128] : memref<10000x128xf32, #tpu.memory_space<vmem_shared>> -> memref<16x128xf32, #tpu.memory_space<vmem_shared>>
      %dma_start3A_1130 = arith.constant 9936 : i32
      %dma_start3A_1131 = arith.constant 0 : i32
      %dma_start3A_1132 = tpu.memref_slice %arg10[%dma_start3A_1130, %dma_start3A_1131] : memref<10000x128xf32, #tpu.memory_space<vmem_shared>> -> memref<16x128xf32, #tpu.memory_space<vmem_shared>>
      tpu.enqueue_dma source(%arg9 : memref<16x128xf32, #tpu.memory_space<vmem>>) target(%dma_start3A_1132 : memref<16x128xf32, #tpu.memory_space<vmem_shared>>) target_semaphore(%arg23 : memref<!tpu.dma_semaphore, #tpu.memory_space<semaphore_mem>>)
      %dma_start3A_1133 = arith.constant 9952 : i32
      %dma_start3A_1134 = arith.constant 0 : i32
      %dma_start3A_1135 = tpu.memref_slice %arg10[%dma_start3A_1133, %dma_start3A_1134] : memref<10000x128xf32, #tpu.memory_space<vmem_shared>> -> memref<16x128xf32, #tpu.memory_space<vmem_shared>>
      %dma_start3A_1136 = arith.constant 9952 : i32
      %dma_start3A_1137 = arith.constant 0 : i32
      %dma_start3A_1138 = tpu.memref_slice %arg10[%dma_start3A_1136, %dma_start3A_1137] : memref<10000x128xf32, #tpu.memory_space<vmem_shared>> -> memref<16x128xf32, #tpu.memory_space<vmem_shared>>
      tpu.enqueue_dma source(%arg9 : memref<16x128xf32, #tpu.memory_space<vmem>>) target(%dma_start3A_1138 : memref<16x128xf32, #tpu.memory_space<vmem_shared>>) target_semaphore(%arg23 : memref<!tpu.dma_semaphore, #tpu.memory_space<semaphore_mem>>)
      %dma_start3A_1139 = arith.constant 9968 : i32
      %dma_start3A_1140 = arith.constant 0 : i32
      %dma_start3A_1141 = tpu.memref_slice %arg10[%dma_start3A_1139, %dma_start3A_1140] : memref<10000x128xf32, #tpu.memory_space<vmem_shared>> -> memref<16x128xf32, #tpu.memory_space<vmem_shared>>
      %dma_start3A_1142 = arith.constant 9968 : i32
      %dma_start3A_1143 = arith.constant 0 : i32
      %dma_start3A_1144 = tpu.memref_slice %arg10[%dma_start3A_1142, %dma_start3A_1143] : memref<10000x128xf32, #tpu.memory_space<vmem_shared>> -> memref<16x128xf32, #tpu.memory_space<vmem_shared>>
      tpu.enqueue_dma source(%arg9 : memref<16x128xf32, #tpu.memory_space<vmem>>) target(%dma_start3A_1144 : memref<16x128xf32, #tpu.memory_space<vmem_shared>>) target_semaphore(%arg23 : memref<!tpu.dma_semaphore, #tpu.memory_space<semaphore_mem>>)
      %dma_start3A_1145 = arith.constant 9984 : i32
      %dma_start3A_1146 = arith.constant 0 : i32
      %dma_start3A_1147 = tpu.memref_slice %arg10[%dma_start3A_1145, %dma_start3A_1146] : memref<10000x128xf32, #tpu.memory_space<vmem_shared>> -> memref<16x128xf32, #tpu.memory_space<vmem_shared>>
      %dma_start3A_1148 = arith.constant 9984 : i32
      %dma_start3A_1149 = arith.constant 0 : i32
      %dma_start3A_1150 = tpu.memref_slice %arg10[%dma_start3A_1148, %dma_start3A_1149] : memref<10000x128xf32, #tpu.memory_space<vmem_shared>> -> memref<16x128xf32, #tpu.memory_space<vmem_shared>>
      tpu.enqueue_dma source(%arg9 : memref<16x128xf32, #tpu.memory_space<vmem>>) target(%dma_start3A_1150 : memref<16x128xf32, #tpu.memory_space<vmem_shared>>) target_semaphore(%arg23 : memref<!tpu.dma_semaphore, #tpu.memory_space<semaphore_mem>>)
      %dma_wait3A_1151 = arith.constant 9360 : i32
      %dma_wait3A_1152 = arith.constant 0 : i32
      %dma_wait3A_1153 = tpu.memref_slice %arg10[%dma_wait3A_1151, %dma_wait3A_1152] : memref<10000x128xf32, #tpu.memory_space<vmem_shared>> -> memref<16x128xf32, #tpu.memory_space<vmem_shared>>
      %dma_wait3A_1154 = arith.constant 9360 : i32
      %dma_wait3A_1155 = arith.constant 0 : i32
      %dma_wait3A_1156 = tpu.memref_slice %arg10[%dma_wait3A_1154, %dma_wait3A_1155] : memref<10000x128xf32, #tpu.memory_space<vmem_shared>> -> memref<16x128xf32, #tpu.memory_space<vmem_shared>>
      tpu.wait_dma2 semaphore(%arg23 : memref<!tpu.dma_semaphore, #tpu.memory_space<semaphore_mem>>) src(%arg9 : memref<16x128xf32, #tpu.memory_space<vmem>>) dst(%dma_wait3A_1156 : memref<16x128xf32, #tpu.memory_space<vmem_shared>>)
      %dma_wait3A_1157 = arith.constant 9376 : i32
      %dma_wait3A_1158 = arith.constant 0 : i32
      %dma_wait3A_1159 = tpu.memref_slice %arg10[%dma_wait3A_1157, %dma_wait3A_1158] : memref<10000x128xf32, #tpu.memory_space<vmem_shared>> -> memref<16x128xf32, #tpu.memory_space<vmem_shared>>
      %dma_wait3A_1160 = arith.constant 9376 : i32
      %dma_wait3A_1161 = arith.constant 0 : i32
      %dma_wait3A_1162 = tpu.memref_slice %arg10[%dma_wait3A_1160, %dma_wait3A_1161] : memref<10000x128xf32, #tpu.memory_space<vmem_shared>> -> memref<16x128xf32, #tpu.memory_space<vmem_shared>>
      tpu.wait_dma2 semaphore(%arg23 : memref<!tpu.dma_semaphore, #tpu.memory_space<semaphore_mem>>) src(%arg9 : memref<16x128xf32, #tpu.memory_space<vmem>>) dst(%dma_wait3A_1162 : memref<16x128xf32, #tpu.memory_space<vmem_shared>>)
      %dma_wait3A_1163 = arith.constant 9392 : i32
      %dma_wait3A_1164 = arith.constant 0 : i32
      %dma_wait3A_1165 = tpu.memref_slice %arg10[%dma_wait3A_1163, %dma_wait3A_1164] : memref<10000x128xf32, #tpu.memory_space<vmem_shared>> -> memref<16x128xf32, #tpu.memory_space<vmem_shared>>
      %dma_wait3A_1166 = arith.constant 9392 : i32
      %dma_wait3A_1167 = arith.constant 0 : i32
      %dma_wait3A_1168 = tpu.memref_slice %arg10[%dma_wait3A_1166, %dma_wait3A_1167] : memref<10000x128xf32, #tpu.memory_space<vmem_shared>> -> memref<16x128xf32, #tpu.memory_space<vmem_shared>>
      tpu.wait_dma2 semaphore(%arg23 : memref<!tpu.dma_semaphore, #tpu.memory_space<semaphore_mem>>) src(%arg9 : memref<16x128xf32, #tpu.memory_space<vmem>>) dst(%dma_wait3A_1168 : memref<16x128xf32, #tpu.memory_space<vmem_shared>>)
      %dma_wait3A_1169 = arith.constant 9408 : i32
      %dma_wait3A_1170 = arith.constant 0 : i32
      %dma_wait3A_1171 = tpu.memref_slice %arg10[%dma_wait3A_1169, %dma_wait3A_1170] : memref<10000x128xf32, #tpu.memory_space<vmem_shared>> -> memref<16x128xf32, #tpu.memory_space<vmem_shared>>
      %dma_wait3A_1172 = arith.constant 9408 : i32
      %dma_wait3A_1173 = arith.constant 0 : i32
      %dma_wait3A_1174 = tpu.memref_slice %arg10[%dma_wait3A_1172, %dma_wait3A_1173] : memref<10000x128xf32, #tpu.memory_space<vmem_shared>> -> memref<16x128xf32, #tpu.memory_space<vmem_shared>>
      tpu.wait_dma2 semaphore(%arg23 : memref<!tpu.dma_semaphore, #tpu.memory_space<semaphore_mem>>) src(%arg9 : memref<16x128xf32, #tpu.memory_space<vmem>>) dst(%dma_wait3A_1174 : memref<16x128xf32, #tpu.memory_space<vmem_shared>>)
      %dma_wait3A_1175 = arith.constant 9424 : i32
      %dma_wait3A_1176 = arith.constant 0 : i32
      %dma_wait3A_1177 = tpu.memref_slice %arg10[%dma_wait3A_1175, %dma_wait3A_1176] : memref<10000x128xf32, #tpu.memory_space<vmem_shared>> -> memref<16x128xf32, #tpu.memory_space<vmem_shared>>
      %dma_wait3A_1178 = arith.constant 9424 : i32
      %dma_wait3A_1179 = arith.constant 0 : i32
      %dma_wait3A_1180 = tpu.memref_slice %arg10[%dma_wait3A_1178, %dma_wait3A_1179] : memref<10000x128xf32, #tpu.memory_space<vmem_shared>> -> memref<16x128xf32, #tpu.memory_space<vmem_shared>>
      tpu.wait_dma2 semaphore(%arg23 : memref<!tpu.dma_semaphore, #tpu.memory_space<semaphore_mem>>) src(%arg9 : memref<16x128xf32, #tpu.memory_space<vmem>>) dst(%dma_wait3A_1180 : memref<16x128xf32, #tpu.memory_space<vmem_shared>>)
      %dma_wait3A_1181 = arith.constant 9440 : i32
      %dma_wait3A_1182 = arith.constant 0 : i32
      %dma_wait3A_1183 = tpu.memref_slice %arg10[%dma_wait3A_1181, %dma_wait3A_1182] : memref<10000x128xf32, #tpu.memory_space<vmem_shared>> -> memref<16x128xf32, #tpu.memory_space<vmem_shared>>
      %dma_wait3A_1184 = arith.constant 9440 : i32
      %dma_wait3A_1185 = arith.constant 0 : i32
      %dma_wait3A_1186 = tpu.memref_slice %arg10[%dma_wait3A_1184, %dma_wait3A_1185] : memref<10000x128xf32, #tpu.memory_space<vmem_shared>> -> memref<16x128xf32, #tpu.memory_space<vmem_shared>>
      tpu.wait_dma2 semaphore(%arg23 : memref<!tpu.dma_semaphore, #tpu.memory_space<semaphore_mem>>) src(%arg9 : memref<16x128xf32, #tpu.memory_space<vmem>>) dst(%dma_wait3A_1186 : memref<16x128xf32, #tpu.memory_space<vmem_shared>>)
      %dma_wait3A_1187 = arith.constant 9456 : i32
      %dma_wait3A_1188 = arith.constant 0 : i32
      %dma_wait3A_1189 = tpu.memref_slice %arg10[%dma_wait3A_1187, %dma_wait3A_1188] : memref<10000x128xf32, #tpu.memory_space<vmem_shared>> -> memref<16x128xf32, #tpu.memory_space<vmem_shared>>
      %dma_wait3A_1190 = arith.constant 9456 : i32
      %dma_wait3A_1191 = arith.constant 0 : i32
      %dma_wait3A_1192 = tpu.memref_slice %arg10[%dma_wait3A_1190, %dma_wait3A_1191] : memref<10000x128xf32, #tpu.memory_space<vmem_shared>> -> memref<16x128xf32, #tpu.memory_space<vmem_shared>>
      tpu.wait_dma2 semaphore(%arg23 : memref<!tpu.dma_semaphore, #tpu.memory_space<semaphore_mem>>) src(%arg9 : memref<16x128xf32, #tpu.memory_space<vmem>>) dst(%dma_wait3A_1192 : memref<16x128xf32, #tpu.memory_space<vmem_shared>>)
      %dma_wait3A_1193 = arith.constant 9472 : i32
      %dma_wait3A_1194 = arith.constant 0 : i32
      %dma_wait3A_1195 = tpu.memref_slice %arg10[%dma_wait3A_1193, %dma_wait3A_1194] : memref<10000x128xf32, #tpu.memory_space<vmem_shared>> -> memref<16x128xf32, #tpu.memory_space<vmem_shared>>
      %dma_wait3A_1196 = arith.constant 9472 : i32
      %dma_wait3A_1197 = arith.constant 0 : i32
      %dma_wait3A_1198 = tpu.memref_slice %arg10[%dma_wait3A_1196, %dma_wait3A_1197] : memref<10000x128xf32, #tpu.memory_space<vmem_shared>> -> memref<16x128xf32, #tpu.memory_space<vmem_shared>>
      tpu.wait_dma2 semaphore(%arg23 : memref<!tpu.dma_semaphore, #tpu.memory_space<semaphore_mem>>) src(%arg9 : memref<16x128xf32, #tpu.memory_space<vmem>>) dst(%dma_wait3A_1198 : memref<16x128xf32, #tpu.memory_space<vmem_shared>>)
      %dma_wait3A_1199 = arith.constant 9488 : i32
      %dma_wait3A_1200 = arith.constant 0 : i32
      %dma_wait3A_1201 = tpu.memref_slice %arg10[%dma_wait3A_1199, %dma_wait3A_1200] : memref<10000x128xf32, #tpu.memory_space<vmem_shared>> -> memref<16x128xf32, #tpu.memory_space<vmem_shared>>
      %dma_wait3A_1202 = arith.constant 9488 : i32
      %dma_wait3A_1203 = arith.constant 0 : i32
      %dma_wait3A_1204 = tpu.memref_slice %arg10[%dma_wait3A_1202, %dma_wait3A_1203] : memref<10000x128xf32, #tpu.memory_space<vmem_shared>> -> memref<16x128xf32, #tpu.memory_space<vmem_shared>>
      tpu.wait_dma2 semaphore(%arg23 : memref<!tpu.dma_semaphore, #tpu.memory_space<semaphore_mem>>) src(%arg9 : memref<16x128xf32, #tpu.memory_space<vmem>>) dst(%dma_wait3A_1204 : memref<16x128xf32, #tpu.memory_space<vmem_shared>>)
      %dma_wait3A_1205 = arith.constant 9504 : i32
      %dma_wait3A_1206 = arith.constant 0 : i32
      %dma_wait3A_1207 = tpu.memref_slice %arg10[%dma_wait3A_1205, %dma_wait3A_1206] : memref<10000x128xf32, #tpu.memory_space<vmem_shared>> -> memref<16x128xf32, #tpu.memory_space<vmem_shared>>
      %dma_wait3A_1208 = arith.constant 9504 : i32
      %dma_wait3A_1209 = arith.constant 0 : i32
      %dma_wait3A_1210 = tpu.memref_slice %arg10[%dma_wait3A_1208, %dma_wait3A_1209] : memref<10000x128xf32, #tpu.memory_space<vmem_shared>> -> memref<16x128xf32, #tpu.memory_space<vmem_shared>>
      tpu.wait_dma2 semaphore(%arg23 : memref<!tpu.dma_semaphore, #tpu.memory_space<semaphore_mem>>) src(%arg9 : memref<16x128xf32, #tpu.memory_space<vmem>>) dst(%dma_wait3A_1210 : memref<16x128xf32, #tpu.memory_space<vmem_shared>>)
      %dma_wait3A_1211 = arith.constant 9520 : i32
      %dma_wait3A_1212 = arith.constant 0 : i32
      %dma_wait3A_1213 = tpu.memref_slice %arg10[%dma_wait3A_1211, %dma_wait3A_1212] : memref<10000x128xf32, #tpu.memory_space<vmem_shared>> -> memref<16x128xf32, #tpu.memory_space<vmem_shared>>
      %dma_wait3A_1214 = arith.constant 9520 : i32
      %dma_wait3A_1215 = arith.constant 0 : i32
      %dma_wait3A_1216 = tpu.memref_slice %arg10[%dma_wait3A_1214, %dma_wait3A_1215] : memref<10000x128xf32, #tpu.memory_space<vmem_shared>> -> memref<16x128xf32, #tpu.memory_space<vmem_shared>>
      tpu.wait_dma2 semaphore(%arg23 : memref<!tpu.dma_semaphore, #tpu.memory_space<semaphore_mem>>) src(%arg9 : memref<16x128xf32, #tpu.memory_space<vmem>>) dst(%dma_wait3A_1216 : memref<16x128xf32, #tpu.memory_space<vmem_shared>>)
      %dma_wait3A_1217 = arith.constant 9536 : i32
      %dma_wait3A_1218 = arith.constant 0 : i32
      %dma_wait3A_1219 = tpu.memref_slice %arg10[%dma_wait3A_1217, %dma_wait3A_1218] : memref<10000x128xf32, #tpu.memory_space<vmem_shared>> -> memref<16x128xf32, #tpu.memory_space<vmem_shared>>
      %dma_wait3A_1220 = arith.constant 9536 : i32
      %dma_wait3A_1221 = arith.constant 0 : i32
      %dma_wait3A_1222 = tpu.memref_slice %arg10[%dma_wait3A_1220, %dma_wait3A_1221] : memref<10000x128xf32, #tpu.memory_space<vmem_shared>> -> memref<16x128xf32, #tpu.memory_space<vmem_shared>>
      tpu.wait_dma2 semaphore(%arg23 : memref<!tpu.dma_semaphore, #tpu.memory_space<semaphore_mem>>) src(%arg9 : memref<16x128xf32, #tpu.memory_space<vmem>>) dst(%dma_wait3A_1222 : memref<16x128xf32, #tpu.memory_space<vmem_shared>>)
      %dma_wait3A_1223 = arith.constant 9552 : i32
      %dma_wait3A_1224 = arith.constant 0 : i32
      %dma_wait3A_1225 = tpu.memref_slice %arg10[%dma_wait3A_1223, %dma_wait3A_1224] : memref<10000x128xf32, #tpu.memory_space<vmem_shared>> -> memref<16x128xf32, #tpu.memory_space<vmem_shared>>
      %dma_wait3A_1226 = arith.constant 9552 : i32
      %dma_wait3A_1227 = arith.constant 0 : i32
      %dma_wait3A_1228 = tpu.memref_slice %arg10[%dma_wait3A_1226, %dma_wait3A_1227] : memref<10000x128xf32, #tpu.memory_space<vmem_shared>> -> memref<16x128xf32, #tpu.memory_space<vmem_shared>>
      tpu.wait_dma2 semaphore(%arg23 : memref<!tpu.dma_semaphore, #tpu.memory_space<semaphore_mem>>) src(%arg9 : memref<16x128xf32, #tpu.memory_space<vmem>>) dst(%dma_wait3A_1228 : memref<16x128xf32, #tpu.memory_space<vmem_shared>>)
      %dma_wait3A_1229 = arith.constant 9568 : i32
      %dma_wait3A_1230 = arith.constant 0 : i32
      %dma_wait3A_1231 = tpu.memref_slice %arg10[%dma_wait3A_1229, %dma_wait3A_1230] : memref<10000x128xf32, #tpu.memory_space<vmem_shared>> -> memref<16x128xf32, #tpu.memory_space<vmem_shared>>
      %dma_wait3A_1232 = arith.constant 9568 : i32
      %dma_wait3A_1233 = arith.constant 0 : i32
      %dma_wait3A_1234 = tpu.memref_slice %arg10[%dma_wait3A_1232, %dma_wait3A_1233] : memref<10000x128xf32, #tpu.memory_space<vmem_shared>> -> memref<16x128xf32, #tpu.memory_space<vmem_shared>>
      tpu.wait_dma2 semaphore(%arg23 : memref<!tpu.dma_semaphore, #tpu.memory_space<semaphore_mem>>) src(%arg9 : memref<16x128xf32, #tpu.memory_space<vmem>>) dst(%dma_wait3A_1234 : memref<16x128xf32, #tpu.memory_space<vmem_shared>>)
      %dma_wait3A_1235 = arith.constant 9584 : i32
      %dma_wait3A_1236 = arith.constant 0 : i32
      %dma_wait3A_1237 = tpu.memref_slice %arg10[%dma_wait3A_1235, %dma_wait3A_1236] : memref<10000x128xf32, #tpu.memory_space<vmem_shared>> -> memref<16x128xf32, #tpu.memory_space<vmem_shared>>
      %dma_wait3A_1238 = arith.constant 9584 : i32
      %dma_wait3A_1239 = arith.constant 0 : i32
      %dma_wait3A_1240 = tpu.memref_slice %arg10[%dma_wait3A_1238, %dma_wait3A_1239] : memref<10000x128xf32, #tpu.memory_space<vmem_shared>> -> memref<16x128xf32, #tpu.memory_space<vmem_shared>>
      tpu.wait_dma2 semaphore(%arg23 : memref<!tpu.dma_semaphore, #tpu.memory_space<semaphore_mem>>) src(%arg9 : memref<16x128xf32, #tpu.memory_space<vmem>>) dst(%dma_wait3A_1240 : memref<16x128xf32, #tpu.memory_space<vmem_shared>>)
      %dma_wait3A_1241 = arith.constant 9600 : i32
      %dma_wait3A_1242 = arith.constant 0 : i32
      %dma_wait3A_1243 = tpu.memref_slice %arg10[%dma_wait3A_1241, %dma_wait3A_1242] : memref<10000x128xf32, #tpu.memory_space<vmem_shared>> -> memref<16x128xf32, #tpu.memory_space<vmem_shared>>
      %dma_wait3A_1244 = arith.constant 9600 : i32
      %dma_wait3A_1245 = arith.constant 0 : i32
      %dma_wait3A_1246 = tpu.memref_slice %arg10[%dma_wait3A_1244, %dma_wait3A_1245] : memref<10000x128xf32, #tpu.memory_space<vmem_shared>> -> memref<16x128xf32, #tpu.memory_space<vmem_shared>>
      tpu.wait_dma2 semaphore(%arg23 : memref<!tpu.dma_semaphore, #tpu.memory_space<semaphore_mem>>) src(%arg9 : memref<16x128xf32, #tpu.memory_space<vmem>>) dst(%dma_wait3A_1246 : memref<16x128xf32, #tpu.memory_space<vmem_shared>>)
      %dma_wait3A_1247 = arith.constant 9616 : i32
      %dma_wait3A_1248 = arith.constant 0 : i32
      %dma_wait3A_1249 = tpu.memref_slice %arg10[%dma_wait3A_1247, %dma_wait3A_1248] : memref<10000x128xf32, #tpu.memory_space<vmem_shared>> -> memref<16x128xf32, #tpu.memory_space<vmem_shared>>
      %dma_wait3A_1250 = arith.constant 9616 : i32
      %dma_wait3A_1251 = arith.constant 0 : i32
      %dma_wait3A_1252 = tpu.memref_slice %arg10[%dma_wait3A_1250, %dma_wait3A_1251] : memref<10000x128xf32, #tpu.memory_space<vmem_shared>> -> memref<16x128xf32, #tpu.memory_space<vmem_shared>>
      tpu.wait_dma2 semaphore(%arg23 : memref<!tpu.dma_semaphore, #tpu.memory_space<semaphore_mem>>) src(%arg9 : memref<16x128xf32, #tpu.memory_space<vmem>>) dst(%dma_wait3A_1252 : memref<16x128xf32, #tpu.memory_space<vmem_shared>>)
      %dma_wait3A_1253 = arith.constant 9632 : i32
      %dma_wait3A_1254 = arith.constant 0 : i32
      %dma_wait3A_1255 = tpu.memref_slice %arg10[%dma_wait3A_1253, %dma_wait3A_1254] : memref<10000x128xf32, #tpu.memory_space<vmem_shared>> -> memref<16x128xf32, #tpu.memory_space<vmem_shared>>
      %dma_wait3A_1256 = arith.constant 9632 : i32
      %dma_wait3A_1257 = arith.constant 0 : i32
      %dma_wait3A_1258 = tpu.memref_slice %arg10[%dma_wait3A_1256, %dma_wait3A_1257] : memref<10000x128xf32, #tpu.memory_space<vmem_shared>> -> memref<16x128xf32, #tpu.memory_space<vmem_shared>>
      tpu.wait_dma2 semaphore(%arg23 : memref<!tpu.dma_semaphore, #tpu.memory_space<semaphore_mem>>) src(%arg9 : memref<16x128xf32, #tpu.memory_space<vmem>>) dst(%dma_wait3A_1258 : memref<16x128xf32, #tpu.memory_space<vmem_shared>>)
      %dma_wait3A_1259 = arith.constant 9648 : i32
      %dma_wait3A_1260 = arith.constant 0 : i32
      %dma_wait3A_1261 = tpu.memref_slice %arg10[%dma_wait3A_1259, %dma_wait3A_1260] : memref<10000x128xf32, #tpu.memory_space<vmem_shared>> -> memref<16x128xf32, #tpu.memory_space<vmem_shared>>
      %dma_wait3A_1262 = arith.constant 9648 : i32
      %dma_wait3A_1263 = arith.constant 0 : i32
      %dma_wait3A_1264 = tpu.memref_slice %arg10[%dma_wait3A_1262, %dma_wait3A_1263] : memref<10000x128xf32, #tpu.memory_space<vmem_shared>> -> memref<16x128xf32, #tpu.memory_space<vmem_shared>>
      tpu.wait_dma2 semaphore(%arg23 : memref<!tpu.dma_semaphore, #tpu.memory_space<semaphore_mem>>) src(%arg9 : memref<16x128xf32, #tpu.memory_space<vmem>>) dst(%dma_wait3A_1264 : memref<16x128xf32, #tpu.memory_space<vmem_shared>>)
      %dma_wait3A_1265 = arith.constant 9664 : i32
      %dma_wait3A_1266 = arith.constant 0 : i32
      %dma_wait3A_1267 = tpu.memref_slice %arg10[%dma_wait3A_1265, %dma_wait3A_1266] : memref<10000x128xf32, #tpu.memory_space<vmem_shared>> -> memref<16x128xf32, #tpu.memory_space<vmem_shared>>
      %dma_wait3A_1268 = arith.constant 9664 : i32
      %dma_wait3A_1269 = arith.constant 0 : i32
      %dma_wait3A_1270 = tpu.memref_slice %arg10[%dma_wait3A_1268, %dma_wait3A_1269] : memref<10000x128xf32, #tpu.memory_space<vmem_shared>> -> memref<16x128xf32, #tpu.memory_space<vmem_shared>>
      tpu.wait_dma2 semaphore(%arg23 : memref<!tpu.dma_semaphore, #tpu.memory_space<semaphore_mem>>) src(%arg9 : memref<16x128xf32, #tpu.memory_space<vmem>>) dst(%dma_wait3A_1270 : memref<16x128xf32, #tpu.memory_space<vmem_shared>>)
      %dma_wait3A_1271 = arith.constant 9680 : i32
      %dma_wait3A_1272 = arith.constant 0 : i32
      %dma_wait3A_1273 = tpu.memref_slice %arg10[%dma_wait3A_1271, %dma_wait3A_1272] : memref<10000x128xf32, #tpu.memory_space<vmem_shared>> -> memref<16x128xf32, #tpu.memory_space<vmem_shared>>
      %dma_wait3A_1274 = arith.constant 9680 : i32
      %dma_wait3A_1275 = arith.constant 0 : i32
      %dma_wait3A_1276 = tpu.memref_slice %arg10[%dma_wait3A_1274, %dma_wait3A_1275] : memref<10000x128xf32, #tpu.memory_space<vmem_shared>> -> memref<16x128xf32, #tpu.memory_space<vmem_shared>>
      tpu.wait_dma2 semaphore(%arg23 : memref<!tpu.dma_semaphore, #tpu.memory_space<semaphore_mem>>) src(%arg9 : memref<16x128xf32, #tpu.memory_space<vmem>>) dst(%dma_wait3A_1276 : memref<16x128xf32, #tpu.memory_space<vmem_shared>>)
      %dma_wait3A_1277 = arith.constant 9696 : i32
      %dma_wait3A_1278 = arith.constant 0 : i32
      %dma_wait3A_1279 = tpu.memref_slice %arg10[%dma_wait3A_1277, %dma_wait3A_1278] : memref<10000x128xf32, #tpu.memory_space<vmem_shared>> -> memref<16x128xf32, #tpu.memory_space<vmem_shared>>
      %dma_wait3A_1280 = arith.constant 9696 : i32
      %dma_wait3A_1281 = arith.constant 0 : i32
      %dma_wait3A_1282 = tpu.memref_slice %arg10[%dma_wait3A_1280, %dma_wait3A_1281] : memref<10000x128xf32, #tpu.memory_space<vmem_shared>> -> memref<16x128xf32, #tpu.memory_space<vmem_shared>>
      tpu.wait_dma2 semaphore(%arg23 : memref<!tpu.dma_semaphore, #tpu.memory_space<semaphore_mem>>) src(%arg9 : memref<16x128xf32, #tpu.memory_space<vmem>>) dst(%dma_wait3A_1282 : memref<16x128xf32, #tpu.memory_space<vmem_shared>>)
      %dma_wait3A_1283 = arith.constant 9712 : i32
      %dma_wait3A_1284 = arith.constant 0 : i32
      %dma_wait3A_1285 = tpu.memref_slice %arg10[%dma_wait3A_1283, %dma_wait3A_1284] : memref<10000x128xf32, #tpu.memory_space<vmem_shared>> -> memref<16x128xf32, #tpu.memory_space<vmem_shared>>
      %dma_wait3A_1286 = arith.constant 9712 : i32
      %dma_wait3A_1287 = arith.constant 0 : i32
      %dma_wait3A_1288 = tpu.memref_slice %arg10[%dma_wait3A_1286, %dma_wait3A_1287] : memref<10000x128xf32, #tpu.memory_space<vmem_shared>> -> memref<16x128xf32, #tpu.memory_space<vmem_shared>>
      tpu.wait_dma2 semaphore(%arg23 : memref<!tpu.dma_semaphore, #tpu.memory_space<semaphore_mem>>) src(%arg9 : memref<16x128xf32, #tpu.memory_space<vmem>>) dst(%dma_wait3A_1288 : memref<16x128xf32, #tpu.memory_space<vmem_shared>>)
      %dma_wait3A_1289 = arith.constant 9728 : i32
      %dma_wait3A_1290 = arith.constant 0 : i32
      %dma_wait3A_1291 = tpu.memref_slice %arg10[%dma_wait3A_1289, %dma_wait3A_1290] : memref<10000x128xf32, #tpu.memory_space<vmem_shared>> -> memref<16x128xf32, #tpu.memory_space<vmem_shared>>
      %dma_wait3A_1292 = arith.constant 9728 : i32
      %dma_wait3A_1293 = arith.constant 0 : i32
      %dma_wait3A_1294 = tpu.memref_slice %arg10[%dma_wait3A_1292, %dma_wait3A_1293] : memref<10000x128xf32, #tpu.memory_space<vmem_shared>> -> memref<16x128xf32, #tpu.memory_space<vmem_shared>>
      tpu.wait_dma2 semaphore(%arg23 : memref<!tpu.dma_semaphore, #tpu.memory_space<semaphore_mem>>) src(%arg9 : memref<16x128xf32, #tpu.memory_space<vmem>>) dst(%dma_wait3A_1294 : memref<16x128xf32, #tpu.memory_space<vmem_shared>>)
      %dma_wait3A_1295 = arith.constant 9744 : i32
      %dma_wait3A_1296 = arith.constant 0 : i32
      %dma_wait3A_1297 = tpu.memref_slice %arg10[%dma_wait3A_1295, %dma_wait3A_1296] : memref<10000x128xf32, #tpu.memory_space<vmem_shared>> -> memref<16x128xf32, #tpu.memory_space<vmem_shared>>
      %dma_wait3A_1298 = arith.constant 9744 : i32
      %dma_wait3A_1299 = arith.constant 0 : i32
      %dma_wait3A_1300 = tpu.memref_slice %arg10[%dma_wait3A_1298, %dma_wait3A_1299] : memref<10000x128xf32, #tpu.memory_space<vmem_shared>> -> memref<16x128xf32, #tpu.memory_space<vmem_shared>>
      tpu.wait_dma2 semaphore(%arg23 : memref<!tpu.dma_semaphore, #tpu.memory_space<semaphore_mem>>) src(%arg9 : memref<16x128xf32, #tpu.memory_space<vmem>>) dst(%dma_wait3A_1300 : memref<16x128xf32, #tpu.memory_space<vmem_shared>>)
      %dma_wait3A_1301 = arith.constant 9760 : i32
      %dma_wait3A_1302 = arith.constant 0 : i32
      %dma_wait3A_1303 = tpu.memref_slice %arg10[%dma_wait3A_1301, %dma_wait3A_1302] : memref<10000x128xf32, #tpu.memory_space<vmem_shared>> -> memref<16x128xf32, #tpu.memory_space<vmem_shared>>
      %dma_wait3A_1304 = arith.constant 9760 : i32
      %dma_wait3A_1305 = arith.constant 0 : i32
      %dma_wait3A_1306 = tpu.memref_slice %arg10[%dma_wait3A_1304, %dma_wait3A_1305] : memref<10000x128xf32, #tpu.memory_space<vmem_shared>> -> memref<16x128xf32, #tpu.memory_space<vmem_shared>>
      tpu.wait_dma2 semaphore(%arg23 : memref<!tpu.dma_semaphore, #tpu.memory_space<semaphore_mem>>) src(%arg9 : memref<16x128xf32, #tpu.memory_space<vmem>>) dst(%dma_wait3A_1306 : memref<16x128xf32, #tpu.memory_space<vmem_shared>>)
      %dma_wait3A_1307 = arith.constant 9776 : i32
      %dma_wait3A_1308 = arith.constant 0 : i32
      %dma_wait3A_1309 = tpu.memref_slice %arg10[%dma_wait3A_1307, %dma_wait3A_1308] : memref<10000x128xf32, #tpu.memory_space<vmem_shared>> -> memref<16x128xf32, #tpu.memory_space<vmem_shared>>
      %dma_wait3A_1310 = arith.constant 9776 : i32
      %dma_wait3A_1311 = arith.constant 0 : i32
      %dma_wait3A_1312 = tpu.memref_slice %arg10[%dma_wait3A_1310, %dma_wait3A_1311] : memref<10000x128xf32, #tpu.memory_space<vmem_shared>> -> memref<16x128xf32, #tpu.memory_space<vmem_shared>>
      tpu.wait_dma2 semaphore(%arg23 : memref<!tpu.dma_semaphore, #tpu.memory_space<semaphore_mem>>) src(%arg9 : memref<16x128xf32, #tpu.memory_space<vmem>>) dst(%dma_wait3A_1312 : memref<16x128xf32, #tpu.memory_space<vmem_shared>>)
      %dma_wait3A_1313 = arith.constant 9792 : i32
      %dma_wait3A_1314 = arith.constant 0 : i32
      %dma_wait3A_1315 = tpu.memref_slice %arg10[%dma_wait3A_1313, %dma_wait3A_1314] : memref<10000x128xf32, #tpu.memory_space<vmem_shared>> -> memref<16x128xf32, #tpu.memory_space<vmem_shared>>
      %dma_wait3A_1316 = arith.constant 9792 : i32
      %dma_wait3A_1317 = arith.constant 0 : i32
      %dma_wait3A_1318 = tpu.memref_slice %arg10[%dma_wait3A_1316, %dma_wait3A_1317] : memref<10000x128xf32, #tpu.memory_space<vmem_shared>> -> memref<16x128xf32, #tpu.memory_space<vmem_shared>>
      tpu.wait_dma2 semaphore(%arg23 : memref<!tpu.dma_semaphore, #tpu.memory_space<semaphore_mem>>) src(%arg9 : memref<16x128xf32, #tpu.memory_space<vmem>>) dst(%dma_wait3A_1318 : memref<16x128xf32, #tpu.memory_space<vmem_shared>>)
      %dma_wait3A_1319 = arith.constant 9808 : i32
      %dma_wait3A_1320 = arith.constant 0 : i32
      %dma_wait3A_1321 = tpu.memref_slice %arg10[%dma_wait3A_1319, %dma_wait3A_1320] : memref<10000x128xf32, #tpu.memory_space<vmem_shared>> -> memref<16x128xf32, #tpu.memory_space<vmem_shared>>
      %dma_wait3A_1322 = arith.constant 9808 : i32
      %dma_wait3A_1323 = arith.constant 0 : i32
      %dma_wait3A_1324 = tpu.memref_slice %arg10[%dma_wait3A_1322, %dma_wait3A_1323] : memref<10000x128xf32, #tpu.memory_space<vmem_shared>> -> memref<16x128xf32, #tpu.memory_space<vmem_shared>>
      tpu.wait_dma2 semaphore(%arg23 : memref<!tpu.dma_semaphore, #tpu.memory_space<semaphore_mem>>) src(%arg9 : memref<16x128xf32, #tpu.memory_space<vmem>>) dst(%dma_wait3A_1324 : memref<16x128xf32, #tpu.memory_space<vmem_shared>>)
      %dma_wait3A_1325 = arith.constant 9824 : i32
      %dma_wait3A_1326 = arith.constant 0 : i32
      %dma_wait3A_1327 = tpu.memref_slice %arg10[%dma_wait3A_1325, %dma_wait3A_1326] : memref<10000x128xf32, #tpu.memory_space<vmem_shared>> -> memref<16x128xf32, #tpu.memory_space<vmem_shared>>
      %dma_wait3A_1328 = arith.constant 9824 : i32
      %dma_wait3A_1329 = arith.constant 0 : i32
      %dma_wait3A_1330 = tpu.memref_slice %arg10[%dma_wait3A_1328, %dma_wait3A_1329] : memref<10000x128xf32, #tpu.memory_space<vmem_shared>> -> memref<16x128xf32, #tpu.memory_space<vmem_shared>>
      tpu.wait_dma2 semaphore(%arg23 : memref<!tpu.dma_semaphore, #tpu.memory_space<semaphore_mem>>) src(%arg9 : memref<16x128xf32, #tpu.memory_space<vmem>>) dst(%dma_wait3A_1330 : memref<16x128xf32, #tpu.memory_space<vmem_shared>>)
      %dma_wait3A_1331 = arith.constant 9840 : i32
      %dma_wait3A_1332 = arith.constant 0 : i32
      %dma_wait3A_1333 = tpu.memref_slice %arg10[%dma_wait3A_1331, %dma_wait3A_1332] : memref<10000x128xf32, #tpu.memory_space<vmem_shared>> -> memref<16x128xf32, #tpu.memory_space<vmem_shared>>
      %dma_wait3A_1334 = arith.constant 9840 : i32
      %dma_wait3A_1335 = arith.constant 0 : i32
      %dma_wait3A_1336 = tpu.memref_slice %arg10[%dma_wait3A_1334, %dma_wait3A_1335] : memref<10000x128xf32, #tpu.memory_space<vmem_shared>> -> memref<16x128xf32, #tpu.memory_space<vmem_shared>>
      tpu.wait_dma2 semaphore(%arg23 : memref<!tpu.dma_semaphore, #tpu.memory_space<semaphore_mem>>) src(%arg9 : memref<16x128xf32, #tpu.memory_space<vmem>>) dst(%dma_wait3A_1336 : memref<16x128xf32, #tpu.memory_space<vmem_shared>>)
      %dma_wait3A_1337 = arith.constant 9856 : i32
      %dma_wait3A_1338 = arith.constant 0 : i32
      %dma_wait3A_1339 = tpu.memref_slice %arg10[%dma_wait3A_1337, %dma_wait3A_1338] : memref<10000x128xf32, #tpu.memory_space<vmem_shared>> -> memref<16x128xf32, #tpu.memory_space<vmem_shared>>
      %dma_wait3A_1340 = arith.constant 9856 : i32
      %dma_wait3A_1341 = arith.constant 0 : i32
      %dma_wait3A_1342 = tpu.memref_slice %arg10[%dma_wait3A_1340, %dma_wait3A_1341] : memref<10000x128xf32, #tpu.memory_space<vmem_shared>> -> memref<16x128xf32, #tpu.memory_space<vmem_shared>>
      tpu.wait_dma2 semaphore(%arg23 : memref<!tpu.dma_semaphore, #tpu.memory_space<semaphore_mem>>) src(%arg9 : memref<16x128xf32, #tpu.memory_space<vmem>>) dst(%dma_wait3A_1342 : memref<16x128xf32, #tpu.memory_space<vmem_shared>>)
      %dma_wait3A_1343 = arith.constant 9872 : i32
      %dma_wait3A_1344 = arith.constant 0 : i32
      %dma_wait3A_1345 = tpu.memref_slice %arg10[%dma_wait3A_1343, %dma_wait3A_1344] : memref<10000x128xf32, #tpu.memory_space<vmem_shared>> -> memref<16x128xf32, #tpu.memory_space<vmem_shared>>
      %dma_wait3A_1346 = arith.constant 9872 : i32
      %dma_wait3A_1347 = arith.constant 0 : i32
      %dma_wait3A_1348 = tpu.memref_slice %arg10[%dma_wait3A_1346, %dma_wait3A_1347] : memref<10000x128xf32, #tpu.memory_space<vmem_shared>> -> memref<16x128xf32, #tpu.memory_space<vmem_shared>>
      tpu.wait_dma2 semaphore(%arg23 : memref<!tpu.dma_semaphore, #tpu.memory_space<semaphore_mem>>) src(%arg9 : memref<16x128xf32, #tpu.memory_space<vmem>>) dst(%dma_wait3A_1348 : memref<16x128xf32, #tpu.memory_space<vmem_shared>>)
      %dma_wait3A_1349 = arith.constant 9888 : i32
      %dma_wait3A_1350 = arith.constant 0 : i32
      %dma_wait3A_1351 = tpu.memref_slice %arg10[%dma_wait3A_1349, %dma_wait3A_1350] : memref<10000x128xf32, #tpu.memory_space<vmem_shared>> -> memref<16x128xf32, #tpu.memory_space<vmem_shared>>
      %dma_wait3A_1352 = arith.constant 9888 : i32
      %dma_wait3A_1353 = arith.constant 0 : i32
      %dma_wait3A_1354 = tpu.memref_slice %arg10[%dma_wait3A_1352, %dma_wait3A_1353] : memref<10000x128xf32, #tpu.memory_space<vmem_shared>> -> memref<16x128xf32, #tpu.memory_space<vmem_shared>>
      tpu.wait_dma2 semaphore(%arg23 : memref<!tpu.dma_semaphore, #tpu.memory_space<semaphore_mem>>) src(%arg9 : memref<16x128xf32, #tpu.memory_space<vmem>>) dst(%dma_wait3A_1354 : memref<16x128xf32, #tpu.memory_space<vmem_shared>>)
      %dma_wait3A_1355 = arith.constant 9904 : i32
      %dma_wait3A_1356 = arith.constant 0 : i32
      %dma_wait3A_1357 = tpu.memref_slice %arg10[%dma_wait3A_1355, %dma_wait3A_1356] : memref<10000x128xf32, #tpu.memory_space<vmem_shared>> -> memref<16x128xf32, #tpu.memory_space<vmem_shared>>
      %dma_wait3A_1358 = arith.constant 9904 : i32
      %dma_wait3A_1359 = arith.constant 0 : i32
      %dma_wait3A_1360 = tpu.memref_slice %arg10[%dma_wait3A_1358, %dma_wait3A_1359] : memref<10000x128xf32, #tpu.memory_space<vmem_shared>> -> memref<16x128xf32, #tpu.memory_space<vmem_shared>>
      tpu.wait_dma2 semaphore(%arg23 : memref<!tpu.dma_semaphore, #tpu.memory_space<semaphore_mem>>) src(%arg9 : memref<16x128xf32, #tpu.memory_space<vmem>>) dst(%dma_wait3A_1360 : memref<16x128xf32, #tpu.memory_space<vmem_shared>>)
      %dma_wait3A_1361 = arith.constant 9920 : i32
      %dma_wait3A_1362 = arith.constant 0 : i32
      %dma_wait3A_1363 = tpu.memref_slice %arg10[%dma_wait3A_1361, %dma_wait3A_1362] : memref<10000x128xf32, #tpu.memory_space<vmem_shared>> -> memref<16x128xf32, #tpu.memory_space<vmem_shared>>
      %dma_wait3A_1364 = arith.constant 9920 : i32
      %dma_wait3A_1365 = arith.constant 0 : i32
      %dma_wait3A_1366 = tpu.memref_slice %arg10[%dma_wait3A_1364, %dma_wait3A_1365] : memref<10000x128xf32, #tpu.memory_space<vmem_shared>> -> memref<16x128xf32, #tpu.memory_space<vmem_shared>>
      tpu.wait_dma2 semaphore(%arg23 : memref<!tpu.dma_semaphore, #tpu.memory_space<semaphore_mem>>) src(%arg9 : memref<16x128xf32, #tpu.memory_space<vmem>>) dst(%dma_wait3A_1366 : memref<16x128xf32, #tpu.memory_space<vmem_shared>>)
      %dma_wait3A_1367 = arith.constant 9936 : i32
      %dma_wait3A_1368 = arith.constant 0 : i32
      %dma_wait3A_1369 = tpu.memref_slice %arg10[%dma_wait3A_1367, %dma_wait3A_1368] : memref<10000x128xf32, #tpu.memory_space<vmem_shared>> -> memref<16x128xf32, #tpu.memory_space<vmem_shared>>
      %dma_wait3A_1370 = arith.constant 9936 : i32
      %dma_wait3A_1371 = arith.constant 0 : i32
      %dma_wait3A_1372 = tpu.memref_slice %arg10[%dma_wait3A_1370, %dma_wait3A_1371] : memref<10000x128xf32, #tpu.memory_space<vmem_shared>> -> memref<16x128xf32, #tpu.memory_space<vmem_shared>>
      tpu.wait_dma2 semaphore(%arg23 : memref<!tpu.dma_semaphore, #tpu.memory_space<semaphore_mem>>) src(%arg9 : memref<16x128xf32, #tpu.memory_space<vmem>>) dst(%dma_wait3A_1372 : memref<16x128xf32, #tpu.memory_space<vmem_shared>>)
      %dma_wait3A_1373 = arith.constant 9952 : i32
      %dma_wait3A_1374 = arith.constant 0 : i32
      %dma_wait3A_1375 = tpu.memref_slice %arg10[%dma_wait3A_1373, %dma_wait3A_1374] : memref<10000x128xf32, #tpu.memory_space<vmem_shared>> -> memref<16x128xf32, #tpu.memory_space<vmem_shared>>
      %dma_wait3A_1376 = arith.constant 9952 : i32
      %dma_wait3A_1377 = arith.constant 0 : i32
      %dma_wait3A_1378 = tpu.memref_slice %arg10[%dma_wait3A_1376, %dma_wait3A_1377] : memref<10000x128xf32, #tpu.memory_space<vmem_shared>> -> memref<16x128xf32, #tpu.memory_space<vmem_shared>>
      tpu.wait_dma2 semaphore(%arg23 : memref<!tpu.dma_semaphore, #tpu.memory_space<semaphore_mem>>) src(%arg9 : memref<16x128xf32, #tpu.memory_space<vmem>>) dst(%dma_wait3A_1378 : memref<16x128xf32, #tpu.memory_space<vmem_shared>>)
      %dma_wait3A_1379 = arith.constant 9968 : i32
      %dma_wait3A_1380 = arith.constant 0 : i32
      %dma_wait3A_1381 = tpu.memref_slice %arg10[%dma_wait3A_1379, %dma_wait3A_1380] : memref<10000x128xf32, #tpu.memory_space<vmem_shared>> -> memref<16x128xf32, #tpu.memory_space<vmem_shared>>
      %dma_wait3A_1382 = arith.constant 9968 : i32
      %dma_wait3A_1383 = arith.constant 0 : i32
      %dma_wait3A_1384 = tpu.memref_slice %arg10[%dma_wait3A_1382, %dma_wait3A_1383] : memref<10000x128xf32, #tpu.memory_space<vmem_shared>> -> memref<16x128xf32, #tpu.memory_space<vmem_shared>>
      tpu.wait_dma2 semaphore(%arg23 : memref<!tpu.dma_semaphore, #tpu.memory_space<semaphore_mem>>) src(%arg9 : memref<16x128xf32, #tpu.memory_space<vmem>>) dst(%dma_wait3A_1384 : memref<16x128xf32, #tpu.memory_space<vmem_shared>>)
      %dma_wait3A_1385 = arith.constant 9984 : i32
      %dma_wait3A_1386 = arith.constant 0 : i32
      %dma_wait3A_1387 = tpu.memref_slice %arg10[%dma_wait3A_1385, %dma_wait3A_1386] : memref<10000x128xf32, #tpu.memory_space<vmem_shared>> -> memref<16x128xf32, #tpu.memory_space<vmem_shared>>
      %dma_wait3A_1388 = arith.constant 9984 : i32
      %dma_wait3A_1389 = arith.constant 0 : i32
      %dma_wait3A_1390 = tpu.memref_slice %arg10[%dma_wait3A_1388, %dma_wait3A_1389] : memref<10000x128xf32, #tpu.memory_space<vmem_shared>> -> memref<16x128xf32, #tpu.memory_space<vmem_shared>>
      tpu.wait_dma2 semaphore(%arg23 : memref<!tpu.dma_semaphore, #tpu.memory_space<semaphore_mem>>) src(%arg9 : memref<16x128xf32, #tpu.memory_space<vmem>>) dst(%dma_wait3A_1390 : memref<16x128xf32, #tpu.memory_space<vmem_shared>>)
    } else {
    }
    %dma_wait3A = arith.constant 0 : i32
    %dma_wait3A_101 = arith.constant 0 : i32
    %dma_wait3A_102 = tpu.memref_slice %arg5[%dma_wait3A, %dma_wait3A_101] : memref<4x80xi32, #tpu.memory_space<vmem>> -> memref<1x80xi32, #tpu.memory_space<vmem>>
    %dma_wait3A_103 = tpu.memref_squeeze %dma_wait3A_102 : memref<1x80xi32, #tpu.memory_space<vmem>> -> memref<80xi32, #tpu.memory_space<vmem>>
    %dma_wait3A_104 = arith.constant 0 : i32
    %dma_wait3A_105 = tpu.memref_slice %arg3[%dma_wait3A_104] : memref<640000xi32, #tpu.memory_space<hbm>> -> memref<80xi32, #tpu.memory_space<hbm>>
    %dma_wait3A_106 = arith.constant 0 : i32
    %dma_wait3A_107 = tpu.memref_slice %arg5[%dma_wait3A, %dma_wait3A_106] : memref<4x80xi32, #tpu.memory_space<vmem>> -> memref<1x80xi32, #tpu.memory_space<vmem>>
    %dma_wait3A_108 = tpu.memref_squeeze %dma_wait3A_107 : memref<1x80xi32, #tpu.memory_space<vmem>> -> memref<80xi32, #tpu.memory_space<vmem>>
    %dma_wait3A_109 = arith.constant 0 : i32
    %dma_wait3A_110 = tpu.memref_slice %arg3[%dma_wait3A_109] : memref<640000xi32, #tpu.memory_space<hbm>> -> memref<80xi32, #tpu.memory_space<hbm>>
    tpu.wait_dma2 semaphore(%arg11 : memref<!tpu.dma_semaphore, #tpu.memory_space<semaphore_mem>>) src(%dma_wait3A_110 : memref<80xi32, #tpu.memory_space<hbm>>) dst(%dma_wait3A_108 : memref<80xi32, #tpu.memory_space<vmem>>)
    %dma_wait3A_111 = arith.constant 0 : i32
    %dma_wait3A_112 = arith.constant 0 : i32
    %dma_wait3A_113 = tpu.memref_slice %arg6[%dma_wait3A_111, %dma_wait3A_112] : memref<4x80xi32, #tpu.memory_space<vmem>> -> memref<1x80xi32, #tpu.memory_space<vmem>>
    %dma_wait3A_114 = tpu.memref_squeeze %dma_wait3A_113 : memref<1x80xi32, #tpu.memory_space<vmem>> -> memref<80xi32, #tpu.memory_space<vmem>>
    %dma_wait3A_115 = arith.constant 0 : i32
    %dma_wait3A_116 = tpu.memref_slice %arg3[%dma_wait3A_115] : memref<640000xi32, #tpu.memory_space<hbm>> -> memref<80xi32, #tpu.memory_space<hbm>>
    %dma_wait3A_117 = arith.constant 0 : i32
    %dma_wait3A_118 = tpu.memref_slice %arg6[%dma_wait3A_111, %dma_wait3A_117] : memref<4x80xi32, #tpu.memory_space<vmem>> -> memref<1x80xi32, #tpu.memory_space<vmem>>
    %dma_wait3A_119 = tpu.memref_squeeze %dma_wait3A_118 : memref<1x80xi32, #tpu.memory_space<vmem>> -> memref<80xi32, #tpu.memory_space<vmem>>
    %dma_wait3A_120 = arith.constant 0 : i32
    %dma_wait3A_121 = tpu.memref_slice %arg3[%dma_wait3A_120] : memref<640000xi32, #tpu.memory_space<hbm>> -> memref<80xi32, #tpu.memory_space<hbm>>
    tpu.wait_dma2 semaphore(%arg11 : memref<!tpu.dma_semaphore, #tpu.memory_space<semaphore_mem>>) src(%dma_wait3A_121 : memref<80xi32, #tpu.memory_space<hbm>>) dst(%dma_wait3A_119 : memref<80xi32, #tpu.memory_space<vmem>>)
    %dma_start3A_122 = arith.constant 0 : i32
    %dma_start3A_123 = arith.constant 0 : i32
    %dma_start3A_124 = arith.constant 0 : i32
    %dma_start3A_125 = arith.constant 0 : i32
    %dma_start3A_126 = tpu.memref_slice %arg8[%dma_start3A_123, %dma_start3A_124, %dma_start3A_125] : memref<4x80x128xf32, #tpu.memory_space<vmem>> -> memref<1x80x128xf32, #tpu.memory_space<vmem>>
    %dma_start3A_127 = tpu.memref_squeeze %dma_start3A_126 : memref<1x80x128xf32, #tpu.memory_space<vmem>> -> memref<80x128xf32, #tpu.memory_space<vmem>>
    %dma_start3A_128 = arith.constant 0 : i32
    %dma_start3A_129 = tpu.memref_slice %arg5[%dma_start3A_122, %dma_start3A_128] : memref<4x80xi32, #tpu.memory_space<vmem>> -> memref<1x80xi32, #tpu.memory_space<vmem>>
    %dma_start3A_130 = tpu.memref_squeeze %dma_start3A_129 : memref<1x80xi32, #tpu.memory_space<vmem>> -> memref<80xi32, #tpu.memory_space<vmem>>
    %dma_start3A_131 = arith.constant 0 : i32
    %dma_start3A_132 = arith.constant 0 : i32
    %dma_start3A_133 = tpu.memref_slice %arg2[%dma_start3A_131, %dma_start3A_132] : memref<10000x128xf32, #tpu.memory_space<hbm>> -> memref<10000x128xf32, #tpu.memory_space<hbm>>
    tpu.enqueue_indirect_dma source(%dma_start3A_133 : memref<10000x128xf32, #tpu.memory_space<hbm>>) target(%dma_start3A_127 : memref<80x128xf32, #tpu.memory_space<vmem>>) offsets(%dma_start3A_130 : memref<80xi32, #tpu.memory_space<vmem>>) semaphore(%arg15 : memref<!tpu.dma_semaphore, #tpu.memory_space<semaphore_mem>>)
    %dma_wait3A_134 = arith.constant 1 : i32
    %dma_wait3A_135 = arith.constant 0 : i32
    %dma_wait3A_136 = tpu.memref_slice %arg5[%dma_wait3A_134, %dma_wait3A_135] : memref<4x80xi32, #tpu.memory_space<vmem>> -> memref<1x80xi32, #tpu.memory_space<vmem>>
    %dma_wait3A_137 = tpu.memref_squeeze %dma_wait3A_136 : memref<1x80xi32, #tpu.memory_space<vmem>> -> memref<80xi32, #tpu.memory_space<vmem>>
    %dma_wait3A_138 = arith.constant 0 : i32
    %dma_wait3A_139 = tpu.memref_slice %arg3[%dma_wait3A_138] : memref<640000xi32, #tpu.memory_space<hbm>> -> memref<80xi32, #tpu.memory_space<hbm>>
    %dma_wait3A_140 = arith.constant 0 : i32
    %dma_wait3A_141 = tpu.memref_slice %arg5[%dma_wait3A_134, %dma_wait3A_140] : memref<4x80xi32, #tpu.memory_space<vmem>> -> memref<1x80xi32, #tpu.memory_space<vmem>>
    %dma_wait3A_142 = tpu.memref_squeeze %dma_wait3A_141 : memref<1x80xi32, #tpu.memory_space<vmem>> -> memref<80xi32, #tpu.memory_space<vmem>>
    %dma_wait3A_143 = arith.constant 0 : i32
    %dma_wait3A_144 = tpu.memref_slice %arg3[%dma_wait3A_143] : memref<640000xi32, #tpu.memory_space<hbm>> -> memref<80xi32, #tpu.memory_space<hbm>>
    tpu.wait_dma2 semaphore(%arg12 : memref<!tpu.dma_semaphore, #tpu.memory_space<semaphore_mem>>) src(%dma_wait3A_144 : memref<80xi32, #tpu.memory_space<hbm>>) dst(%dma_wait3A_142 : memref<80xi32, #tpu.memory_space<vmem>>)
    %dma_wait3A_145 = arith.constant 1 : i32
    %dma_wait3A_146 = arith.constant 0 : i32
    %dma_wait3A_147 = tpu.memref_slice %arg6[%dma_wait3A_145, %dma_wait3A_146] : memref<4x80xi32, #tpu.memory_space<vmem>> -> memref<1x80xi32, #tpu.memory_space<vmem>>
    %dma_wait3A_148 = tpu.memref_squeeze %dma_wait3A_147 : memref<1x80xi32, #tpu.memory_space<vmem>> -> memref<80xi32, #tpu.memory_space<vmem>>
    %dma_wait3A_149 = arith.constant 0 : i32
    %dma_wait3A_150 = tpu.memref_slice %arg3[%dma_wait3A_149] : memref<640000xi32, #tpu.memory_space<hbm>> -> memref<80xi32, #tpu.memory_space<hbm>>
    %dma_wait3A_151 = arith.constant 0 : i32
    %dma_wait3A_152 = tpu.memref_slice %arg6[%dma_wait3A_145, %dma_wait3A_151] : memref<4x80xi32, #tpu.memory_space<vmem>> -> memref<1x80xi32, #tpu.memory_space<vmem>>
    %dma_wait3A_153 = tpu.memref_squeeze %dma_wait3A_152 : memref<1x80xi32, #tpu.memory_space<vmem>> -> memref<80xi32, #tpu.memory_space<vmem>>
    %dma_wait3A_154 = arith.constant 0 : i32
    %dma_wait3A_155 = tpu.memref_slice %arg3[%dma_wait3A_154] : memref<640000xi32, #tpu.memory_space<hbm>> -> memref<80xi32, #tpu.memory_space<hbm>>
    tpu.wait_dma2 semaphore(%arg12 : memref<!tpu.dma_semaphore, #tpu.memory_space<semaphore_mem>>) src(%dma_wait3A_155 : memref<80xi32, #tpu.memory_space<hbm>>) dst(%dma_wait3A_153 : memref<80xi32, #tpu.memory_space<vmem>>)
    %dma_start3A_156 = arith.constant 1 : i32
    %dma_start3A_157 = arith.constant 1 : i32
    %dma_start3A_158 = arith.constant 0 : i32
    %dma_start3A_159 = arith.constant 0 : i32
    %dma_start3A_160 = tpu.memref_slice %arg8[%dma_start3A_157, %dma_start3A_158, %dma_start3A_159] : memref<4x80x128xf32, #tpu.memory_space<vmem>> -> memref<1x80x128xf32, #tpu.memory_space<vmem>>
    %dma_start3A_161 = tpu.memref_squeeze %dma_start3A_160 : memref<1x80x128xf32, #tpu.memory_space<vmem>> -> memref<80x128xf32, #tpu.memory_space<vmem>>
    %dma_start3A_162 = arith.constant 0 : i32
    %dma_start3A_163 = tpu.memref_slice %arg5[%dma_start3A_156, %dma_start3A_162] : memref<4x80xi32, #tpu.memory_space<vmem>> -> memref<1x80xi32, #tpu.memory_space<vmem>>
    %dma_start3A_164 = tpu.memref_squeeze %dma_start3A_163 : memref<1x80xi32, #tpu.memory_space<vmem>> -> memref<80xi32, #tpu.memory_space<vmem>>
    %dma_start3A_165 = arith.constant 0 : i32
    %dma_start3A_166 = arith.constant 0 : i32
    %dma_start3A_167 = tpu.memref_slice %arg2[%dma_start3A_165, %dma_start3A_166] : memref<10000x128xf32, #tpu.memory_space<hbm>> -> memref<10000x128xf32, #tpu.memory_space<hbm>>
    tpu.enqueue_indirect_dma source(%dma_start3A_167 : memref<10000x128xf32, #tpu.memory_space<hbm>>) target(%dma_start3A_161 : memref<80x128xf32, #tpu.memory_space<vmem>>) offsets(%dma_start3A_164 : memref<80xi32, #tpu.memory_space<vmem>>) semaphore(%arg16 : memref<!tpu.dma_semaphore, #tpu.memory_space<semaphore_mem>>)
    %barrier3A = arith.constant 0 : index
    tpu.barrier barrier_id(%barrier3A)
    %dma_wait3A_168 = arith.constant 0 : i32
    %dma_wait3A_169 = arith.constant 0 : i32
    %dma_wait3A_170 = arith.constant 0 : i32
    %dma_wait3A_171 = arith.constant 0 : i32
    %dma_wait3A_172 = tpu.memref_slice %arg8[%dma_wait3A_169, %dma_wait3A_170, %dma_wait3A_171] : memref<4x80x128xf32, #tpu.memory_space<vmem>> -> memref<1x80x128xf32, #tpu.memory_space<vmem>>
    %dma_wait3A_173 = tpu.memref_squeeze %dma_wait3A_172 : memref<1x80x128xf32, #tpu.memory_space<vmem>> -> memref<80x128xf32, #tpu.memory_space<vmem>>
    %dma_wait3A_174 = arith.constant 0 : i32
    %dma_wait3A_175 = tpu.memref_slice %arg5[%dma_wait3A_168, %dma_wait3A_174] : memref<4x80xi32, #tpu.memory_space<vmem>> -> memref<1x80xi32, #tpu.memory_space<vmem>>
    %dma_wait3A_176 = tpu.memref_squeeze %dma_wait3A_175 : memref<1x80xi32, #tpu.memory_space<vmem>> -> memref<80xi32, #tpu.memory_space<vmem>>
    %dma_wait3A_177 = arith.constant 0 : i32
    %dma_wait3A_178 = arith.constant 0 : i32
    %dma_wait3A_179 = tpu.memref_slice %arg2[%dma_wait3A_177, %dma_wait3A_178] : memref<10000x128xf32, #tpu.memory_space<hbm>> -> memref<10000x128xf32, #tpu.memory_space<hbm>>
    tpu.wait_indirect_dma semaphore(%arg15 : memref<!tpu.dma_semaphore, #tpu.memory_space<semaphore_mem>>) src(%dma_wait3A_179 : memref<10000x128xf32, #tpu.memory_space<hbm>>) dst(%dma_wait3A_173 : memref<80x128xf32, #tpu.memory_space<vmem>>)
    %scan3A_180 = arith.constant 0 : i32
    %scan3A_181 = arith.constant 0 : i32
    %scan3A_182 = arith.constant 5 : i32
    %scan3A_183 = arith.addi %scan3A_181, %scan3A_182 : i32
    %scan3A_184 = arith.constant 1 : i32
    scf.for %scan3A_911 = %scan3A_181 to %scan3A_183 step %scan3A_184  : i32 {
      %mul3A_912 = arith.constant 16 : i32
      %mul3A_913 = arith.muli %scan3A_911, %mul3A_912 : i32
      %get3A = arith.constant 0 : i32
      %get3A_914 = arith.index_cast %get3A : i32 to index
      %get3A_915 = arith.index_cast %mul3A_913 : i32 to index
      %get3A_916 = tpu.vector_load %arg6[%get3A_914, %get3A_915] {strides = array<i32>} : memref<4x80xi32, #tpu.memory_space<vmem>>, vector<1x16xi32>,
      %get3A_917 = vector.shape_cast %get3A_916 : vector<1x16xi32> to vector<16xi32>
      %mul3A_918 = arith.constant 16 : i32
      %mul3A_919 = arith.muli %scan3A_911, %mul3A_918 : i32
      %swap3A = arith.constant 0 : i32
      %swap3A_920 = arith.index_cast %swap3A : i32 to index
      %swap3A_921 = arith.index_cast %mul3A_919 : i32 to index
      %swap3A_922 = tpu.vector_load %arg7[%swap3A_920, %swap3A_921] {strides = array<i32>} : memref<4x80xi32, #tpu.memory_space<vmem>>, vector<1x16xi32>,
      %swap3A_923 = vector.shape_cast %swap3A_922 : vector<1x16xi32> to vector<16xi32>
      %swap3A_924 = vector.shape_cast %get3A_917 : vector<16xi32> to vector<1x16xi32>
      tpu.vector_store %arg7[%swap3A_920, %swap3A_921], %swap3A_924 {strides = array<i32>} : memref<4x80xi32, #tpu.memory_space<vmem>>, vector<1x16xi32>,
    }
    %scan3A_185 = arith.constant 5 : i32
    %dma_start3A_186 = arith.constant 0 : i32
    %dma_start3A_187 = arith.constant 0 : i32
    %dma_start3A_188 = arith.constant 0 : i32
    %dma_start3A_189 = arith.constant 0 : i32
    %dma_start3A_190 = tpu.memref_slice %arg8[%dma_start3A_186, %dma_start3A_188, %dma_start3A_189] : memref<4x80x128xf32, #tpu.memory_space<vmem>> -> memref<1x80x128xf32, #tpu.memory_space<vmem>>
    %dma_start3A_191 = tpu.memref_squeeze %dma_start3A_190 : memref<1x80x128xf32, #tpu.memory_space<vmem>> -> memref<80x128xf32, #tpu.memory_space<vmem>>
    %dma_start3A_192 = arith.constant 0 : i32
    %dma_start3A_193 = tpu.memref_slice %arg7[%dma_start3A_187, %dma_start3A_192] : memref<4x80xi32, #tpu.memory_space<vmem>> -> memref<1x80xi32, #tpu.memory_space<vmem>>
    %dma_start3A_194 = tpu.memref_squeeze %dma_start3A_193 : memref<1x80xi32, #tpu.memory_space<vmem>> -> memref<80xi32, #tpu.memory_space<vmem>>
    %dma_start3A_195 = arith.constant 0 : i32
    %dma_start3A_196 = arith.constant 0 : i32
    %dma_start3A_197 = tpu.memref_slice %arg10[%dma_start3A_195, %dma_start3A_196] : memref<10000x128xf32, #tpu.memory_space<vmem_shared>> -> memref<10000x128xf32, #tpu.memory_space<vmem_shared>>
    tpu.enqueue_indirect_dma source(%dma_start3A_191 : memref<80x128xf32, #tpu.memory_space<vmem>>) target(%dma_start3A_197 : memref<10000x128xf32, #tpu.memory_space<vmem_shared>>) offsets(%dma_start3A_194 : memref<80xi32, #tpu.memory_space<vmem>>) semaphore(%arg19 : memref<!tpu.dma_semaphore, #tpu.memory_space<semaphore_mem>>) {add = true}
    %add3A_198 = arith.constant 320 : i32
    %add3A_199 = arith.addi %mul3A_2, %add3A_198 : i32
    %dma_start3A_200 = arith.constant 0 : i32
    %dma_start3A_201 = arith.constant 0 : i32
    %dma_start3A_202 = tpu.memref_slice %arg5[%dma_start3A_200, %dma_start3A_201] : memref<4x80xi32, #tpu.memory_space<vmem>> -> memref<1x80xi32, #tpu.memory_space<vmem>>
    %dma_start3A_203 = tpu.memref_squeeze %dma_start3A_202 : memref<1x80xi32, #tpu.memory_space<vmem>> -> memref<80xi32, #tpu.memory_space<vmem>>
    %dma_start3A_204 = tpu.memref_slice %arg3[%add3A_199] : memref<640000xi32, #tpu.memory_space<hbm>> -> memref<80xi32, #tpu.memory_space<hbm>>
    %dma_start3A_205 = arith.constant 0 : i32
    %dma_start3A_206 = tpu.memref_slice %arg5[%dma_start3A_200, %dma_start3A_205] : memref<4x80xi32, #tpu.memory_space<vmem>> -> memref<1x80xi32, #tpu.memory_space<vmem>>
    %dma_start3A_207 = tpu.memref_squeeze %dma_start3A_206 : memref<1x80xi32, #tpu.memory_space<vmem>> -> memref<80xi32, #tpu.memory_space<vmem>>
    %dma_start3A_208 = tpu.memref_slice %arg3[%add3A_199] : memref<640000xi32, #tpu.memory_space<hbm>> -> memref<80xi32, #tpu.memory_space<hbm>>
    tpu.enqueue_dma source(%dma_start3A_208 : memref<80xi32, #tpu.memory_space<hbm>>) target(%dma_start3A_207 : memref<80xi32, #tpu.memory_space<vmem>>) target_semaphore(%arg11 : memref<!tpu.dma_semaphore, #tpu.memory_space<semaphore_mem>>)
    %add3A_209 = arith.constant 320000 : i32
    %add3A_210 = arith.addi %add3A_209, %add3A_199 : i32
    %dma_start3A_211 = arith.constant 0 : i32
    %dma_start3A_212 = arith.constant 0 : i32
    %dma_start3A_213 = tpu.memref_slice %arg6[%dma_start3A_211, %dma_start3A_212] : memref<4x80xi32, #tpu.memory_space<vmem>> -> memref<1x80xi32, #tpu.memory_space<vmem>>
    %dma_start3A_214 = tpu.memref_squeeze %dma_start3A_213 : memref<1x80xi32, #tpu.memory_space<vmem>> -> memref<80xi32, #tpu.memory_space<vmem>>
    %dma_start3A_215 = tpu.memref_slice %arg3[%add3A_210] : memref<640000xi32, #tpu.memory_space<hbm>> -> memref<80xi32, #tpu.memory_space<hbm>>
    %dma_start3A_216 = arith.constant 0 : i32
    %dma_start3A_217 = tpu.memref_slice %arg6[%dma_start3A_211, %dma_start3A_216] : memref<4x80xi32, #tpu.memory_space<vmem>> -> memref<1x80xi32, #tpu.memory_space<vmem>>
    %dma_start3A_218 = tpu.memref_squeeze %dma_start3A_217 : memref<1x80xi32, #tpu.memory_space<vmem>> -> memref<80xi32, #tpu.memory_space<vmem>>
    %dma_start3A_219 = tpu.memref_slice %arg3[%add3A_210] : memref<640000xi32, #tpu.memory_space<hbm>> -> memref<80xi32, #tpu.memory_space<hbm>>
    tpu.enqueue_dma source(%dma_start3A_219 : memref<80xi32, #tpu.memory_space<hbm>>) target(%dma_start3A_218 : memref<80xi32, #tpu.memory_space<vmem>>) target_semaphore(%arg11 : memref<!tpu.dma_semaphore, #tpu.memory_space<semaphore_mem>>)
    %dma_wait3A_220 = arith.constant 2 : i32
    %dma_wait3A_221 = arith.constant 0 : i32
    %dma_wait3A_222 = tpu.memref_slice %arg5[%dma_wait3A_220, %dma_wait3A_221] : memref<4x80xi32, #tpu.memory_space<vmem>> -> memref<1x80xi32, #tpu.memory_space<vmem>>
    %dma_wait3A_223 = tpu.memref_squeeze %dma_wait3A_222 : memref<1x80xi32, #tpu.memory_space<vmem>> -> memref<80xi32, #tpu.memory_space<vmem>>
    %dma_wait3A_224 = arith.constant 0 : i32
    %dma_wait3A_225 = tpu.memref_slice %arg3[%dma_wait3A_224] : memref<640000xi32, #tpu.memory_space<hbm>> -> memref<80xi32, #tpu.memory_space<hbm>>
    %dma_wait3A_226 = arith.constant 0 : i32
    %dma_wait3A_227 = tpu.memref_slice %arg5[%dma_wait3A_220, %dma_wait3A_226] : memref<4x80xi32, #tpu.memory_space<vmem>> -> memref<1x80xi32, #tpu.memory_space<vmem>>
    %dma_wait3A_228 = tpu.memref_squeeze %dma_wait3A_227 : memref<1x80xi32, #tpu.memory_space<vmem>> -> memref<80xi32, #tpu.memory_space<vmem>>
    %dma_wait3A_229 = arith.constant 0 : i32
    %dma_wait3A_230 = tpu.memref_slice %arg3[%dma_wait3A_229] : memref<640000xi32, #tpu.memory_space<hbm>> -> memref<80xi32, #tpu.memory_space<hbm>>
    tpu.wait_dma2 semaphore(%arg13 : memref<!tpu.dma_semaphore, #tpu.memory_space<semaphore_mem>>) src(%dma_wait3A_230 : memref<80xi32, #tpu.memory_space<hbm>>) dst(%dma_wait3A_228 : memref<80xi32, #tpu.memory_space<vmem>>)
    %dma_wait3A_231 = arith.constant 2 : i32
    %dma_wait3A_232 = arith.constant 0 : i32
    %dma_wait3A_233 = tpu.memref_slice %arg6[%dma_wait3A_231, %dma_wait3A_232] : memref<4x80xi32, #tpu.memory_space<vmem>> -> memref<1x80xi32, #tpu.memory_space<vmem>>
    %dma_wait3A_234 = tpu.memref_squeeze %dma_wait3A_233 : memref<1x80xi32, #tpu.memory_space<vmem>> -> memref<80xi32, #tpu.memory_space<vmem>>
    %dma_wait3A_235 = arith.constant 0 : i32
    %dma_wait3A_236 = tpu.memref_slice %arg3[%dma_wait3A_235] : memref<640000xi32, #tpu.memory_space<hbm>> -> memref<80xi32, #tpu.memory_space<hbm>>
    %dma_wait3A_237 = arith.constant 0 : i32
    %dma_wait3A_238 = tpu.memref_slice %arg6[%dma_wait3A_231, %dma_wait3A_237] : memref<4x80xi32, #tpu.memory_space<vmem>> -> memref<1x80xi32, #tpu.memory_space<vmem>>
    %dma_wait3A_239 = tpu.memref_squeeze %dma_wait3A_238 : memref<1x80xi32, #tpu.memory_space<vmem>> -> memref<80xi32, #tpu.memory_space<vmem>>
    %dma_wait3A_240 = arith.constant 0 : i32
    %dma_wait3A_241 = tpu.memref_slice %arg3[%dma_wait3A_240] : memref<640000xi32, #tpu.memory_space<hbm>> -> memref<80xi32, #tpu.memory_space<hbm>>
    tpu.wait_dma2 semaphore(%arg13 : memref<!tpu.dma_semaphore, #tpu.memory_space<semaphore_mem>>) src(%dma_wait3A_241 : memref<80xi32, #tpu.memory_space<hbm>>) dst(%dma_wait3A_239 : memref<80xi32, #tpu.memory_space<vmem>>)
    %dma_start3A_242 = arith.constant 2 : i32
    %dma_start3A_243 = arith.constant 2 : i32
    %dma_start3A_244 = arith.constant 0 : i32
    %dma_start3A_245 = arith.constant 0 : i32
    %dma_start3A_246 = tpu.memref_slice %arg8[%dma_start3A_243, %dma_start3A_244, %dma_start3A_245] : memref<4x80x128xf32, #tpu.memory_space<vmem>> -> memref<1x80x128xf32, #tpu.memory_space<vmem>>
    %dma_start3A_247 = tpu.memref_squeeze %dma_start3A_246 : memref<1x80x128xf32, #tpu.memory_space<vmem>> -> memref<80x128xf32, #tpu.memory_space<vmem>>
    %dma_start3A_248 = arith.constant 0 : i32
    %dma_start3A_249 = tpu.memref_slice %arg5[%dma_start3A_242, %dma_start3A_248] : memref<4x80xi32, #tpu.memory_space<vmem>> -> memref<1x80xi32, #tpu.memory_space<vmem>>
    %dma_start3A_250 = tpu.memref_squeeze %dma_start3A_249 : memref<1x80xi32, #tpu.memory_space<vmem>> -> memref<80xi32, #tpu.memory_space<vmem>>
    %dma_start3A_251 = arith.constant 0 : i32
    %dma_start3A_252 = arith.constant 0 : i32
    %dma_start3A_253 = tpu.memref_slice %arg2[%dma_start3A_251, %dma_start3A_252] : memref<10000x128xf32, #tpu.memory_space<hbm>> -> memref<10000x128xf32, #tpu.memory_space<hbm>>
    tpu.enqueue_indirect_dma source(%dma_start3A_253 : memref<10000x128xf32, #tpu.memory_space<hbm>>) target(%dma_start3A_247 : memref<80x128xf32, #tpu.memory_space<vmem>>) offsets(%dma_start3A_250 : memref<80xi32, #tpu.memory_space<vmem>>) semaphore(%arg17 : memref<!tpu.dma_semaphore, #tpu.memory_space<semaphore_mem>>)
    %dma_wait3A_254 = arith.constant 1 : i32
    %dma_wait3A_255 = arith.constant 1 : i32
    %dma_wait3A_256 = arith.constant 0 : i32
    %dma_wait3A_257 = arith.constant 0 : i32
    %dma_wait3A_258 = tpu.memref_slice %arg8[%dma_wait3A_255, %dma_wait3A_256, %dma_wait3A_257] : memref<4x80x128xf32, #tpu.memory_space<vmem>> -> memref<1x80x128xf32, #tpu.memory_space<vmem>>
    %dma_wait3A_259 = tpu.memref_squeeze %dma_wait3A_258 : memref<1x80x128xf32, #tpu.memory_space<vmem>> -> memref<80x128xf32, #tpu.memory_space<vmem>>
    %dma_wait3A_260 = arith.constant 0 : i32
    %dma_wait3A_261 = tpu.memref_slice %arg5[%dma_wait3A_254, %dma_wait3A_260] : memref<4x80xi32, #tpu.memory_space<vmem>> -> memref<1x80xi32, #tpu.memory_space<vmem>>
    %dma_wait3A_262 = tpu.memref_squeeze %dma_wait3A_261 : memref<1x80xi32, #tpu.memory_space<vmem>> -> memref<80xi32, #tpu.memory_space<vmem>>
    %dma_wait3A_263 = arith.constant 0 : i32
    %dma_wait3A_264 = arith.constant 0 : i32
    %dma_wait3A_265 = tpu.memref_slice %arg2[%dma_wait3A_263, %dma_wait3A_264] : memref<10000x128xf32, #tpu.memory_space<hbm>> -> memref<10000x128xf32, #tpu.memory_space<hbm>>
    tpu.wait_indirect_dma semaphore(%arg16 : memref<!tpu.dma_semaphore, #tpu.memory_space<semaphore_mem>>) src(%dma_wait3A_265 : memref<10000x128xf32, #tpu.memory_space<hbm>>) dst(%dma_wait3A_259 : memref<80x128xf32, #tpu.memory_space<vmem>>)
    %scan3A_266 = arith.constant 0 : i32
    %scan3A_267 = arith.constant 0 : i32
    %scan3A_268 = arith.constant 5 : i32
    %scan3A_269 = arith.addi %scan3A_267, %scan3A_268 : i32
    %scan3A_270 = arith.constant 1 : i32
    scf.for %scan3A_911 = %scan3A_267 to %scan3A_269 step %scan3A_270  : i32 {
      %mul3A_912 = arith.constant 16 : i32
      %mul3A_913 = arith.muli %scan3A_911, %mul3A_912 : i32
      %get3A = arith.constant 1 : i32
      %get3A_914 = arith.index_cast %get3A : i32 to index
      %get3A_915 = arith.index_cast %mul3A_913 : i32 to index
      %get3A_916 = tpu.vector_load %arg6[%get3A_914, %get3A_915] {strides = array<i32>} : memref<4x80xi32, #tpu.memory_space<vmem>>, vector<1x16xi32>,
      %get3A_917 = vector.shape_cast %get3A_916 : vector<1x16xi32> to vector<16xi32>
      %mul3A_918 = arith.constant 16 : i32
      %mul3A_919 = arith.muli %scan3A_911, %mul3A_918 : i32
      %swap3A = arith.constant 1 : i32
      %swap3A_920 = arith.index_cast %swap3A : i32 to index
      %swap3A_921 = arith.index_cast %mul3A_919 : i32 to index
      %swap3A_922 = tpu.vector_load %arg7[%swap3A_920, %swap3A_921] {strides = array<i32>} : memref<4x80xi32, #tpu.memory_space<vmem>>, vector<1x16xi32>,
      %swap3A_923 = vector.shape_cast %swap3A_922 : vector<1x16xi32> to vector<16xi32>
      %swap3A_924 = vector.shape_cast %get3A_917 : vector<16xi32> to vector<1x16xi32>
      tpu.vector_store %arg7[%swap3A_920, %swap3A_921], %swap3A_924 {strides = array<i32>} : memref<4x80xi32, #tpu.memory_space<vmem>>, vector<1x16xi32>,
    }
    %scan3A_271 = arith.constant 5 : i32
    %dma_start3A_272 = arith.constant 1 : i32
    %dma_start3A_273 = arith.constant 1 : i32
    %dma_start3A_274 = arith.constant 0 : i32
    %dma_start3A_275 = arith.constant 0 : i32
    %dma_start3A_276 = tpu.memref_slice %arg8[%dma_start3A_272, %dma_start3A_274, %dma_start3A_275] : memref<4x80x128xf32, #tpu.memory_space<vmem>> -> memref<1x80x128xf32, #tpu.memory_space<vmem>>
    %dma_start3A_277 = tpu.memref_squeeze %dma_start3A_276 : memref<1x80x128xf32, #tpu.memory_space<vmem>> -> memref<80x128xf32, #tpu.memory_space<vmem>>
    %dma_start3A_278 = arith.constant 0 : i32
    %dma_start3A_279 = tpu.memref_slice %arg7[%dma_start3A_273, %dma_start3A_278] : memref<4x80xi32, #tpu.memory_space<vmem>> -> memref<1x80xi32, #tpu.memory_space<vmem>>
    %dma_start3A_280 = tpu.memref_squeeze %dma_start3A_279 : memref<1x80xi32, #tpu.memory_space<vmem>> -> memref<80xi32, #tpu.memory_space<vmem>>
    %dma_start3A_281 = arith.constant 0 : i32
    %dma_start3A_282 = arith.constant 0 : i32
    %dma_start3A_283 = tpu.memref_slice %arg10[%dma_start3A_281, %dma_start3A_282] : memref<10000x128xf32, #tpu.memory_space<vmem_shared>> -> memref<10000x128xf32, #tpu.memory_space<vmem_shared>>
    tpu.enqueue_indirect_dma source(%dma_start3A_277 : memref<80x128xf32, #tpu.memory_space<vmem>>) target(%dma_start3A_283 : memref<10000x128xf32, #tpu.memory_space<vmem_shared>>) offsets(%dma_start3A_280 : memref<80xi32, #tpu.memory_space<vmem>>) semaphore(%arg20 : memref<!tpu.dma_semaphore, #tpu.memory_space<semaphore_mem>>) {add = true}
    %add3A_284 = arith.constant 400 : i32
    %add3A_285 = arith.addi %mul3A_2, %add3A_284 : i32
    %dma_start3A_286 = arith.constant 1 : i32
    %dma_start3A_287 = arith.constant 0 : i32
    %dma_start3A_288 = tpu.memref_slice %arg5[%dma_start3A_286, %dma_start3A_287] : memref<4x80xi32, #tpu.memory_space<vmem>> -> memref<1x80xi32, #tpu.memory_space<vmem>>
    %dma_start3A_289 = tpu.memref_squeeze %dma_start3A_288 : memref<1x80xi32, #tpu.memory_space<vmem>> -> memref<80xi32, #tpu.memory_space<vmem>>
    %dma_start3A_290 = tpu.memref_slice %arg3[%add3A_285] : memref<640000xi32, #tpu.memory_space<hbm>> -> memref<80xi32, #tpu.memory_space<hbm>>
    %dma_start3A_291 = arith.constant 0 : i32
    %dma_start3A_292 = tpu.memref_slice %arg5[%dma_start3A_286, %dma_start3A_291] : memref<4x80xi32, #tpu.memory_space<vmem>> -> memref<1x80xi32, #tpu.memory_space<vmem>>
    %dma_start3A_293 = tpu.memref_squeeze %dma_start3A_292 : memref<1x80xi32, #tpu.memory_space<vmem>> -> memref<80xi32, #tpu.memory_space<vmem>>
    %dma_start3A_294 = tpu.memref_slice %arg3[%add3A_285] : memref<640000xi32, #tpu.memory_space<hbm>> -> memref<80xi32, #tpu.memory_space<hbm>>
    tpu.enqueue_dma source(%dma_start3A_294 : memref<80xi32, #tpu.memory_space<hbm>>) target(%dma_start3A_293 : memref<80xi32, #tpu.memory_space<vmem>>) target_semaphore(%arg12 : memref<!tpu.dma_semaphore, #tpu.memory_space<semaphore_mem>>)
    %add3A_295 = arith.constant 320000 : i32
    %add3A_296 = arith.addi %add3A_295, %add3A_285 : i32
    %dma_start3A_297 = arith.constant 1 : i32
    %dma_start3A_298 = arith.constant 0 : i32
    %dma_start3A_299 = tpu.memref_slice %arg6[%dma_start3A_297, %dma_start3A_298] : memref<4x80xi32, #tpu.memory_space<vmem>> -> memref<1x80xi32, #tpu.memory_space<vmem>>
    %dma_start3A_300 = tpu.memref_squeeze %dma_start3A_299 : memref<1x80xi32, #tpu.memory_space<vmem>> -> memref<80xi32, #tpu.memory_space<vmem>>
    %dma_start3A_301 = tpu.memref_slice %arg3[%add3A_296] : memref<640000xi32, #tpu.memory_space<hbm>> -> memref<80xi32, #tpu.memory_space<hbm>>
    %dma_start3A_302 = arith.constant 0 : i32
    %dma_start3A_303 = tpu.memref_slice %arg6[%dma_start3A_297, %dma_start3A_302] : memref<4x80xi32, #tpu.memory_space<vmem>> -> memref<1x80xi32, #tpu.memory_space<vmem>>
    %dma_start3A_304 = tpu.memref_squeeze %dma_start3A_303 : memref<1x80xi32, #tpu.memory_space<vmem>> -> memref<80xi32, #tpu.memory_space<vmem>>
    %dma_start3A_305 = tpu.memref_slice %arg3[%add3A_296] : memref<640000xi32, #tpu.memory_space<hbm>> -> memref<80xi32, #tpu.memory_space<hbm>>
    tpu.enqueue_dma source(%dma_start3A_305 : memref<80xi32, #tpu.memory_space<hbm>>) target(%dma_start3A_304 : memref<80xi32, #tpu.memory_space<vmem>>) target_semaphore(%arg12 : memref<!tpu.dma_semaphore, #tpu.memory_space<semaphore_mem>>)
    %dma_wait3A_306 = arith.constant 3 : i32
    %dma_wait3A_307 = arith.constant 0 : i32
    %dma_wait3A_308 = tpu.memref_slice %arg5[%dma_wait3A_306, %dma_wait3A_307] : memref<4x80xi32, #tpu.memory_space<vmem>> -> memref<1x80xi32, #tpu.memory_space<vmem>>
    %dma_wait3A_309 = tpu.memref_squeeze %dma_wait3A_308 : memref<1x80xi32, #tpu.memory_space<vmem>> -> memref<80xi32, #tpu.memory_space<vmem>>
    %dma_wait3A_310 = arith.constant 0 : i32
    %dma_wait3A_311 = tpu.memref_slice %arg3[%dma_wait3A_310] : memref<640000xi32, #tpu.memory_space<hbm>> -> memref<80xi32, #tpu.memory_space<hbm>>
    %dma_wait3A_312 = arith.constant 0 : i32
    %dma_wait3A_313 = tpu.memref_slice %arg5[%dma_wait3A_306, %dma_wait3A_312] : memref<4x80xi32, #tpu.memory_space<vmem>> -> memref<1x80xi32, #tpu.memory_space<vmem>>
    %dma_wait3A_314 = tpu.memref_squeeze %dma_wait3A_313 : memref<1x80xi32, #tpu.memory_space<vmem>> -> memref<80xi32, #tpu.memory_space<vmem>>
    %dma_wait3A_315 = arith.constant 0 : i32
    %dma_wait3A_316 = tpu.memref_slice %arg3[%dma_wait3A_315] : memref<640000xi32, #tpu.memory_space<hbm>> -> memref<80xi32, #tpu.memory_space<hbm>>
    tpu.wait_dma2 semaphore(%arg14 : memref<!tpu.dma_semaphore, #tpu.memory_space<semaphore_mem>>) src(%dma_wait3A_316 : memref<80xi32, #tpu.memory_space<hbm>>) dst(%dma_wait3A_314 : memref<80xi32, #tpu.memory_space<vmem>>)
    %dma_wait3A_317 = arith.constant 3 : i32
    %dma_wait3A_318 = arith.constant 0 : i32
    %dma_wait3A_319 = tpu.memref_slice %arg6[%dma_wait3A_317, %dma_wait3A_318] : memref<4x80xi32, #tpu.memory_space<vmem>> -> memref<1x80xi32, #tpu.memory_space<vmem>>
    %dma_wait3A_320 = tpu.memref_squeeze %dma_wait3A_319 : memref<1x80xi32, #tpu.memory_space<vmem>> -> memref<80xi32, #tpu.memory_space<vmem>>
    %dma_wait3A_321 = arith.constant 0 : i32
    %dma_wait3A_322 = tpu.memref_slice %arg3[%dma_wait3A_321] : memref<640000xi32, #tpu.memory_space<hbm>> -> memref<80xi32, #tpu.memory_space<hbm>>
    %dma_wait3A_323 = arith.constant 0 : i32
    %dma_wait3A_324 = tpu.memref_slice %arg6[%dma_wait3A_317, %dma_wait3A_323] : memref<4x80xi32, #tpu.memory_space<vmem>> -> memref<1x80xi32, #tpu.memory_space<vmem>>
    %dma_wait3A_325 = tpu.memref_squeeze %dma_wait3A_324 : memref<1x80xi32, #tpu.memory_space<vmem>> -> memref<80xi32, #tpu.memory_space<vmem>>
    %dma_wait3A_326 = arith.constant 0 : i32
    %dma_wait3A_327 = tpu.memref_slice %arg3[%dma_wait3A_326] : memref<640000xi32, #tpu.memory_space<hbm>> -> memref<80xi32, #tpu.memory_space<hbm>>
    tpu.wait_dma2 semaphore(%arg14 : memref<!tpu.dma_semaphore, #tpu.memory_space<semaphore_mem>>) src(%dma_wait3A_327 : memref<80xi32, #tpu.memory_space<hbm>>) dst(%dma_wait3A_325 : memref<80xi32, #tpu.memory_space<vmem>>)
    %dma_start3A_328 = arith.constant 3 : i32
    %dma_start3A_329 = arith.constant 3 : i32
    %dma_start3A_330 = arith.constant 0 : i32
    %dma_start3A_331 = arith.constant 0 : i32
    %dma_start3A_332 = tpu.memref_slice %arg8[%dma_start3A_329, %dma_start3A_330, %dma_start3A_331] : memref<4x80x128xf32, #tpu.memory_space<vmem>> -> memref<1x80x128xf32, #tpu.memory_space<vmem>>
    %dma_start3A_333 = tpu.memref_squeeze %dma_start3A_332 : memref<1x80x128xf32, #tpu.memory_space<vmem>> -> memref<80x128xf32, #tpu.memory_space<vmem>>
    %dma_start3A_334 = arith.constant 0 : i32
    %dma_start3A_335 = tpu.memref_slice %arg5[%dma_start3A_328, %dma_start3A_334] : memref<4x80xi32, #tpu.memory_space<vmem>> -> memref<1x80xi32, #tpu.memory_space<vmem>>
    %dma_start3A_336 = tpu.memref_squeeze %dma_start3A_335 : memref<1x80xi32, #tpu.memory_space<vmem>> -> memref<80xi32, #tpu.memory_space<vmem>>
    %dma_start3A_337 = arith.constant 0 : i32
    %dma_start3A_338 = arith.constant 0 : i32
    %dma_start3A_339 = tpu.memref_slice %arg2[%dma_start3A_337, %dma_start3A_338] : memref<10000x128xf32, #tpu.memory_space<hbm>> -> memref<10000x128xf32, #tpu.memory_space<hbm>>
    tpu.enqueue_indirect_dma source(%dma_start3A_339 : memref<10000x128xf32, #tpu.memory_space<hbm>>) target(%dma_start3A_333 : memref<80x128xf32, #tpu.memory_space<vmem>>) offsets(%dma_start3A_336 : memref<80xi32, #tpu.memory_space<vmem>>) semaphore(%arg18 : memref<!tpu.dma_semaphore, #tpu.memory_space<semaphore_mem>>)
    %dma_wait3A_340 = arith.constant 2 : i32
    %dma_wait3A_341 = arith.constant 2 : i32
    %dma_wait3A_342 = arith.constant 0 : i32
    %dma_wait3A_343 = arith.constant 0 : i32
    %dma_wait3A_344 = tpu.memref_slice %arg8[%dma_wait3A_341, %dma_wait3A_342, %dma_wait3A_343] : memref<4x80x128xf32, #tpu.memory_space<vmem>> -> memref<1x80x128xf32, #tpu.memory_space<vmem>>
    %dma_wait3A_345 = tpu.memref_squeeze %dma_wait3A_344 : memref<1x80x128xf32, #tpu.memory_space<vmem>> -> memref<80x128xf32, #tpu.memory_space<vmem>>
    %dma_wait3A_346 = arith.constant 0 : i32
    %dma_wait3A_347 = tpu.memref_slice %arg5[%dma_wait3A_340, %dma_wait3A_346] : memref<4x80xi32, #tpu.memory_space<vmem>> -> memref<1x80xi32, #tpu.memory_space<vmem>>
    %dma_wait3A_348 = tpu.memref_squeeze %dma_wait3A_347 : memref<1x80xi32, #tpu.memory_space<vmem>> -> memref<80xi32, #tpu.memory_space<vmem>>
    %dma_wait3A_349 = arith.constant 0 : i32
    %dma_wait3A_350 = arith.constant 0 : i32
    %dma_wait3A_351 = tpu.memref_slice %arg2[%dma_wait3A_349, %dma_wait3A_350] : memref<10000x128xf32, #tpu.memory_space<hbm>> -> memref<10000x128xf32, #tpu.memory_space<hbm>>
    tpu.wait_indirect_dma semaphore(%arg17 : memref<!tpu.dma_semaphore, #tpu.memory_space<semaphore_mem>>) src(%dma_wait3A_351 : memref<10000x128xf32, #tpu.memory_space<hbm>>) dst(%dma_wait3A_345 : memref<80x128xf32, #tpu.memory_space<vmem>>)
    %scan3A_352 = arith.constant 0 : i32
    %scan3A_353 = arith.constant 0 : i32
    %scan3A_354 = arith.constant 5 : i32
    %scan3A_355 = arith.addi %scan3A_353, %scan3A_354 : i32
    %scan3A_356 = arith.constant 1 : i32
    scf.for %scan3A_911 = %scan3A_353 to %scan3A_355 step %scan3A_356  : i32 {
      %mul3A_912 = arith.constant 16 : i32
      %mul3A_913 = arith.muli %scan3A_911, %mul3A_912 : i32
      %get3A = arith.constant 2 : i32
      %get3A_914 = arith.index_cast %get3A : i32 to index
      %get3A_915 = arith.index_cast %mul3A_913 : i32 to index
      %get3A_916 = tpu.vector_load %arg6[%get3A_914, %get3A_915] {strides = array<i32>} : memref<4x80xi32, #tpu.memory_space<vmem>>, vector<1x16xi32>,
      %get3A_917 = vector.shape_cast %get3A_916 : vector<1x16xi32> to vector<16xi32>
      %mul3A_918 = arith.constant 16 : i32
      %mul3A_919 = arith.muli %scan3A_911, %mul3A_918 : i32
      %swap3A = arith.constant 2 : i32
      %swap3A_920 = arith.index_cast %swap3A : i32 to index
      %swap3A_921 = arith.index_cast %mul3A_919 : i32 to index
      %swap3A_922 = tpu.vector_load %arg7[%swap3A_920, %swap3A_921] {strides = array<i32>} : memref<4x80xi32, #tpu.memory_space<vmem>>, vector<1x16xi32>,
      %swap3A_923 = vector.shape_cast %swap3A_922 : vector<1x16xi32> to vector<16xi32>
      %swap3A_924 = vector.shape_cast %get3A_917 : vector<16xi32> to vector<1x16xi32>
      tpu.vector_store %arg7[%swap3A_920, %swap3A_921], %swap3A_924 {strides = array<i32>} : memref<4x80xi32, #tpu.memory_space<vmem>>, vector<1x16xi32>,
    }
    %scan3A_357 = arith.constant 5 : i32
    %dma_start3A_358 = arith.constant 2 : i32
    %dma_start3A_359 = arith.constant 2 : i32
    %dma_start3A_360 = arith.constant 0 : i32
    %dma_start3A_361 = arith.constant 0 : i32
    %dma_start3A_362 = tpu.memref_slice %arg8[%dma_start3A_358, %dma_start3A_360, %dma_start3A_361] : memref<4x80x128xf32, #tpu.memory_space<vmem>> -> memref<1x80x128xf32, #tpu.memory_space<vmem>>
    %dma_start3A_363 = tpu.memref_squeeze %dma_start3A_362 : memref<1x80x128xf32, #tpu.memory_space<vmem>> -> memref<80x128xf32, #tpu.memory_space<vmem>>
    %dma_start3A_364 = arith.constant 0 : i32
    %dma_start3A_365 = tpu.memref_slice %arg7[%dma_start3A_359, %dma_start3A_364] : memref<4x80xi32, #tpu.memory_space<vmem>> -> memref<1x80xi32, #tpu.memory_space<vmem>>
    %dma_start3A_366 = tpu.memref_squeeze %dma_start3A_365 : memref<1x80xi32, #tpu.memory_space<vmem>> -> memref<80xi32, #tpu.memory_space<vmem>>
    %dma_start3A_367 = arith.constant 0 : i32
    %dma_start3A_368 = arith.constant 0 : i32
    %dma_start3A_369 = tpu.memref_slice %arg10[%dma_start3A_367, %dma_start3A_368] : memref<10000x128xf32, #tpu.memory_space<vmem_shared>> -> memref<10000x128xf32, #tpu.memory_space<vmem_shared>>
    tpu.enqueue_indirect_dma source(%dma_start3A_363 : memref<80x128xf32, #tpu.memory_space<vmem>>) target(%dma_start3A_369 : memref<10000x128xf32, #tpu.memory_space<vmem_shared>>) offsets(%dma_start3A_366 : memref<80xi32, #tpu.memory_space<vmem>>) semaphore(%arg21 : memref<!tpu.dma_semaphore, #tpu.memory_space<semaphore_mem>>) {add = true}
    %dma_wait3A_370 = arith.constant 0 : i32
    %dma_wait3A_371 = arith.constant 0 : i32
    %dma_wait3A_372 = arith.constant 0 : i32
    %dma_wait3A_373 = arith.constant 0 : i32
    %dma_wait3A_374 = tpu.memref_slice %arg8[%dma_wait3A_370, %dma_wait3A_372, %dma_wait3A_373] : memref<4x80x128xf32, #tpu.memory_space<vmem>> -> memref<1x80x128xf32, #tpu.memory_space<vmem>>
    %dma_wait3A_375 = tpu.memref_squeeze %dma_wait3A_374 : memref<1x80x128xf32, #tpu.memory_space<vmem>> -> memref<80x128xf32, #tpu.memory_space<vmem>>
    %dma_wait3A_376 = arith.constant 0 : i32
    %dma_wait3A_377 = tpu.memref_slice %arg7[%dma_wait3A_371, %dma_wait3A_376] : memref<4x80xi32, #tpu.memory_space<vmem>> -> memref<1x80xi32, #tpu.memory_space<vmem>>
    %dma_wait3A_378 = tpu.memref_squeeze %dma_wait3A_377 : memref<1x80xi32, #tpu.memory_space<vmem>> -> memref<80xi32, #tpu.memory_space<vmem>>
    %dma_wait3A_379 = arith.constant 0 : i32
    %dma_wait3A_380 = arith.constant 0 : i32
    %dma_wait3A_381 = tpu.memref_slice %arg10[%dma_wait3A_379, %dma_wait3A_380] : memref<10000x128xf32, #tpu.memory_space<vmem_shared>> -> memref<10000x128xf32, #tpu.memory_space<vmem_shared>>
    tpu.wait_indirect_dma semaphore(%arg19 : memref<!tpu.dma_semaphore, #tpu.memory_space<semaphore_mem>>) src(%dma_wait3A_375 : memref<80x128xf32, #tpu.memory_space<vmem>>) dst(%dma_wait3A_381 : memref<10000x128xf32, #tpu.memory_space<vmem_shared>>)
    %add3A_382 = arith.constant 480 : i32
    %add3A_383 = arith.addi %mul3A_2, %add3A_382 : i32
    %dma_start3A_384 = arith.constant 2 : i32
    %dma_start3A_385 = arith.constant 0 : i32
    %dma_start3A_386 = tpu.memref_slice %arg5[%dma_start3A_384, %dma_start3A_385] : memref<4x80xi32, #tpu.memory_space<vmem>> -> memref<1x80xi32, #tpu.memory_space<vmem>>
    %dma_start3A_387 = tpu.memref_squeeze %dma_start3A_386 : memref<1x80xi32, #tpu.memory_space<vmem>> -> memref<80xi32, #tpu.memory_space<vmem>>
    %dma_start3A_388 = tpu.memref_slice %arg3[%add3A_383] : memref<640000xi32, #tpu.memory_space<hbm>> -> memref<80xi32, #tpu.memory_space<hbm>>
    %dma_start3A_389 = arith.constant 0 : i32
    %dma_start3A_390 = tpu.memref_slice %arg5[%dma_start3A_384, %dma_start3A_389] : memref<4x80xi32, #tpu.memory_space<vmem>> -> memref<1x80xi32, #tpu.memory_space<vmem>>
    %dma_start3A_391 = tpu.memref_squeeze %dma_start3A_390 : memref<1x80xi32, #tpu.memory_space<vmem>> -> memref<80xi32, #tpu.memory_space<vmem>>
    %dma_start3A_392 = tpu.memref_slice %arg3[%add3A_383] : memref<640000xi32, #tpu.memory_space<hbm>> -> memref<80xi32, #tpu.memory_space<hbm>>
    tpu.enqueue_dma source(%dma_start3A_392 : memref<80xi32, #tpu.memory_space<hbm>>) target(%dma_start3A_391 : memref<80xi32, #tpu.memory_space<vmem>>) target_semaphore(%arg13 : memref<!tpu.dma_semaphore, #tpu.memory_space<semaphore_mem>>)
    %add3A_393 = arith.constant 320000 : i32
    %add3A_394 = arith.addi %add3A_393, %add3A_383 : i32
    %dma_start3A_395 = arith.constant 2 : i32
    %dma_start3A_396 = arith.constant 0 : i32
    %dma_start3A_397 = tpu.memref_slice %arg6[%dma_start3A_395, %dma_start3A_396] : memref<4x80xi32, #tpu.memory_space<vmem>> -> memref<1x80xi32, #tpu.memory_space<vmem>>
    %dma_start3A_398 = tpu.memref_squeeze %dma_start3A_397 : memref<1x80xi32, #tpu.memory_space<vmem>> -> memref<80xi32, #tpu.memory_space<vmem>>
    %dma_start3A_399 = tpu.memref_slice %arg3[%add3A_394] : memref<640000xi32, #tpu.memory_space<hbm>> -> memref<80xi32, #tpu.memory_space<hbm>>
    %dma_start3A_400 = arith.constant 0 : i32
    %dma_start3A_401 = tpu.memref_slice %arg6[%dma_start3A_395, %dma_start3A_400] : memref<4x80xi32, #tpu.memory_space<vmem>> -> memref<1x80xi32, #tpu.memory_space<vmem>>
    %dma_start3A_402 = tpu.memref_squeeze %dma_start3A_401 : memref<1x80xi32, #tpu.memory_space<vmem>> -> memref<80xi32, #tpu.memory_space<vmem>>
    %dma_start3A_403 = tpu.memref_slice %arg3[%add3A_394] : memref<640000xi32, #tpu.memory_space<hbm>> -> memref<80xi32, #tpu.memory_space<hbm>>
    tpu.enqueue_dma source(%dma_start3A_403 : memref<80xi32, #tpu.memory_space<hbm>>) target(%dma_start3A_402 : memref<80xi32, #tpu.memory_space<vmem>>) target_semaphore(%arg13 : memref<!tpu.dma_semaphore, #tpu.memory_space<semaphore_mem>>)
    %dma_wait3A_404 = arith.constant 0 : i32
    %dma_wait3A_405 = arith.constant 0 : i32
    %dma_wait3A_406 = tpu.memref_slice %arg5[%dma_wait3A_404, %dma_wait3A_405] : memref<4x80xi32, #tpu.memory_space<vmem>> -> memref<1x80xi32, #tpu.memory_space<vmem>>
    %dma_wait3A_407 = tpu.memref_squeeze %dma_wait3A_406 : memref<1x80xi32, #tpu.memory_space<vmem>> -> memref<80xi32, #tpu.memory_space<vmem>>
    %dma_wait3A_408 = arith.constant 0 : i32
    %dma_wait3A_409 = tpu.memref_slice %arg3[%dma_wait3A_408] : memref<640000xi32, #tpu.memory_space<hbm>> -> memref<80xi32, #tpu.memory_space<hbm>>
    %dma_wait3A_410 = arith.constant 0 : i32
    %dma_wait3A_411 = tpu.memref_slice %arg5[%dma_wait3A_404, %dma_wait3A_410] : memref<4x80xi32, #tpu.memory_space<vmem>> -> memref<1x80xi32, #tpu.memory_space<vmem>>
    %dma_wait3A_412 = tpu.memref_squeeze %dma_wait3A_411 : memref<1x80xi32, #tpu.memory_space<vmem>> -> memref<80xi32, #tpu.memory_space<vmem>>
    %dma_wait3A_413 = arith.constant 0 : i32
    %dma_wait3A_414 = tpu.memref_slice %arg3[%dma_wait3A_413] : memref<640000xi32, #tpu.memory_space<hbm>> -> memref<80xi32, #tpu.memory_space<hbm>>
    tpu.wait_dma2 semaphore(%arg11 : memref<!tpu.dma_semaphore, #tpu.memory_space<semaphore_mem>>) src(%dma_wait3A_414 : memref<80xi32, #tpu.memory_space<hbm>>) dst(%dma_wait3A_412 : memref<80xi32, #tpu.memory_space<vmem>>)
    %dma_wait3A_415 = arith.constant 0 : i32
    %dma_wait3A_416 = arith.constant 0 : i32
    %dma_wait3A_417 = tpu.memref_slice %arg6[%dma_wait3A_415, %dma_wait3A_416] : memref<4x80xi32, #tpu.memory_space<vmem>> -> memref<1x80xi32, #tpu.memory_space<vmem>>
    %dma_wait3A_418 = tpu.memref_squeeze %dma_wait3A_417 : memref<1x80xi32, #tpu.memory_space<vmem>> -> memref<80xi32, #tpu.memory_space<vmem>>
    %dma_wait3A_419 = arith.constant 0 : i32
    %dma_wait3A_420 = tpu.memref_slice %arg3[%dma_wait3A_419] : memref<640000xi32, #tpu.memory_space<hbm>> -> memref<80xi32, #tpu.memory_space<hbm>>
    %dma_wait3A_421 = arith.constant 0 : i32
    %dma_wait3A_422 = tpu.memref_slice %arg6[%dma_wait3A_415, %dma_wait3A_421] : memref<4x80xi32, #tpu.memory_space<vmem>> -> memref<1x80xi32, #tpu.memory_space<vmem>>
    %dma_wait3A_423 = tpu.memref_squeeze %dma_wait3A_422 : memref<1x80xi32, #tpu.memory_space<vmem>> -> memref<80xi32, #tpu.memory_space<vmem>>
    %dma_wait3A_424 = arith.constant 0 : i32
    %dma_wait3A_425 = tpu.memref_slice %arg3[%dma_wait3A_424] : memref<640000xi32, #tpu.memory_space<hbm>> -> memref<80xi32, #tpu.memory_space<hbm>>
    tpu.wait_dma2 semaphore(%arg11 : memref<!tpu.dma_semaphore, #tpu.memory_space<semaphore_mem>>) src(%dma_wait3A_425 : memref<80xi32, #tpu.memory_space<hbm>>) dst(%dma_wait3A_423 : memref<80xi32, #tpu.memory_space<vmem>>)
    %dma_start3A_426 = arith.constant 0 : i32
    %dma_start3A_427 = arith.constant 0 : i32
    %dma_start3A_428 = arith.constant 0 : i32
    %dma_start3A_429 = arith.constant 0 : i32
    %dma_start3A_430 = tpu.memref_slice %arg8[%dma_start3A_427, %dma_start3A_428, %dma_start3A_429] : memref<4x80x128xf32, #tpu.memory_space<vmem>> -> memref<1x80x128xf32, #tpu.memory_space<vmem>>
    %dma_start3A_431 = tpu.memref_squeeze %dma_start3A_430 : memref<1x80x128xf32, #tpu.memory_space<vmem>> -> memref<80x128xf32, #tpu.memory_space<vmem>>
    %dma_start3A_432 = arith.constant 0 : i32
    %dma_start3A_433 = tpu.memref_slice %arg5[%dma_start3A_426, %dma_start3A_432] : memref<4x80xi32, #tpu.memory_space<vmem>> -> memref<1x80xi32, #tpu.memory_space<vmem>>
    %dma_start3A_434 = tpu.memref_squeeze %dma_start3A_433 : memref<1x80xi32, #tpu.memory_space<vmem>> -> memref<80xi32, #tpu.memory_space<vmem>>
    %dma_start3A_435 = arith.constant 0 : i32
    %dma_start3A_436 = arith.constant 0 : i32
    %dma_start3A_437 = tpu.memref_slice %arg2[%dma_start3A_435, %dma_start3A_436] : memref<10000x128xf32, #tpu.memory_space<hbm>> -> memref<10000x128xf32, #tpu.memory_space<hbm>>
    tpu.enqueue_indirect_dma source(%dma_start3A_437 : memref<10000x128xf32, #tpu.memory_space<hbm>>) target(%dma_start3A_431 : memref<80x128xf32, #tpu.memory_space<vmem>>) offsets(%dma_start3A_434 : memref<80xi32, #tpu.memory_space<vmem>>) semaphore(%arg15 : memref<!tpu.dma_semaphore, #tpu.memory_space<semaphore_mem>>)
    %dma_wait3A_438 = arith.constant 3 : i32
    %dma_wait3A_439 = arith.constant 3 : i32
    %dma_wait3A_440 = arith.constant 0 : i32
    %dma_wait3A_441 = arith.constant 0 : i32
    %dma_wait3A_442 = tpu.memref_slice %arg8[%dma_wait3A_439, %dma_wait3A_440, %dma_wait3A_441] : memref<4x80x128xf32, #tpu.memory_space<vmem>> -> memref<1x80x128xf32, #tpu.memory_space<vmem>>
    %dma_wait3A_443 = tpu.memref_squeeze %dma_wait3A_442 : memref<1x80x128xf32, #tpu.memory_space<vmem>> -> memref<80x128xf32, #tpu.memory_space<vmem>>
    %dma_wait3A_444 = arith.constant 0 : i32
    %dma_wait3A_445 = tpu.memref_slice %arg5[%dma_wait3A_438, %dma_wait3A_444] : memref<4x80xi32, #tpu.memory_space<vmem>> -> memref<1x80xi32, #tpu.memory_space<vmem>>
    %dma_wait3A_446 = tpu.memref_squeeze %dma_wait3A_445 : memref<1x80xi32, #tpu.memory_space<vmem>> -> memref<80xi32, #tpu.memory_space<vmem>>
    %dma_wait3A_447 = arith.constant 0 : i32
    %dma_wait3A_448 = arith.constant 0 : i32
    %dma_wait3A_449 = tpu.memref_slice %arg2[%dma_wait3A_447, %dma_wait3A_448] : memref<10000x128xf32, #tpu.memory_space<hbm>> -> memref<10000x128xf32, #tpu.memory_space<hbm>>
    tpu.wait_indirect_dma semaphore(%arg18 : memref<!tpu.dma_semaphore, #tpu.memory_space<semaphore_mem>>) src(%dma_wait3A_449 : memref<10000x128xf32, #tpu.memory_space<hbm>>) dst(%dma_wait3A_443 : memref<80x128xf32, #tpu.memory_space<vmem>>)
    %scan3A_450 = arith.constant 0 : i32
    %scan3A_451 = arith.constant 0 : i32
    %scan3A_452 = arith.constant 5 : i32
    %scan3A_453 = arith.addi %scan3A_451, %scan3A_452 : i32
    %scan3A_454 = arith.constant 1 : i32
    scf.for %scan3A_911 = %scan3A_451 to %scan3A_453 step %scan3A_454  : i32 {
      %mul3A_912 = arith.constant 16 : i32
      %mul3A_913 = arith.muli %scan3A_911, %mul3A_912 : i32
      %get3A = arith.constant 3 : i32
      %get3A_914 = arith.index_cast %get3A : i32 to index
      %get3A_915 = arith.index_cast %mul3A_913 : i32 to index
      %get3A_916 = tpu.vector_load %arg6[%get3A_914, %get3A_915] {strides = array<i32>} : memref<4x80xi32, #tpu.memory_space<vmem>>, vector<1x16xi32>,
      %get3A_917 = vector.shape_cast %get3A_916 : vector<1x16xi32> to vector<16xi32>
      %mul3A_918 = arith.constant 16 : i32
      %mul3A_919 = arith.muli %scan3A_911, %mul3A_918 : i32
      %swap3A = arith.constant 3 : i32
      %swap3A_920 = arith.index_cast %swap3A : i32 to index
      %swap3A_921 = arith.index_cast %mul3A_919 : i32 to index
      %swap3A_922 = tpu.vector_load %arg7[%swap3A_920, %swap3A_921] {strides = array<i32>} : memref<4x80xi32, #tpu.memory_space<vmem>>, vector<1x16xi32>,
      %swap3A_923 = vector.shape_cast %swap3A_922 : vector<1x16xi32> to vector<16xi32>
      %swap3A_924 = vector.shape_cast %get3A_917 : vector<16xi32> to vector<1x16xi32>
      tpu.vector_store %arg7[%swap3A_920, %swap3A_921], %swap3A_924 {strides = array<i32>} : memref<4x80xi32, #tpu.memory_space<vmem>>, vector<1x16xi32>,
    }
    %scan3A_455 = arith.constant 5 : i32
    %dma_start3A_456 = arith.constant 3 : i32
    %dma_start3A_457 = arith.constant 3 : i32
    %dma_start3A_458 = arith.constant 0 : i32
    %dma_start3A_459 = arith.constant 0 : i32
    %dma_start3A_460 = tpu.memref_slice %arg8[%dma_start3A_456, %dma_start3A_458, %dma_start3A_459] : memref<4x80x128xf32, #tpu.memory_space<vmem>> -> memref<1x80x128xf32, #tpu.memory_space<vmem>>
    %dma_start3A_461 = tpu.memref_squeeze %dma_start3A_460 : memref<1x80x128xf32, #tpu.memory_space<vmem>> -> memref<80x128xf32, #tpu.memory_space<vmem>>
    %dma_start3A_462 = arith.constant 0 : i32
    %dma_start3A_463 = tpu.memref_slice %arg7[%dma_start3A_457, %dma_start3A_462] : memref<4x80xi32, #tpu.memory_space<vmem>> -> memref<1x80xi32, #tpu.memory_space<vmem>>
    %dma_start3A_464 = tpu.memref_squeeze %dma_start3A_463 : memref<1x80xi32, #tpu.memory_space<vmem>> -> memref<80xi32, #tpu.memory_space<vmem>>
    %dma_start3A_465 = arith.constant 0 : i32
    %dma_start3A_466 = arith.constant 0 : i32
    %dma_start3A_467 = tpu.memref_slice %arg10[%dma_start3A_465, %dma_start3A_466] : memref<10000x128xf32, #tpu.memory_space<vmem_shared>> -> memref<10000x128xf32, #tpu.memory_space<vmem_shared>>
    tpu.enqueue_indirect_dma source(%dma_start3A_461 : memref<80x128xf32, #tpu.memory_space<vmem>>) target(%dma_start3A_467 : memref<10000x128xf32, #tpu.memory_space<vmem_shared>>) offsets(%dma_start3A_464 : memref<80xi32, #tpu.memory_space<vmem>>) semaphore(%arg22 : memref<!tpu.dma_semaphore, #tpu.memory_space<semaphore_mem>>) {add = true}
    %dma_wait3A_468 = arith.constant 1 : i32
    %dma_wait3A_469 = arith.constant 1 : i32
    %dma_wait3A_470 = arith.constant 0 : i32
    %dma_wait3A_471 = arith.constant 0 : i32
    %dma_wait3A_472 = tpu.memref_slice %arg8[%dma_wait3A_468, %dma_wait3A_470, %dma_wait3A_471] : memref<4x80x128xf32, #tpu.memory_space<vmem>> -> memref<1x80x128xf32, #tpu.memory_space<vmem>>
    %dma_wait3A_473 = tpu.memref_squeeze %dma_wait3A_472 : memref<1x80x128xf32, #tpu.memory_space<vmem>> -> memref<80x128xf32, #tpu.memory_space<vmem>>
    %dma_wait3A_474 = arith.constant 0 : i32
    %dma_wait3A_475 = tpu.memref_slice %arg7[%dma_wait3A_469, %dma_wait3A_474] : memref<4x80xi32, #tpu.memory_space<vmem>> -> memref<1x80xi32, #tpu.memory_space<vmem>>
    %dma_wait3A_476 = tpu.memref_squeeze %dma_wait3A_475 : memref<1x80xi32, #tpu.memory_space<vmem>> -> memref<80xi32, #tpu.memory_space<vmem>>
    %dma_wait3A_477 = arith.constant 0 : i32
    %dma_wait3A_478 = arith.constant 0 : i32
    %dma_wait3A_479 = tpu.memref_slice %arg10[%dma_wait3A_477, %dma_wait3A_478] : memref<10000x128xf32, #tpu.memory_space<vmem_shared>> -> memref<10000x128xf32, #tpu.memory_space<vmem_shared>>
    tpu.wait_indirect_dma semaphore(%arg20 : memref<!tpu.dma_semaphore, #tpu.memory_space<semaphore_mem>>) src(%dma_wait3A_473 : memref<80x128xf32, #tpu.memory_space<vmem>>) dst(%dma_wait3A_479 : memref<10000x128xf32, #tpu.memory_space<vmem_shared>>)
    %add3A_480 = arith.constant 560 : i32
    %add3A_481 = arith.addi %mul3A_2, %add3A_480 : i32
    %dma_start3A_482 = arith.constant 3 : i32
    %dma_start3A_483 = arith.constant 0 : i32
    %dma_start3A_484 = tpu.memref_slice %arg5[%dma_start3A_482, %dma_start3A_483] : memref<4x80xi32, #tpu.memory_space<vmem>> -> memref<1x80xi32, #tpu.memory_space<vmem>>
    %dma_start3A_485 = tpu.memref_squeeze %dma_start3A_484 : memref<1x80xi32, #tpu.memory_space<vmem>> -> memref<80xi32, #tpu.memory_space<vmem>>
    %dma_start3A_486 = tpu.memref_slice %arg3[%add3A_481] : memref<640000xi32, #tpu.memory_space<hbm>> -> memref<80xi32, #tpu.memory_space<hbm>>
    %dma_start3A_487 = arith.constant 0 : i32
    %dma_start3A_488 = tpu.memref_slice %arg5[%dma_start3A_482, %dma_start3A_487] : memref<4x80xi32, #tpu.memory_space<vmem>> -> memref<1x80xi32, #tpu.memory_space<vmem>>
    %dma_start3A_489 = tpu.memref_squeeze %dma_start3A_488 : memref<1x80xi32, #tpu.memory_space<vmem>> -> memref<80xi32, #tpu.memory_space<vmem>>
    %dma_start3A_490 = tpu.memref_slice %arg3[%add3A_481] : memref<640000xi32, #tpu.memory_space<hbm>> -> memref<80xi32, #tpu.memory_space<hbm>>
    tpu.enqueue_dma source(%dma_start3A_490 : memref<80xi32, #tpu.memory_space<hbm>>) target(%dma_start3A_489 : memref<80xi32, #tpu.memory_space<vmem>>) target_semaphore(%arg14 : memref<!tpu.dma_semaphore, #tpu.memory_space<semaphore_mem>>)
    %add3A_491 = arith.constant 320000 : i32
    %add3A_492 = arith.addi %add3A_491, %add3A_481 : i32
    %dma_start3A_493 = arith.constant 3 : i32
    %dma_start3A_494 = arith.constant 0 : i32
    %dma_start3A_495 = tpu.memref_slice %arg6[%dma_start3A_493, %dma_start3A_494] : memref<4x80xi32, #tpu.memory_space<vmem>> -> memref<1x80xi32, #tpu.memory_space<vmem>>
    %dma_start3A_496 = tpu.memref_squeeze %dma_start3A_495 : memref<1x80xi32, #tpu.memory_space<vmem>> -> memref<80xi32, #tpu.memory_space<vmem>>
    %dma_start3A_497 = tpu.memref_slice %arg3[%add3A_492] : memref<640000xi32, #tpu.memory_space<hbm>> -> memref<80xi32, #tpu.memory_space<hbm>>
    %dma_start3A_498 = arith.constant 0 : i32
    %dma_start3A_499 = tpu.memref_slice %arg6[%dma_start3A_493, %dma_start3A_498] : memref<4x80xi32, #tpu.memory_space<vmem>> -> memref<1x80xi32, #tpu.memory_space<vmem>>
    %dma_start3A_500 = tpu.memref_squeeze %dma_start3A_499 : memref<1x80xi32, #tpu.memory_space<vmem>> -> memref<80xi32, #tpu.memory_space<vmem>>
    %dma_start3A_501 = tpu.memref_slice %arg3[%add3A_492] : memref<640000xi32, #tpu.memory_space<hbm>> -> memref<80xi32, #tpu.memory_space<hbm>>
    tpu.enqueue_dma source(%dma_start3A_501 : memref<80xi32, #tpu.memory_space<hbm>>) target(%dma_start3A_500 : memref<80xi32, #tpu.memory_space<vmem>>) target_semaphore(%arg14 : memref<!tpu.dma_semaphore, #tpu.memory_space<semaphore_mem>>)
    %dma_wait3A_502 = arith.constant 1 : i32
    %dma_wait3A_503 = arith.constant 0 : i32
    %dma_wait3A_504 = tpu.memref_slice %arg5[%dma_wait3A_502, %dma_wait3A_503] : memref<4x80xi32, #tpu.memory_space<vmem>> -> memref<1x80xi32, #tpu.memory_space<vmem>>
    %dma_wait3A_505 = tpu.memref_squeeze %dma_wait3A_504 : memref<1x80xi32, #tpu.memory_space<vmem>> -> memref<80xi32, #tpu.memory_space<vmem>>
    %dma_wait3A_506 = arith.constant 0 : i32
    %dma_wait3A_507 = tpu.memref_slice %arg3[%dma_wait3A_506] : memref<640000xi32, #tpu.memory_space<hbm>> -> memref<80xi32, #tpu.memory_space<hbm>>
    %dma_wait3A_508 = arith.constant 0 : i32
    %dma_wait3A_509 = tpu.memref_slice %arg5[%dma_wait3A_502, %dma_wait3A_508] : memref<4x80xi32, #tpu.memory_space<vmem>> -> memref<1x80xi32, #tpu.memory_space<vmem>>
    %dma_wait3A_510 = tpu.memref_squeeze %dma_wait3A_509 : memref<1x80xi32, #tpu.memory_space<vmem>> -> memref<80xi32, #tpu.memory_space<vmem>>
    %dma_wait3A_511 = arith.constant 0 : i32
    %dma_wait3A_512 = tpu.memref_slice %arg3[%dma_wait3A_511] : memref<640000xi32, #tpu.memory_space<hbm>> -> memref<80xi32, #tpu.memory_space<hbm>>
    tpu.wait_dma2 semaphore(%arg12 : memref<!tpu.dma_semaphore, #tpu.memory_space<semaphore_mem>>) src(%dma_wait3A_512 : memref<80xi32, #tpu.memory_space<hbm>>) dst(%dma_wait3A_510 : memref<80xi32, #tpu.memory_space<vmem>>)
    %dma_wait3A_513 = arith.constant 1 : i32
    %dma_wait3A_514 = arith.constant 0 : i32
    %dma_wait3A_515 = tpu.memref_slice %arg6[%dma_wait3A_513, %dma_wait3A_514] : memref<4x80xi32, #tpu.memory_space<vmem>> -> memref<1x80xi32, #tpu.memory_space<vmem>>
    %dma_wait3A_516 = tpu.memref_squeeze %dma_wait3A_515 : memref<1x80xi32, #tpu.memory_space<vmem>> -> memref<80xi32, #tpu.memory_space<vmem>>
    %dma_wait3A_517 = arith.constant 0 : i32
    %dma_wait3A_518 = tpu.memref_slice %arg3[%dma_wait3A_517] : memref<640000xi32, #tpu.memory_space<hbm>> -> memref<80xi32, #tpu.memory_space<hbm>>
    %dma_wait3A_519 = arith.constant 0 : i32
    %dma_wait3A_520 = tpu.memref_slice %arg6[%dma_wait3A_513, %dma_wait3A_519] : memref<4x80xi32, #tpu.memory_space<vmem>> -> memref<1x80xi32, #tpu.memory_space<vmem>>
    %dma_wait3A_521 = tpu.memref_squeeze %dma_wait3A_520 : memref<1x80xi32, #tpu.memory_space<vmem>> -> memref<80xi32, #tpu.memory_space<vmem>>
    %dma_wait3A_522 = arith.constant 0 : i32
    %dma_wait3A_523 = tpu.memref_slice %arg3[%dma_wait3A_522] : memref<640000xi32, #tpu.memory_space<hbm>> -> memref<80xi32, #tpu.memory_space<hbm>>
    tpu.wait_dma2 semaphore(%arg12 : memref<!tpu.dma_semaphore, #tpu.memory_space<semaphore_mem>>) src(%dma_wait3A_523 : memref<80xi32, #tpu.memory_space<hbm>>) dst(%dma_wait3A_521 : memref<80xi32, #tpu.memory_space<vmem>>)
    %dma_start3A_524 = arith.constant 1 : i32
    %dma_start3A_525 = arith.constant 1 : i32
    %dma_start3A_526 = arith.constant 0 : i32
    %dma_start3A_527 = arith.constant 0 : i32
    %dma_start3A_528 = tpu.memref_slice %arg8[%dma_start3A_525, %dma_start3A_526, %dma_start3A_527] : memref<4x80x128xf32, #tpu.memory_space<vmem>> -> memref<1x80x128xf32, #tpu.memory_space<vmem>>
    %dma_start3A_529 = tpu.memref_squeeze %dma_start3A_528 : memref<1x80x128xf32, #tpu.memory_space<vmem>> -> memref<80x128xf32, #tpu.memory_space<vmem>>
    %dma_start3A_530 = arith.constant 0 : i32
    %dma_start3A_531 = tpu.memref_slice %arg5[%dma_start3A_524, %dma_start3A_530] : memref<4x80xi32, #tpu.memory_space<vmem>> -> memref<1x80xi32, #tpu.memory_space<vmem>>
    %dma_start3A_532 = tpu.memref_squeeze %dma_start3A_531 : memref<1x80xi32, #tpu.memory_space<vmem>> -> memref<80xi32, #tpu.memory_space<vmem>>
    %dma_start3A_533 = arith.constant 0 : i32
    %dma_start3A_534 = arith.constant 0 : i32
    %dma_start3A_535 = tpu.memref_slice %arg2[%dma_start3A_533, %dma_start3A_534] : memref<10000x128xf32, #tpu.memory_space<hbm>> -> memref<10000x128xf32, #tpu.memory_space<hbm>>
    tpu.enqueue_indirect_dma source(%dma_start3A_535 : memref<10000x128xf32, #tpu.memory_space<hbm>>) target(%dma_start3A_529 : memref<80x128xf32, #tpu.memory_space<vmem>>) offsets(%dma_start3A_532 : memref<80xi32, #tpu.memory_space<vmem>>) semaphore(%arg16 : memref<!tpu.dma_semaphore, #tpu.memory_space<semaphore_mem>>)
    %scan3A_536 = arith.constant 0 : i32
    %scan3A_537 = arith.constant 1 : i32
    %scan3A_538 = arith.constant 29 : i32
    %scan3A_539 = arith.addi %scan3A_537, %scan3A_538 : i32
    %scan3A_540 = arith.constant 1 : i32
    scf.for %scan3A_911 = %scan3A_537 to %scan3A_539 step %scan3A_540  : i32 {
      %mul3A_912 = arith.constant 4 : i32
      %mul3A_913 = arith.muli %mul3A_912, %scan3A_911 : i32
      %add3A_914 = arith.constant 0 : i32
      %add3A_915 = arith.addi %mul3A_913, %add3A_914 : i32
      %dma_wait3A_916 = arith.constant 0 : i32
      %dma_wait3A_917 = arith.constant 0 : i32
      %dma_wait3A_918 = arith.constant 0 : i32
      %dma_wait3A_919 = arith.constant 0 : i32
      %dma_wait3A_920 = tpu.memref_slice %arg8[%dma_wait3A_917, %dma_wait3A_918, %dma_wait3A_919] : memref<4x80x128xf32, #tpu.memory_space<vmem>> -> memref<1x80x128xf32, #tpu.memory_space<vmem>>
      %dma_wait3A_921 = tpu.memref_squeeze %dma_wait3A_920 : memref<1x80x128xf32, #tpu.memory_space<vmem>> -> memref<80x128xf32, #tpu.memory_space<vmem>>
      %dma_wait3A_922 = arith.constant 0 : i32
      %dma_wait3A_923 = tpu.memref_slice %arg5[%dma_wait3A_916, %dma_wait3A_922] : memref<4x80xi32, #tpu.memory_space<vmem>> -> memref<1x80xi32, #tpu.memory_space<vmem>>
      %dma_wait3A_924 = tpu.memref_squeeze %dma_wait3A_923 : memref<1x80xi32, #tpu.memory_space<vmem>> -> memref<80xi32, #tpu.memory_space<vmem>>
      %dma_wait3A_925 = arith.constant 0 : i32
      %dma_wait3A_926 = arith.constant 0 : i32
      %dma_wait3A_927 = tpu.memref_slice %arg2[%dma_wait3A_925, %dma_wait3A_926] : memref<10000x128xf32, #tpu.memory_space<hbm>> -> memref<10000x128xf32, #tpu.memory_space<hbm>>
      tpu.wait_indirect_dma semaphore(%arg15 : memref<!tpu.dma_semaphore, #tpu.memory_space<semaphore_mem>>) src(%dma_wait3A_927 : memref<10000x128xf32, #tpu.memory_space<hbm>>) dst(%dma_wait3A_921 : memref<80x128xf32, #tpu.memory_space<vmem>>)
      %scan3A_928 = arith.constant 0 : i32
      %scan3A_929 = arith.constant 0 : i32
      %scan3A_930 = arith.constant 5 : i32
      %scan3A_931 = arith.addi %scan3A_929, %scan3A_930 : i32
      %scan3A_932 = arith.constant 1 : i32
      scf.for %scan3A_1332 = %scan3A_929 to %scan3A_931 step %scan3A_932  : i32 {
        %mul3A_1333 = arith.constant 16 : i32
        %mul3A_1334 = arith.muli %scan3A_1332, %mul3A_1333 : i32
        %get3A = arith.constant 0 : i32
        %get3A_1335 = arith.index_cast %get3A : i32 to index
        %get3A_1336 = arith.index_cast %mul3A_1334 : i32 to index
        %get3A_1337 = tpu.vector_load %arg6[%get3A_1335, %get3A_1336] {strides = array<i32>} : memref<4x80xi32, #tpu.memory_space<vmem>>, vector<1x16xi32>,
        %get3A_1338 = vector.shape_cast %get3A_1337 : vector<1x16xi32> to vector<16xi32>
        %mul3A_1339 = arith.constant 16 : i32
        %mul3A_1340 = arith.muli %scan3A_1332, %mul3A_1339 : i32
        %swap3A = arith.constant 0 : i32
        %swap3A_1341 = arith.index_cast %swap3A : i32 to index
        %swap3A_1342 = arith.index_cast %mul3A_1340 : i32 to index
        %swap3A_1343 = tpu.vector_load %arg7[%swap3A_1341, %swap3A_1342] {strides = array<i32>} : memref<4x80xi32, #tpu.memory_space<vmem>>, vector<1x16xi32>,
        %swap3A_1344 = vector.shape_cast %swap3A_1343 : vector<1x16xi32> to vector<16xi32>
        %swap3A_1345 = vector.shape_cast %get3A_1338 : vector<16xi32> to vector<1x16xi32>
        tpu.vector_store %arg7[%swap3A_1341, %swap3A_1342], %swap3A_1345 {strides = array<i32>} : memref<4x80xi32, #tpu.memory_space<vmem>>, vector<1x16xi32>,
      }
      %scan3A_933 = arith.constant 5 : i32
      %dma_start3A_934 = arith.constant 0 : i32
      %dma_start3A_935 = arith.constant 0 : i32
      %dma_start3A_936 = arith.constant 0 : i32
      %dma_start3A_937 = arith.constant 0 : i32
      %dma_start3A_938 = tpu.memref_slice %arg8[%dma_start3A_934, %dma_start3A_936, %dma_start3A_937] : memref<4x80x128xf32, #tpu.memory_space<vmem>> -> memref<1x80x128xf32, #tpu.memory_space<vmem>>
      %dma_start3A_939 = tpu.memref_squeeze %dma_start3A_938 : memref<1x80x128xf32, #tpu.memory_space<vmem>> -> memref<80x128xf32, #tpu.memory_space<vmem>>
      %dma_start3A_940 = arith.constant 0 : i32
      %dma_start3A_941 = tpu.memref_slice %arg7[%dma_start3A_935, %dma_start3A_940] : memref<4x80xi32, #tpu.memory_space<vmem>> -> memref<1x80xi32, #tpu.memory_space<vmem>>
      %dma_start3A_942 = tpu.memref_squeeze %dma_start3A_941 : memref<1x80xi32, #tpu.memory_space<vmem>> -> memref<80xi32, #tpu.memory_space<vmem>>
      %dma_start3A_943 = arith.constant 0 : i32
      %dma_start3A_944 = arith.constant 0 : i32
      %dma_start3A_945 = tpu.memref_slice %arg10[%dma_start3A_943, %dma_start3A_944] : memref<10000x128xf32, #tpu.memory_space<vmem_shared>> -> memref<10000x128xf32, #tpu.memory_space<vmem_shared>>
      tpu.enqueue_indirect_dma source(%dma_start3A_939 : memref<80x128xf32, #tpu.memory_space<vmem>>) target(%dma_start3A_945 : memref<10000x128xf32, #tpu.memory_space<vmem_shared>>) offsets(%dma_start3A_942 : memref<80xi32, #tpu.memory_space<vmem>>) semaphore(%arg19 : memref<!tpu.dma_semaphore, #tpu.memory_space<semaphore_mem>>) {add = true}
      %dma_wait3A_946 = arith.constant 2 : i32
      %dma_wait3A_947 = arith.constant 2 : i32
      %dma_wait3A_948 = arith.constant 0 : i32
      %dma_wait3A_949 = arith.constant 0 : i32
      %dma_wait3A_950 = tpu.memref_slice %arg8[%dma_wait3A_946, %dma_wait3A_948, %dma_wait3A_949] : memref<4x80x128xf32, #tpu.memory_space<vmem>> -> memref<1x80x128xf32, #tpu.memory_space<vmem>>
      %dma_wait3A_951 = tpu.memref_squeeze %dma_wait3A_950 : memref<1x80x128xf32, #tpu.memory_space<vmem>> -> memref<80x128xf32, #tpu.memory_space<vmem>>
      %dma_wait3A_952 = arith.constant 0 : i32
      %dma_wait3A_953 = tpu.memref_slice %arg7[%dma_wait3A_947, %dma_wait3A_952] : memref<4x80xi32, #tpu.memory_space<vmem>> -> memref<1x80xi32, #tpu.memory_space<vmem>>
      %dma_wait3A_954 = tpu.memref_squeeze %dma_wait3A_953 : memref<1x80xi32, #tpu.memory_space<vmem>> -> memref<80xi32, #tpu.memory_space<vmem>>
      %dma_wait3A_955 = arith.constant 0 : i32
      %dma_wait3A_956 = arith.constant 0 : i32
      %dma_wait3A_957 = tpu.memref_slice %arg10[%dma_wait3A_955, %dma_wait3A_956] : memref<10000x128xf32, #tpu.memory_space<vmem_shared>> -> memref<10000x128xf32, #tpu.memory_space<vmem_shared>>
      tpu.wait_indirect_dma semaphore(%arg21 : memref<!tpu.dma_semaphore, #tpu.memory_space<semaphore_mem>>) src(%dma_wait3A_951 : memref<80x128xf32, #tpu.memory_space<vmem>>) dst(%dma_wait3A_957 : memref<10000x128xf32, #tpu.memory_space<vmem_shared>>)
      %add3A_958 = arith.constant 4 : i32
      %add3A_959 = arith.addi %add3A_915, %add3A_958 : i32
      %mul3A_960 = arith.constant 80 : i32
      %mul3A_961 = arith.muli %add3A_959, %mul3A_960 : i32
      %add3A_962 = arith.addi %mul3A_2, %mul3A_961 : i32
      %dma_start3A_963 = arith.constant 0 : i32
      %dma_start3A_964 = arith.constant 0 : i32
      %dma_start3A_965 = tpu.memref_slice %arg5[%dma_start3A_963, %dma_start3A_964] : memref<4x80xi32, #tpu.memory_space<vmem>> -> memref<1x80xi32, #tpu.memory_space<vmem>>
      %dma_start3A_966 = tpu.memref_squeeze %dma_start3A_965 : memref<1x80xi32, #tpu.memory_space<vmem>> -> memref<80xi32, #tpu.memory_space<vmem>>
      %dma_start3A_967 = tpu.memref_slice %arg3[%add3A_962] : memref<640000xi32, #tpu.memory_space<hbm>> -> memref<80xi32, #tpu.memory_space<hbm>>
      %dma_start3A_968 = arith.constant 0 : i32
      %dma_start3A_969 = tpu.memref_slice %arg5[%dma_start3A_963, %dma_start3A_968] : memref<4x80xi32, #tpu.memory_space<vmem>> -> memref<1x80xi32, #tpu.memory_space<vmem>>
      %dma_start3A_970 = tpu.memref_squeeze %dma_start3A_969 : memref<1x80xi32, #tpu.memory_space<vmem>> -> memref<80xi32, #tpu.memory_space<vmem>>
      %dma_start3A_971 = tpu.memref_slice %arg3[%add3A_962] : memref<640000xi32, #tpu.memory_space<hbm>> -> memref<80xi32, #tpu.memory_space<hbm>>
      tpu.enqueue_dma source(%dma_start3A_971 : memref<80xi32, #tpu.memory_space<hbm>>) target(%dma_start3A_970 : memref<80xi32, #tpu.memory_space<vmem>>) target_semaphore(%arg11 : memref<!tpu.dma_semaphore, #tpu.memory_space<semaphore_mem>>)
      %add3A_972 = arith.constant 320000 : i32
      %add3A_973 = arith.addi %add3A_972, %add3A_962 : i32
      %dma_start3A_974 = arith.constant 0 : i32
      %dma_start3A_975 = arith.constant 0 : i32
      %dma_start3A_976 = tpu.memref_slice %arg6[%dma_start3A_974, %dma_start3A_975] : memref<4x80xi32, #tpu.memory_space<vmem>> -> memref<1x80xi32, #tpu.memory_space<vmem>>
      %dma_start3A_977 = tpu.memref_squeeze %dma_start3A_976 : memref<1x80xi32, #tpu.memory_space<vmem>> -> memref<80xi32, #tpu.memory_space<vmem>>
      %dma_start3A_978 = tpu.memref_slice %arg3[%add3A_973] : memref<640000xi32, #tpu.memory_space<hbm>> -> memref<80xi32, #tpu.memory_space<hbm>>
      %dma_start3A_979 = arith.constant 0 : i32
      %dma_start3A_980 = tpu.memref_slice %arg6[%dma_start3A_974, %dma_start3A_979] : memref<4x80xi32, #tpu.memory_space<vmem>> -> memref<1x80xi32, #tpu.memory_space<vmem>>
      %dma_start3A_981 = tpu.memref_squeeze %dma_start3A_980 : memref<1x80xi32, #tpu.memory_space<vmem>> -> memref<80xi32, #tpu.memory_space<vmem>>
      %dma_start3A_982 = tpu.memref_slice %arg3[%add3A_973] : memref<640000xi32, #tpu.memory_space<hbm>> -> memref<80xi32, #tpu.memory_space<hbm>>
      tpu.enqueue_dma source(%dma_start3A_982 : memref<80xi32, #tpu.memory_space<hbm>>) target(%dma_start3A_981 : memref<80xi32, #tpu.memory_space<vmem>>) target_semaphore(%arg11 : memref<!tpu.dma_semaphore, #tpu.memory_space<semaphore_mem>>)
      %dma_wait3A_983 = arith.constant 2 : i32
      %dma_wait3A_984 = arith.constant 0 : i32
      %dma_wait3A_985 = tpu.memref_slice %arg5[%dma_wait3A_983, %dma_wait3A_984] : memref<4x80xi32, #tpu.memory_space<vmem>> -> memref<1x80xi32, #tpu.memory_space<vmem>>
      %dma_wait3A_986 = tpu.memref_squeeze %dma_wait3A_985 : memref<1x80xi32, #tpu.memory_space<vmem>> -> memref<80xi32, #tpu.memory_space<vmem>>
      %dma_wait3A_987 = arith.constant 0 : i32
      %dma_wait3A_988 = tpu.memref_slice %arg3[%dma_wait3A_987] : memref<640000xi32, #tpu.memory_space<hbm>> -> memref<80xi32, #tpu.memory_space<hbm>>
      %dma_wait3A_989 = arith.constant 0 : i32
      %dma_wait3A_990 = tpu.memref_slice %arg5[%dma_wait3A_983, %dma_wait3A_989] : memref<4x80xi32, #tpu.memory_space<vmem>> -> memref<1x80xi32, #tpu.memory_space<vmem>>
      %dma_wait3A_991 = tpu.memref_squeeze %dma_wait3A_990 : memref<1x80xi32, #tpu.memory_space<vmem>> -> memref<80xi32, #tpu.memory_space<vmem>>
      %dma_wait3A_992 = arith.constant 0 : i32
      %dma_wait3A_993 = tpu.memref_slice %arg3[%dma_wait3A_992] : memref<640000xi32, #tpu.memory_space<hbm>> -> memref<80xi32, #tpu.memory_space<hbm>>
      tpu.wait_dma2 semaphore(%arg13 : memref<!tpu.dma_semaphore, #tpu.memory_space<semaphore_mem>>) src(%dma_wait3A_993 : memref<80xi32, #tpu.memory_space<hbm>>) dst(%dma_wait3A_991 : memref<80xi32, #tpu.memory_space<vmem>>)
      %dma_wait3A_994 = arith.constant 2 : i32
      %dma_wait3A_995 = arith.constant 0 : i32
      %dma_wait3A_996 = tpu.memref_slice %arg6[%dma_wait3A_994, %dma_wait3A_995] : memref<4x80xi32, #tpu.memory_space<vmem>> -> memref<1x80xi32, #tpu.memory_space<vmem>>
      %dma_wait3A_997 = tpu.memref_squeeze %dma_wait3A_996 : memref<1x80xi32, #tpu.memory_space<vmem>> -> memref<80xi32, #tpu.memory_space<vmem>>
      %dma_wait3A_998 = arith.constant 0 : i32
      %dma_wait3A_999 = tpu.memref_slice %arg3[%dma_wait3A_998] : memref<640000xi32, #tpu.memory_space<hbm>> -> memref<80xi32, #tpu.memory_space<hbm>>
      %dma_wait3A_1000 = arith.constant 0 : i32
      %dma_wait3A_1001 = tpu.memref_slice %arg6[%dma_wait3A_994, %dma_wait3A_1000] : memref<4x80xi32, #tpu.memory_space<vmem>> -> memref<1x80xi32, #tpu.memory_space<vmem>>
      %dma_wait3A_1002 = tpu.memref_squeeze %dma_wait3A_1001 : memref<1x80xi32, #tpu.memory_space<vmem>> -> memref<80xi32, #tpu.memory_space<vmem>>
      %dma_wait3A_1003 = arith.constant 0 : i32
      %dma_wait3A_1004 = tpu.memref_slice %arg3[%dma_wait3A_1003] : memref<640000xi32, #tpu.memory_space<hbm>> -> memref<80xi32, #tpu.memory_space<hbm>>
      tpu.wait_dma2 semaphore(%arg13 : memref<!tpu.dma_semaphore, #tpu.memory_space<semaphore_mem>>) src(%dma_wait3A_1004 : memref<80xi32, #tpu.memory_space<hbm>>) dst(%dma_wait3A_1002 : memref<80xi32, #tpu.memory_space<vmem>>)
      %dma_start3A_1005 = arith.constant 2 : i32
      %dma_start3A_1006 = arith.constant 2 : i32
      %dma_start3A_1007 = arith.constant 0 : i32
      %dma_start3A_1008 = arith.constant 0 : i32
      %dma_start3A_1009 = tpu.memref_slice %arg8[%dma_start3A_1006, %dma_start3A_1007, %dma_start3A_1008] : memref<4x80x128xf32, #tpu.memory_space<vmem>> -> memref<1x80x128xf32, #tpu.memory_space<vmem>>
      %dma_start3A_1010 = tpu.memref_squeeze %dma_start3A_1009 : memref<1x80x128xf32, #tpu.memory_space<vmem>> -> memref<80x128xf32, #tpu.memory_space<vmem>>
      %dma_start3A_1011 = arith.constant 0 : i32
      %dma_start3A_1012 = tpu.memref_slice %arg5[%dma_start3A_1005, %dma_start3A_1011] : memref<4x80xi32, #tpu.memory_space<vmem>> -> memref<1x80xi32, #tpu.memory_space<vmem>>
      %dma_start3A_1013 = tpu.memref_squeeze %dma_start3A_1012 : memref<1x80xi32, #tpu.memory_space<vmem>> -> memref<80xi32, #tpu.memory_space<vmem>>
      %dma_start3A_1014 = arith.constant 0 : i32
      %dma_start3A_1015 = arith.constant 0 : i32
      %dma_start3A_1016 = tpu.memref_slice %arg2[%dma_start3A_1014, %dma_start3A_1015] : memref<10000x128xf32, #tpu.memory_space<hbm>> -> memref<10000x128xf32, #tpu.memory_space<hbm>>
      tpu.enqueue_indirect_dma source(%dma_start3A_1016 : memref<10000x128xf32, #tpu.memory_space<hbm>>) target(%dma_start3A_1010 : memref<80x128xf32, #tpu.memory_space<vmem>>) offsets(%dma_start3A_1013 : memref<80xi32, #tpu.memory_space<vmem>>) semaphore(%arg17 : memref<!tpu.dma_semaphore, #tpu.memory_space<semaphore_mem>>)
      %mul3A_1017 = arith.constant 4 : i32
      %mul3A_1018 = arith.muli %mul3A_1017, %scan3A_911 : i32
      %add3A_1019 = arith.constant 1 : i32
      %add3A_1020 = arith.addi %mul3A_1018, %add3A_1019 : i32
      %dma_wait3A_1021 = arith.constant 1 : i32
      %dma_wait3A_1022 = arith.constant 1 : i32
      %dma_wait3A_1023 = arith.constant 0 : i32
      %dma_wait3A_1024 = arith.constant 0 : i32
      %dma_wait3A_1025 = tpu.memref_slice %arg8[%dma_wait3A_1022, %dma_wait3A_1023, %dma_wait3A_1024] : memref<4x80x128xf32, #tpu.memory_space<vmem>> -> memref<1x80x128xf32, #tpu.memory_space<vmem>>
      %dma_wait3A_1026 = tpu.memref_squeeze %dma_wait3A_1025 : memref<1x80x128xf32, #tpu.memory_space<vmem>> -> memref<80x128xf32, #tpu.memory_space<vmem>>
      %dma_wait3A_1027 = arith.constant 0 : i32
      %dma_wait3A_1028 = tpu.memref_slice %arg5[%dma_wait3A_1021, %dma_wait3A_1027] : memref<4x80xi32, #tpu.memory_space<vmem>> -> memref<1x80xi32, #tpu.memory_space<vmem>>
      %dma_wait3A_1029 = tpu.memref_squeeze %dma_wait3A_1028 : memref<1x80xi32, #tpu.memory_space<vmem>> -> memref<80xi32, #tpu.memory_space<vmem>>
      %dma_wait3A_1030 = arith.constant 0 : i32
      %dma_wait3A_1031 = arith.constant 0 : i32
      %dma_wait3A_1032 = tpu.memref_slice %arg2[%dma_wait3A_1030, %dma_wait3A_1031] : memref<10000x128xf32, #tpu.memory_space<hbm>> -> memref<10000x128xf32, #tpu.memory_space<hbm>>
      tpu.wait_indirect_dma semaphore(%arg16 : memref<!tpu.dma_semaphore, #tpu.memory_space<semaphore_mem>>) src(%dma_wait3A_1032 : memref<10000x128xf32, #tpu.memory_space<hbm>>) dst(%dma_wait3A_1026 : memref<80x128xf32, #tpu.memory_space<vmem>>)
      %scan3A_1033 = arith.constant 0 : i32
      %scan3A_1034 = arith.constant 0 : i32
      %scan3A_1035 = arith.constant 5 : i32
      %scan3A_1036 = arith.addi %scan3A_1034, %scan3A_1035 : i32
      %scan3A_1037 = arith.constant 1 : i32
      scf.for %scan3A_1332 = %scan3A_1034 to %scan3A_1036 step %scan3A_1037  : i32 {
        %mul3A_1333 = arith.constant 16 : i32
        %mul3A_1334 = arith.muli %scan3A_1332, %mul3A_1333 : i32
        %get3A = arith.constant 1 : i32
        %get3A_1335 = arith.index_cast %get3A : i32 to index
        %get3A_1336 = arith.index_cast %mul3A_1334 : i32 to index
        %get3A_1337 = tpu.vector_load %arg6[%get3A_1335, %get3A_1336] {strides = array<i32>} : memref<4x80xi32, #tpu.memory_space<vmem>>, vector<1x16xi32>,
        %get3A_1338 = vector.shape_cast %get3A_1337 : vector<1x16xi32> to vector<16xi32>
        %mul3A_1339 = arith.constant 16 : i32
        %mul3A_1340 = arith.muli %scan3A_1332, %mul3A_1339 : i32
        %swap3A = arith.constant 1 : i32
        %swap3A_1341 = arith.index_cast %swap3A : i32 to index
        %swap3A_1342 = arith.index_cast %mul3A_1340 : i32 to index
        %swap3A_1343 = tpu.vector_load %arg7[%swap3A_1341, %swap3A_1342] {strides = array<i32>} : memref<4x80xi32, #tpu.memory_space<vmem>>, vector<1x16xi32>,
        %swap3A_1344 = vector.shape_cast %swap3A_1343 : vector<1x16xi32> to vector<16xi32>
        %swap3A_1345 = vector.shape_cast %get3A_1338 : vector<16xi32> to vector<1x16xi32>
        tpu.vector_store %arg7[%swap3A_1341, %swap3A_1342], %swap3A_1345 {strides = array<i32>} : memref<4x80xi32, #tpu.memory_space<vmem>>, vector<1x16xi32>,
      }
      %scan3A_1038 = arith.constant 5 : i32
      %dma_start3A_1039 = arith.constant 1 : i32
      %dma_start3A_1040 = arith.constant 1 : i32
      %dma_start3A_1041 = arith.constant 0 : i32
      %dma_start3A_1042 = arith.constant 0 : i32
      %dma_start3A_1043 = tpu.memref_slice %arg8[%dma_start3A_1039, %dma_start3A_1041, %dma_start3A_1042] : memref<4x80x128xf32, #tpu.memory_space<vmem>> -> memref<1x80x128xf32, #tpu.memory_space<vmem>>
      %dma_start3A_1044 = tpu.memref_squeeze %dma_start3A_1043 : memref<1x80x128xf32, #tpu.memory_space<vmem>> -> memref<80x128xf32, #tpu.memory_space<vmem>>
      %dma_start3A_1045 = arith.constant 0 : i32
      %dma_start3A_1046 = tpu.memref_slice %arg7[%dma_start3A_1040, %dma_start3A_1045] : memref<4x80xi32, #tpu.memory_space<vmem>> -> memref<1x80xi32, #tpu.memory_space<vmem>>
      %dma_start3A_1047 = tpu.memref_squeeze %dma_start3A_1046 : memref<1x80xi32, #tpu.memory_space<vmem>> -> memref<80xi32, #tpu.memory_space<vmem>>
      %dma_start3A_1048 = arith.constant 0 : i32
      %dma_start3A_1049 = arith.constant 0 : i32
      %dma_start3A_1050 = tpu.memref_slice %arg10[%dma_start3A_1048, %dma_start3A_1049] : memref<10000x128xf32, #tpu.memory_space<vmem_shared>> -> memref<10000x128xf32, #tpu.memory_space<vmem_shared>>
      tpu.enqueue_indirect_dma source(%dma_start3A_1044 : memref<80x128xf32, #tpu.memory_space<vmem>>) target(%dma_start3A_1050 : memref<10000x128xf32, #tpu.memory_space<vmem_shared>>) offsets(%dma_start3A_1047 : memref<80xi32, #tpu.memory_space<vmem>>) semaphore(%arg20 : memref<!tpu.dma_semaphore, #tpu.memory_space<semaphore_mem>>) {add = true}
      %dma_wait3A_1051 = arith.constant 3 : i32
      %dma_wait3A_1052 = arith.constant 3 : i32
      %dma_wait3A_1053 = arith.constant 0 : i32
      %dma_wait3A_1054 = arith.constant 0 : i32
      %dma_wait3A_1055 = tpu.memref_slice %arg8[%dma_wait3A_1051, %dma_wait3A_1053, %dma_wait3A_1054] : memref<4x80x128xf32, #tpu.memory_space<vmem>> -> memref<1x80x128xf32, #tpu.memory_space<vmem>>
      %dma_wait3A_1056 = tpu.memref_squeeze %dma_wait3A_1055 : memref<1x80x128xf32, #tpu.memory_space<vmem>> -> memref<80x128xf32, #tpu.memory_space<vmem>>
      %dma_wait3A_1057 = arith.constant 0 : i32
      %dma_wait3A_1058 = tpu.memref_slice %arg7[%dma_wait3A_1052, %dma_wait3A_1057] : memref<4x80xi32, #tpu.memory_space<vmem>> -> memref<1x80xi32, #tpu.memory_space<vmem>>
      %dma_wait3A_1059 = tpu.memref_squeeze %dma_wait3A_1058 : memref<1x80xi32, #tpu.memory_space<vmem>> -> memref<80xi32, #tpu.memory_space<vmem>>
      %dma_wait3A_1060 = arith.constant 0 : i32
      %dma_wait3A_1061 = arith.constant 0 : i32
      %dma_wait3A_1062 = tpu.memref_slice %arg10[%dma_wait3A_1060, %dma_wait3A_1061] : memref<10000x128xf32, #tpu.memory_space<vmem_shared>> -> memref<10000x128xf32, #tpu.memory_space<vmem_shared>>
      tpu.wait_indirect_dma semaphore(%arg22 : memref<!tpu.dma_semaphore, #tpu.memory_space<semaphore_mem>>) src(%dma_wait3A_1056 : memref<80x128xf32, #tpu.memory_space<vmem>>) dst(%dma_wait3A_1062 : memref<10000x128xf32, #tpu.memory_space<vmem_shared>>)
      %add3A_1063 = arith.constant 4 : i32
      %add3A_1064 = arith.addi %add3A_1020, %add3A_1063 : i32
      %mul3A_1065 = arith.constant 80 : i32
      %mul3A_1066 = arith.muli %add3A_1064, %mul3A_1065 : i32
      %add3A_1067 = arith.addi %mul3A_2, %mul3A_1066 : i32
      %dma_start3A_1068 = arith.constant 1 : i32
      %dma_start3A_1069 = arith.constant 0 : i32
      %dma_start3A_1070 = tpu.memref_slice %arg5[%dma_start3A_1068, %dma_start3A_1069] : memref<4x80xi32, #tpu.memory_space<vmem>> -> memref<1x80xi32, #tpu.memory_space<vmem>>
      %dma_start3A_1071 = tpu.memref_squeeze %dma_start3A_1070 : memref<1x80xi32, #tpu.memory_space<vmem>> -> memref<80xi32, #tpu.memory_space<vmem>>
      %dma_start3A_1072 = tpu.memref_slice %arg3[%add3A_1067] : memref<640000xi32, #tpu.memory_space<hbm>> -> memref<80xi32, #tpu.memory_space<hbm>>
      %dma_start3A_1073 = arith.constant 0 : i32
      %dma_start3A_1074 = tpu.memref_slice %arg5[%dma_start3A_1068, %dma_start3A_1073] : memref<4x80xi32, #tpu.memory_space<vmem>> -> memref<1x80xi32, #tpu.memory_space<vmem>>
      %dma_start3A_1075 = tpu.memref_squeeze %dma_start3A_1074 : memref<1x80xi32, #tpu.memory_space<vmem>> -> memref<80xi32, #tpu.memory_space<vmem>>
      %dma_start3A_1076 = tpu.memref_slice %arg3[%add3A_1067] : memref<640000xi32, #tpu.memory_space<hbm>> -> memref<80xi32, #tpu.memory_space<hbm>>
      tpu.enqueue_dma source(%dma_start3A_1076 : memref<80xi32, #tpu.memory_space<hbm>>) target(%dma_start3A_1075 : memref<80xi32, #tpu.memory_space<vmem>>) target_semaphore(%arg12 : memref<!tpu.dma_semaphore, #tpu.memory_space<semaphore_mem>>)
      %add3A_1077 = arith.constant 320000 : i32
      %add3A_1078 = arith.addi %add3A_1077, %add3A_1067 : i32
      %dma_start3A_1079 = arith.constant 1 : i32
      %dma_start3A_1080 = arith.constant 0 : i32
      %dma_start3A_1081 = tpu.memref_slice %arg6[%dma_start3A_1079, %dma_start3A_1080] : memref<4x80xi32, #tpu.memory_space<vmem>> -> memref<1x80xi32, #tpu.memory_space<vmem>>
      %dma_start3A_1082 = tpu.memref_squeeze %dma_start3A_1081 : memref<1x80xi32, #tpu.memory_space<vmem>> -> memref<80xi32, #tpu.memory_space<vmem>>
      %dma_start3A_1083 = tpu.memref_slice %arg3[%add3A_1078] : memref<640000xi32, #tpu.memory_space<hbm>> -> memref<80xi32, #tpu.memory_space<hbm>>
      %dma_start3A_1084 = arith.constant 0 : i32
      %dma_start3A_1085 = tpu.memref_slice %arg6[%dma_start3A_1079, %dma_start3A_1084] : memref<4x80xi32, #tpu.memory_space<vmem>> -> memref<1x80xi32, #tpu.memory_space<vmem>>
      %dma_start3A_1086 = tpu.memref_squeeze %dma_start3A_1085 : memref<1x80xi32, #tpu.memory_space<vmem>> -> memref<80xi32, #tpu.memory_space<vmem>>
      %dma_start3A_1087 = tpu.memref_slice %arg3[%add3A_1078] : memref<640000xi32, #tpu.memory_space<hbm>> -> memref<80xi32, #tpu.memory_space<hbm>>
      tpu.enqueue_dma source(%dma_start3A_1087 : memref<80xi32, #tpu.memory_space<hbm>>) target(%dma_start3A_1086 : memref<80xi32, #tpu.memory_space<vmem>>) target_semaphore(%arg12 : memref<!tpu.dma_semaphore, #tpu.memory_space<semaphore_mem>>)
      %dma_wait3A_1088 = arith.constant 3 : i32
      %dma_wait3A_1089 = arith.constant 0 : i32
      %dma_wait3A_1090 = tpu.memref_slice %arg5[%dma_wait3A_1088, %dma_wait3A_1089] : memref<4x80xi32, #tpu.memory_space<vmem>> -> memref<1x80xi32, #tpu.memory_space<vmem>>
      %dma_wait3A_1091 = tpu.memref_squeeze %dma_wait3A_1090 : memref<1x80xi32, #tpu.memory_space<vmem>> -> memref<80xi32, #tpu.memory_space<vmem>>
      %dma_wait3A_1092 = arith.constant 0 : i32
      %dma_wait3A_1093 = tpu.memref_slice %arg3[%dma_wait3A_1092] : memref<640000xi32, #tpu.memory_space<hbm>> -> memref<80xi32, #tpu.memory_space<hbm>>
      %dma_wait3A_1094 = arith.constant 0 : i32
      %dma_wait3A_1095 = tpu.memref_slice %arg5[%dma_wait3A_1088, %dma_wait3A_1094] : memref<4x80xi32, #tpu.memory_space<vmem>> -> memref<1x80xi32, #tpu.memory_space<vmem>>
      %dma_wait3A_1096 = tpu.memref_squeeze %dma_wait3A_1095 : memref<1x80xi32, #tpu.memory_space<vmem>> -> memref<80xi32, #tpu.memory_space<vmem>>
      %dma_wait3A_1097 = arith.constant 0 : i32
      %dma_wait3A_1098 = tpu.memref_slice %arg3[%dma_wait3A_1097] : memref<640000xi32, #tpu.memory_space<hbm>> -> memref<80xi32, #tpu.memory_space<hbm>>
      tpu.wait_dma2 semaphore(%arg14 : memref<!tpu.dma_semaphore, #tpu.memory_space<semaphore_mem>>) src(%dma_wait3A_1098 : memref<80xi32, #tpu.memory_space<hbm>>) dst(%dma_wait3A_1096 : memref<80xi32, #tpu.memory_space<vmem>>)
      %dma_wait3A_1099 = arith.constant 3 : i32
      %dma_wait3A_1100 = arith.constant 0 : i32
      %dma_wait3A_1101 = tpu.memref_slice %arg6[%dma_wait3A_1099, %dma_wait3A_1100] : memref<4x80xi32, #tpu.memory_space<vmem>> -> memref<1x80xi32, #tpu.memory_space<vmem>>
      %dma_wait3A_1102 = tpu.memref_squeeze %dma_wait3A_1101 : memref<1x80xi32, #tpu.memory_space<vmem>> -> memref<80xi32, #tpu.memory_space<vmem>>
      %dma_wait3A_1103 = arith.constant 0 : i32
      %dma_wait3A_1104 = tpu.memref_slice %arg3[%dma_wait3A_1103] : memref<640000xi32, #tpu.memory_space<hbm>> -> memref<80xi32, #tpu.memory_space<hbm>>
      %dma_wait3A_1105 = arith.constant 0 : i32
      %dma_wait3A_1106 = tpu.memref_slice %arg6[%dma_wait3A_1099, %dma_wait3A_1105] : memref<4x80xi32, #tpu.memory_space<vmem>> -> memref<1x80xi32, #tpu.memory_space<vmem>>
      %dma_wait3A_1107 = tpu.memref_squeeze %dma_wait3A_1106 : memref<1x80xi32, #tpu.memory_space<vmem>> -> memref<80xi32, #tpu.memory_space<vmem>>
      %dma_wait3A_1108 = arith.constant 0 : i32
      %dma_wait3A_1109 = tpu.memref_slice %arg3[%dma_wait3A_1108] : memref<640000xi32, #tpu.memory_space<hbm>> -> memref<80xi32, #tpu.memory_space<hbm>>
      tpu.wait_dma2 semaphore(%arg14 : memref<!tpu.dma_semaphore, #tpu.memory_space<semaphore_mem>>) src(%dma_wait3A_1109 : memref<80xi32, #tpu.memory_space<hbm>>) dst(%dma_wait3A_1107 : memref<80xi32, #tpu.memory_space<vmem>>)
      %dma_start3A_1110 = arith.constant 3 : i32
      %dma_start3A_1111 = arith.constant 3 : i32
      %dma_start3A_1112 = arith.constant 0 : i32
      %dma_start3A_1113 = arith.constant 0 : i32
      %dma_start3A_1114 = tpu.memref_slice %arg8[%dma_start3A_1111, %dma_start3A_1112, %dma_start3A_1113] : memref<4x80x128xf32, #tpu.memory_space<vmem>> -> memref<1x80x128xf32, #tpu.memory_space<vmem>>
      %dma_start3A_1115 = tpu.memref_squeeze %dma_start3A_1114 : memref<1x80x128xf32, #tpu.memory_space<vmem>> -> memref<80x128xf32, #tpu.memory_space<vmem>>
      %dma_start3A_1116 = arith.constant 0 : i32
      %dma_start3A_1117 = tpu.memref_slice %arg5[%dma_start3A_1110, %dma_start3A_1116] : memref<4x80xi32, #tpu.memory_space<vmem>> -> memref<1x80xi32, #tpu.memory_space<vmem>>
      %dma_start3A_1118 = tpu.memref_squeeze %dma_start3A_1117 : memref<1x80xi32, #tpu.memory_space<vmem>> -> memref<80xi32, #tpu.memory_space<vmem>>
      %dma_start3A_1119 = arith.constant 0 : i32
      %dma_start3A_1120 = arith.constant 0 : i32
      %dma_start3A_1121 = tpu.memref_slice %arg2[%dma_start3A_1119, %dma_start3A_1120] : memref<10000x128xf32, #tpu.memory_space<hbm>> -> memref<10000x128xf32, #tpu.memory_space<hbm>>
      tpu.enqueue_indirect_dma source(%dma_start3A_1121 : memref<10000x128xf32, #tpu.memory_space<hbm>>) target(%dma_start3A_1115 : memref<80x128xf32, #tpu.memory_space<vmem>>) offsets(%dma_start3A_1118 : memref<80xi32, #tpu.memory_space<vmem>>) semaphore(%arg18 : memref<!tpu.dma_semaphore, #tpu.memory_space<semaphore_mem>>)
      %mul3A_1122 = arith.constant 4 : i32
      %mul3A_1123 = arith.muli %mul3A_1122, %scan3A_911 : i32
      %add3A_1124 = arith.constant 2 : i32
      %add3A_1125 = arith.addi %mul3A_1123, %add3A_1124 : i32
      %dma_wait3A_1126 = arith.constant 2 : i32
      %dma_wait3A_1127 = arith.constant 2 : i32
      %dma_wait3A_1128 = arith.constant 0 : i32
      %dma_wait3A_1129 = arith.constant 0 : i32
      %dma_wait3A_1130 = tpu.memref_slice %arg8[%dma_wait3A_1127, %dma_wait3A_1128, %dma_wait3A_1129] : memref<4x80x128xf32, #tpu.memory_space<vmem>> -> memref<1x80x128xf32, #tpu.memory_space<vmem>>
      %dma_wait3A_1131 = tpu.memref_squeeze %dma_wait3A_1130 : memref<1x80x128xf32, #tpu.memory_space<vmem>> -> memref<80x128xf32, #tpu.memory_space<vmem>>
      %dma_wait3A_1132 = arith.constant 0 : i32
      %dma_wait3A_1133 = tpu.memref_slice %arg5[%dma_wait3A_1126, %dma_wait3A_1132] : memref<4x80xi32, #tpu.memory_space<vmem>> -> memref<1x80xi32, #tpu.memory_space<vmem>>
      %dma_wait3A_1134 = tpu.memref_squeeze %dma_wait3A_1133 : memref<1x80xi32, #tpu.memory_space<vmem>> -> memref<80xi32, #tpu.memory_space<vmem>>
      %dma_wait3A_1135 = arith.constant 0 : i32
      %dma_wait3A_1136 = arith.constant 0 : i32
      %dma_wait3A_1137 = tpu.memref_slice %arg2[%dma_wait3A_1135, %dma_wait3A_1136] : memref<10000x128xf32, #tpu.memory_space<hbm>> -> memref<10000x128xf32, #tpu.memory_space<hbm>>
      tpu.wait_indirect_dma semaphore(%arg17 : memref<!tpu.dma_semaphore, #tpu.memory_space<semaphore_mem>>) src(%dma_wait3A_1137 : memref<10000x128xf32, #tpu.memory_space<hbm>>) dst(%dma_wait3A_1131 : memref<80x128xf32, #tpu.memory_space<vmem>>)
      %scan3A_1138 = arith.constant 0 : i32
      %scan3A_1139 = arith.constant 0 : i32
      %scan3A_1140 = arith.constant 5 : i32
      %scan3A_1141 = arith.addi %scan3A_1139, %scan3A_1140 : i32
      %scan3A_1142 = arith.constant 1 : i32
      scf.for %scan3A_1332 = %scan3A_1139 to %scan3A_1141 step %scan3A_1142  : i32 {
        %mul3A_1333 = arith.constant 16 : i32
        %mul3A_1334 = arith.muli %scan3A_1332, %mul3A_1333 : i32
        %get3A = arith.constant 2 : i32
        %get3A_1335 = arith.index_cast %get3A : i32 to index
        %get3A_1336 = arith.index_cast %mul3A_1334 : i32 to index
        %get3A_1337 = tpu.vector_load %arg6[%get3A_1335, %get3A_1336] {strides = array<i32>} : memref<4x80xi32, #tpu.memory_space<vmem>>, vector<1x16xi32>,
        %get3A_1338 = vector.shape_cast %get3A_1337 : vector<1x16xi32> to vector<16xi32>
        %mul3A_1339 = arith.constant 16 : i32
        %mul3A_1340 = arith.muli %scan3A_1332, %mul3A_1339 : i32
        %swap3A = arith.constant 2 : i32
        %swap3A_1341 = arith.index_cast %swap3A : i32 to index
        %swap3A_1342 = arith.index_cast %mul3A_1340 : i32 to index
        %swap3A_1343 = tpu.vector_load %arg7[%swap3A_1341, %swap3A_1342] {strides = array<i32>} : memref<4x80xi32, #tpu.memory_space<vmem>>, vector<1x16xi32>,
        %swap3A_1344 = vector.shape_cast %swap3A_1343 : vector<1x16xi32> to vector<16xi32>
        %swap3A_1345 = vector.shape_cast %get3A_1338 : vector<16xi32> to vector<1x16xi32>
        tpu.vector_store %arg7[%swap3A_1341, %swap3A_1342], %swap3A_1345 {strides = array<i32>} : memref<4x80xi32, #tpu.memory_space<vmem>>, vector<1x16xi32>,
      }
      %scan3A_1143 = arith.constant 5 : i32
      %dma_start3A_1144 = arith.constant 2 : i32
      %dma_start3A_1145 = arith.constant 2 : i32
      %dma_start3A_1146 = arith.constant 0 : i32
      %dma_start3A_1147 = arith.constant 0 : i32
      %dma_start3A_1148 = tpu.memref_slice %arg8[%dma_start3A_1144, %dma_start3A_1146, %dma_start3A_1147] : memref<4x80x128xf32, #tpu.memory_space<vmem>> -> memref<1x80x128xf32, #tpu.memory_space<vmem>>
      %dma_start3A_1149 = tpu.memref_squeeze %dma_start3A_1148 : memref<1x80x128xf32, #tpu.memory_space<vmem>> -> memref<80x128xf32, #tpu.memory_space<vmem>>
      %dma_start3A_1150 = arith.constant 0 : i32
      %dma_start3A_1151 = tpu.memref_slice %arg7[%dma_start3A_1145, %dma_start3A_1150] : memref<4x80xi32, #tpu.memory_space<vmem>> -> memref<1x80xi32, #tpu.memory_space<vmem>>
      %dma_start3A_1152 = tpu.memref_squeeze %dma_start3A_1151 : memref<1x80xi32, #tpu.memory_space<vmem>> -> memref<80xi32, #tpu.memory_space<vmem>>
      %dma_start3A_1153 = arith.constant 0 : i32
      %dma_start3A_1154 = arith.constant 0 : i32
      %dma_start3A_1155 = tpu.memref_slice %arg10[%dma_start3A_1153, %dma_start3A_1154] : memref<10000x128xf32, #tpu.memory_space<vmem_shared>> -> memref<10000x128xf32, #tpu.memory_space<vmem_shared>>
      tpu.enqueue_indirect_dma source(%dma_start3A_1149 : memref<80x128xf32, #tpu.memory_space<vmem>>) target(%dma_start3A_1155 : memref<10000x128xf32, #tpu.memory_space<vmem_shared>>) offsets(%dma_start3A_1152 : memref<80xi32, #tpu.memory_space<vmem>>) semaphore(%arg21 : memref<!tpu.dma_semaphore, #tpu.memory_space<semaphore_mem>>) {add = true}
      %dma_wait3A_1156 = arith.constant 0 : i32
      %dma_wait3A_1157 = arith.constant 0 : i32
      %dma_wait3A_1158 = arith.constant 0 : i32
      %dma_wait3A_1159 = arith.constant 0 : i32
      %dma_wait3A_1160 = tpu.memref_slice %arg8[%dma_wait3A_1156, %dma_wait3A_1158, %dma_wait3A_1159] : memref<4x80x128xf32, #tpu.memory_space<vmem>> -> memref<1x80x128xf32, #tpu.memory_space<vmem>>
      %dma_wait3A_1161 = tpu.memref_squeeze %dma_wait3A_1160 : memref<1x80x128xf32, #tpu.memory_space<vmem>> -> memref<80x128xf32, #tpu.memory_space<vmem>>
      %dma_wait3A_1162 = arith.constant 0 : i32
      %dma_wait3A_1163 = tpu.memref_slice %arg7[%dma_wait3A_1157, %dma_wait3A_1162] : memref<4x80xi32, #tpu.memory_space<vmem>> -> memref<1x80xi32, #tpu.memory_space<vmem>>
      %dma_wait3A_1164 = tpu.memref_squeeze %dma_wait3A_1163 : memref<1x80xi32, #tpu.memory_space<vmem>> -> memref<80xi32, #tpu.memory_space<vmem>>
      %dma_wait3A_1165 = arith.constant 0 : i32
      %dma_wait3A_1166 = arith.constant 0 : i32
      %dma_wait3A_1167 = tpu.memref_slice %arg10[%dma_wait3A_1165, %dma_wait3A_1166] : memref<10000x128xf32, #tpu.memory_space<vmem_shared>> -> memref<10000x128xf32, #tpu.memory_space<vmem_shared>>
      tpu.wait_indirect_dma semaphore(%arg19 : memref<!tpu.dma_semaphore, #tpu.memory_space<semaphore_mem>>) src(%dma_wait3A_1161 : memref<80x128xf32, #tpu.memory_space<vmem>>) dst(%dma_wait3A_1167 : memref<10000x128xf32, #tpu.memory_space<vmem_shared>>)
      %add3A_1168 = arith.constant 4 : i32
      %add3A_1169 = arith.addi %add3A_1125, %add3A_1168 : i32
      %mul3A_1170 = arith.constant 80 : i32
      %mul3A_1171 = arith.muli %add3A_1169, %mul3A_1170 : i32
      %add3A_1172 = arith.addi %mul3A_2, %mul3A_1171 : i32
      %dma_start3A_1173 = arith.constant 2 : i32
      %dma_start3A_1174 = arith.constant 0 : i32
      %dma_start3A_1175 = tpu.memref_slice %arg5[%dma_start3A_1173, %dma_start3A_1174] : memref<4x80xi32, #tpu.memory_space<vmem>> -> memref<1x80xi32, #tpu.memory_space<vmem>>
      %dma_start3A_1176 = tpu.memref_squeeze %dma_start3A_1175 : memref<1x80xi32, #tpu.memory_space<vmem>> -> memref<80xi32, #tpu.memory_space<vmem>>
      %dma_start3A_1177 = tpu.memref_slice %arg3[%add3A_1172] : memref<640000xi32, #tpu.memory_space<hbm>> -> memref<80xi32, #tpu.memory_space<hbm>>
      %dma_start3A_1178 = arith.constant 0 : i32
      %dma_start3A_1179 = tpu.memref_slice %arg5[%dma_start3A_1173, %dma_start3A_1178] : memref<4x80xi32, #tpu.memory_space<vmem>> -> memref<1x80xi32, #tpu.memory_space<vmem>>
      %dma_start3A_1180 = tpu.memref_squeeze %dma_start3A_1179 : memref<1x80xi32, #tpu.memory_space<vmem>> -> memref<80xi32, #tpu.memory_space<vmem>>
      %dma_start3A_1181 = tpu.memref_slice %arg3[%add3A_1172] : memref<640000xi32, #tpu.memory_space<hbm>> -> memref<80xi32, #tpu.memory_space<hbm>>
      tpu.enqueue_dma source(%dma_start3A_1181 : memref<80xi32, #tpu.memory_space<hbm>>) target(%dma_start3A_1180 : memref<80xi32, #tpu.memory_space<vmem>>) target_semaphore(%arg13 : memref<!tpu.dma_semaphore, #tpu.memory_space<semaphore_mem>>)
      %add3A_1182 = arith.constant 320000 : i32
      %add3A_1183 = arith.addi %add3A_1182, %add3A_1172 : i32
      %dma_start3A_1184 = arith.constant 2 : i32
      %dma_start3A_1185 = arith.constant 0 : i32
      %dma_start3A_1186 = tpu.memref_slice %arg6[%dma_start3A_1184, %dma_start3A_1185] : memref<4x80xi32, #tpu.memory_space<vmem>> -> memref<1x80xi32, #tpu.memory_space<vmem>>
      %dma_start3A_1187 = tpu.memref_squeeze %dma_start3A_1186 : memref<1x80xi32, #tpu.memory_space<vmem>> -> memref<80xi32, #tpu.memory_space<vmem>>
      %dma_start3A_1188 = tpu.memref_slice %arg3[%add3A_1183] : memref<640000xi32, #tpu.memory_space<hbm>> -> memref<80xi32, #tpu.memory_space<hbm>>
      %dma_start3A_1189 = arith.constant 0 : i32
      %dma_start3A_1190 = tpu.memref_slice %arg6[%dma_start3A_1184, %dma_start3A_1189] : memref<4x80xi32, #tpu.memory_space<vmem>> -> memref<1x80xi32, #tpu.memory_space<vmem>>
      %dma_start3A_1191 = tpu.memref_squeeze %dma_start3A_1190 : memref<1x80xi32, #tpu.memory_space<vmem>> -> memref<80xi32, #tpu.memory_space<vmem>>
      %dma_start3A_1192 = tpu.memref_slice %arg3[%add3A_1183] : memref<640000xi32, #tpu.memory_space<hbm>> -> memref<80xi32, #tpu.memory_space<hbm>>
      tpu.enqueue_dma source(%dma_start3A_1192 : memref<80xi32, #tpu.memory_space<hbm>>) target(%dma_start3A_1191 : memref<80xi32, #tpu.memory_space<vmem>>) target_semaphore(%arg13 : memref<!tpu.dma_semaphore, #tpu.memory_space<semaphore_mem>>)
      %dma_wait3A_1193 = arith.constant 0 : i32
      %dma_wait3A_1194 = arith.constant 0 : i32
      %dma_wait3A_1195 = tpu.memref_slice %arg5[%dma_wait3A_1193, %dma_wait3A_1194] : memref<4x80xi32, #tpu.memory_space<vmem>> -> memref<1x80xi32, #tpu.memory_space<vmem>>
      %dma_wait3A_1196 = tpu.memref_squeeze %dma_wait3A_1195 : memref<1x80xi32, #tpu.memory_space<vmem>> -> memref<80xi32, #tpu.memory_space<vmem>>
      %dma_wait3A_1197 = arith.constant 0 : i32
      %dma_wait3A_1198 = tpu.memref_slice %arg3[%dma_wait3A_1197] : memref<640000xi32, #tpu.memory_space<hbm>> -> memref<80xi32, #tpu.memory_space<hbm>>
      %dma_wait3A_1199 = arith.constant 0 : i32
      %dma_wait3A_1200 = tpu.memref_slice %arg5[%dma_wait3A_1193, %dma_wait3A_1199] : memref<4x80xi32, #tpu.memory_space<vmem>> -> memref<1x80xi32, #tpu.memory_space<vmem>>
      %dma_wait3A_1201 = tpu.memref_squeeze %dma_wait3A_1200 : memref<1x80xi32, #tpu.memory_space<vmem>> -> memref<80xi32, #tpu.memory_space<vmem>>
      %dma_wait3A_1202 = arith.constant 0 : i32
      %dma_wait3A_1203 = tpu.memref_slice %arg3[%dma_wait3A_1202] : memref<640000xi32, #tpu.memory_space<hbm>> -> memref<80xi32, #tpu.memory_space<hbm>>
      tpu.wait_dma2 semaphore(%arg11 : memref<!tpu.dma_semaphore, #tpu.memory_space<semaphore_mem>>) src(%dma_wait3A_1203 : memref<80xi32, #tpu.memory_space<hbm>>) dst(%dma_wait3A_1201 : memref<80xi32, #tpu.memory_space<vmem>>)
      %dma_wait3A_1204 = arith.constant 0 : i32
      %dma_wait3A_1205 = arith.constant 0 : i32
      %dma_wait3A_1206 = tpu.memref_slice %arg6[%dma_wait3A_1204, %dma_wait3A_1205] : memref<4x80xi32, #tpu.memory_space<vmem>> -> memref<1x80xi32, #tpu.memory_space<vmem>>
      %dma_wait3A_1207 = tpu.memref_squeeze %dma_wait3A_1206 : memref<1x80xi32, #tpu.memory_space<vmem>> -> memref<80xi32, #tpu.memory_space<vmem>>
      %dma_wait3A_1208 = arith.constant 0 : i32
      %dma_wait3A_1209 = tpu.memref_slice %arg3[%dma_wait3A_1208] : memref<640000xi32, #tpu.memory_space<hbm>> -> memref<80xi32, #tpu.memory_space<hbm>>
      %dma_wait3A_1210 = arith.constant 0 : i32
      %dma_wait3A_1211 = tpu.memref_slice %arg6[%dma_wait3A_1204, %dma_wait3A_1210] : memref<4x80xi32, #tpu.memory_space<vmem>> -> memref<1x80xi32, #tpu.memory_space<vmem>>
      %dma_wait3A_1212 = tpu.memref_squeeze %dma_wait3A_1211 : memref<1x80xi32, #tpu.memory_space<vmem>> -> memref<80xi32, #tpu.memory_space<vmem>>
      %dma_wait3A_1213 = arith.constant 0 : i32
      %dma_wait3A_1214 = tpu.memref_slice %arg3[%dma_wait3A_1213] : memref<640000xi32, #tpu.memory_space<hbm>> -> memref<80xi32, #tpu.memory_space<hbm>>
      tpu.wait_dma2 semaphore(%arg11 : memref<!tpu.dma_semaphore, #tpu.memory_space<semaphore_mem>>) src(%dma_wait3A_1214 : memref<80xi32, #tpu.memory_space<hbm>>) dst(%dma_wait3A_1212 : memref<80xi32, #tpu.memory_space<vmem>>)
      %dma_start3A_1215 = arith.constant 0 : i32
      %dma_start3A_1216 = arith.constant 0 : i32
      %dma_start3A_1217 = arith.constant 0 : i32
      %dma_start3A_1218 = arith.constant 0 : i32
      %dma_start3A_1219 = tpu.memref_slice %arg8[%dma_start3A_1216, %dma_start3A_1217, %dma_start3A_1218] : memref<4x80x128xf32, #tpu.memory_space<vmem>> -> memref<1x80x128xf32, #tpu.memory_space<vmem>>
      %dma_start3A_1220 = tpu.memref_squeeze %dma_start3A_1219 : memref<1x80x128xf32, #tpu.memory_space<vmem>> -> memref<80x128xf32, #tpu.memory_space<vmem>>
      %dma_start3A_1221 = arith.constant 0 : i32
      %dma_start3A_1222 = tpu.memref_slice %arg5[%dma_start3A_1215, %dma_start3A_1221] : memref<4x80xi32, #tpu.memory_space<vmem>> -> memref<1x80xi32, #tpu.memory_space<vmem>>
      %dma_start3A_1223 = tpu.memref_squeeze %dma_start3A_1222 : memref<1x80xi32, #tpu.memory_space<vmem>> -> memref<80xi32, #tpu.memory_space<vmem>>
      %dma_start3A_1224 = arith.constant 0 : i32
      %dma_start3A_1225 = arith.constant 0 : i32
      %dma_start3A_1226 = tpu.memref_slice %arg2[%dma_start3A_1224, %dma_start3A_1225] : memref<10000x128xf32, #tpu.memory_space<hbm>> -> memref<10000x128xf32, #tpu.memory_space<hbm>>
      tpu.enqueue_indirect_dma source(%dma_start3A_1226 : memref<10000x128xf32, #tpu.memory_space<hbm>>) target(%dma_start3A_1220 : memref<80x128xf32, #tpu.memory_space<vmem>>) offsets(%dma_start3A_1223 : memref<80xi32, #tpu.memory_space<vmem>>) semaphore(%arg15 : memref<!tpu.dma_semaphore, #tpu.memory_space<semaphore_mem>>)
      %mul3A_1227 = arith.constant 4 : i32
      %mul3A_1228 = arith.muli %mul3A_1227, %scan3A_911 : i32
      %add3A_1229 = arith.constant 3 : i32
      %add3A_1230 = arith.addi %mul3A_1228, %add3A_1229 : i32
      %dma_wait3A_1231 = arith.constant 3 : i32
      %dma_wait3A_1232 = arith.constant 3 : i32
      %dma_wait3A_1233 = arith.constant 0 : i32
      %dma_wait3A_1234 = arith.constant 0 : i32
      %dma_wait3A_1235 = tpu.memref_slice %arg8[%dma_wait3A_1232, %dma_wait3A_1233, %dma_wait3A_1234] : memref<4x80x128xf32, #tpu.memory_space<vmem>> -> memref<1x80x128xf32, #tpu.memory_space<vmem>>
      %dma_wait3A_1236 = tpu.memref_squeeze %dma_wait3A_1235 : memref<1x80x128xf32, #tpu.memory_space<vmem>> -> memref<80x128xf32, #tpu.memory_space<vmem>>
      %dma_wait3A_1237 = arith.constant 0 : i32
      %dma_wait3A_1238 = tpu.memref_slice %arg5[%dma_wait3A_1231, %dma_wait3A_1237] : memref<4x80xi32, #tpu.memory_space<vmem>> -> memref<1x80xi32, #tpu.memory_space<vmem>>
      %dma_wait3A_1239 = tpu.memref_squeeze %dma_wait3A_1238 : memref<1x80xi32, #tpu.memory_space<vmem>> -> memref<80xi32, #tpu.memory_space<vmem>>
      %dma_wait3A_1240 = arith.constant 0 : i32
      %dma_wait3A_1241 = arith.constant 0 : i32
      %dma_wait3A_1242 = tpu.memref_slice %arg2[%dma_wait3A_1240, %dma_wait3A_1241] : memref<10000x128xf32, #tpu.memory_space<hbm>> -> memref<10000x128xf32, #tpu.memory_space<hbm>>
      tpu.wait_indirect_dma semaphore(%arg18 : memref<!tpu.dma_semaphore, #tpu.memory_space<semaphore_mem>>) src(%dma_wait3A_1242 : memref<10000x128xf32, #tpu.memory_space<hbm>>) dst(%dma_wait3A_1236 : memref<80x128xf32, #tpu.memory_space<vmem>>)
      %scan3A_1243 = arith.constant 0 : i32
      %scan3A_1244 = arith.constant 0 : i32
      %scan3A_1245 = arith.constant 5 : i32
      %scan3A_1246 = arith.addi %scan3A_1244, %scan3A_1245 : i32
      %scan3A_1247 = arith.constant 1 : i32
      scf.for %scan3A_1332 = %scan3A_1244 to %scan3A_1246 step %scan3A_1247  : i32 {
        %mul3A_1333 = arith.constant 16 : i32
        %mul3A_1334 = arith.muli %scan3A_1332, %mul3A_1333 : i32
        %get3A = arith.constant 3 : i32
        %get3A_1335 = arith.index_cast %get3A : i32 to index
        %get3A_1336 = arith.index_cast %mul3A_1334 : i32 to index
        %get3A_1337 = tpu.vector_load %arg6[%get3A_1335, %get3A_1336] {strides = array<i32>} : memref<4x80xi32, #tpu.memory_space<vmem>>, vector<1x16xi32>,
        %get3A_1338 = vector.shape_cast %get3A_1337 : vector<1x16xi32> to vector<16xi32>
        %mul3A_1339 = arith.constant 16 : i32
        %mul3A_1340 = arith.muli %scan3A_1332, %mul3A_1339 : i32
        %swap3A = arith.constant 3 : i32
        %swap3A_1341 = arith.index_cast %swap3A : i32 to index
        %swap3A_1342 = arith.index_cast %mul3A_1340 : i32 to index
        %swap3A_1343 = tpu.vector_load %arg7[%swap3A_1341, %swap3A_1342] {strides = array<i32>} : memref<4x80xi32, #tpu.memory_space<vmem>>, vector<1x16xi32>,
        %swap3A_1344 = vector.shape_cast %swap3A_1343 : vector<1x16xi32> to vector<16xi32>
        %swap3A_1345 = vector.shape_cast %get3A_1338 : vector<16xi32> to vector<1x16xi32>
        tpu.vector_store %arg7[%swap3A_1341, %swap3A_1342], %swap3A_1345 {strides = array<i32>} : memref<4x80xi32, #tpu.memory_space<vmem>>, vector<1x16xi32>,
      }
      %scan3A_1248 = arith.constant 5 : i32
      %dma_start3A_1249 = arith.constant 3 : i32
      %dma_start3A_1250 = arith.constant 3 : i32
      %dma_start3A_1251 = arith.constant 0 : i32
      %dma_start3A_1252 = arith.constant 0 : i32
      %dma_start3A_1253 = tpu.memref_slice %arg8[%dma_start3A_1249, %dma_start3A_1251, %dma_start3A_1252] : memref<4x80x128xf32, #tpu.memory_space<vmem>> -> memref<1x80x128xf32, #tpu.memory_space<vmem>>
      %dma_start3A_1254 = tpu.memref_squeeze %dma_start3A_1253 : memref<1x80x128xf32, #tpu.memory_space<vmem>> -> memref<80x128xf32, #tpu.memory_space<vmem>>
      %dma_start3A_1255 = arith.constant 0 : i32
      %dma_start3A_1256 = tpu.memref_slice %arg7[%dma_start3A_1250, %dma_start3A_1255] : memref<4x80xi32, #tpu.memory_space<vmem>> -> memref<1x80xi32, #tpu.memory_space<vmem>>
      %dma_start3A_1257 = tpu.memref_squeeze %dma_start3A_1256 : memref<1x80xi32, #tpu.memory_space<vmem>> -> memref<80xi32, #tpu.memory_space<vmem>>
      %dma_start3A_1258 = arith.constant 0 : i32
      %dma_start3A_1259 = arith.constant 0 : i32
      %dma_start3A_1260 = tpu.memref_slice %arg10[%dma_start3A_1258, %dma_start3A_1259] : memref<10000x128xf32, #tpu.memory_space<vmem_shared>> -> memref<10000x128xf32, #tpu.memory_space<vmem_shared>>
      tpu.enqueue_indirect_dma source(%dma_start3A_1254 : memref<80x128xf32, #tpu.memory_space<vmem>>) target(%dma_start3A_1260 : memref<10000x128xf32, #tpu.memory_space<vmem_shared>>) offsets(%dma_start3A_1257 : memref<80xi32, #tpu.memory_space<vmem>>) semaphore(%arg22 : memref<!tpu.dma_semaphore, #tpu.memory_space<semaphore_mem>>) {add = true}
      %dma_wait3A_1261 = arith.constant 1 : i32
      %dma_wait3A_1262 = arith.constant 1 : i32
      %dma_wait3A_1263 = arith.constant 0 : i32
      %dma_wait3A_1264 = arith.constant 0 : i32
      %dma_wait3A_1265 = tpu.memref_slice %arg8[%dma_wait3A_1261, %dma_wait3A_1263, %dma_wait3A_1264] : memref<4x80x128xf32, #tpu.memory_space<vmem>> -> memref<1x80x128xf32, #tpu.memory_space<vmem>>
      %dma_wait3A_1266 = tpu.memref_squeeze %dma_wait3A_1265 : memref<1x80x128xf32, #tpu.memory_space<vmem>> -> memref<80x128xf32, #tpu.memory_space<vmem>>
      %dma_wait3A_1267 = arith.constant 0 : i32
      %dma_wait3A_1268 = tpu.memref_slice %arg7[%dma_wait3A_1262, %dma_wait3A_1267] : memref<4x80xi32, #tpu.memory_space<vmem>> -> memref<1x80xi32, #tpu.memory_space<vmem>>
      %dma_wait3A_1269 = tpu.memref_squeeze %dma_wait3A_1268 : memref<1x80xi32, #tpu.memory_space<vmem>> -> memref<80xi32, #tpu.memory_space<vmem>>
      %dma_wait3A_1270 = arith.constant 0 : i32
      %dma_wait3A_1271 = arith.constant 0 : i32
      %dma_wait3A_1272 = tpu.memref_slice %arg10[%dma_wait3A_1270, %dma_wait3A_1271] : memref<10000x128xf32, #tpu.memory_space<vmem_shared>> -> memref<10000x128xf32, #tpu.memory_space<vmem_shared>>
      tpu.wait_indirect_dma semaphore(%arg20 : memref<!tpu.dma_semaphore, #tpu.memory_space<semaphore_mem>>) src(%dma_wait3A_1266 : memref<80x128xf32, #tpu.memory_space<vmem>>) dst(%dma_wait3A_1272 : memref<10000x128xf32, #tpu.memory_space<vmem_shared>>)
      %add3A_1273 = arith.constant 4 : i32
      %add3A_1274 = arith.addi %add3A_1230, %add3A_1273 : i32
      %mul3A_1275 = arith.constant 80 : i32
      %mul3A_1276 = arith.muli %add3A_1274, %mul3A_1275 : i32
      %add3A_1277 = arith.addi %mul3A_2, %mul3A_1276 : i32
      %dma_start3A_1278 = arith.constant 3 : i32
      %dma_start3A_1279 = arith.constant 0 : i32
      %dma_start3A_1280 = tpu.memref_slice %arg5[%dma_start3A_1278, %dma_start3A_1279] : memref<4x80xi32, #tpu.memory_space<vmem>> -> memref<1x80xi32, #tpu.memory_space<vmem>>
      %dma_start3A_1281 = tpu.memref_squeeze %dma_start3A_1280 : memref<1x80xi32, #tpu.memory_space<vmem>> -> memref<80xi32, #tpu.memory_space<vmem>>
      %dma_start3A_1282 = tpu.memref_slice %arg3[%add3A_1277] : memref<640000xi32, #tpu.memory_space<hbm>> -> memref<80xi32, #tpu.memory_space<hbm>>
      %dma_start3A_1283 = arith.constant 0 : i32
      %dma_start3A_1284 = tpu.memref_slice %arg5[%dma_start3A_1278, %dma_start3A_1283] : memref<4x80xi32, #tpu.memory_space<vmem>> -> memref<1x80xi32, #tpu.memory_space<vmem>>
      %dma_start3A_1285 = tpu.memref_squeeze %dma_start3A_1284 : memref<1x80xi32, #tpu.memory_space<vmem>> -> memref<80xi32, #tpu.memory_space<vmem>>
      %dma_start3A_1286 = tpu.memref_slice %arg3[%add3A_1277] : memref<640000xi32, #tpu.memory_space<hbm>> -> memref<80xi32, #tpu.memory_space<hbm>>
      tpu.enqueue_dma source(%dma_start3A_1286 : memref<80xi32, #tpu.memory_space<hbm>>) target(%dma_start3A_1285 : memref<80xi32, #tpu.memory_space<vmem>>) target_semaphore(%arg14 : memref<!tpu.dma_semaphore, #tpu.memory_space<semaphore_mem>>)
      %add3A_1287 = arith.constant 320000 : i32
      %add3A_1288 = arith.addi %add3A_1287, %add3A_1277 : i32
      %dma_start3A_1289 = arith.constant 3 : i32
      %dma_start3A_1290 = arith.constant 0 : i32
      %dma_start3A_1291 = tpu.memref_slice %arg6[%dma_start3A_1289, %dma_start3A_1290] : memref<4x80xi32, #tpu.memory_space<vmem>> -> memref<1x80xi32, #tpu.memory_space<vmem>>
      %dma_start3A_1292 = tpu.memref_squeeze %dma_start3A_1291 : memref<1x80xi32, #tpu.memory_space<vmem>> -> memref<80xi32, #tpu.memory_space<vmem>>
      %dma_start3A_1293 = tpu.memref_slice %arg3[%add3A_1288] : memref<640000xi32, #tpu.memory_space<hbm>> -> memref<80xi32, #tpu.memory_space<hbm>>
      %dma_start3A_1294 = arith.constant 0 : i32
      %dma_start3A_1295 = tpu.memref_slice %arg6[%dma_start3A_1289, %dma_start3A_1294] : memref<4x80xi32, #tpu.memory_space<vmem>> -> memref<1x80xi32, #tpu.memory_space<vmem>>
      %dma_start3A_1296 = tpu.memref_squeeze %dma_start3A_1295 : memref<1x80xi32, #tpu.memory_space<vmem>> -> memref<80xi32, #tpu.memory_space<vmem>>
      %dma_start3A_1297 = tpu.memref_slice %arg3[%add3A_1288] : memref<640000xi32, #tpu.memory_space<hbm>> -> memref<80xi32, #tpu.memory_space<hbm>>
      tpu.enqueue_dma source(%dma_start3A_1297 : memref<80xi32, #tpu.memory_space<hbm>>) target(%dma_start3A_1296 : memref<80xi32, #tpu.memory_space<vmem>>) target_semaphore(%arg14 : memref<!tpu.dma_semaphore, #tpu.memory_space<semaphore_mem>>)
      %dma_wait3A_1298 = arith.constant 1 : i32
      %dma_wait3A_1299 = arith.constant 0 : i32
      %dma_wait3A_1300 = tpu.memref_slice %arg5[%dma_wait3A_1298, %dma_wait3A_1299] : memref<4x80xi32, #tpu.memory_space<vmem>> -> memref<1x80xi32, #tpu.memory_space<vmem>>
      %dma_wait3A_1301 = tpu.memref_squeeze %dma_wait3A_1300 : memref<1x80xi32, #tpu.memory_space<vmem>> -> memref<80xi32, #tpu.memory_space<vmem>>
      %dma_wait3A_1302 = arith.constant 0 : i32
      %dma_wait3A_1303 = tpu.memref_slice %arg3[%dma_wait3A_1302] : memref<640000xi32, #tpu.memory_space<hbm>> -> memref<80xi32, #tpu.memory_space<hbm>>
      %dma_wait3A_1304 = arith.constant 0 : i32
      %dma_wait3A_1305 = tpu.memref_slice %arg5[%dma_wait3A_1298, %dma_wait3A_1304] : memref<4x80xi32, #tpu.memory_space<vmem>> -> memref<1x80xi32, #tpu.memory_space<vmem>>
      %dma_wait3A_1306 = tpu.memref_squeeze %dma_wait3A_1305 : memref<1x80xi32, #tpu.memory_space<vmem>> -> memref<80xi32, #tpu.memory_space<vmem>>
      %dma_wait3A_1307 = arith.constant 0 : i32
      %dma_wait3A_1308 = tpu.memref_slice %arg3[%dma_wait3A_1307] : memref<640000xi32, #tpu.memory_space<hbm>> -> memref<80xi32, #tpu.memory_space<hbm>>
      tpu.wait_dma2 semaphore(%arg12 : memref<!tpu.dma_semaphore, #tpu.memory_space<semaphore_mem>>) src(%dma_wait3A_1308 : memref<80xi32, #tpu.memory_space<hbm>>) dst(%dma_wait3A_1306 : memref<80xi32, #tpu.memory_space<vmem>>)
      %dma_wait3A_1309 = arith.constant 1 : i32
      %dma_wait3A_1310 = arith.constant 0 : i32
      %dma_wait3A_1311 = tpu.memref_slice %arg6[%dma_wait3A_1309, %dma_wait3A_1310] : memref<4x80xi32, #tpu.memory_space<vmem>> -> memref<1x80xi32, #tpu.memory_space<vmem>>
      %dma_wait3A_1312 = tpu.memref_squeeze %dma_wait3A_1311 : memref<1x80xi32, #tpu.memory_space<vmem>> -> memref<80xi32, #tpu.memory_space<vmem>>
      %dma_wait3A_1313 = arith.constant 0 : i32
      %dma_wait3A_1314 = tpu.memref_slice %arg3[%dma_wait3A_1313] : memref<640000xi32, #tpu.memory_space<hbm>> -> memref<80xi32, #tpu.memory_space<hbm>>
      %dma_wait3A_1315 = arith.constant 0 : i32
      %dma_wait3A_1316 = tpu.memref_slice %arg6[%dma_wait3A_1309, %dma_wait3A_1315] : memref<4x80xi32, #tpu.memory_space<vmem>> -> memref<1x80xi32, #tpu.memory_space<vmem>>
      %dma_wait3A_1317 = tpu.memref_squeeze %dma_wait3A_1316 : memref<1x80xi32, #tpu.memory_space<vmem>> -> memref<80xi32, #tpu.memory_space<vmem>>
      %dma_wait3A_1318 = arith.constant 0 : i32
      %dma_wait3A_1319 = tpu.memref_slice %arg3[%dma_wait3A_1318] : memref<640000xi32, #tpu.memory_space<hbm>> -> memref<80xi32, #tpu.memory_space<hbm>>
      tpu.wait_dma2 semaphore(%arg12 : memref<!tpu.dma_semaphore, #tpu.memory_space<semaphore_mem>>) src(%dma_wait3A_1319 : memref<80xi32, #tpu.memory_space<hbm>>) dst(%dma_wait3A_1317 : memref<80xi32, #tpu.memory_space<vmem>>)
      %dma_start3A_1320 = arith.constant 1 : i32
      %dma_start3A_1321 = arith.constant 1 : i32
      %dma_start3A_1322 = arith.constant 0 : i32
      %dma_start3A_1323 = arith.constant 0 : i32
      %dma_start3A_1324 = tpu.memref_slice %arg8[%dma_start3A_1321, %dma_start3A_1322, %dma_start3A_1323] : memref<4x80x128xf32, #tpu.memory_space<vmem>> -> memref<1x80x128xf32, #tpu.memory_space<vmem>>
      %dma_start3A_1325 = tpu.memref_squeeze %dma_start3A_1324 : memref<1x80x128xf32, #tpu.memory_space<vmem>> -> memref<80x128xf32, #tpu.memory_space<vmem>>
      %dma_start3A_1326 = arith.constant 0 : i32
      %dma_start3A_1327 = tpu.memref_slice %arg5[%dma_start3A_1320, %dma_start3A_1326] : memref<4x80xi32, #tpu.memory_space<vmem>> -> memref<1x80xi32, #tpu.memory_space<vmem>>
      %dma_start3A_1328 = tpu.memref_squeeze %dma_start3A_1327 : memref<1x80xi32, #tpu.memory_space<vmem>> -> memref<80xi32, #tpu.memory_space<vmem>>
      %dma_start3A_1329 = arith.constant 0 : i32
      %dma_start3A_1330 = arith.constant 0 : i32
      %dma_start3A_1331 = tpu.memref_slice %arg2[%dma_start3A_1329, %dma_start3A_1330] : memref<10000x128xf32, #tpu.memory_space<hbm>> -> memref<10000x128xf32, #tpu.memory_space<hbm>>
      tpu.enqueue_indirect_dma source(%dma_start3A_1331 : memref<10000x128xf32, #tpu.memory_space<hbm>>) target(%dma_start3A_1325 : memref<80x128xf32, #tpu.memory_space<vmem>>) offsets(%dma_start3A_1328 : memref<80xi32, #tpu.memory_space<vmem>>) semaphore(%arg16 : memref<!tpu.dma_semaphore, #tpu.memory_space<semaphore_mem>>)
    }
    %scan3A_541 = arith.constant 29 : i32
    %dma_wait3A_542 = arith.constant 0 : i32
    %dma_wait3A_543 = arith.constant 0 : i32
    %dma_wait3A_544 = arith.constant 0 : i32
    %dma_wait3A_545 = arith.constant 0 : i32
    %dma_wait3A_546 = tpu.memref_slice %arg8[%dma_wait3A_543, %dma_wait3A_544, %dma_wait3A_545] : memref<4x80x128xf32, #tpu.memory_space<vmem>> -> memref<1x80x128xf32, #tpu.memory_space<vmem>>
    %dma_wait3A_547 = tpu.memref_squeeze %dma_wait3A_546 : memref<1x80x128xf32, #tpu.memory_space<vmem>> -> memref<80x128xf32, #tpu.memory_space<vmem>>
    %dma_wait3A_548 = arith.constant 0 : i32
    %dma_wait3A_549 = tpu.memref_slice %arg5[%dma_wait3A_542, %dma_wait3A_548] : memref<4x80xi32, #tpu.memory_space<vmem>> -> memref<1x80xi32, #tpu.memory_space<vmem>>
    %dma_wait3A_550 = tpu.memref_squeeze %dma_wait3A_549 : memref<1x80xi32, #tpu.memory_space<vmem>> -> memref<80xi32, #tpu.memory_space<vmem>>
    %dma_wait3A_551 = arith.constant 0 : i32
    %dma_wait3A_552 = arith.constant 0 : i32
    %dma_wait3A_553 = tpu.memref_slice %arg2[%dma_wait3A_551, %dma_wait3A_552] : memref<10000x128xf32, #tpu.memory_space<hbm>> -> memref<10000x128xf32, #tpu.memory_space<hbm>>
    tpu.wait_indirect_dma semaphore(%arg15 : memref<!tpu.dma_semaphore, #tpu.memory_space<semaphore_mem>>) src(%dma_wait3A_553 : memref<10000x128xf32, #tpu.memory_space<hbm>>) dst(%dma_wait3A_547 : memref<80x128xf32, #tpu.memory_space<vmem>>)
    %scan3A_554 = arith.constant 0 : i32
    %scan3A_555 = arith.constant 0 : i32
    %scan3A_556 = arith.constant 5 : i32
    %scan3A_557 = arith.addi %scan3A_555, %scan3A_556 : i32
    %scan3A_558 = arith.constant 1 : i32
    scf.for %scan3A_911 = %scan3A_555 to %scan3A_557 step %scan3A_558  : i32 {
      %mul3A_912 = arith.constant 16 : i32
      %mul3A_913 = arith.muli %scan3A_911, %mul3A_912 : i32
      %get3A = arith.constant 0 : i32
      %get3A_914 = arith.index_cast %get3A : i32 to index
      %get3A_915 = arith.index_cast %mul3A_913 : i32 to index
      %get3A_916 = tpu.vector_load %arg6[%get3A_914, %get3A_915] {strides = array<i32>} : memref<4x80xi32, #tpu.memory_space<vmem>>, vector<1x16xi32>,
      %get3A_917 = vector.shape_cast %get3A_916 : vector<1x16xi32> to vector<16xi32>
      %mul3A_918 = arith.constant 16 : i32
      %mul3A_919 = arith.muli %scan3A_911, %mul3A_918 : i32
      %swap3A = arith.constant 0 : i32
      %swap3A_920 = arith.index_cast %swap3A : i32 to index
      %swap3A_921 = arith.index_cast %mul3A_919 : i32 to index
      %swap3A_922 = tpu.vector_load %arg7[%swap3A_920, %swap3A_921] {strides = array<i32>} : memref<4x80xi32, #tpu.memory_space<vmem>>, vector<1x16xi32>,
      %swap3A_923 = vector.shape_cast %swap3A_922 : vector<1x16xi32> to vector<16xi32>
      %swap3A_924 = vector.shape_cast %get3A_917 : vector<16xi32> to vector<1x16xi32>
      tpu.vector_store %arg7[%swap3A_920, %swap3A_921], %swap3A_924 {strides = array<i32>} : memref<4x80xi32, #tpu.memory_space<vmem>>, vector<1x16xi32>,
    }
    %scan3A_559 = arith.constant 5 : i32
    %dma_start3A_560 = arith.constant 0 : i32
    %dma_start3A_561 = arith.constant 0 : i32
    %dma_start3A_562 = arith.constant 0 : i32
    %dma_start3A_563 = arith.constant 0 : i32
    %dma_start3A_564 = tpu.memref_slice %arg8[%dma_start3A_560, %dma_start3A_562, %dma_start3A_563] : memref<4x80x128xf32, #tpu.memory_space<vmem>> -> memref<1x80x128xf32, #tpu.memory_space<vmem>>
    %dma_start3A_565 = tpu.memref_squeeze %dma_start3A_564 : memref<1x80x128xf32, #tpu.memory_space<vmem>> -> memref<80x128xf32, #tpu.memory_space<vmem>>
    %dma_start3A_566 = arith.constant 0 : i32
    %dma_start3A_567 = tpu.memref_slice %arg7[%dma_start3A_561, %dma_start3A_566] : memref<4x80xi32, #tpu.memory_space<vmem>> -> memref<1x80xi32, #tpu.memory_space<vmem>>
    %dma_start3A_568 = tpu.memref_squeeze %dma_start3A_567 : memref<1x80xi32, #tpu.memory_space<vmem>> -> memref<80xi32, #tpu.memory_space<vmem>>
    %dma_start3A_569 = arith.constant 0 : i32
    %dma_start3A_570 = arith.constant 0 : i32
    %dma_start3A_571 = tpu.memref_slice %arg10[%dma_start3A_569, %dma_start3A_570] : memref<10000x128xf32, #tpu.memory_space<vmem_shared>> -> memref<10000x128xf32, #tpu.memory_space<vmem_shared>>
    tpu.enqueue_indirect_dma source(%dma_start3A_565 : memref<80x128xf32, #tpu.memory_space<vmem>>) target(%dma_start3A_571 : memref<10000x128xf32, #tpu.memory_space<vmem_shared>>) offsets(%dma_start3A_568 : memref<80xi32, #tpu.memory_space<vmem>>) semaphore(%arg19 : memref<!tpu.dma_semaphore, #tpu.memory_space<semaphore_mem>>) {add = true}
    %dma_wait3A_572 = arith.constant 2 : i32
    %dma_wait3A_573 = arith.constant 2 : i32
    %dma_wait3A_574 = arith.constant 0 : i32
    %dma_wait3A_575 = arith.constant 0 : i32
    %dma_wait3A_576 = tpu.memref_slice %arg8[%dma_wait3A_572, %dma_wait3A_574, %dma_wait3A_575] : memref<4x80x128xf32, #tpu.memory_space<vmem>> -> memref<1x80x128xf32, #tpu.memory_space<vmem>>
    %dma_wait3A_577 = tpu.memref_squeeze %dma_wait3A_576 : memref<1x80x128xf32, #tpu.memory_space<vmem>> -> memref<80x128xf32, #tpu.memory_space<vmem>>
    %dma_wait3A_578 = arith.constant 0 : i32
    %dma_wait3A_579 = tpu.memref_slice %arg7[%dma_wait3A_573, %dma_wait3A_578] : memref<4x80xi32, #tpu.memory_space<vmem>> -> memref<1x80xi32, #tpu.memory_space<vmem>>
    %dma_wait3A_580 = tpu.memref_squeeze %dma_wait3A_579 : memref<1x80xi32, #tpu.memory_space<vmem>> -> memref<80xi32, #tpu.memory_space<vmem>>
    %dma_wait3A_581 = arith.constant 0 : i32
    %dma_wait3A_582 = arith.constant 0 : i32
    %dma_wait3A_583 = tpu.memref_slice %arg10[%dma_wait3A_581, %dma_wait3A_582] : memref<10000x128xf32, #tpu.memory_space<vmem_shared>> -> memref<10000x128xf32, #tpu.memory_space<vmem_shared>>
    tpu.wait_indirect_dma semaphore(%arg21 : memref<!tpu.dma_semaphore, #tpu.memory_space<semaphore_mem>>) src(%dma_wait3A_577 : memref<80x128xf32, #tpu.memory_space<vmem>>) dst(%dma_wait3A_583 : memref<10000x128xf32, #tpu.memory_space<vmem_shared>>)
    %add3A_584 = arith.constant 9920 : i32
    %add3A_585 = arith.addi %mul3A_2, %add3A_584 : i32
    %dma_start3A_586 = arith.constant 0 : i32
    %dma_start3A_587 = arith.constant 0 : i32
    %dma_start3A_588 = tpu.memref_slice %arg5[%dma_start3A_586, %dma_start3A_587] : memref<4x80xi32, #tpu.memory_space<vmem>> -> memref<1x80xi32, #tpu.memory_space<vmem>>
    %dma_start3A_589 = tpu.memref_squeeze %dma_start3A_588 : memref<1x80xi32, #tpu.memory_space<vmem>> -> memref<80xi32, #tpu.memory_space<vmem>>
    %dma_start3A_590 = tpu.memref_slice %arg3[%add3A_585] : memref<640000xi32, #tpu.memory_space<hbm>> -> memref<80xi32, #tpu.memory_space<hbm>>
    %dma_start3A_591 = arith.constant 0 : i32
    %dma_start3A_592 = tpu.memref_slice %arg5[%dma_start3A_586, %dma_start3A_591] : memref<4x80xi32, #tpu.memory_space<vmem>> -> memref<1x80xi32, #tpu.memory_space<vmem>>
    %dma_start3A_593 = tpu.memref_squeeze %dma_start3A_592 : memref<1x80xi32, #tpu.memory_space<vmem>> -> memref<80xi32, #tpu.memory_space<vmem>>
    %dma_start3A_594 = tpu.memref_slice %arg3[%add3A_585] : memref<640000xi32, #tpu.memory_space<hbm>> -> memref<80xi32, #tpu.memory_space<hbm>>
    tpu.enqueue_dma source(%dma_start3A_594 : memref<80xi32, #tpu.memory_space<hbm>>) target(%dma_start3A_593 : memref<80xi32, #tpu.memory_space<vmem>>) target_semaphore(%arg11 : memref<!tpu.dma_semaphore, #tpu.memory_space<semaphore_mem>>)
    %add3A_595 = arith.constant 320000 : i32
    %add3A_596 = arith.addi %add3A_595, %add3A_585 : i32
    %dma_start3A_597 = arith.constant 0 : i32
    %dma_start3A_598 = arith.constant 0 : i32
    %dma_start3A_599 = tpu.memref_slice %arg6[%dma_start3A_597, %dma_start3A_598] : memref<4x80xi32, #tpu.memory_space<vmem>> -> memref<1x80xi32, #tpu.memory_space<vmem>>
    %dma_start3A_600 = tpu.memref_squeeze %dma_start3A_599 : memref<1x80xi32, #tpu.memory_space<vmem>> -> memref<80xi32, #tpu.memory_space<vmem>>
    %dma_start3A_601 = tpu.memref_slice %arg3[%add3A_596] : memref<640000xi32, #tpu.memory_space<hbm>> -> memref<80xi32, #tpu.memory_space<hbm>>
    %dma_start3A_602 = arith.constant 0 : i32
    %dma_start3A_603 = tpu.memref_slice %arg6[%dma_start3A_597, %dma_start3A_602] : memref<4x80xi32, #tpu.memory_space<vmem>> -> memref<1x80xi32, #tpu.memory_space<vmem>>
    %dma_start3A_604 = tpu.memref_squeeze %dma_start3A_603 : memref<1x80xi32, #tpu.memory_space<vmem>> -> memref<80xi32, #tpu.memory_space<vmem>>
    %dma_start3A_605 = tpu.memref_slice %arg3[%add3A_596] : memref<640000xi32, #tpu.memory_space<hbm>> -> memref<80xi32, #tpu.memory_space<hbm>>
    tpu.enqueue_dma source(%dma_start3A_605 : memref<80xi32, #tpu.memory_space<hbm>>) target(%dma_start3A_604 : memref<80xi32, #tpu.memory_space<vmem>>) target_semaphore(%arg11 : memref<!tpu.dma_semaphore, #tpu.memory_space<semaphore_mem>>)
    %dma_wait3A_606 = arith.constant 2 : i32
    %dma_wait3A_607 = arith.constant 0 : i32
    %dma_wait3A_608 = tpu.memref_slice %arg5[%dma_wait3A_606, %dma_wait3A_607] : memref<4x80xi32, #tpu.memory_space<vmem>> -> memref<1x80xi32, #tpu.memory_space<vmem>>
    %dma_wait3A_609 = tpu.memref_squeeze %dma_wait3A_608 : memref<1x80xi32, #tpu.memory_space<vmem>> -> memref<80xi32, #tpu.memory_space<vmem>>
    %dma_wait3A_610 = arith.constant 0 : i32
    %dma_wait3A_611 = tpu.memref_slice %arg3[%dma_wait3A_610] : memref<640000xi32, #tpu.memory_space<hbm>> -> memref<80xi32, #tpu.memory_space<hbm>>
    %dma_wait3A_612 = arith.constant 0 : i32
    %dma_wait3A_613 = tpu.memref_slice %arg5[%dma_wait3A_606, %dma_wait3A_612] : memref<4x80xi32, #tpu.memory_space<vmem>> -> memref<1x80xi32, #tpu.memory_space<vmem>>
    %dma_wait3A_614 = tpu.memref_squeeze %dma_wait3A_613 : memref<1x80xi32, #tpu.memory_space<vmem>> -> memref<80xi32, #tpu.memory_space<vmem>>
    %dma_wait3A_615 = arith.constant 0 : i32
    %dma_wait3A_616 = tpu.memref_slice %arg3[%dma_wait3A_615] : memref<640000xi32, #tpu.memory_space<hbm>> -> memref<80xi32, #tpu.memory_space<hbm>>
    tpu.wait_dma2 semaphore(%arg13 : memref<!tpu.dma_semaphore, #tpu.memory_space<semaphore_mem>>) src(%dma_wait3A_616 : memref<80xi32, #tpu.memory_space<hbm>>) dst(%dma_wait3A_614 : memref<80xi32, #tpu.memory_space<vmem>>)
    %dma_wait3A_617 = arith.constant 2 : i32
    %dma_wait3A_618 = arith.constant 0 : i32
    %dma_wait3A_619 = tpu.memref_slice %arg6[%dma_wait3A_617, %dma_wait3A_618] : memref<4x80xi32, #tpu.memory_space<vmem>> -> memref<1x80xi32, #tpu.memory_space<vmem>>
    %dma_wait3A_620 = tpu.memref_squeeze %dma_wait3A_619 : memref<1x80xi32, #tpu.memory_space<vmem>> -> memref<80xi32, #tpu.memory_space<vmem>>
    %dma_wait3A_621 = arith.constant 0 : i32
    %dma_wait3A_622 = tpu.memref_slice %arg3[%dma_wait3A_621] : memref<640000xi32, #tpu.memory_space<hbm>> -> memref<80xi32, #tpu.memory_space<hbm>>
    %dma_wait3A_623 = arith.constant 0 : i32
    %dma_wait3A_624 = tpu.memref_slice %arg6[%dma_wait3A_617, %dma_wait3A_623] : memref<4x80xi32, #tpu.memory_space<vmem>> -> memref<1x80xi32, #tpu.memory_space<vmem>>
    %dma_wait3A_625 = tpu.memref_squeeze %dma_wait3A_624 : memref<1x80xi32, #tpu.memory_space<vmem>> -> memref<80xi32, #tpu.memory_space<vmem>>
    %dma_wait3A_626 = arith.constant 0 : i32
    %dma_wait3A_627 = tpu.memref_slice %arg3[%dma_wait3A_626] : memref<640000xi32, #tpu.memory_space<hbm>> -> memref<80xi32, #tpu.memory_space<hbm>>
    tpu.wait_dma2 semaphore(%arg13 : memref<!tpu.dma_semaphore, #tpu.memory_space<semaphore_mem>>) src(%dma_wait3A_627 : memref<80xi32, #tpu.memory_space<hbm>>) dst(%dma_wait3A_625 : memref<80xi32, #tpu.memory_space<vmem>>)
    %dma_start3A_628 = arith.constant 2 : i32
    %dma_start3A_629 = arith.constant 2 : i32
    %dma_start3A_630 = arith.constant 0 : i32
    %dma_start3A_631 = arith.constant 0 : i32
    %dma_start3A_632 = tpu.memref_slice %arg8[%dma_start3A_629, %dma_start3A_630, %dma_start3A_631] : memref<4x80x128xf32, #tpu.memory_space<vmem>> -> memref<1x80x128xf32, #tpu.memory_space<vmem>>
    %dma_start3A_633 = tpu.memref_squeeze %dma_start3A_632 : memref<1x80x128xf32, #tpu.memory_space<vmem>> -> memref<80x128xf32, #tpu.memory_space<vmem>>
    %dma_start3A_634 = arith.constant 0 : i32
    %dma_start3A_635 = tpu.memref_slice %arg5[%dma_start3A_628, %dma_start3A_634] : memref<4x80xi32, #tpu.memory_space<vmem>> -> memref<1x80xi32, #tpu.memory_space<vmem>>
    %dma_start3A_636 = tpu.memref_squeeze %dma_start3A_635 : memref<1x80xi32, #tpu.memory_space<vmem>> -> memref<80xi32, #tpu.memory_space<vmem>>
    %dma_start3A_637 = arith.constant 0 : i32
    %dma_start3A_638 = arith.constant 0 : i32
    %dma_start3A_639 = tpu.memref_slice %arg2[%dma_start3A_637, %dma_start3A_638] : memref<10000x128xf32, #tpu.memory_space<hbm>> -> memref<10000x128xf32, #tpu.memory_space<hbm>>
    tpu.enqueue_indirect_dma source(%dma_start3A_639 : memref<10000x128xf32, #tpu.memory_space<hbm>>) target(%dma_start3A_633 : memref<80x128xf32, #tpu.memory_space<vmem>>) offsets(%dma_start3A_636 : memref<80xi32, #tpu.memory_space<vmem>>) semaphore(%arg17 : memref<!tpu.dma_semaphore, #tpu.memory_space<semaphore_mem>>)
    %dma_wait3A_640 = arith.constant 1 : i32
    %dma_wait3A_641 = arith.constant 1 : i32
    %dma_wait3A_642 = arith.constant 0 : i32
    %dma_wait3A_643 = arith.constant 0 : i32
    %dma_wait3A_644 = tpu.memref_slice %arg8[%dma_wait3A_641, %dma_wait3A_642, %dma_wait3A_643] : memref<4x80x128xf32, #tpu.memory_space<vmem>> -> memref<1x80x128xf32, #tpu.memory_space<vmem>>
    %dma_wait3A_645 = tpu.memref_squeeze %dma_wait3A_644 : memref<1x80x128xf32, #tpu.memory_space<vmem>> -> memref<80x128xf32, #tpu.memory_space<vmem>>
    %dma_wait3A_646 = arith.constant 0 : i32
    %dma_wait3A_647 = tpu.memref_slice %arg5[%dma_wait3A_640, %dma_wait3A_646] : memref<4x80xi32, #tpu.memory_space<vmem>> -> memref<1x80xi32, #tpu.memory_space<vmem>>
    %dma_wait3A_648 = tpu.memref_squeeze %dma_wait3A_647 : memref<1x80xi32, #tpu.memory_space<vmem>> -> memref<80xi32, #tpu.memory_space<vmem>>
    %dma_wait3A_649 = arith.constant 0 : i32
    %dma_wait3A_650 = arith.constant 0 : i32
    %dma_wait3A_651 = tpu.memref_slice %arg2[%dma_wait3A_649, %dma_wait3A_650] : memref<10000x128xf32, #tpu.memory_space<hbm>> -> memref<10000x128xf32, #tpu.memory_space<hbm>>
    tpu.wait_indirect_dma semaphore(%arg16 : memref<!tpu.dma_semaphore, #tpu.memory_space<semaphore_mem>>) src(%dma_wait3A_651 : memref<10000x128xf32, #tpu.memory_space<hbm>>) dst(%dma_wait3A_645 : memref<80x128xf32, #tpu.memory_space<vmem>>)
    %scan3A_652 = arith.constant 0 : i32
    %scan3A_653 = arith.constant 0 : i32
    %scan3A_654 = arith.constant 5 : i32
    %scan3A_655 = arith.addi %scan3A_653, %scan3A_654 : i32
    %scan3A_656 = arith.constant 1 : i32
    scf.for %scan3A_911 = %scan3A_653 to %scan3A_655 step %scan3A_656  : i32 {
      %mul3A_912 = arith.constant 16 : i32
      %mul3A_913 = arith.muli %scan3A_911, %mul3A_912 : i32
      %get3A = arith.constant 1 : i32
      %get3A_914 = arith.index_cast %get3A : i32 to index
      %get3A_915 = arith.index_cast %mul3A_913 : i32 to index
      %get3A_916 = tpu.vector_load %arg6[%get3A_914, %get3A_915] {strides = array<i32>} : memref<4x80xi32, #tpu.memory_space<vmem>>, vector<1x16xi32>,
      %get3A_917 = vector.shape_cast %get3A_916 : vector<1x16xi32> to vector<16xi32>
      %mul3A_918 = arith.constant 16 : i32
      %mul3A_919 = arith.muli %scan3A_911, %mul3A_918 : i32
      %swap3A = arith.constant 1 : i32
      %swap3A_920 = arith.index_cast %swap3A : i32 to index
      %swap3A_921 = arith.index_cast %mul3A_919 : i32 to index
      %swap3A_922 = tpu.vector_load %arg7[%swap3A_920, %swap3A_921] {strides = array<i32>} : memref<4x80xi32, #tpu.memory_space<vmem>>, vector<1x16xi32>,
      %swap3A_923 = vector.shape_cast %swap3A_922 : vector<1x16xi32> to vector<16xi32>
      %swap3A_924 = vector.shape_cast %get3A_917 : vector<16xi32> to vector<1x16xi32>
      tpu.vector_store %arg7[%swap3A_920, %swap3A_921], %swap3A_924 {strides = array<i32>} : memref<4x80xi32, #tpu.memory_space<vmem>>, vector<1x16xi32>,
    }
    %scan3A_657 = arith.constant 5 : i32
    %dma_start3A_658 = arith.constant 1 : i32
    %dma_start3A_659 = arith.constant 1 : i32
    %dma_start3A_660 = arith.constant 0 : i32
    %dma_start3A_661 = arith.constant 0 : i32
    %dma_start3A_662 = tpu.memref_slice %arg8[%dma_start3A_658, %dma_start3A_660, %dma_start3A_661] : memref<4x80x128xf32, #tpu.memory_space<vmem>> -> memref<1x80x128xf32, #tpu.memory_space<vmem>>
    %dma_start3A_663 = tpu.memref_squeeze %dma_start3A_662 : memref<1x80x128xf32, #tpu.memory_space<vmem>> -> memref<80x128xf32, #tpu.memory_space<vmem>>
    %dma_start3A_664 = arith.constant 0 : i32
    %dma_start3A_665 = tpu.memref_slice %arg7[%dma_start3A_659, %dma_start3A_664] : memref<4x80xi32, #tpu.memory_space<vmem>> -> memref<1x80xi32, #tpu.memory_space<vmem>>
    %dma_start3A_666 = tpu.memref_squeeze %dma_start3A_665 : memref<1x80xi32, #tpu.memory_space<vmem>> -> memref<80xi32, #tpu.memory_space<vmem>>
    %dma_start3A_667 = arith.constant 0 : i32
    %dma_start3A_668 = arith.constant 0 : i32
    %dma_start3A_669 = tpu.memref_slice %arg10[%dma_start3A_667, %dma_start3A_668] : memref<10000x128xf32, #tpu.memory_space<vmem_shared>> -> memref<10000x128xf32, #tpu.memory_space<vmem_shared>>
    tpu.enqueue_indirect_dma source(%dma_start3A_663 : memref<80x128xf32, #tpu.memory_space<vmem>>) target(%dma_start3A_669 : memref<10000x128xf32, #tpu.memory_space<vmem_shared>>) offsets(%dma_start3A_666 : memref<80xi32, #tpu.memory_space<vmem>>) semaphore(%arg20 : memref<!tpu.dma_semaphore, #tpu.memory_space<semaphore_mem>>) {add = true}
    %dma_wait3A_670 = arith.constant 3 : i32
    %dma_wait3A_671 = arith.constant 3 : i32
    %dma_wait3A_672 = arith.constant 0 : i32
    %dma_wait3A_673 = arith.constant 0 : i32
    %dma_wait3A_674 = tpu.memref_slice %arg8[%dma_wait3A_670, %dma_wait3A_672, %dma_wait3A_673] : memref<4x80x128xf32, #tpu.memory_space<vmem>> -> memref<1x80x128xf32, #tpu.memory_space<vmem>>
    %dma_wait3A_675 = tpu.memref_squeeze %dma_wait3A_674 : memref<1x80x128xf32, #tpu.memory_space<vmem>> -> memref<80x128xf32, #tpu.memory_space<vmem>>
    %dma_wait3A_676 = arith.constant 0 : i32
    %dma_wait3A_677 = tpu.memref_slice %arg7[%dma_wait3A_671, %dma_wait3A_676] : memref<4x80xi32, #tpu.memory_space<vmem>> -> memref<1x80xi32, #tpu.memory_space<vmem>>
    %dma_wait3A_678 = tpu.memref_squeeze %dma_wait3A_677 : memref<1x80xi32, #tpu.memory_space<vmem>> -> memref<80xi32, #tpu.memory_space<vmem>>
    %dma_wait3A_679 = arith.constant 0 : i32
    %dma_wait3A_680 = arith.constant 0 : i32
    %dma_wait3A_681 = tpu.memref_slice %arg10[%dma_wait3A_679, %dma_wait3A_680] : memref<10000x128xf32, #tpu.memory_space<vmem_shared>> -> memref<10000x128xf32, #tpu.memory_space<vmem_shared>>
    tpu.wait_indirect_dma semaphore(%arg22 : memref<!tpu.dma_semaphore, #tpu.memory_space<semaphore_mem>>) src(%dma_wait3A_675 : memref<80x128xf32, #tpu.memory_space<vmem>>) dst(%dma_wait3A_681 : memref<10000x128xf32, #tpu.memory_space<vmem_shared>>)
    %dma_wait3A_682 = arith.constant 3 : i32
    %dma_wait3A_683 = arith.constant 0 : i32
    %dma_wait3A_684 = tpu.memref_slice %arg5[%dma_wait3A_682, %dma_wait3A_683] : memref<4x80xi32, #tpu.memory_space<vmem>> -> memref<1x80xi32, #tpu.memory_space<vmem>>
    %dma_wait3A_685 = tpu.memref_squeeze %dma_wait3A_684 : memref<1x80xi32, #tpu.memory_space<vmem>> -> memref<80xi32, #tpu.memory_space<vmem>>
    %dma_wait3A_686 = arith.constant 0 : i32
    %dma_wait3A_687 = tpu.memref_slice %arg3[%dma_wait3A_686] : memref<640000xi32, #tpu.memory_space<hbm>> -> memref<80xi32, #tpu.memory_space<hbm>>
    %dma_wait3A_688 = arith.constant 0 : i32
    %dma_wait3A_689 = tpu.memref_slice %arg5[%dma_wait3A_682, %dma_wait3A_688] : memref<4x80xi32, #tpu.memory_space<vmem>> -> memref<1x80xi32, #tpu.memory_space<vmem>>
    %dma_wait3A_690 = tpu.memref_squeeze %dma_wait3A_689 : memref<1x80xi32, #tpu.memory_space<vmem>> -> memref<80xi32, #tpu.memory_space<vmem>>
    %dma_wait3A_691 = arith.constant 0 : i32
    %dma_wait3A_692 = tpu.memref_slice %arg3[%dma_wait3A_691] : memref<640000xi32, #tpu.memory_space<hbm>> -> memref<80xi32, #tpu.memory_space<hbm>>
    tpu.wait_dma2 semaphore(%arg14 : memref<!tpu.dma_semaphore, #tpu.memory_space<semaphore_mem>>) src(%dma_wait3A_692 : memref<80xi32, #tpu.memory_space<hbm>>) dst(%dma_wait3A_690 : memref<80xi32, #tpu.memory_space<vmem>>)
    %dma_wait3A_693 = arith.constant 3 : i32
    %dma_wait3A_694 = arith.constant 0 : i32
    %dma_wait3A_695 = tpu.memref_slice %arg6[%dma_wait3A_693, %dma_wait3A_694] : memref<4x80xi32, #tpu.memory_space<vmem>> -> memref<1x80xi32, #tpu.memory_space<vmem>>
    %dma_wait3A_696 = tpu.memref_squeeze %dma_wait3A_695 : memref<1x80xi32, #tpu.memory_space<vmem>> -> memref<80xi32, #tpu.memory_space<vmem>>
    %dma_wait3A_697 = arith.constant 0 : i32
    %dma_wait3A_698 = tpu.memref_slice %arg3[%dma_wait3A_697] : memref<640000xi32, #tpu.memory_space<hbm>> -> memref<80xi32, #tpu.memory_space<hbm>>
    %dma_wait3A_699 = arith.constant 0 : i32
    %dma_wait3A_700 = tpu.memref_slice %arg6[%dma_wait3A_693, %dma_wait3A_699] : memref<4x80xi32, #tpu.memory_space<vmem>> -> memref<1x80xi32, #tpu.memory_space<vmem>>
    %dma_wait3A_701 = tpu.memref_squeeze %dma_wait3A_700 : memref<1x80xi32, #tpu.memory_space<vmem>> -> memref<80xi32, #tpu.memory_space<vmem>>
    %dma_wait3A_702 = arith.constant 0 : i32
    %dma_wait3A_703 = tpu.memref_slice %arg3[%dma_wait3A_702] : memref<640000xi32, #tpu.memory_space<hbm>> -> memref<80xi32, #tpu.memory_space<hbm>>
    tpu.wait_dma2 semaphore(%arg14 : memref<!tpu.dma_semaphore, #tpu.memory_space<semaphore_mem>>) src(%dma_wait3A_703 : memref<80xi32, #tpu.memory_space<hbm>>) dst(%dma_wait3A_701 : memref<80xi32, #tpu.memory_space<vmem>>)
    %dma_start3A_704 = arith.constant 3 : i32
    %dma_start3A_705 = arith.constant 3 : i32
    %dma_start3A_706 = arith.constant 0 : i32
    %dma_start3A_707 = arith.constant 0 : i32
    %dma_start3A_708 = tpu.memref_slice %arg8[%dma_start3A_705, %dma_start3A_706, %dma_start3A_707] : memref<4x80x128xf32, #tpu.memory_space<vmem>> -> memref<1x80x128xf32, #tpu.memory_space<vmem>>
    %dma_start3A_709 = tpu.memref_squeeze %dma_start3A_708 : memref<1x80x128xf32, #tpu.memory_space<vmem>> -> memref<80x128xf32, #tpu.memory_space<vmem>>
    %dma_start3A_710 = arith.constant 0 : i32
    %dma_start3A_711 = tpu.memref_slice %arg5[%dma_start3A_704, %dma_start3A_710] : memref<4x80xi32, #tpu.memory_space<vmem>> -> memref<1x80xi32, #tpu.memory_space<vmem>>
    %dma_start3A_712 = tpu.memref_squeeze %dma_start3A_711 : memref<1x80xi32, #tpu.memory_space<vmem>> -> memref<80xi32, #tpu.memory_space<vmem>>
    %dma_start3A_713 = arith.constant 0 : i32
    %dma_start3A_714 = arith.constant 0 : i32
    %dma_start3A_715 = tpu.memref_slice %arg2[%dma_start3A_713, %dma_start3A_714] : memref<10000x128xf32, #tpu.memory_space<hbm>> -> memref<10000x128xf32, #tpu.memory_space<hbm>>
    tpu.enqueue_indirect_dma source(%dma_start3A_715 : memref<10000x128xf32, #tpu.memory_space<hbm>>) target(%dma_start3A_709 : memref<80x128xf32, #tpu.memory_space<vmem>>) offsets(%dma_start3A_712 : memref<80xi32, #tpu.memory_space<vmem>>) semaphore(%arg18 : memref<!tpu.dma_semaphore, #tpu.memory_space<semaphore_mem>>)
    %dma_wait3A_716 = arith.constant 2 : i32
    %dma_wait3A_717 = arith.constant 2 : i32
    %dma_wait3A_718 = arith.constant 0 : i32
    %dma_wait3A_719 = arith.constant 0 : i32
    %dma_wait3A_720 = tpu.memref_slice %arg8[%dma_wait3A_717, %dma_wait3A_718, %dma_wait3A_719] : memref<4x80x128xf32, #tpu.memory_space<vmem>> -> memref<1x80x128xf32, #tpu.memory_space<vmem>>
    %dma_wait3A_721 = tpu.memref_squeeze %dma_wait3A_720 : memref<1x80x128xf32, #tpu.memory_space<vmem>> -> memref<80x128xf32, #tpu.memory_space<vmem>>
    %dma_wait3A_722 = arith.constant 0 : i32
    %dma_wait3A_723 = tpu.memref_slice %arg5[%dma_wait3A_716, %dma_wait3A_722] : memref<4x80xi32, #tpu.memory_space<vmem>> -> memref<1x80xi32, #tpu.memory_space<vmem>>
    %dma_wait3A_724 = tpu.memref_squeeze %dma_wait3A_723 : memref<1x80xi32, #tpu.memory_space<vmem>> -> memref<80xi32, #tpu.memory_space<vmem>>
    %dma_wait3A_725 = arith.constant 0 : i32
    %dma_wait3A_726 = arith.constant 0 : i32
    %dma_wait3A_727 = tpu.memref_slice %arg2[%dma_wait3A_725, %dma_wait3A_726] : memref<10000x128xf32, #tpu.memory_space<hbm>> -> memref<10000x128xf32, #tpu.memory_space<hbm>>
    tpu.wait_indirect_dma semaphore(%arg17 : memref<!tpu.dma_semaphore, #tpu.memory_space<semaphore_mem>>) src(%dma_wait3A_727 : memref<10000x128xf32, #tpu.memory_space<hbm>>) dst(%dma_wait3A_721 : memref<80x128xf32, #tpu.memory_space<vmem>>)
    %scan3A_728 = arith.constant 0 : i32
    %scan3A_729 = arith.constant 0 : i32
    %scan3A_730 = arith.constant 5 : i32
    %scan3A_731 = arith.addi %scan3A_729, %scan3A_730 : i32
    %scan3A_732 = arith.constant 1 : i32
    scf.for %scan3A_911 = %scan3A_729 to %scan3A_731 step %scan3A_732  : i32 {
      %mul3A_912 = arith.constant 16 : i32
      %mul3A_913 = arith.muli %scan3A_911, %mul3A_912 : i32
      %get3A = arith.constant 2 : i32
      %get3A_914 = arith.index_cast %get3A : i32 to index
      %get3A_915 = arith.index_cast %mul3A_913 : i32 to index
      %get3A_916 = tpu.vector_load %arg6[%get3A_914, %get3A_915] {strides = array<i32>} : memref<4x80xi32, #tpu.memory_space<vmem>>, vector<1x16xi32>,
      %get3A_917 = vector.shape_cast %get3A_916 : vector<1x16xi32> to vector<16xi32>
      %mul3A_918 = arith.constant 16 : i32
      %mul3A_919 = arith.muli %scan3A_911, %mul3A_918 : i32
      %swap3A = arith.constant 2 : i32
      %swap3A_920 = arith.index_cast %swap3A : i32 to index
      %swap3A_921 = arith.index_cast %mul3A_919 : i32 to index
      %swap3A_922 = tpu.vector_load %arg7[%swap3A_920, %swap3A_921] {strides = array<i32>} : memref<4x80xi32, #tpu.memory_space<vmem>>, vector<1x16xi32>,
      %swap3A_923 = vector.shape_cast %swap3A_922 : vector<1x16xi32> to vector<16xi32>
      %swap3A_924 = vector.shape_cast %get3A_917 : vector<16xi32> to vector<1x16xi32>
      tpu.vector_store %arg7[%swap3A_920, %swap3A_921], %swap3A_924 {strides = array<i32>} : memref<4x80xi32, #tpu.memory_space<vmem>>, vector<1x16xi32>,
    }
    %scan3A_733 = arith.constant 5 : i32
    %dma_start3A_734 = arith.constant 2 : i32
    %dma_start3A_735 = arith.constant 2 : i32
    %dma_start3A_736 = arith.constant 0 : i32
    %dma_start3A_737 = arith.constant 0 : i32
    %dma_start3A_738 = tpu.memref_slice %arg8[%dma_start3A_734, %dma_start3A_736, %dma_start3A_737] : memref<4x80x128xf32, #tpu.memory_space<vmem>> -> memref<1x80x128xf32, #tpu.memory_space<vmem>>
    %dma_start3A_739 = tpu.memref_squeeze %dma_start3A_738 : memref<1x80x128xf32, #tpu.memory_space<vmem>> -> memref<80x128xf32, #tpu.memory_space<vmem>>
    %dma_start3A_740 = arith.constant 0 : i32
    %dma_start3A_741 = tpu.memref_slice %arg7[%dma_start3A_735, %dma_start3A_740] : memref<4x80xi32, #tpu.memory_space<vmem>> -> memref<1x80xi32, #tpu.memory_space<vmem>>
    %dma_start3A_742 = tpu.memref_squeeze %dma_start3A_741 : memref<1x80xi32, #tpu.memory_space<vmem>> -> memref<80xi32, #tpu.memory_space<vmem>>
    %dma_start3A_743 = arith.constant 0 : i32
    %dma_start3A_744 = arith.constant 0 : i32
    %dma_start3A_745 = tpu.memref_slice %arg10[%dma_start3A_743, %dma_start3A_744] : memref<10000x128xf32, #tpu.memory_space<vmem_shared>> -> memref<10000x128xf32, #tpu.memory_space<vmem_shared>>
    tpu.enqueue_indirect_dma source(%dma_start3A_739 : memref<80x128xf32, #tpu.memory_space<vmem>>) target(%dma_start3A_745 : memref<10000x128xf32, #tpu.memory_space<vmem_shared>>) offsets(%dma_start3A_742 : memref<80xi32, #tpu.memory_space<vmem>>) semaphore(%arg21 : memref<!tpu.dma_semaphore, #tpu.memory_space<semaphore_mem>>) {add = true}
    %dma_wait3A_746 = arith.constant 0 : i32
    %dma_wait3A_747 = arith.constant 0 : i32
    %dma_wait3A_748 = arith.constant 0 : i32
    %dma_wait3A_749 = arith.constant 0 : i32
    %dma_wait3A_750 = tpu.memref_slice %arg8[%dma_wait3A_746, %dma_wait3A_748, %dma_wait3A_749] : memref<4x80x128xf32, #tpu.memory_space<vmem>> -> memref<1x80x128xf32, #tpu.memory_space<vmem>>
    %dma_wait3A_751 = tpu.memref_squeeze %dma_wait3A_750 : memref<1x80x128xf32, #tpu.memory_space<vmem>> -> memref<80x128xf32, #tpu.memory_space<vmem>>
    %dma_wait3A_752 = arith.constant 0 : i32
    %dma_wait3A_753 = tpu.memref_slice %arg7[%dma_wait3A_747, %dma_wait3A_752] : memref<4x80xi32, #tpu.memory_space<vmem>> -> memref<1x80xi32, #tpu.memory_space<vmem>>
    %dma_wait3A_754 = tpu.memref_squeeze %dma_wait3A_753 : memref<1x80xi32, #tpu.memory_space<vmem>> -> memref<80xi32, #tpu.memory_space<vmem>>
    %dma_wait3A_755 = arith.constant 0 : i32
    %dma_wait3A_756 = arith.constant 0 : i32
    %dma_wait3A_757 = tpu.memref_slice %arg10[%dma_wait3A_755, %dma_wait3A_756] : memref<10000x128xf32, #tpu.memory_space<vmem_shared>> -> memref<10000x128xf32, #tpu.memory_space<vmem_shared>>
    tpu.wait_indirect_dma semaphore(%arg19 : memref<!tpu.dma_semaphore, #tpu.memory_space<semaphore_mem>>) src(%dma_wait3A_751 : memref<80x128xf32, #tpu.memory_space<vmem>>) dst(%dma_wait3A_757 : memref<10000x128xf32, #tpu.memory_space<vmem_shared>>)
    %dma_wait3A_758 = arith.constant 0 : i32
    %dma_wait3A_759 = arith.constant 0 : i32
    %dma_wait3A_760 = tpu.memref_slice %arg5[%dma_wait3A_758, %dma_wait3A_759] : memref<4x80xi32, #tpu.memory_space<vmem>> -> memref<1x80xi32, #tpu.memory_space<vmem>>
    %dma_wait3A_761 = tpu.memref_squeeze %dma_wait3A_760 : memref<1x80xi32, #tpu.memory_space<vmem>> -> memref<80xi32, #tpu.memory_space<vmem>>
    %dma_wait3A_762 = arith.constant 0 : i32
    %dma_wait3A_763 = tpu.memref_slice %arg3[%dma_wait3A_762] : memref<640000xi32, #tpu.memory_space<hbm>> -> memref<80xi32, #tpu.memory_space<hbm>>
    %dma_wait3A_764 = arith.constant 0 : i32
    %dma_wait3A_765 = tpu.memref_slice %arg5[%dma_wait3A_758, %dma_wait3A_764] : memref<4x80xi32, #tpu.memory_space<vmem>> -> memref<1x80xi32, #tpu.memory_space<vmem>>
    %dma_wait3A_766 = tpu.memref_squeeze %dma_wait3A_765 : memref<1x80xi32, #tpu.memory_space<vmem>> -> memref<80xi32, #tpu.memory_space<vmem>>
    %dma_wait3A_767 = arith.constant 0 : i32
    %dma_wait3A_768 = tpu.memref_slice %arg3[%dma_wait3A_767] : memref<640000xi32, #tpu.memory_space<hbm>> -> memref<80xi32, #tpu.memory_space<hbm>>
    tpu.wait_dma2 semaphore(%arg11 : memref<!tpu.dma_semaphore, #tpu.memory_space<semaphore_mem>>) src(%dma_wait3A_768 : memref<80xi32, #tpu.memory_space<hbm>>) dst(%dma_wait3A_766 : memref<80xi32, #tpu.memory_space<vmem>>)
    %dma_wait3A_769 = arith.constant 0 : i32
    %dma_wait3A_770 = arith.constant 0 : i32
    %dma_wait3A_771 = tpu.memref_slice %arg6[%dma_wait3A_769, %dma_wait3A_770] : memref<4x80xi32, #tpu.memory_space<vmem>> -> memref<1x80xi32, #tpu.memory_space<vmem>>
    %dma_wait3A_772 = tpu.memref_squeeze %dma_wait3A_771 : memref<1x80xi32, #tpu.memory_space<vmem>> -> memref<80xi32, #tpu.memory_space<vmem>>
    %dma_wait3A_773 = arith.constant 0 : i32
    %dma_wait3A_774 = tpu.memref_slice %arg3[%dma_wait3A_773] : memref<640000xi32, #tpu.memory_space<hbm>> -> memref<80xi32, #tpu.memory_space<hbm>>
    %dma_wait3A_775 = arith.constant 0 : i32
    %dma_wait3A_776 = tpu.memref_slice %arg6[%dma_wait3A_769, %dma_wait3A_775] : memref<4x80xi32, #tpu.memory_space<vmem>> -> memref<1x80xi32, #tpu.memory_space<vmem>>
    %dma_wait3A_777 = tpu.memref_squeeze %dma_wait3A_776 : memref<1x80xi32, #tpu.memory_space<vmem>> -> memref<80xi32, #tpu.memory_space<vmem>>
    %dma_wait3A_778 = arith.constant 0 : i32
    %dma_wait3A_779 = tpu.memref_slice %arg3[%dma_wait3A_778] : memref<640000xi32, #tpu.memory_space<hbm>> -> memref<80xi32, #tpu.memory_space<hbm>>
    tpu.wait_dma2 semaphore(%arg11 : memref<!tpu.dma_semaphore, #tpu.memory_space<semaphore_mem>>) src(%dma_wait3A_779 : memref<80xi32, #tpu.memory_space<hbm>>) dst(%dma_wait3A_777 : memref<80xi32, #tpu.memory_space<vmem>>)
    %dma_start3A_780 = arith.constant 0 : i32
    %dma_start3A_781 = arith.constant 0 : i32
    %dma_start3A_782 = arith.constant 0 : i32
    %dma_start3A_783 = arith.constant 0 : i32
    %dma_start3A_784 = tpu.memref_slice %arg8[%dma_start3A_781, %dma_start3A_782, %dma_start3A_783] : memref<4x80x128xf32, #tpu.memory_space<vmem>> -> memref<1x80x128xf32, #tpu.memory_space<vmem>>
    %dma_start3A_785 = tpu.memref_squeeze %dma_start3A_784 : memref<1x80x128xf32, #tpu.memory_space<vmem>> -> memref<80x128xf32, #tpu.memory_space<vmem>>
    %dma_start3A_786 = arith.constant 0 : i32
    %dma_start3A_787 = tpu.memref_slice %arg5[%dma_start3A_780, %dma_start3A_786] : memref<4x80xi32, #tpu.memory_space<vmem>> -> memref<1x80xi32, #tpu.memory_space<vmem>>
    %dma_start3A_788 = tpu.memref_squeeze %dma_start3A_787 : memref<1x80xi32, #tpu.memory_space<vmem>> -> memref<80xi32, #tpu.memory_space<vmem>>
    %dma_start3A_789 = arith.constant 0 : i32
    %dma_start3A_790 = arith.constant 0 : i32
    %dma_start3A_791 = tpu.memref_slice %arg2[%dma_start3A_789, %dma_start3A_790] : memref<10000x128xf32, #tpu.memory_space<hbm>> -> memref<10000x128xf32, #tpu.memory_space<hbm>>
    tpu.enqueue_indirect_dma source(%dma_start3A_791 : memref<10000x128xf32, #tpu.memory_space<hbm>>) target(%dma_start3A_785 : memref<80x128xf32, #tpu.memory_space<vmem>>) offsets(%dma_start3A_788 : memref<80xi32, #tpu.memory_space<vmem>>) semaphore(%arg15 : memref<!tpu.dma_semaphore, #tpu.memory_space<semaphore_mem>>)
    %dma_wait3A_792 = arith.constant 3 : i32
    %dma_wait3A_793 = arith.constant 3 : i32
    %dma_wait3A_794 = arith.constant 0 : i32
    %dma_wait3A_795 = arith.constant 0 : i32
    %dma_wait3A_796 = tpu.memref_slice %arg8[%dma_wait3A_793, %dma_wait3A_794, %dma_wait3A_795] : memref<4x80x128xf32, #tpu.memory_space<vmem>> -> memref<1x80x128xf32, #tpu.memory_space<vmem>>
    %dma_wait3A_797 = tpu.memref_squeeze %dma_wait3A_796 : memref<1x80x128xf32, #tpu.memory_space<vmem>> -> memref<80x128xf32, #tpu.memory_space<vmem>>
    %dma_wait3A_798 = arith.constant 0 : i32
    %dma_wait3A_799 = tpu.memref_slice %arg5[%dma_wait3A_792, %dma_wait3A_798] : memref<4x80xi32, #tpu.memory_space<vmem>> -> memref<1x80xi32, #tpu.memory_space<vmem>>
    %dma_wait3A_800 = tpu.memref_squeeze %dma_wait3A_799 : memref<1x80xi32, #tpu.memory_space<vmem>> -> memref<80xi32, #tpu.memory_space<vmem>>
    %dma_wait3A_801 = arith.constant 0 : i32
    %dma_wait3A_802 = arith.constant 0 : i32
    %dma_wait3A_803 = tpu.memref_slice %arg2[%dma_wait3A_801, %dma_wait3A_802] : memref<10000x128xf32, #tpu.memory_space<hbm>> -> memref<10000x128xf32, #tpu.memory_space<hbm>>
    tpu.wait_indirect_dma semaphore(%arg18 : memref<!tpu.dma_semaphore, #tpu.memory_space<semaphore_mem>>) src(%dma_wait3A_803 : memref<10000x128xf32, #tpu.memory_space<hbm>>) dst(%dma_wait3A_797 : memref<80x128xf32, #tpu.memory_space<vmem>>)
    %scan3A_804 = arith.constant 0 : i32
    %scan3A_805 = arith.constant 0 : i32
    %scan3A_806 = arith.constant 5 : i32
    %scan3A_807 = arith.addi %scan3A_805, %scan3A_806 : i32
    %scan3A_808 = arith.constant 1 : i32
    scf.for %scan3A_911 = %scan3A_805 to %scan3A_807 step %scan3A_808  : i32 {
      %mul3A_912 = arith.constant 16 : i32
      %mul3A_913 = arith.muli %scan3A_911, %mul3A_912 : i32
      %get3A = arith.constant 3 : i32
      %get3A_914 = arith.index_cast %get3A : i32 to index
      %get3A_915 = arith.index_cast %mul3A_913 : i32 to index
      %get3A_916 = tpu.vector_load %arg6[%get3A_914, %get3A_915] {strides = array<i32>} : memref<4x80xi32, #tpu.memory_space<vmem>>, vector<1x16xi32>,
      %get3A_917 = vector.shape_cast %get3A_916 : vector<1x16xi32> to vector<16xi32>
      %mul3A_918 = arith.constant 16 : i32
      %mul3A_919 = arith.muli %scan3A_911, %mul3A_918 : i32
      %swap3A = arith.constant 3 : i32
      %swap3A_920 = arith.index_cast %swap3A : i32 to index
      %swap3A_921 = arith.index_cast %mul3A_919 : i32 to index
      %swap3A_922 = tpu.vector_load %arg7[%swap3A_920, %swap3A_921] {strides = array<i32>} : memref<4x80xi32, #tpu.memory_space<vmem>>, vector<1x16xi32>,
      %swap3A_923 = vector.shape_cast %swap3A_922 : vector<1x16xi32> to vector<16xi32>
      %swap3A_924 = vector.shape_cast %get3A_917 : vector<16xi32> to vector<1x16xi32>
      tpu.vector_store %arg7[%swap3A_920, %swap3A_921], %swap3A_924 {strides = array<i32>} : memref<4x80xi32, #tpu.memory_space<vmem>>, vector<1x16xi32>,
    }
    %scan3A_809 = arith.constant 5 : i32
    %dma_start3A_810 = arith.constant 3 : i32
    %dma_start3A_811 = arith.constant 3 : i32
    %dma_start3A_812 = arith.constant 0 : i32
    %dma_start3A_813 = arith.constant 0 : i32
    %dma_start3A_814 = tpu.memref_slice %arg8[%dma_start3A_810, %dma_start3A_812, %dma_start3A_813] : memref<4x80x128xf32, #tpu.memory_space<vmem>> -> memref<1x80x128xf32, #tpu.memory_space<vmem>>
    %dma_start3A_815 = tpu.memref_squeeze %dma_start3A_814 : memref<1x80x128xf32, #tpu.memory_space<vmem>> -> memref<80x128xf32, #tpu.memory_space<vmem>>
    %dma_start3A_816 = arith.constant 0 : i32
    %dma_start3A_817 = tpu.memref_slice %arg7[%dma_start3A_811, %dma_start3A_816] : memref<4x80xi32, #tpu.memory_space<vmem>> -> memref<1x80xi32, #tpu.memory_space<vmem>>
    %dma_start3A_818 = tpu.memref_squeeze %dma_start3A_817 : memref<1x80xi32, #tpu.memory_space<vmem>> -> memref<80xi32, #tpu.memory_space<vmem>>
    %dma_start3A_819 = arith.constant 0 : i32
    %dma_start3A_820 = arith.constant 0 : i32
    %dma_start3A_821 = tpu.memref_slice %arg10[%dma_start3A_819, %dma_start3A_820] : memref<10000x128xf32, #tpu.memory_space<vmem_shared>> -> memref<10000x128xf32, #tpu.memory_space<vmem_shared>>
    tpu.enqueue_indirect_dma source(%dma_start3A_815 : memref<80x128xf32, #tpu.memory_space<vmem>>) target(%dma_start3A_821 : memref<10000x128xf32, #tpu.memory_space<vmem_shared>>) offsets(%dma_start3A_818 : memref<80xi32, #tpu.memory_space<vmem>>) semaphore(%arg22 : memref<!tpu.dma_semaphore, #tpu.memory_space<semaphore_mem>>) {add = true}
    %dma_wait3A_822 = arith.constant 1 : i32
    %dma_wait3A_823 = arith.constant 1 : i32
    %dma_wait3A_824 = arith.constant 0 : i32
    %dma_wait3A_825 = arith.constant 0 : i32
    %dma_wait3A_826 = tpu.memref_slice %arg8[%dma_wait3A_822, %dma_wait3A_824, %dma_wait3A_825] : memref<4x80x128xf32, #tpu.memory_space<vmem>> -> memref<1x80x128xf32, #tpu.memory_space<vmem>>
    %dma_wait3A_827 = tpu.memref_squeeze %dma_wait3A_826 : memref<1x80x128xf32, #tpu.memory_space<vmem>> -> memref<80x128xf32, #tpu.memory_space<vmem>>
    %dma_wait3A_828 = arith.constant 0 : i32
    %dma_wait3A_829 = tpu.memref_slice %arg7[%dma_wait3A_823, %dma_wait3A_828] : memref<4x80xi32, #tpu.memory_space<vmem>> -> memref<1x80xi32, #tpu.memory_space<vmem>>
    %dma_wait3A_830 = tpu.memref_squeeze %dma_wait3A_829 : memref<1x80xi32, #tpu.memory_space<vmem>> -> memref<80xi32, #tpu.memory_space<vmem>>
    %dma_wait3A_831 = arith.constant 0 : i32
    %dma_wait3A_832 = arith.constant 0 : i32
    %dma_wait3A_833 = tpu.memref_slice %arg10[%dma_wait3A_831, %dma_wait3A_832] : memref<10000x128xf32, #tpu.memory_space<vmem_shared>> -> memref<10000x128xf32, #tpu.memory_space<vmem_shared>>
    tpu.wait_indirect_dma semaphore(%arg20 : memref<!tpu.dma_semaphore, #tpu.memory_space<semaphore_mem>>) src(%dma_wait3A_827 : memref<80x128xf32, #tpu.memory_space<vmem>>) dst(%dma_wait3A_833 : memref<10000x128xf32, #tpu.memory_space<vmem_shared>>)
    %dma_wait3A_834 = arith.constant 0 : i32
    %dma_wait3A_835 = arith.constant 0 : i32
    %dma_wait3A_836 = arith.constant 0 : i32
    %dma_wait3A_837 = arith.constant 0 : i32
    %dma_wait3A_838 = tpu.memref_slice %arg8[%dma_wait3A_835, %dma_wait3A_836, %dma_wait3A_837] : memref<4x80x128xf32, #tpu.memory_space<vmem>> -> memref<1x80x128xf32, #tpu.memory_space<vmem>>
    %dma_wait3A_839 = tpu.memref_squeeze %dma_wait3A_838 : memref<1x80x128xf32, #tpu.memory_space<vmem>> -> memref<80x128xf32, #tpu.memory_space<vmem>>
    %dma_wait3A_840 = arith.constant 0 : i32
    %dma_wait3A_841 = tpu.memref_slice %arg5[%dma_wait3A_834, %dma_wait3A_840] : memref<4x80xi32, #tpu.memory_space<vmem>> -> memref<1x80xi32, #tpu.memory_space<vmem>>
    %dma_wait3A_842 = tpu.memref_squeeze %dma_wait3A_841 : memref<1x80xi32, #tpu.memory_space<vmem>> -> memref<80xi32, #tpu.memory_space<vmem>>
    %dma_wait3A_843 = arith.constant 0 : i32
    %dma_wait3A_844 = arith.constant 0 : i32
    %dma_wait3A_845 = tpu.memref_slice %arg2[%dma_wait3A_843, %dma_wait3A_844] : memref<10000x128xf32, #tpu.memory_space<hbm>> -> memref<10000x128xf32, #tpu.memory_space<hbm>>
    tpu.wait_indirect_dma semaphore(%arg15 : memref<!tpu.dma_semaphore, #tpu.memory_space<semaphore_mem>>) src(%dma_wait3A_845 : memref<10000x128xf32, #tpu.memory_space<hbm>>) dst(%dma_wait3A_839 : memref<80x128xf32, #tpu.memory_space<vmem>>)
    %scan3A_846 = arith.constant 0 : i32
    %scan3A_847 = arith.constant 0 : i32
    %scan3A_848 = arith.constant 5 : i32
    %scan3A_849 = arith.addi %scan3A_847, %scan3A_848 : i32
    %scan3A_850 = arith.constant 1 : i32
    scf.for %scan3A_911 = %scan3A_847 to %scan3A_849 step %scan3A_850  : i32 {
      %mul3A_912 = arith.constant 16 : i32
      %mul3A_913 = arith.muli %scan3A_911, %mul3A_912 : i32
      %get3A = arith.constant 0 : i32
      %get3A_914 = arith.index_cast %get3A : i32 to index
      %get3A_915 = arith.index_cast %mul3A_913 : i32 to index
      %get3A_916 = tpu.vector_load %arg6[%get3A_914, %get3A_915] {strides = array<i32>} : memref<4x80xi32, #tpu.memory_space<vmem>>, vector<1x16xi32>,
      %get3A_917 = vector.shape_cast %get3A_916 : vector<1x16xi32> to vector<16xi32>
      %mul3A_918 = arith.constant 16 : i32
      %mul3A_919 = arith.muli %scan3A_911, %mul3A_918 : i32
      %swap3A = arith.constant 0 : i32
      %swap3A_920 = arith.index_cast %swap3A : i32 to index
      %swap3A_921 = arith.index_cast %mul3A_919 : i32 to index
      %swap3A_922 = tpu.vector_load %arg7[%swap3A_920, %swap3A_921] {strides = array<i32>} : memref<4x80xi32, #tpu.memory_space<vmem>>, vector<1x16xi32>,
      %swap3A_923 = vector.shape_cast %swap3A_922 : vector<1x16xi32> to vector<16xi32>
      %swap3A_924 = vector.shape_cast %get3A_917 : vector<16xi32> to vector<1x16xi32>
      tpu.vector_store %arg7[%swap3A_920, %swap3A_921], %swap3A_924 {strides = array<i32>} : memref<4x80xi32, #tpu.memory_space<vmem>>, vector<1x16xi32>,
    }
    %scan3A_851 = arith.constant 5 : i32
    %dma_start3A_852 = arith.constant 0 : i32
    %dma_start3A_853 = arith.constant 0 : i32
    %dma_start3A_854 = arith.constant 0 : i32
    %dma_start3A_855 = arith.constant 0 : i32
    %dma_start3A_856 = tpu.memref_slice %arg8[%dma_start3A_852, %dma_start3A_854, %dma_start3A_855] : memref<4x80x128xf32, #tpu.memory_space<vmem>> -> memref<1x80x128xf32, #tpu.memory_space<vmem>>
    %dma_start3A_857 = tpu.memref_squeeze %dma_start3A_856 : memref<1x80x128xf32, #tpu.memory_space<vmem>> -> memref<80x128xf32, #tpu.memory_space<vmem>>
    %dma_start3A_858 = arith.constant 0 : i32
    %dma_start3A_859 = tpu.memref_slice %arg7[%dma_start3A_853, %dma_start3A_858] : memref<4x80xi32, #tpu.memory_space<vmem>> -> memref<1x80xi32, #tpu.memory_space<vmem>>
    %dma_start3A_860 = tpu.memref_squeeze %dma_start3A_859 : memref<1x80xi32, #tpu.memory_space<vmem>> -> memref<80xi32, #tpu.memory_space<vmem>>
    %dma_start3A_861 = arith.constant 0 : i32
    %dma_start3A_862 = arith.constant 0 : i32
    %dma_start3A_863 = tpu.memref_slice %arg10[%dma_start3A_861, %dma_start3A_862] : memref<10000x128xf32, #tpu.memory_space<vmem_shared>> -> memref<10000x128xf32, #tpu.memory_space<vmem_shared>>
    tpu.enqueue_indirect_dma source(%dma_start3A_857 : memref<80x128xf32, #tpu.memory_space<vmem>>) target(%dma_start3A_863 : memref<10000x128xf32, #tpu.memory_space<vmem_shared>>) offsets(%dma_start3A_860 : memref<80xi32, #tpu.memory_space<vmem>>) semaphore(%arg19 : memref<!tpu.dma_semaphore, #tpu.memory_space<semaphore_mem>>) {add = true}
    %dma_wait3A_864 = arith.constant 2 : i32
    %dma_wait3A_865 = arith.constant 2 : i32
    %dma_wait3A_866 = arith.constant 0 : i32
    %dma_wait3A_867 = arith.constant 0 : i32
    %dma_wait3A_868 = tpu.memref_slice %arg8[%dma_wait3A_864, %dma_wait3A_866, %dma_wait3A_867] : memref<4x80x128xf32, #tpu.memory_space<vmem>> -> memref<1x80x128xf32, #tpu.memory_space<vmem>>
    %dma_wait3A_869 = tpu.memref_squeeze %dma_wait3A_868 : memref<1x80x128xf32, #tpu.memory_space<vmem>> -> memref<80x128xf32, #tpu.memory_space<vmem>>
    %dma_wait3A_870 = arith.constant 0 : i32
    %dma_wait3A_871 = tpu.memref_slice %arg7[%dma_wait3A_865, %dma_wait3A_870] : memref<4x80xi32, #tpu.memory_space<vmem>> -> memref<1x80xi32, #tpu.memory_space<vmem>>
    %dma_wait3A_872 = tpu.memref_squeeze %dma_wait3A_871 : memref<1x80xi32, #tpu.memory_space<vmem>> -> memref<80xi32, #tpu.memory_space<vmem>>
    %dma_wait3A_873 = arith.constant 0 : i32
    %dma_wait3A_874 = arith.constant 0 : i32
    %dma_wait3A_875 = tpu.memref_slice %arg10[%dma_wait3A_873, %dma_wait3A_874] : memref<10000x128xf32, #tpu.memory_space<vmem_shared>> -> memref<10000x128xf32, #tpu.memory_space<vmem_shared>>
    tpu.wait_indirect_dma semaphore(%arg21 : memref<!tpu.dma_semaphore, #tpu.memory_space<semaphore_mem>>) src(%dma_wait3A_869 : memref<80x128xf32, #tpu.memory_space<vmem>>) dst(%dma_wait3A_875 : memref<10000x128xf32, #tpu.memory_space<vmem_shared>>)
    %dma_wait3A_876 = arith.constant 3 : i32
    %dma_wait3A_877 = arith.constant 3 : i32
    %dma_wait3A_878 = arith.constant 0 : i32
    %dma_wait3A_879 = arith.constant 0 : i32
    %dma_wait3A_880 = tpu.memref_slice %arg8[%dma_wait3A_876, %dma_wait3A_878, %dma_wait3A_879] : memref<4x80x128xf32, #tpu.memory_space<vmem>> -> memref<1x80x128xf32, #tpu.memory_space<vmem>>
    %dma_wait3A_881 = tpu.memref_squeeze %dma_wait3A_880 : memref<1x80x128xf32, #tpu.memory_space<vmem>> -> memref<80x128xf32, #tpu.memory_space<vmem>>
    %dma_wait3A_882 = arith.constant 0 : i32
    %dma_wait3A_883 = tpu.memref_slice %arg7[%dma_wait3A_877, %dma_wait3A_882] : memref<4x80xi32, #tpu.memory_space<vmem>> -> memref<1x80xi32, #tpu.memory_space<vmem>>
    %dma_wait3A_884 = tpu.memref_squeeze %dma_wait3A_883 : memref<1x80xi32, #tpu.memory_space<vmem>> -> memref<80xi32, #tpu.memory_space<vmem>>
    %dma_wait3A_885 = arith.constant 0 : i32
    %dma_wait3A_886 = arith.constant 0 : i32
    %dma_wait3A_887 = tpu.memref_slice %arg10[%dma_wait3A_885, %dma_wait3A_886] : memref<10000x128xf32, #tpu.memory_space<vmem_shared>> -> memref<10000x128xf32, #tpu.memory_space<vmem_shared>>
    tpu.wait_indirect_dma semaphore(%arg22 : memref<!tpu.dma_semaphore, #tpu.memory_space<semaphore_mem>>) src(%dma_wait3A_881 : memref<80x128xf32, #tpu.memory_space<vmem>>) dst(%dma_wait3A_887 : memref<10000x128xf32, #tpu.memory_space<vmem_shared>>)
    %dma_wait3A_888 = arith.constant 0 : i32
    %dma_wait3A_889 = arith.constant 0 : i32
    %dma_wait3A_890 = arith.constant 0 : i32
    %dma_wait3A_891 = arith.constant 0 : i32
    %dma_wait3A_892 = tpu.memref_slice %arg8[%dma_wait3A_888, %dma_wait3A_890, %dma_wait3A_891] : memref<4x80x128xf32, #tpu.memory_space<vmem>> -> memref<1x80x128xf32, #tpu.memory_space<vmem>>
    %dma_wait3A_893 = tpu.memref_squeeze %dma_wait3A_892 : memref<1x80x128xf32, #tpu.memory_space<vmem>> -> memref<80x128xf32, #tpu.memory_space<vmem>>
    %dma_wait3A_894 = arith.constant 0 : i32
    %dma_wait3A_895 = tpu.memref_slice %arg7[%dma_wait3A_889, %dma_wait3A_894] : memref<4x80xi32, #tpu.memory_space<vmem>> -> memref<1x80xi32, #tpu.memory_space<vmem>>
    %dma_wait3A_896 = tpu.memref_squeeze %dma_wait3A_895 : memref<1x80xi32, #tpu.memory_space<vmem>> -> memref<80xi32, #tpu.memory_space<vmem>>
    %dma_wait3A_897 = arith.constant 0 : i32
    %dma_wait3A_898 = arith.constant 0 : i32
    %dma_wait3A_899 = tpu.memref_slice %arg10[%dma_wait3A_897, %dma_wait3A_898] : memref<10000x128xf32, #tpu.memory_space<vmem_shared>> -> memref<10000x128xf32, #tpu.memory_space<vmem_shared>>
    tpu.wait_indirect_dma semaphore(%arg19 : memref<!tpu.dma_semaphore, #tpu.memory_space<semaphore_mem>>) src(%dma_wait3A_893 : memref<80x128xf32, #tpu.memory_space<vmem>>) dst(%dma_wait3A_899 : memref<10000x128xf32, #tpu.memory_space<vmem_shared>>)
    %barrier3A_900 = arith.constant 0 : index
    tpu.barrier barrier_id(%barrier3A_900)
    %lt3A_901 = arith.constant 15 : i32
    %lt3A_902 = arith.cmpi slt, %arg1, %lt3A_901 : i32
    %convert_element_type3A_903 = arith.extui %lt3A_902 : i1 to i32
    %cond3A_904 = arith.constant 0 : i32
    %cond3A_905 = arith.cmpi ne, %convert_element_type3A_903, %cond3A_904 : i32
    scf.if %cond3A_905 {
      %mul3A_911 = arith.constant 624 : i32
      %mul3A_912 = arith.muli %arg1, %mul3A_911 : i32
      %mul3A_913 = arith.constant 624 : i32
      %mul3A_914 = arith.muli %arg1, %mul3A_913 : i32
      "tpu.region"() ({
        %run_scoped3A = tpu.sem_alloc : memref<!tpu.dma_semaphore, #tpu.memory_space<semaphore_mem>>
        %dma_start3A_915 = arith.constant 0 : i32
        %dma_start3A_916 = tpu.memref_slice %arg4[%arg0, %mul3A_914, %dma_start3A_915] : memref<2x10000x128xf32, #tpu.memory_space<hbm>> -> memref<1x624x128xf32, #tpu.memory_space<hbm>>
        %dma_start3A_917 = tpu.memref_squeeze %dma_start3A_916 : memref<1x624x128xf32, #tpu.memory_space<hbm>> -> memref<624x128xf32, #tpu.memory_space<hbm>>
        %dma_start3A_918 = arith.constant 0 : i32
        %dma_start3A_919 = tpu.memref_slice %arg10[%mul3A_912, %dma_start3A_918] : memref<10000x128xf32, #tpu.memory_space<vmem_shared>> -> memref<624x128xf32, #tpu.memory_space<vmem_shared>>
        tpu.enqueue_dma source(%dma_start3A_919 : memref<624x128xf32, #tpu.memory_space<vmem_shared>>) target(%dma_start3A_917 : memref<624x128xf32, #tpu.memory_space<hbm>>) target_semaphore(%run_scoped3A : memref<!tpu.dma_semaphore, #tpu.memory_space<semaphore_mem>>)
        %dma_wait3A_920 = arith.constant 0 : i32
        %dma_wait3A_921 = tpu.memref_slice %arg4[%arg0, %mul3A_914, %dma_wait3A_920] : memref<2x10000x128xf32, #tpu.memory_space<hbm>> -> memref<1x624x128xf32, #tpu.memory_space<hbm>>
        %dma_wait3A_922 = tpu.memref_squeeze %dma_wait3A_921 : memref<1x624x128xf32, #tpu.memory_space<hbm>> -> memref<624x128xf32, #tpu.memory_space<hbm>>
        %dma_wait3A_923 = arith.constant 0 : i32
        %dma_wait3A_924 = tpu.memref_slice %arg10[%mul3A_912, %dma_wait3A_923] : memref<10000x128xf32, #tpu.memory_space<vmem_shared>> -> memref<624x128xf32, #tpu.memory_space<vmem_shared>>
        tpu.wait_dma2 semaphore(%run_scoped3A : memref<!tpu.dma_semaphore, #tpu.memory_space<semaphore_mem>>) src(%dma_wait3A_924 : memref<624x128xf32, #tpu.memory_space<vmem_shared>>) dst(%dma_wait3A_922 : memref<624x128xf32, #tpu.memory_space<hbm>>)
        tpu.yield
      }) : () -> ()
    } else {
    }
    %eq3A_906 = arith.constant 15 : i32
    %eq3A_907 = arith.cmpi eq, %arg1, %eq3A_906 : i32
    %convert_element_type3A_908 = arith.extui %eq3A_907 : i1 to i32
    %cond3A_909 = arith.constant 0 : i32
    %cond3A_910 = arith.cmpi ne, %convert_element_type3A_908, %cond3A_909 : i32
    scf.if %cond3A_910 {
      "tpu.region"() ({
        %run_scoped3A = tpu.sem_alloc : memref<!tpu.dma_semaphore, #tpu.memory_space<semaphore_mem>>
        %dma_start3A_911 = arith.constant 9360 : i32
        %dma_start3A_912 = arith.constant 0 : i32
        %dma_start3A_913 = tpu.memref_slice %arg4[%arg0, %dma_start3A_911, %dma_start3A_912] : memref<2x10000x128xf32, #tpu.memory_space<hbm>> -> memref<1x640x128xf32, #tpu.memory_space<hbm>>
        %dma_start3A_914 = tpu.memref_squeeze %dma_start3A_913 : memref<1x640x128xf32, #tpu.memory_space<hbm>> -> memref<640x128xf32, #tpu.memory_space<hbm>>
        %dma_start3A_915 = arith.constant 9360 : i32
        %dma_start3A_916 = arith.constant 0 : i32
        %dma_start3A_917 = tpu.memref_slice %arg10[%dma_start3A_915, %dma_start3A_916] : memref<10000x128xf32, #tpu.memory_space<vmem_shared>> -> memref<640x128xf32, #tpu.memory_space<vmem_shared>>
        tpu.enqueue_dma source(%dma_start3A_917 : memref<640x128xf32, #tpu.memory_space<vmem_shared>>) target(%dma_start3A_914 : memref<640x128xf32, #tpu.memory_space<hbm>>) target_semaphore(%run_scoped3A : memref<!tpu.dma_semaphore, #tpu.memory_space<semaphore_mem>>)
        %dma_wait3A_918 = arith.constant 9360 : i32
        %dma_wait3A_919 = arith.constant 0 : i32
        %dma_wait3A_920 = tpu.memref_slice %arg4[%arg0, %dma_wait3A_918, %dma_wait3A_919] : memref<2x10000x128xf32, #tpu.memory_space<hbm>> -> memref<1x640x128xf32, #tpu.memory_space<hbm>>
        %dma_wait3A_921 = tpu.memref_squeeze %dma_wait3A_920 : memref<1x640x128xf32, #tpu.memory_space<hbm>> -> memref<640x128xf32, #tpu.memory_space<hbm>>
        %dma_wait3A_922 = arith.constant 9360 : i32
        %dma_wait3A_923 = arith.constant 0 : i32
        %dma_wait3A_924 = tpu.memref_slice %arg10[%dma_wait3A_922, %dma_wait3A_923] : memref<10000x128xf32, #tpu.memory_space<vmem_shared>> -> memref<640x128xf32, #tpu.memory_space<vmem_shared>>
        tpu.wait_dma2 semaphore(%run_scoped3A : memref<!tpu.dma_semaphore, #tpu.memory_space<semaphore_mem>>) src(%dma_wait3A_924 : memref<640x128xf32, #tpu.memory_space<vmem_shared>>) dst(%dma_wait3A_921 : memref<640x128xf32, #tpu.memory_space<hbm>>)
        tpu.yield
      }) : () -> ()
    } else {
    }
    return
  }
}

module attributes {stable_mosaic.version = 14 : i64} {
  func.func @body(%arg0: i32, %arg1: memref<2x1000x128xf32, #tpu.memory_space<vmem>>, %arg2: memref<1000x128xf32, #tpu.memory_space<vmem>>, %arg3: memref<128x128xf32, #tpu.memory_space<vmem>>, %arg4: memref<1000x128xf32, #tpu.memory_space<vmem>>) attributes {dimension_semantics = [#tpu.dimension_semantics<arbitrary>], iteration_bounds = array<i64: 10>, scalar_prefetch = 0 : i64, scratch_operands = 0 : i64, tpu.core_type = #tpu.core_type<tc>, window_params = [{transform_indices = @transform_0, window_bounds = array<i64: 2, 1000, 128>}, {transform_indices = @transform_1, window_bounds = array<i64: 1000, 128>}, {pipeline_mode = #tpu.pipeline_mode<synchronous>, transform_indices = @transform_2, window_bounds = array<i64: 128, 128>}, {transform_indices = @transform_3, window_bounds = array<i64: 1000, 128>}]} {
    %get3A = arith.constant 0 : index
    %get3A_0 = arith.constant 0 : index
    %get3A_1 = arith.constant 0 : index
    %get3A_2 = vector.load %arg1[%get3A, %get3A_0, %get3A_1] : memref<2x1000x128xf32, #tpu.memory_space<vmem>>, vector<1x1000x128xf32>
    %get3A_3 = vector.shape_cast %get3A_2 : vector<1x1000x128xf32> to vector<1000x128xf32>
    %get3A_4 = arith.constant 1 : index
    %get3A_5 = arith.constant 0 : index
    %get3A_6 = arith.constant 0 : index
    %get3A_7 = vector.load %arg1[%get3A_4, %get3A_5, %get3A_6] : memref<2x1000x128xf32, #tpu.memory_space<vmem>>, vector<1x1000x128xf32>
    %get3A_8 = vector.shape_cast %get3A_7 : vector<1x1000x128xf32> to vector<1000x128xf32>
    %add3A = arith.addf %get3A_3, %get3A_8 : vector<1000x128xf32>
    %get3A_9 = arith.constant 0 : index
    %get3A_10 = arith.constant 0 : index
    %get3A_11 = vector.load %arg3[%get3A_9, %get3A_10] : memref<128x128xf32, #tpu.memory_space<vmem>>, vector<128x128xf32>
    %dot_general3A = arith.constant dense<0.000000e+00> : vector<1000x128xf32>
    %dot_general3A_12 = tpu.matmul %add3A, %get3A_11, %dot_general3A {dimension_numbers = #tpu.dot_dimension_numbers<[1], [0], [0], [1], [0, 0, 1, 1], [], []>, transpose_lhs_hint = false} : vector<1000x128xf32>, vector<128x128xf32>, vector<1000x128xf32> -> vector<1000x128xf32>
    %get3A_13 = arith.constant 0 : index
    %get3A_14 = arith.constant 0 : index
    %get3A_15 = vector.load %arg2[%get3A_13, %get3A_14] : memref<1000x128xf32, #tpu.memory_space<vmem>>, vector<1000x128xf32>
    %add3A_16 = arith.addf %dot_general3A_12, %get3A_15 : vector<1000x128xf32>
    %swap3A = arith.constant 0 : index
    %swap3A_17 = arith.constant 0 : index
    %swap3A_18 = vector.load %arg4[%swap3A, %swap3A_17] : memref<1000x128xf32, #tpu.memory_space<vmem>>, vector<1000x128xf32>
    tpu.vector_store %arg4[%swap3A, %swap3A_17], %add3A_16 {strides = array<i32>} : memref<1000x128xf32, #tpu.memory_space<vmem>>, vector<1000x128xf32>,
    return
  }
  func.func @transform_0(%arg0: i32) -> (i32, i32, i32) {
    %c0_i32 = arith.constant 0 : i32
    %c0_i32_0 = arith.constant 0 : i32
    %c0_i32_1 = arith.constant 0 : i32
    return %c0_i32, %arg0, %c0_i32_0 : i32, i32, i32
  }
  func.func @transform_1(%arg0: i32) -> (i32, i32) {
    %c0_i32 = arith.constant 0 : i32
    %c0_i32_0 = arith.constant 0 : i32
    return %arg0, %c0_i32 : i32, i32
  }
  func.func @transform_2(%arg0: i32) -> (i32, i32) {
    %c0_i32 = arith.constant 0 : i32
    %c0_i32_0 = arith.constant 0 : i32
    %c0_i32_1 = arith.constant 0 : i32
    return %c0_i32, %c0_i32_0 : i32, i32
  }
  func.func @transform_3(%arg0: i32) -> (i32, i32) {
    %c0_i32 = arith.constant 0 : i32
    %c0_i32_0 = arith.constant 0 : i32
    return %arg0, %c0_i32 : i32, i32
  }
}

module attributes {stable_mosaic.version = 14 : i64} {
  func.func @body(%arg0: i32, %arg1: memref<1000x128xf32, #tpu.memory_space<vmem>>, %arg2: memref<128x128xf32, #tpu.memory_space<vmem>>, %arg3: memref<1000x128xf32, #tpu.memory_space<vmem>>) attributes {dimension_semantics = [#tpu.dimension_semantics<arbitrary>], iteration_bounds = array<i64: 10>, scalar_prefetch = 0 : i64, scratch_operands = 0 : i64, tpu.core_type = #tpu.core_type<tc>, window_params = [{transform_indices = @transform_0, window_bounds = array<i64: 1000, 128>}, {pipeline_mode = #tpu.pipeline_mode<synchronous>, transform_indices = @transform_1, window_bounds = array<i64: 128, 128>}, {transform_indices = @transform_2, window_bounds = array<i64: 1000, 128>}]} {
    %get3A = arith.constant 0 : index
    %get3A_0 = arith.constant 0 : index
    %get3A_1 = vector.load %arg1[%get3A, %get3A_0] : memref<1000x128xf32, #tpu.memory_space<vmem>>, vector<1000x128xf32>
    %get3A_2 = arith.constant 0 : index
    %get3A_3 = arith.constant 0 : index
    %get3A_4 = vector.load %arg2[%get3A_2, %get3A_3] : memref<128x128xf32, #tpu.memory_space<vmem>>, vector<128x128xf32>
    %dot_general3A = arith.constant dense<0.000000e+00> : vector<1000x128xf32>
    %dot_general3A_5 = tpu.matmul %get3A_1, %get3A_4, %dot_general3A {dimension_numbers = #tpu.dot_dimension_numbers<[1], [0], [0], [1], [0, 0, 1, 1], [], []>, transpose_lhs_hint = false} : vector<1000x128xf32>, vector<128x128xf32>, vector<1000x128xf32> -> vector<1000x128xf32>
    %swap3A = arith.constant 0 : index
    %swap3A_6 = arith.constant 0 : index
    %swap3A_7 = vector.load %arg3[%swap3A, %swap3A_6] : memref<1000x128xf32, #tpu.memory_space<vmem>>, vector<1000x128xf32>
    tpu.vector_store %arg3[%swap3A, %swap3A_6], %dot_general3A_5 {strides = array<i32>} : memref<1000x128xf32, #tpu.memory_space<vmem>>, vector<1000x128xf32>,
    return
  }
  func.func @transform_0(%arg0: i32) -> (i32, i32) {
    %c0_i32 = arith.constant 0 : i32
    %c0_i32_0 = arith.constant 0 : i32
    return %arg0, %c0_i32 : i32, i32
  }
  func.func @transform_1(%arg0: i32) -> (i32, i32) {
    %c0_i32 = arith.constant 0 : i32
    %c0_i32_0 = arith.constant 0 : i32
    %c0_i32_1 = arith.constant 0 : i32
    return %c0_i32, %c0_i32_0 : i32, i32
  }
  func.func @transform_2(%arg0: i32) -> (i32, i32) {
    %c0_i32 = arith.constant 0 : i32
    %c0_i32_0 = arith.constant 0 : i32
    return %arg0, %c0_i32 : i32, i32
  }
}

</mosaic_0001>

<sc_bundles>
// kernel: kernel.5.cloned.1.call-start
scs
__scs_entry_jumppad:
0x0: {  	(pc) =	sbr.rel $0x88, $3  }
0x1: {  	(tag) =	ssettag $0x0;
	lr =	simm.s32 $0x1  }
0x2: {  	[smem:$0x3F9D] =	sst lr;
	_ =	strace $0xD0000000  }
0x3: {  	_ = 	snop  }
0x4: {  	_ = 	snop  }
0x5: {  	_ = 	snop  }
0x6: {  	_ = 	snop  }
0x7: {  	_ = 	snop  }
__scs_overlays_trampoline_lowered:
0x8: {  	[smem:$0x3FAC] =	sst s0  }
0x9: {  	[smem:$0x3FAD] =	sst s1  }
0xa: {  	[smem:$0x3FAE] =	sst s2  }
0xb: {  	[smem:$0x3FAF] =	sst s3  }
0xc: {  	[smem:$0x3FB0] =	sst s4  }
0xd: {  	[smem:$0x3FB1] =	sst s5  }
0xe: {  	[smem:$0x3FB2] =	sst s6  }
0xf: {  	[smem:$0x3FB3] =	sst s7  }
0x10: {  	[smem:$0x3FB4] =	sst s8  }
0x11: {  	[smem:$0x3FB5] =	sst s9;
	s0 =	simm.s32 @!p0 $0x0  }
0x12: {  	s1 =	sld [smem:$0x3F9B];
	s0 =	simm.s32 @p0 $0x1  }
0x13: {  	[smem:$0x3FB6] =	sst s0;
	s0 =	simm.s32 @!p1 $0x0  }
0x14: {  	s2 =	sld [smem:$0x3F9A];
	s0 =	simm.s32 @p1 $0x1  }
0x15: {  	[smem:$0x3FB7] =	sst s0;
	s0 =	simm.s32 @!p2 $0x0  }
0x16: {  	s3 =	sld [smem:$0x3FDB];
	s0 =	simm.s32 @p2 $0x1  }
0x17: {  	s4 =	simm.s32 $0x1BF5;
	[smem:$0x3FB9] =	sst s0  }
0x18: {  	s0 =	sld [smem:$0x3F9C];
	_ =	swait.ge [sflag:s4], $0x0  }
0x19: {  	s7 =	sld [smem:$0x3F9D]  }
0x1a: {  	s8 =	sadd.s32 $0xFFFFE003, lr  }
0x1b: {  	s9 =	sadd.s32 $0xFFFFFEF7, lr;
	s5 =	simm.s32 $0xFFFFFFFF;
	p2 =	slt.u32 s8, $0xFFFFF086  }
0x1c: {  	p1 =	slt.u32 s9, $0xF7A;
	s5 =	simm.s32 @!p2 $0x0  }
0x1d: {  	s5 =	simm.s32 @p1 $0x1;
	p0 =	seq.s32 s7, s2  }
0x1e: {  	s7 =	smul.u32 @!p0 $0xF7A, s2;
	p2 =	seq.s32 @!p0 s5, $0x0  }
0x1f: {  	s9 =	smul.u32 $0xF7A, s1;
	s8 =	simm.s32 @!p0 $0x1BF5;
	p2 =	por !p2, p0  }
0x20: {  	[sflag:s8] =	ssyncset.s32 @!p0 $0xFFFFF086;
	s6 =	sadd.s32 @!p0 s3, s7;
	s7 =	simm.s32 @!p0 $0x108  }
0x21: {  	s3 =	sadd.s32 s3, s9;
	s6 =	sadd.s32 @!p0 $0x88, s6;
	s7 =	simm.s32 @p2 $0x1082  }
0x22: {  	[simem:s7], [sflag:s8] =	dma.local @!p0 [hbm:s6], $0xF7A  }
0x23: {  	s9 =	sor.u32 $0xD0000000, s2;
	s6 =	simm.s32 $0x108;
	_ =	swait.ge @!p0 [sflag:s8], $0x0  }
0x24: {  	s3 =	sadd.s32 $0x88, s3;
	s6 =	simm.s32 @!p1 $0x1082;
	[sflag:s4] =	ssyncset.s32 $0xFFFFF086  }
0x25: {  	[simem:s6], [sflag:s4] =	dma.local [hbm:s3], $0xF7A  }
0x26: {  	[smem:$0x3F9D] =	sst s1;
	(tag) =	ssettag s2;
	_ =	strace s9  }
0x27: {  	s1 =	sld [smem:$0x3FAD]  }
0x28: {  	s2 =	sld [smem:$0x3FAE]  }
0x29: {  	s4 =	sld [smem:$0x3FB0]  }
0x2a: {  	p0 =	seq.s32 s5, $0x0;
	s5 =	sld [smem:$0x3FB1]  }
0x2b: {  	s6 =	sld [smem:$0x3FB2]  }
0x2c: {  	s7 =	sld [smem:$0x3FB3]  }
0x2d: {  	s3 =	simm.s32 $0x108;
	s8 =	sld [smem:$0x3FB4]  }
0x2e: {  	s3 =	simm.s32 @!p0 $0x1082;
	s9 =	sld [smem:$0x3FB5]  }
0x2f: {  	lr =	sadd.s32 s0, s3;
	s0 =	sld [smem:$0x3FAC]  }
0x30: {  	s3 =	sld [smem:$0x3FAF]  }
0x31: {  	[smem:$0x3FB8] =	sst s10  }
0x32: {  	s10 =	sld [smem:$0x3FB6];
	_ =	sdelay $0x3  }
0x33: {  	p0 =	seq.s32 s10, $0x1;
	s10 =	sld [smem:$0x3FB8];
	_ =	sdelay $0x3  }
0x34: {  	[smem:$0x3FB8] =	sst s10  }
0x35: {  	s10 =	sld [smem:$0x3FB7];
	_ =	sdelay $0x3  }
0x36: {  	p1 =	seq.s32 s10, $0x1;
	s10 =	sld [smem:$0x3FB8];
	_ =	sdelay $0x3  }
0x37: {  	[smem:$0x3FB8] =	sst s10  }
0x38: {  	s10 =	sld [smem:$0x3FB9]  }
0x39: {  	_ = 	snop;
	(pc) =	sbr.ind lr, $3  }
0x3a: {  	_ = 	snop  }
0x3b: {  	_ = 	snop  }
0x3c: {  	p2 =	seq.s32 s10, $0x1;
	s10 =	sld [smem:$0x3FB8]  }
0x3d: {  	_ =	shalt  }
0x3e: {  	_ =	shalt  }
0x3f: {  	_ =	shalt  }
0x40: {  	_ =	shalt  }
0x41: {  	_ =	shalt  }
0x42: {  	_ =	shalt  }
0x43: {  	_ =	shalt  }
0x44: {  	_ =	shalt  }
0x45: {  	_ =	shalt  }
0x46: {  	_ =	shalt  }
0x47: {  	_ =	shalt  }
0x48: {  	_ =	shalt  }
0x49: {  	_ =	shalt  }
0x4a: {  	_ =	shalt  }
0x4b: {  	_ =	shalt  }
0x4c: {  	_ =	shalt  }
0x4d: {  	_ =	shalt  }
0x4e: {  	_ =	shalt  }
0x4f: {  	_ =	shalt  }
0x50: {  	_ =	shalt  }
0x51: {  	_ =	shalt  }
0x52: {  	_ =	shalt  }
0x53: {  	_ =	shalt  }
0x54: {  	_ =	shalt  }
0x55: {  	_ =	shalt  }
0x56: {  	_ =	shalt  }
0x57: {  	_ =	shalt  }
0x58: {  	_ =	shalt  }
0x59: {  	_ =	shalt  }
0x5a: {  	_ =	shalt  }
0x5b: {  	_ =	shalt  }
0x5c: {  	_ =	shalt  }
0x5d: {  	_ =	shalt  }
0x5e: {  	_ =	shalt  }
0x5f: {  	_ =	shalt  }
0x60: {  	_ =	shalt  }
0x61: {  	_ =	shalt  }
0x62: {  	_ =	shalt  }
0x63: {  	_ =	shalt  }
0x64: {  	_ =	shalt  }
0x65: {  	_ =	shalt  }
0x66: {  	_ =	shalt  }
0x67: {  	_ =	shalt  }
0x68: {  	_ =	shalt  }
0x69: {  	_ =	shalt  }
0x6a: {  	_ =	shalt  }
0x6b: {  	_ =	shalt  }
0x6c: {  	_ =	shalt  }
0x6d: {  	_ =	shalt  }
0x6e: {  	_ =	shalt  }
0x6f: {  	_ =	shalt  }
0x70: {  	_ =	shalt  }
0x71: {  	_ =	shalt  }
0x72: {  	_ =	shalt  }
0x73: {  	_ =	shalt  }
0x74: {  	_ =	shalt  }
0x75: {  	_ =	shalt  }
0x76: {  	_ =	shalt  }
0x77: {  	_ =	shalt  }
0x78: {  	_ =	shalt  }
0x79: {  	_ =	shalt  }
0x7a: {  	_ =	shalt  }
0x7b: {  	_ =	shalt  }
0x7c: {  	_ =	shalt  }
0x7d: {  	_ =	shalt  }
0x7e: {  	_ =	shalt  }
0x7f: {  	_ =	shalt  }
0x80: {  	_ =	shalt  }
0x81: {  	_ =	shalt  }
0x82: {  	_ =	shalt  }
0x83: {  	_ =	shalt  }
0x84: {  	_ =	shalt  }
0x85: {  	_ =	shalt  }
0x86: {  	_ =	shalt  }
0x87: {  	_ =	shalt  }
.Lfunc_end0:
.L_simem_size_0:
called_computation_lowered:
.L_overlay_start_0:
0x88: {  	s2 =	sld [smem:$0x3FD9]  }
0x89: {  	s3 =	sld [smem:$0x3FFE];
	_ =	sdelay $0x1  }
0x8a: {  	s1 =	srdreg.scid  }
0x8b: {  	s0 =	sand.u32 $0x1, s1  }
0x8c: {  	s17 =	sshll.u32 s0, $0xA;
	s2 =	sadd.s32 s3, s2  }
0x8d: {  	s2 =	sadd.s32 s2, s17  }
0x8e: {  	[smem:$0x3FC4] =	sst s2  }
0x8f: {  	_ = 	snop  }
0x90: {  	s2 =	sld [smem:$0x3FC9]  }
0x91: {  	s18 =	sld [smem:$0x3FD0];
	(tm) =	ssettm $0x1  }
0x92: {  	s4 =	sld [smem:$0x3FFB];
	_ =	sdelay $0x3  }
0x93: {  	_ =	strace s4  }
0x94: {  	s4 =	sld [smem:$0x3FFC];
	_ =	sdelay $0x3  }
0x95: {  	_ =	strace s4  }
0x96: {  	s4 =	sld [smem:$0x3FFD];
	_ =	sdelay $0x3  }
0x97: {  	_ =	strace s4  }
0x98: {  	_ =	strace $0x8FFFFFFF  }
0x99: {  	s19 =	sld [smem:$0x3FDB];
	_ =	sdelay $0x1  }
0x9a: {  	s5 =	simm.s32 $_scs_section_size  }
0x9b: {  	s6 =	simm.s32 $_size__tile_overlayer_lowered;
	s7 =	simm.s32 $_tile_overlayer_lowered  }
0x9c: {  	s22 =	simm.s32 $0x1BFF;
	s21 =	sshll.u32 s7, $0x1;
	s4 =	sadd.s32 s5, s19  }
0x9d: {  	s8 =	simm.s32 $0x0;
	s20 =	sshll.u32 s6, $0x1;
	s6 =	sadd.s32 s21, s4  }
0x9e: {  	[timem:s8], [sflag:s22] =	dma.local [hbm:s6], s20  }
0x9f: {  	_ =	swait.ge [sflag:s22], s20  }
0xa0: {  	s5 =	ssub.s32 $0x0, s20;
	[sflag:s22] =	ssyncset.done $0x0  }
0xa1: {  	[sflag:s22] =	ssyncadd.s32 s5;
	_ =	sdelay $0x1  }
0xa2: {  	s23 =	simm.s32 $0x1B8B  }
0xa3: {  	_ =	swait.ge [sflag:s23], $0x1  }
0xa4: {  	[sflag:s23] =	ssyncset.done $0x0  }
0xa5: {  	s25 =	simm.s32 $0x1B8E;
	s24 =	sld [smem:$0x3FFE];
	[sflag:s23] =	ssyncadd.s32 $0xFFFFFFFF  }
0xa6: {  	s26 =	simm.s32 $execute0_lowered;
	[smem:$0x3FD2] =	sst s25  }
0xa7: {  	s6 =	sshll.u32 s26, $0x1;
	_ =	strace $0x80000046;
	[dreg:$0x1] =	wrdreg $0xFFFFFFFF  }
0xa8: {  	s28 =	simm.s32 $_size_execute0_lowered;
	s4 =	sadd.s32 s4, s6;
	[dreg:$0x0] =	wrdreg $0x0  }
0xa9: {  	s6 =	sshll.u32 s28, $0x1;
	[dreg:$0x2] =	wrdreg s4  }
0xaa: {  	[dreg:$0x3] =	wrdreg s6  }
0xab: {  	[dreg:$0x4] =	wrdreg $0xC0  }
0xac: {  	_ =	task [dreg:s8], $0x5FFFF  }
0xad: {  	[dreg:$0x1] =	wrdreg $0xFFFFFFFF  }
0xae: {  	[dreg:$0x0] =	wrdreg $0x60  }
0xaf: {  	[dreg:$0x2] =	wrdreg s2  }
0xb0: {  	[dreg:$0x3] =	wrdreg s18  }
0xb1: {  	[dreg:$0x4] =	wrdreg s24  }
0xb2: {  	[dreg:$0x5] =	wrdreg $0xAE000  }
0xb3: {  	[dreg:$0x6] =	wrdreg $0x9  }
0xb4: {  	_ =	task.clear_ibuf [dreg:s8], $0x7FFFF;
	_ =	strace $0x90000046  }
0xb5: {  	s29 =	simm.s32 $0x9;
	_ =	strace $0x80000048  }
0xb6: {  	_ =	swait.ge [sflag:s29], $0x1  }
0xb7: {  	[sflag:s29] =	ssyncadd.s32 $0xFFFFFFFF  }
0xb8: {  	_ =	strace $0x90000048  }
0xb9: {  	_ =	sfence  }
0xba: {  	s30 =	sld [smem:$0x0];
	_ =	sdelay $0x2  }
0xbb: {  	s31 =	sshll.u32 s1, $0xD;
	s1 =	sshrl.u32 s1, $0x2  }
0xbc: {  	s3 =	sand.u32 $0x4000, s31;
	s1 =	sadd.s32 s1, s30  }
0xbd: {  	s0 =	sor.u32 s3, s0;
	s1 =	sshll.u32 s1, $0x11  }
0xbe: {  	s0 =	sor.u32 s1, s0  }
0xbf: {  	s0 =	sadd.s32 $0x8F2B, s0  }
0xc0: {  	[sflag:s0] =	ssyncadd.remote.s32 $0x1  }
0xc1: {  	_ =	sfence.sel $0xFFFF  }
0xc2: {  	[dreg:$0x0] =	wrdreg $0xFFFFFFFF;
	(pc) =	sbr.abs _section_cstart, $3  }
0xc3: {  	[dreg:$0x1] =	wrdreg $0xFFFFFFFF  }
0xc4: {  	_ =	task.clear_ibuf [dreg:s8], $0x2FFFF;
	_ =	strace $0x9FFFFFFF  }
0xc5: {  	(tm) =	ssettm $0x7FFFFFFF  }
tec
execute0_lowered:
.L_overlay_start_1:
0x0: {  	(tag) =	ssettag $0x1  }
0x1: {  	s2 =	srdreg.scid;
	s11 =	stileid.u32  }
0x2: {  	s1 =	rddreg [dreg:$0x0];
	s6 =	sand.u32 $0x1, s2;
	s19 =	sshll.u32 s11, $0x1  }
0x3: {  	s0 =	rddreg [dreg:$0x1];
	s22 =	smul.u32 $0x4E000, s11;
	s2 =	sor.u32 s6, s19  }
0x4: {  	s5 =	rddreg [dreg:$0x2];
	s7 =	ssub.s32 $0x2, s6;
	s2 =	smul.u32 $0x2710, s2  }
0x5: {  	s3 =	rddreg [dreg:$0x3];
	s4 =	simm.s32 $0x0;
	s8 =	sshrl.u32 s7, $0x1  }
0x6: {  	s9 =	sshrl.u32 s2, $0x3;
	s2 =	ssub.s32 s7, s8;
	s7 =	sshrl.u32 s22, $0x2  }
0x7: {  	[smem:$0x7FF] =	sst s4;
	s13 =	sadd.s32 s7, s3  }
0x8: {  	_ =	strace $0x80000047;
	s12 =	sadd.s32 s0, s9;
	[dreg:$0x15] =	wrdreg s13  }
0x9: {  	s20 =	sadd.s32 $0x9C40, s12;
	[dreg:$0xd] =	wrdreg s12  }
0xa: {  	s21 =	sadd.s32 $0xA, s12;
	[dreg:$0xe] =	wrdreg s20  }
0xb: {  	s23 =	sadd.s32 $0x9C4A, s12;
	[dreg:$0xf] =	wrdreg s21  }
0xc: {  	s24 =	sadd.s32 $0x14, s12;
	[dreg:$0x10] =	wrdreg s23  }
0xd: {  	s9 =	sadd.s32 $0x9C54, s12;
	[dreg:$0x11] =	wrdreg s24  }
0xe: {  	s10 =	sadd.s32 $0x1E, s12;
	[dreg:$0x12] =	wrdreg s9  }
0xf: {  	s14 =	sadd.s32 $0x9C5E, s12;
	[dreg:$0x13] =	wrdreg s10  }
0x10: {  	s7 =	sadd.s32 $0x800, s13;
	[dreg:$0x14] =	wrdreg s14  }
0x11: {  	s25 =	smul.u32 $0x4E20, s11;
	s15 =	sadd.s32 $0x1000, s13;
	[dreg:$0x16] =	wrdreg s7  }
0x12: {  	s26 =	smul.u32 $0x2710, s6;
	s16 =	sadd.s32 $0x1800, s13;
	[dreg:$0x17] =	wrdreg s15  }
0x13: {  	s17 =	sadd.s32 $0x2000, s13;
	[dreg:$0x18] =	wrdreg s16  }
0x14: {  	p0 =	seq.s32 s11, $0xF;
	s7 =	sadd.s32 s26, s25;
	[dreg:$0x19] =	wrdreg s17  }
0x15: {  	s10 =	sadd.s32 $0x6000, s13;
	s18 =	sadd.s32 $0x370, s7;
	s19 =	sadd.s32 $0x320, s7  }
0x16: {  	s26 =	sadd.s32 $0x4E4D0, s7;
	s17 =	sadd.s32 $0x280, s7;
	[smem:$0x7AF] =	sst s10  }
0x17: {  	s10 =	sadd.s32 $0x12000, s13;
	s8 =	sshrl.u32 s18, $0x3;
	s21 =	sshrl.u32 s19, $0x3  }
0x18: {  	s15 =	sshrl.u32 s26, $0x3;
	s26 =	sadd.s32 $0x4800, s13;
	[smem:$0x7C4] =	sst s10  }
0x19: {  	s18 =	smul.u32 $0x13800, s11;
	s11 =	sadd.s32 $0x7000, s13;
	[dreg:$0x1e] =	wrdreg s26  }
0x1a: {  	s19 =	sshrl.u32 s17, $0x3;
	s17 =	sadd.s32 $0x9000, s13;
	[smem:$0x7B0] =	sst s11  }
0x1b: {  	s9 =	sadd.s32 $0x4E570, s7;
	s10 =	sadd.s32 $0x12C800, s3;
	[smem:$0x7B4] =	sst s17  }
0x1c: {  	s9 =	sshrl.u32 s9, $0x3;
	s8 =	sadd.s32 s8, s0;
	[smem:$0x7D9] =	sst s10  }
0x1d: {  	s20 =	sadd.s32 s9, s0;
	[dreg:$0x5] =	wrdreg s8  }
0x1e: {  	s22 =	sadd.s32 s21, s0;
	[dreg:$0x6] =	wrdreg s20  }
0x1f: {  	s16 =	sadd.s32 s15, s0;
	[dreg:$0x7] =	wrdreg s22  }
0x20: {  	s15 =	sadd.s32 $0x8000, s13;
	[dreg:$0xa] =	wrdreg s16  }
0x21: {  	s26 =	sadd.s32 $0xE000, s13;
	[smem:$0x7B2] =	sst s15  }
0x22: {  	s23 =	sadd.s32 $0x4E520, s7;
	s11 =	sadd.s32 $0x12800, s13;
	[smem:$0x7BD] =	sst s26  }
0x23: {  	s25 =	sadd.s32 $0x2D0, s7;
	s17 =	sadd.s32 $0x5800, s13;
	[smem:$0x7C5] =	sst s11  }
0x24: {  	s24 =	sshrl.u32 s23, $0x3;
	s10 =	sadd.s32 $0x135800, s3;
	[smem:$0x7C9] =	sst s17  }
0x25: {  	s9 =	sshrl.u32 s25, $0x3;
	s8 =	sadd.s32 s24, s0;
	[smem:$0x7EE] =	sst s10  }
0x26: {  	s14 =	sadd.s32 s9, s0;
	[dreg:$0x8] =	wrdreg s8  }
0x27: {  	s20 =	sadd.s32 $0x3000, s13;
	[dreg:$0x9] =	wrdreg s14  }
0x28: {  	s22 =	sadd.s32 $0x3800, s13;
	[dreg:$0x1a] =	wrdreg s20  }
0x29: {  	s24 =	sadd.s32 $0x4000, s13;
	[dreg:$0x1b] =	wrdreg s22  }
0x2a: {  	s6 =	smul.u32 $0x138800, s6;
	s9 =	smax.u32 s2, $0x1;
	[dreg:$0x1c] =	wrdreg s24  }
0x2b: {  	s16 =	sadd.s32 $0x8800, s13;
	[smem:$0x7AE] =	sst s9  }
0x2c: {  	s21 =	sadd.s32 s18, s6;
	s18 =	sadd.s32 $0x9800, s13;
	[smem:$0x7B3] =	sst s16  }
0x2d: {  	s2 =	sadd.s32 $0xF000, s13;
	[smem:$0x7B5] =	sst s18  }
0x2e: {  	s15 =	sadd.s32 $0x124800, s3;
	[smem:$0x7BE] =	sst s2  }
0x2f: {  	s26 =	sadd.s32 $0xA800, s13;
	[smem:$0x7C7] =	sst s15  }
0x30: {  	s11 =	sadd.s32 $0x12D000, s3;
	[smem:$0x7D2] =	sst s26  }
0x31: {  	s7 =	sadd.s32 $0x4E480, s7;
	s17 =	sadd.s32 $0x12E000, s3;
	[smem:$0x7DA] =	sst s11  }
0x32: {  	s7 =	sshrl.u32 s7, $0x3;
	s8 =	sadd.s32 s19, s0;
	[smem:$0x7DE] =	sst s17  }
0x33: {  	s0 =	sadd.s32 s7, s0;
	[dreg:$0xb] =	wrdreg s8  }
0x34: {  	s7 =	sadd.s32 $0x5000, s13;
	[dreg:$0xc] =	wrdreg s0  }
0x35: {  	s14 =	sadd.s32 $0x7800, s13;
	[dreg:$0x1f] =	wrdreg s7  }
0x36: {  	s19 =	sadd.s32 $0xA000, s13;
	[smem:$0x7B1] =	sst s14  }
0x37: {  	s20 =	sadd.s32 $0xB000, s13;
	[smem:$0x7B6] =	sst s19  }
0x38: {  	s23 =	sshrl.u32 s21, $0x3;
	s21 =	sadd.s32 $0xB800, s13;
	[smem:$0x7B7] =	sst s20  }
0x39: {  	s22 =	sadd.s32 $0xC000, s13;
	[smem:$0x7B8] =	sst s21  }
0x3a: {  	s24 =	sadd.s32 $0xD000, s13;
	[smem:$0x7B9] =	sst s22  }
0x3b: {  	s9 =	sadd.s32 $0x11800, s13;
	[smem:$0x7BB] =	sst s24  }
0x3c: {  	s16 =	sadd.s32 $0x125000, s3;
	[smem:$0x7C3] =	sst s9  }
0x3d: {  	s18 =	sadd.s32 $0x125800, s3;
	[smem:$0x7C8] =	sst s16  }
0x3e: {  	s2 =	sadd.s32 $0x129800, s3;
	[smem:$0x7CA] =	sst s18  }
0x3f: {  	s15 =	sadd.s32 $0x12D800, s3;
	[smem:$0x7D3] =	sst s2  }
0x40: {  	s26 =	sadd.s32 $0x132000, s3;
	[smem:$0x7DC] =	sst s15  }
0x41: {  	s11 =	sadd.s32 $0x136800, s3;
	[smem:$0x7E7] =	sst s26  }
0x42: {  	s5 =	sadd.s32 $0x1200, s5;
	s17 =	sadd.s32 $0x28, s12;
	[smem:$0x7EF] =	sst s11  }
0x43: {  	s25 =	sadd.s32 s5, s23;
	[smem:$0x7F4] =	sst s17  }
0x44: {  	s6 =	sshrl.u32 s6, $0x3;
	s23 =	sadd.s32 $0xC800, s13;
	[dreg:$0x1d] =	wrdreg s25  }
0x45: {  	s5 =	sadd.s32 s5, s6;
	s6 =	sadd.s32 $0x10000, s13;
	[smem:$0x7BA] =	sst s23  }
0x46: {  	s7 =	sadd.s32 $0x10800, s13;
	[smem:$0x7C0] =	sst s6  }
0x47: {  	s14 =	sadd.s32 $0x13000, s13;
	[smem:$0x7C1] =	sst s7  }
0x48: {  	s19 =	sadd.s32 $0x126800, s3;
	[smem:$0x7C6] =	sst s14  }
0x49: {  	s20 =	sadd.s32 $0x126000, s3;
	[smem:$0x7CB] =	sst s19  }
0x4a: {  	s21 =	sadd.s32 $0x127000, s3;
	[smem:$0x7CC] =	sst s20  }
0x4b: {  	s22 =	sadd.s32 $0x127800, s3;
	[smem:$0x7CD] =	sst s21  }
0x4c: {  	s24 =	sadd.s32 $0x128800, s3;
	[smem:$0x7CE] =	sst s22  }
0x4d: {  	s9 =	sadd.s32 $0x12C000, s3;
	[smem:$0x7D0] =	sst s24  }
0x4e: {  	s16 =	sadd.s32 $0x12E800, s3;
	[smem:$0x7D8] =	sst s9  }
0x4f: {  	s18 =	sadd.s32 $0x12F000, s3;
	[smem:$0x7DD] =	sst s16  }
0x50: {  	s2 =	sadd.s32 $0x133000, s3;
	[smem:$0x7DF] =	sst s18  }
0x51: {  	s15 =	sadd.s32 $0x137800, s3;
	[smem:$0x7E8] =	sst s2  }
0x52: {  	s26 =	sadd.s32 $0xA118, s12;
	[smem:$0x7F2] =	sst s15  }
0x53: {  	s8 =	sadd.s32 $0x24900, s5;
	[smem:$0x7FD] =	sst s26  }
0x54: {  	s25 =	sadd.s32 $0xD800, s13;
	[smem:$0x7AD] =	sst s8  }
0x55: {  	s5 =	sadd.s32 $0xF800, s13;
	[smem:$0x7BC] =	sst s25  }
0x56: {  	s23 =	sadd.s32 $0x128000, s3;
	[smem:$0x7BF] =	sst s5  }
0x57: {  	s6 =	sadd.s32 $0x12A000, s3;
	[smem:$0x7CF] =	sst s23  }
0x58: {  	s7 =	sadd.s32 $0x12B000, s3;
	[smem:$0x7D5] =	sst s6  }
0x59: {  	s14 =	sadd.s32 $0xE800, s13;
	[smem:$0x7D6] =	sst s7  }
0x5a: {  	s19 =	sadd.s32 $0x12F800, s3;
	[smem:$0x7DB] =	sst s14  }
0x5b: {  	s20 =	sadd.s32 $0x130000, s3;
	[smem:$0x7E0] =	sst s19  }
0x5c: {  	s21 =	sadd.s32 $0x130800, s3;
	[smem:$0x7E1] =	sst s20  }
0x5d: {  	s22 =	sadd.s32 $0x131000, s3;
	[smem:$0x7E2] =	sst s21  }
0x5e: {  	s24 =	sadd.s32 $0x131800, s3;
	[smem:$0x7E3] =	sst s22  }
0x5f: {  	s9 =	sadd.s32 $0x6800, s13;
	[smem:$0x7E5] =	sst s24  }
0x60: {  	s31 =	simm.s32 $0x380;
	s16 =	sadd.s32 $0x138000, s3;
	[smem:$0x7ED] =	sst s9  }
0x61: {  	s28 =	simm.s32 $0x4;
	s18 =	sadd.s32 $0x9C68, s12;
	[smem:$0x7F3] =	sst s16  }
0x62: {  	s30 =	simm.s32 $0x7;
	s8 =	sadd.s32 $0x11000, s13;
	[smem:$0x7F5] =	sst s18  }
0x63: {  	s29 =	simm.s32 $0x5600;
	s25 =	sadd.s32 $0x129000, s3;
	[smem:$0x7C2] =	sst s8  }
0x64: {  	s10 =	simm.s32 $0x1;
	s5 =	sadd.s32 $0x12A800, s3;
	[smem:$0x7D1] =	sst s25  }
0x65: {  	s17 =	simm.s32 $0xD;
	s23 =	sadd.s32 $0x2800, s13;
	[smem:$0x7D4] =	sst s5  }
0x66: {  	s11 =	simm.s32 $0x50;
	s6 =	sadd.s32 $0x134000, s3;
	[smem:$0x7E4] =	sst s23  }
0x67: {  	s26 =	simm.s32 $0x300;
	s7 =	sadd.s32 $0x134800, s3;
	[smem:$0x7EA] =	sst s6  }
0x68: {  	s2 =	simm.s32 $0x9;
	s13 =	sadd.s32 $0x136000, s3;
	[smem:$0x7EB] =	sst s7  }
0x69: {  	s15 =	simm.s32 $0x7E00;
	s14 =	sadd.s32 $0x137000, s3;
	[smem:$0x7F0] =	sst s13  }
0x6a: {  	s19 =	sadd.s32 $0x32, s12;
	s20 =	sadd.s32 $0x9C72, s12;
	[smem:$0x7F1] =	sst s14  }
0x6b: {  	s21 =	sadd.s32 $0x3C, s12;
	s22 =	sadd.s32 $0x9C7C, s12;
	[smem:$0x7F6] =	sst s19  }
0x6c: {  	s24 =	sadd.s32 $0x9C86, s12;
	s8 =	sadd.s32 $0x12B800, s3;
	[smem:$0x7F7] =	sst s20  }
0x6d: {  	s18 =	simm.s32 $0x100;
	s25 =	sadd.s32 $0x132800, s3;
	[smem:$0x7F8] =	sst s21  }
0x6e: {  	s9 =	simm.s32 $0xC;
	s5 =	sadd.s32 $0x133800, s3;
	[smem:$0x7F9] =	sst s22  }
0x6f: {  	s23 =	sadd.s32 $0x46, s12;
	[smem:$0x7FB] =	sst s24;
	s19 =	simm.s32 $0x200  }
0x70: {  	s24 =	simm.s32 $0x80;
	s7 =	simm.s32 $0x280;
	s6 =	simm.s32 $0x180  }
0x71: {  	s21 =	simm.s32 $0x2;
	s20 =	simm.s32 $0x3;
	[smem:$0x7D7] =	sst s8  }
0x72: {  	s13 =	simm.s32 $0xA;
	s14 =	simm.s32 $0x0;
	[smem:$0x7E6] =	sst s25  }
0x73: {  	s22 =	simm.s32 $0x2E00;
	[smem:$0x7E9] =	sst s5;
	s8 =	sadd.s32 $0x135000, s3  }
0x74: {  	[smem:$0x7FA] =	sst s23;
	s25 =	sadd.s32 $0x4D8, s12;
	s12 =	simm.s32 $0x600  }
0x75: {  	s23 =	simm.s32 $0x6;
	s5 =	simm.s32 $0x8;
	[smem:$0x7EC] =	sst s8  }
0x76: {  	v0 =	vimm.f32 $0.0e+00;
	[smem:$0x7FC] =	sst s25;
	s25 =	simm.s32 $0x5;
	s8 =	simm.s32 $0xB  }
.LBB2_1:
0x77: {  	[smem:$0x7AC] =	sst s14  }
0x78: {  	s0 =	rddreg [dreg:$0xd]  }
0x79: {  	[tilespmem:s4], [sflag:$0x1] =	stream.linear.gather [hbm4b:s0+s4], $0x50, $0x38;
	[tilespmem:$0x1E680] =	vst v63  }
0x7a: {  	s16 =	rddreg [dreg:$0xe]  }
0x7b: {  	[tilespmem:s19], [sflag:$0x1] =	stream.linear.gather [hbm4b:s16+s4], $0x50, $0x38;
	[tilespmem:$0x1E680] =	vst v63  }
0x7c: {  	s14 =	rddreg [dreg:$0xf]  }
0x7d: {  	[tilespmem:s24], [sflag:$0x2] =	stream.linear.gather [hbm4b:s14+s4], $0x50, $0x38;
	[tilespmem:$0x1E680] =	vst v63  }
0x7e: {  	s16 =	rddreg [dreg:$0x10]  }
0x7f: {  	[tilespmem:s7], [sflag:$0x2] =	stream.linear.gather [hbm4b:s16+s4], $0x50, $0x38;
	[tilespmem:$0x1E680] =	vst v63  }
0x80: {  	s14 =	rddreg [dreg:$0x11]  }
0x81: {  	[tilespmem:s18], [sflag:$0x3] =	stream.linear.gather [hbm4b:s14+s4], $0x50, $0x38;
	[tilespmem:$0x1E680] =	vst v63  }
0x82: {  	s16 =	rddreg [dreg:$0x12]  }
0x83: {  	[tilespmem:s26], [sflag:$0x3] =	stream.linear.gather [hbm4b:s16+s4], $0x50, $0x38;
	[tilespmem:$0x1E680] =	vst v63  }
0x84: {  	s14 =	rddreg [dreg:$0x13]  }
0x85: {  	[tilespmem:s6], [sflag:$0x4] =	stream.linear.gather [hbm4b:s14+s4], $0x50, $0x38;
	[tilespmem:$0x1E680] =	vst v63  }
0x86: {  	s16 =	rddreg [dreg:$0x14]  }
0x87: {  	[tilespmem:s31], [sflag:$0x4] =	stream.linear.gather [hbm4b:s16+s4], $0x50, $0x38;
	[tilespmem:$0x1E680] =	vst v63  }
0x88: {  	s14 =	simm.s32 $0x0;
	s16 =	simm.s32 $0x200  }
.LBB2_2:
0x89: {  	p1 =	sne.s32 s16, $0x1E00;
	[tilespmem:s14+$0xA670] =	vst v0  }
0x8a: {  	[tilespmem:s14+$0xA600] =	vst v0  }
0x8b: {  	[tilespmem:s14+$0xA610] =	vst v0  }
.Ltmp0:
0x8c: {  	[tilespmem:s14+$0xA620] =	vst v0;
	(pc) =	sbr.rel @p1 .LBB2_2-.Ltmp0, $4  }
0x8d: {  	[tilespmem:s14+$0xA630] =	vst v0  }
0x8e: {  	[tilespmem:s14+$0xA640] =	vst v0  }
0x8f: {  	[tilespmem:s14+$0xA650] =	vst v0  }
0x90: {  	[tilespmem:s14+$0xA660] =	vst v0;
	s14 =	sshra.s32 s16, $0x2;
	s16 =	sadd.s32 $0x200, s16  }
0x91: {  	[tilespmem:s14+$0xA670] =	vst v0  }
0x92: {  	[tilespmem:s14+$0xA600] =	vst v0  }
0x93: {  	[tilespmem:s14+$0xA610] =	vst v0  }
.Ltmp1:
0x94: {  	[tilespmem:s14+$0xA620] =	vst v0;
	(pc) =	sbr.rel @!p0 .LBB2_4-.Ltmp1, $4  }
0x95: {  	[tilespmem:s14+$0xA630] =	vst v0  }
0x96: {  	[tilespmem:s14+$0xA640] =	vst v0  }
0x97: {  	[tilespmem:s14+$0xA650] =	vst v0  }
0x98: {  	[tilespmem:s14+$0xA660] =	vst v0  }
0x99: {  	s0 =	sld [smem:$0x7C7];
	_ =	sdelay $0x1  }
0x9a: {  	s14 =	simm.s32 $0xA600;
	s16 =	sld [smem:$0x7C8]  }
0x9b: {  	[spmem:s0] =	stream.linear.scatter [tilespmem:s14], [sflag:$0xD], $0x800, $0x38;
	[tilespmem:$0x1E680] =	vst v63  }
0x9c: {  	_ = 	snop  }
0x9d: {  	[spmem:s16] =	stream.linear.scatter [tilespmem:s14], [sflag:$0xD], $0x800, $0x38;
	[tilespmem:$0x1E680] =	vst v63  }
0x9e: {  	s16 =	sld [smem:$0x7CA];
	_ =	sdelay $0x2  }
0x9f: {  	[spmem:s16] =	stream.linear.scatter [tilespmem:s14], [sflag:$0xD], $0x800, $0x38;
	[tilespmem:$0x1E680] =	vst v63  }
0xa0: {  	s16 =	sld [smem:$0x7CC];
	_ =	sdelay $0x2  }
0xa1: {  	[spmem:s16] =	stream.linear.scatter [tilespmem:s14], [sflag:$0xD], $0x800, $0x38;
	[tilespmem:$0x1E680] =	vst v63  }
0xa2: {  	s16 =	sld [smem:$0x7CB];
	_ =	sdelay $0x2  }
0xa3: {  	[spmem:s16] =	stream.linear.scatter [tilespmem:s14], [sflag:$0xD], $0x800, $0x38;
	[tilespmem:$0x1E680] =	vst v63  }
0xa4: {  	s16 =	sld [smem:$0x7CD];
	_ =	sdelay $0x2  }
0xa5: {  	[spmem:s16] =	stream.linear.scatter [tilespmem:s14], [sflag:$0xD], $0x800, $0x38;
	[tilespmem:$0x1E680] =	vst v63  }
0xa6: {  	s16 =	sld [smem:$0x7CE];
	_ =	sdelay $0x2  }
0xa7: {  	[spmem:s16] =	stream.linear.scatter [tilespmem:s14], [sflag:$0xD], $0x800, $0x38;
	[tilespmem:$0x1E680] =	vst v63  }
0xa8: {  	s16 =	sld [smem:$0x7CF];
	_ =	sdelay $0x2  }
0xa9: {  	[spmem:s16] =	stream.linear.scatter [tilespmem:s14], [sflag:$0xD], $0x800, $0x38;
	[tilespmem:$0x1E680] =	vst v63  }
0xaa: {  	s16 =	sld [smem:$0x7D0];
	_ =	sdelay $0x2  }
0xab: {  	[spmem:s16] =	stream.linear.scatter [tilespmem:s14], [sflag:$0xD], $0x800, $0x38;
	[tilespmem:$0x1E680] =	vst v63  }
0xac: {  	s16 =	sld [smem:$0x7D1];
	_ =	sdelay $0x2  }
0xad: {  	[spmem:s16] =	stream.linear.scatter [tilespmem:s14], [sflag:$0xD], $0x800, $0x38;
	[tilespmem:$0x1E680] =	vst v63  }
0xae: {  	s16 =	sld [smem:$0x7D3];
	_ =	sdelay $0x2  }
0xaf: {  	[spmem:s16] =	stream.linear.scatter [tilespmem:s14], [sflag:$0xD], $0x800, $0x38;
	[tilespmem:$0x1E680] =	vst v63  }
0xb0: {  	s16 =	sld [smem:$0x7D5];
	_ =	sdelay $0x2  }
0xb1: {  	[spmem:s16] =	stream.linear.scatter [tilespmem:s14], [sflag:$0xD], $0x800, $0x38;
	[tilespmem:$0x1E680] =	vst v63  }
0xb2: {  	s16 =	sld [smem:$0x7D4];
	_ =	sdelay $0x2  }
0xb3: {  	[spmem:s16] =	stream.linear.scatter [tilespmem:s14], [sflag:$0xD], $0x800, $0x38;
	[tilespmem:$0x1E680] =	vst v63  }
0xb4: {  	s16 =	sld [smem:$0x7D6];
	_ =	sdelay $0x2  }
0xb5: {  	[spmem:s16] =	stream.linear.scatter [tilespmem:s14], [sflag:$0xD], $0x800, $0x38;
	[tilespmem:$0x1E680] =	vst v63  }
0xb6: {  	s16 =	sld [smem:$0x7D7];
	_ =	sdelay $0x2  }
0xb7: {  	[spmem:s16] =	stream.linear.scatter [tilespmem:s14], [sflag:$0xD], $0x800, $0x38;
	[tilespmem:$0x1E680] =	vst v63  }
0xb8: {  	s16 =	sld [smem:$0x7D8];
	_ =	sdelay $0x2  }
0xb9: {  	[spmem:s16] =	stream.linear.scatter [tilespmem:s14], [sflag:$0xD], $0x800, $0x38;
	[tilespmem:$0x1E680] =	vst v63  }
0xba: {  	s16 =	sld [smem:$0x7D9];
	_ =	sdelay $0x2  }
0xbb: {  	[spmem:s16] =	stream.linear.scatter [tilespmem:s14], [sflag:$0xD], $0x800, $0x38;
	[tilespmem:$0x1E680] =	vst v63  }
0xbc: {  	s16 =	sld [smem:$0x7DA];
	_ =	sdelay $0x2  }
0xbd: {  	[spmem:s16] =	stream.linear.scatter [tilespmem:s14], [sflag:$0xD], $0x800, $0x38;
	[tilespmem:$0x1E680] =	vst v63  }
0xbe: {  	s16 =	sld [smem:$0x7DC];
	_ =	sdelay $0x2  }
0xbf: {  	[spmem:s16] =	stream.linear.scatter [tilespmem:s14], [sflag:$0xD], $0x800, $0x38;
	[tilespmem:$0x1E680] =	vst v63  }
0xc0: {  	s16 =	sld [smem:$0x7DE];
	_ =	sdelay $0x2  }
0xc1: {  	[spmem:s16] =	stream.linear.scatter [tilespmem:s14], [sflag:$0xD], $0x800, $0x38;
	[tilespmem:$0x1E680] =	vst v63  }
0xc2: {  	s16 =	sld [smem:$0x7DD];
	_ =	sdelay $0x2  }
0xc3: {  	[spmem:s16] =	stream.linear.scatter [tilespmem:s14], [sflag:$0xD], $0x800, $0x38;
	[tilespmem:$0x1E680] =	vst v63  }
0xc4: {  	s16 =	sld [smem:$0x7DF];
	_ =	sdelay $0x2  }
0xc5: {  	[spmem:s16] =	stream.linear.scatter [tilespmem:s14], [sflag:$0xD], $0x800, $0x38;
	[tilespmem:$0x1E680] =	vst v63  }
0xc6: {  	s16 =	sld [smem:$0x7E0];
	_ =	sdelay $0x2  }
0xc7: {  	[spmem:s16] =	stream.linear.scatter [tilespmem:s14], [sflag:$0xD], $0x800, $0x38;
	[tilespmem:$0x1E680] =	vst v63  }
0xc8: {  	s16 =	sld [smem:$0x7E1];
	_ =	sdelay $0x2  }
0xc9: {  	[spmem:s16] =	stream.linear.scatter [tilespmem:s14], [sflag:$0xD], $0x800, $0x38;
	[tilespmem:$0x1E680] =	vst v63  }
0xca: {  	s16 =	sld [smem:$0x7E2];
	_ =	sdelay $0x2  }
0xcb: {  	[spmem:s16] =	stream.linear.scatter [tilespmem:s14], [sflag:$0xD], $0x800, $0x38;
	[tilespmem:$0x1E680] =	vst v63  }
0xcc: {  	s16 =	sld [smem:$0x7E3];
	_ =	sdelay $0x2  }
0xcd: {  	[spmem:s16] =	stream.linear.scatter [tilespmem:s14], [sflag:$0xD], $0x800, $0x38;
	[tilespmem:$0x1E680] =	vst v63  }
0xce: {  	s16 =	sld [smem:$0x7E5];
	_ =	sdelay $0x2  }
0xcf: {  	[spmem:s16] =	stream.linear.scatter [tilespmem:s14], [sflag:$0xD], $0x800, $0x38;
	[tilespmem:$0x1E680] =	vst v63  }
0xd0: {  	s16 =	sld [smem:$0x7E7];
	_ =	sdelay $0x2  }
0xd1: {  	[spmem:s16] =	stream.linear.scatter [tilespmem:s14], [sflag:$0xD], $0x800, $0x38;
	[tilespmem:$0x1E680] =	vst v63  }
0xd2: {  	s16 =	sld [smem:$0x7E6];
	_ =	sdelay $0x2  }
0xd3: {  	[spmem:s16] =	stream.linear.scatter [tilespmem:s14], [sflag:$0xD], $0x800, $0x38;
	[tilespmem:$0x1E680] =	vst v63  }
0xd4: {  	s16 =	sld [smem:$0x7E8];
	_ =	sdelay $0x2  }
0xd5: {  	[spmem:s16] =	stream.linear.scatter [tilespmem:s14], [sflag:$0xD], $0x800, $0x38;
	[tilespmem:$0x1E680] =	vst v63  }
0xd6: {  	s16 =	sld [smem:$0x7E9];
	_ =	sdelay $0x2  }
0xd7: {  	[spmem:s16] =	stream.linear.scatter [tilespmem:s14], [sflag:$0xD], $0x800, $0x38;
	[tilespmem:$0x1E680] =	vst v63  }
0xd8: {  	s16 =	sld [smem:$0x7EA];
	_ =	sdelay $0x2  }
0xd9: {  	[spmem:s16] =	stream.linear.scatter [tilespmem:s14], [sflag:$0xD], $0x800, $0x38;
	[tilespmem:$0x1E680] =	vst v63  }
0xda: {  	s16 =	sld [smem:$0x7EB];
	_ =	sdelay $0x2  }
0xdb: {  	[spmem:s16] =	stream.linear.scatter [tilespmem:s14], [sflag:$0xD], $0x800, $0x38;
	[tilespmem:$0x1E680] =	vst v63  }
0xdc: {  	s16 =	sld [smem:$0x7EC];
	_ =	sdelay $0x2  }
0xdd: {  	[spmem:s16] =	stream.linear.scatter [tilespmem:s14], [sflag:$0xD], $0x800, $0x38;
	[tilespmem:$0x1E680] =	vst v63  }
0xde: {  	s16 =	sld [smem:$0x7EE];
	_ =	sdelay $0x2  }
0xdf: {  	[spmem:s16] =	stream.linear.scatter [tilespmem:s14], [sflag:$0xD], $0x800, $0x38;
	[tilespmem:$0x1E680] =	vst v63  }
0xe0: {  	s16 =	sld [smem:$0x7F0];
	_ =	sdelay $0x2  }
0xe1: {  	[spmem:s16] =	stream.linear.scatter [tilespmem:s14], [sflag:$0xD], $0x800, $0x38;
	[tilespmem:$0x1E680] =	vst v63  }
0xe2: {  	s16 =	sld [smem:$0x7EF];
	_ =	sdelay $0x2  }
0xe3: {  	[spmem:s16] =	stream.linear.scatter [tilespmem:s14], [sflag:$0xD], $0x800, $0x38;
	[tilespmem:$0x1E680] =	vst v63  }
0xe4: {  	s16 =	sld [smem:$0x7F1];
	_ =	sdelay $0x2  }
0xe5: {  	[spmem:s16] =	stream.linear.scatter [tilespmem:s14], [sflag:$0xD], $0x800, $0x38;
	[tilespmem:$0x1E680] =	vst v63  }
0xe6: {  	s16 =	sld [smem:$0x7F2];
	_ =	sdelay $0x2  }
0xe7: {  	[spmem:s16] =	stream.linear.scatter [tilespmem:s14], [sflag:$0xD], $0x800, $0x38;
	[tilespmem:$0x1E680] =	vst v63  }
0xe8: {  	s16 =	sld [smem:$0x7F3];
	_ =	sdelay $0x1  }
.Ltmp2:
0xe9: {  	_ = 	snop;
	(pc) =	sbr.rel .LBB2_6-.Ltmp2, $4  }
0xea: {  	[spmem:s16] =	stream.linear.scatter [tilespmem:s14], [sflag:$0xD], $0x800, $0x38;
	[tilespmem:$0x1E680] =	vst v63  }
0xeb: {  	_ =	swait.ge [sflag:s17], $0x800  }
0xec: {  	[sflag:s17] =	ssyncset.done $0x0  }
0xed: {  	s16 =	simm.s32 $0x400;
	[sflag:s17] =	ssyncadd.s32 $0xFFFFF800  }
.LBB2_4:
0xee: {  	s0 =	rddreg [dreg:$0x15];
	s14 =	simm.s32 $0xA600  }
0xef: {  	[spmem:s0] =	stream.linear.scatter [tilespmem:s14], [sflag:$0xD], $0x800, $0x38;
	[tilespmem:$0x1E680] =	vst v63  }
0xf0: {  	s16 =	rddreg [dreg:$0x16]  }
0xf1: {  	[spmem:s16] =	stream.linear.scatter [tilespmem:s14], [sflag:$0xD], $0x800, $0x38;
	[tilespmem:$0x1E680] =	vst v63  }
0xf2: {  	s16 =	rddreg [dreg:$0x17]  }
0xf3: {  	[spmem:s16] =	stream.linear.scatter [tilespmem:s14], [sflag:$0xD], $0x800, $0x38;
	[tilespmem:$0x1E680] =	vst v63  }
0xf4: {  	s16 =	rddreg [dreg:$0x18]  }
0xf5: {  	[spmem:s16] =	stream.linear.scatter [tilespmem:s14], [sflag:$0xD], $0x800, $0x38;
	[tilespmem:$0x1E680] =	vst v63  }
0xf6: {  	s16 =	rddreg [dreg:$0x19]  }
0xf7: {  	[spmem:s16] =	stream.linear.scatter [tilespmem:s14], [sflag:$0xD], $0x800, $0x38;
	[tilespmem:$0x1E680] =	vst v63  }
0xf8: {  	s16 =	sld [smem:$0x7E4];
	_ =	sdelay $0x2  }
0xf9: {  	[spmem:s16] =	stream.linear.scatter [tilespmem:s14], [sflag:$0xD], $0x800, $0x38;
	[tilespmem:$0x1E680] =	vst v63  }
0xfa: {  	s16 =	rddreg [dreg:$0x1a]  }
0xfb: {  	[spmem:s16] =	stream.linear.scatter [tilespmem:s14], [sflag:$0xD], $0x800, $0x38;
	[tilespmem:$0x1E680] =	vst v63  }
0xfc: {  	s16 =	rddreg [dreg:$0x1b]  }
0xfd: {  	[spmem:s16] =	stream.linear.scatter [tilespmem:s14], [sflag:$0xD], $0x800, $0x38;
	[tilespmem:$0x1E680] =	vst v63  }
0xfe: {  	s16 =	rddreg [dreg:$0x1c]  }
0xff: {  	[spmem:s16] =	stream.linear.scatter [tilespmem:s14], [sflag:$0xD], $0x800, $0x38;
	[tilespmem:$0x1E680] =	vst v63  }
0x100: {  	s16 =	rddreg [dreg:$0x1e]  }
0x101: {  	[spmem:s16] =	stream.linear.scatter [tilespmem:s14], [sflag:$0xD], $0x800, $0x38;
	[tilespmem:$0x1E680] =	vst v63  }
0x102: {  	s16 =	rddreg [dreg:$0x1f]  }
0x103: {  	[spmem:s16] =	stream.linear.scatter [tilespmem:s14], [sflag:$0xD], $0x800, $0x38;
	[tilespmem:$0x1E680] =	vst v63  }
0x104: {  	s16 =	sld [smem:$0x7C9];
	_ =	sdelay $0x2  }
0x105: {  	[spmem:s16] =	stream.linear.scatter [tilespmem:s14], [sflag:$0xD], $0x800, $0x38;
	[tilespmem:$0x1E680] =	vst v63  }
0x106: {  	s16 =	sld [smem:$0x7AF];
	_ =	sdelay $0x2  }
0x107: {  	[spmem:s16] =	stream.linear.scatter [tilespmem:s14], [sflag:$0xD], $0x800, $0x38;
	[tilespmem:$0x1E680] =	vst v63  }
0x108: {  	s16 =	sld [smem:$0x7ED];
	_ =	sdelay $0x2  }
0x109: {  	[spmem:s16] =	stream.linear.scatter [tilespmem:s14], [sflag:$0xD], $0x800, $0x38;
	[tilespmem:$0x1E680] =	vst v63  }
0x10a: {  	s16 =	sld [smem:$0x7B0];
	_ =	sdelay $0x2  }
0x10b: {  	[spmem:s16] =	stream.linear.scatter [tilespmem:s14], [sflag:$0xD], $0x800, $0x38;
	[tilespmem:$0x1E680] =	vst v63  }
0x10c: {  	s16 =	sld [smem:$0x7B1];
	_ =	sdelay $0x2  }
0x10d: {  	[spmem:s16] =	stream.linear.scatter [tilespmem:s14], [sflag:$0xD], $0x800, $0x38;
	[tilespmem:$0x1E680] =	vst v63  }
0x10e: {  	s16 =	sld [smem:$0x7B2];
	_ =	sdelay $0x2  }
0x10f: {  	[spmem:s16] =	stream.linear.scatter [tilespmem:s14], [sflag:$0xD], $0x800, $0x38;
	[tilespmem:$0x1E680] =	vst v63  }
0x110: {  	s16 =	sld [smem:$0x7B3];
	_ =	sdelay $0x2  }
0x111: {  	[spmem:s16] =	stream.linear.scatter [tilespmem:s14], [sflag:$0xD], $0x800, $0x38;
	[tilespmem:$0x1E680] =	vst v63  }
0x112: {  	s16 =	sld [smem:$0x7B4];
	_ =	sdelay $0x2  }
0x113: {  	[spmem:s16] =	stream.linear.scatter [tilespmem:s14], [sflag:$0xD], $0x800, $0x38;
	[tilespmem:$0x1E680] =	vst v63  }
0x114: {  	s16 =	sld [smem:$0x7B5];
	_ =	sdelay $0x2  }
0x115: {  	[spmem:s16] =	stream.linear.scatter [tilespmem:s14], [sflag:$0xD], $0x800, $0x38;
	[tilespmem:$0x1E680] =	vst v63  }
0x116: {  	s16 =	sld [smem:$0x7B6];
	_ =	sdelay $0x2  }
0x117: {  	[spmem:s16] =	stream.linear.scatter [tilespmem:s14], [sflag:$0xD], $0x800, $0x38;
	[tilespmem:$0x1E680] =	vst v63  }
0x118: {  	s16 =	sld [smem:$0x7D2];
	_ =	sdelay $0x2  }
0x119: {  	[spmem:s16] =	stream.linear.scatter [tilespmem:s14], [sflag:$0xD], $0x800, $0x38;
	[tilespmem:$0x1E680] =	vst v63  }
0x11a: {  	s16 =	sld [smem:$0x7B7];
	_ =	sdelay $0x2  }
0x11b: {  	[spmem:s16] =	stream.linear.scatter [tilespmem:s14], [sflag:$0xD], $0x800, $0x38;
	[tilespmem:$0x1E680] =	vst v63  }
0x11c: {  	s16 =	sld [smem:$0x7B8];
	_ =	sdelay $0x2  }
0x11d: {  	[spmem:s16] =	stream.linear.scatter [tilespmem:s14], [sflag:$0xD], $0x800, $0x38;
	[tilespmem:$0x1E680] =	vst v63  }
0x11e: {  	s16 =	sld [smem:$0x7B9];
	_ =	sdelay $0x2  }
0x11f: {  	[spmem:s16] =	stream.linear.scatter [tilespmem:s14], [sflag:$0xD], $0x800, $0x38;
	[tilespmem:$0x1E680] =	vst v63  }
0x120: {  	s16 =	sld [smem:$0x7BA];
	_ =	sdelay $0x2  }
0x121: {  	[spmem:s16] =	stream.linear.scatter [tilespmem:s14], [sflag:$0xD], $0x800, $0x38;
	[tilespmem:$0x1E680] =	vst v63  }
0x122: {  	s16 =	sld [smem:$0x7BB];
	_ =	sdelay $0x2  }
0x123: {  	[spmem:s16] =	stream.linear.scatter [tilespmem:s14], [sflag:$0xD], $0x800, $0x38;
	[tilespmem:$0x1E680] =	vst v63  }
0x124: {  	s16 =	sld [smem:$0x7BC];
	_ =	sdelay $0x2  }
0x125: {  	[spmem:s16] =	stream.linear.scatter [tilespmem:s14], [sflag:$0xD], $0x800, $0x38;
	[tilespmem:$0x1E680] =	vst v63  }
0x126: {  	s16 =	sld [smem:$0x7BD];
	_ =	sdelay $0x2  }
0x127: {  	[spmem:s16] =	stream.linear.scatter [tilespmem:s14], [sflag:$0xD], $0x800, $0x38;
	[tilespmem:$0x1E680] =	vst v63  }
0x128: {  	s16 =	sld [smem:$0x7DB];
	_ =	sdelay $0x2  }
0x129: {  	[spmem:s16] =	stream.linear.scatter [tilespmem:s14], [sflag:$0xD], $0x800, $0x38;
	[tilespmem:$0x1E680] =	vst v63  }
0x12a: {  	s16 =	sld [smem:$0x7BE];
	_ =	sdelay $0x2  }
0x12b: {  	[spmem:s16] =	stream.linear.scatter [tilespmem:s14], [sflag:$0xD], $0x800, $0x38;
	[tilespmem:$0x1E680] =	vst v63  }
0x12c: {  	s16 =	sld [smem:$0x7BF];
	_ =	sdelay $0x2  }
0x12d: {  	[spmem:s16] =	stream.linear.scatter [tilespmem:s14], [sflag:$0xD], $0x800, $0x38;
	[tilespmem:$0x1E680] =	vst v63  }
0x12e: {  	s16 =	sld [smem:$0x7C0];
	_ =	sdelay $0x2  }
0x12f: {  	[spmem:s16] =	stream.linear.scatter [tilespmem:s14], [sflag:$0xD], $0x800, $0x38;
	[tilespmem:$0x1E680] =	vst v63  }
0x130: {  	s16 =	sld [smem:$0x7C1];
	_ =	sdelay $0x2  }
0x131: {  	[spmem:s16] =	stream.linear.scatter [tilespmem:s14], [sflag:$0xD], $0x800, $0x38;
	[tilespmem:$0x1E680] =	vst v63  }
0x132: {  	s16 =	sld [smem:$0x7C2];
	_ =	sdelay $0x2  }
0x133: {  	[spmem:s16] =	stream.linear.scatter [tilespmem:s14], [sflag:$0xD], $0x800, $0x38;
	[tilespmem:$0x1E680] =	vst v63  }
0x134: {  	s16 =	sld [smem:$0x7C3];
	_ =	sdelay $0x2  }
0x135: {  	[spmem:s16] =	stream.linear.scatter [tilespmem:s14], [sflag:$0xD], $0x800, $0x38;
	[tilespmem:$0x1E680] =	vst v63  }
0x136: {  	s16 =	sld [smem:$0x7C4];
	_ =	sdelay $0x2  }
0x137: {  	[spmem:s16] =	stream.linear.scatter [tilespmem:s14], [sflag:$0xD], $0x800, $0x38;
	[tilespmem:$0x1E680] =	vst v63  }
0x138: {  	s16 =	sld [smem:$0x7C5];
	_ =	sdelay $0x2  }
0x139: {  	[spmem:s16] =	stream.linear.scatter [tilespmem:s14], [sflag:$0xD], $0x800, $0x38;
	[tilespmem:$0x1E680] =	vst v63  }
0x13a: {  	s16 =	sld [smem:$0x7C6];
	_ =	sdelay $0x2  }
0x13b: {  	[spmem:s16] =	stream.linear.scatter [tilespmem:s14], [sflag:$0xD], $0x800, $0x38;
	[tilespmem:$0x1E680] =	vst v63  }
0x13c: {  	s16 =	simm.s32 $0x400  }
.LBB2_6:
0x13d: {  	_ =	swait.ge [sflag:s17], $0x800  }
0x13e: {  	[sflag:s17] =	ssyncset.done $0x0  }
0x13f: {  	[sflag:s17] =	ssyncadd.s32 $0xFFFFF800  }
0x140: {  	_ =	swait.ge [sflag:s17], $0x800  }
0x141: {  	[sflag:s17] =	ssyncset.done $0x0  }
0x142: {  	[sflag:s17] =	ssyncadd.s32 $0xFFFFF800  }
0x143: {  	_ =	swait.ge [sflag:s17], $0x800  }
0x144: {  	[sflag:s17] =	ssyncset.done $0x0  }
0x145: {  	[sflag:s17] =	ssyncadd.s32 $0xFFFFF800  }
0x146: {  	_ =	swait.ge [sflag:s17], $0x800  }
0x147: {  	[sflag:s17] =	ssyncset.done $0x0  }
0x148: {  	[sflag:s17] =	ssyncadd.s32 $0xFFFFF800  }
0x149: {  	_ =	swait.ge [sflag:s17], $0x800  }
0x14a: {  	[sflag:s17] =	ssyncset.done $0x0  }
0x14b: {  	[sflag:s17] =	ssyncadd.s32 $0xFFFFF800  }
0x14c: {  	_ =	swait.ge [sflag:s17], $0x800  }
0x14d: {  	[sflag:s17] =	ssyncset.done $0x0  }
0x14e: {  	[sflag:s17] =	ssyncadd.s32 $0xFFFFF800  }
0x14f: {  	_ =	swait.ge [sflag:s17], $0x800  }
0x150: {  	[sflag:s17] =	ssyncset.done $0x0  }
0x151: {  	[sflag:s17] =	ssyncadd.s32 $0xFFFFF800  }
0x152: {  	_ =	swait.ge [sflag:s17], $0x800  }
0x153: {  	[sflag:s17] =	ssyncset.done $0x0  }
0x154: {  	[sflag:s17] =	ssyncadd.s32 $0xFFFFF800  }
0x155: {  	_ =	swait.ge [sflag:s17], $0x800  }
0x156: {  	[sflag:s17] =	ssyncset.done $0x0  }
0x157: {  	[sflag:s17] =	ssyncadd.s32 $0xFFFFF800  }
0x158: {  	_ =	swait.ge [sflag:s17], $0x800  }
0x159: {  	[sflag:s17] =	ssyncset.done $0x0  }
0x15a: {  	[sflag:s17] =	ssyncadd.s32 $0xFFFFF800  }
0x15b: {  	_ =	swait.ge [sflag:s17], $0x800  }
0x15c: {  	[sflag:s17] =	ssyncset.done $0x0  }
0x15d: {  	[sflag:s17] =	ssyncadd.s32 $0xFFFFF800  }
0x15e: {  	_ =	swait.ge [sflag:s17], $0x800  }
0x15f: {  	[sflag:s17] =	ssyncset.done $0x0  }
0x160: {  	[sflag:s17] =	ssyncadd.s32 $0xFFFFF800  }
0x161: {  	_ =	swait.ge [sflag:s17], $0x800  }
0x162: {  	[sflag:s17] =	ssyncset.done $0x0  }
0x163: {  	[sflag:s17] =	ssyncadd.s32 $0xFFFFF800  }
0x164: {  	_ =	swait.ge [sflag:s17], $0x800  }
0x165: {  	[sflag:s17] =	ssyncset.done $0x0  }
0x166: {  	[sflag:s17] =	ssyncadd.s32 $0xFFFFF800  }
0x167: {  	_ =	swait.ge [sflag:s17], $0x800  }
0x168: {  	[sflag:s17] =	ssyncset.done $0x0  }
0x169: {  	[sflag:s17] =	ssyncadd.s32 $0xFFFFF800  }
0x16a: {  	_ =	swait.ge [sflag:s17], $0x800  }
0x16b: {  	[sflag:s17] =	ssyncset.done $0x0  }
0x16c: {  	[sflag:s17] =	ssyncadd.s32 $0xFFFFF800  }
0x16d: {  	_ =	swait.ge [sflag:s17], $0x800  }
0x16e: {  	[sflag:s17] =	ssyncset.done $0x0  }
0x16f: {  	[sflag:s17] =	ssyncadd.s32 $0xFFFFF800  }
0x170: {  	_ =	swait.ge [sflag:s17], $0x800  }
0x171: {  	[sflag:s17] =	ssyncset.done $0x0  }
0x172: {  	[sflag:s17] =	ssyncadd.s32 $0xFFFFF800  }
0x173: {  	_ =	swait.ge [sflag:s17], $0x800  }
0x174: {  	[sflag:s17] =	ssyncset.done $0x0  }
0x175: {  	[sflag:s17] =	ssyncadd.s32 $0xFFFFF800  }
0x176: {  	_ =	swait.ge [sflag:s17], $0x800  }
0x177: {  	[sflag:s17] =	ssyncset.done $0x0  }
0x178: {  	[sflag:s17] =	ssyncadd.s32 $0xFFFFF800  }
0x179: {  	_ =	swait.ge [sflag:s17], $0x800  }
0x17a: {  	[sflag:s17] =	ssyncset.done $0x0  }
0x17b: {  	[sflag:s17] =	ssyncadd.s32 $0xFFFFF800  }
0x17c: {  	_ =	swait.ge [sflag:s17], $0x800  }
0x17d: {  	[sflag:s17] =	ssyncset.done $0x0  }
0x17e: {  	[sflag:s17] =	ssyncadd.s32 $0xFFFFF800  }
0x17f: {  	_ =	swait.ge [sflag:s17], $0x800  }
0x180: {  	[sflag:s17] =	ssyncset.done $0x0  }
0x181: {  	[sflag:s17] =	ssyncadd.s32 $0xFFFFF800  }
0x182: {  	_ =	swait.ge [sflag:s17], $0x800  }
0x183: {  	[sflag:s17] =	ssyncset.done $0x0  }
0x184: {  	[sflag:s17] =	ssyncadd.s32 $0xFFFFF800  }
0x185: {  	_ =	swait.ge [sflag:s17], $0x800  }
0x186: {  	[sflag:s17] =	ssyncset.done $0x0  }
0x187: {  	[sflag:s17] =	ssyncadd.s32 $0xFFFFF800  }
0x188: {  	_ =	swait.ge [sflag:s17], $0x800  }
0x189: {  	[sflag:s17] =	ssyncset.done $0x0  }
0x18a: {  	[sflag:s17] =	ssyncadd.s32 $0xFFFFF800  }
0x18b: {  	_ =	swait.ge [sflag:s17], $0x800  }
0x18c: {  	[sflag:s17] =	ssyncset.done $0x0  }
0x18d: {  	[sflag:s17] =	ssyncadd.s32 $0xFFFFF800  }
0x18e: {  	_ =	swait.ge [sflag:s17], $0x800  }
0x18f: {  	[sflag:s17] =	ssyncset.done $0x0  }
0x190: {  	[sflag:s17] =	ssyncadd.s32 $0xFFFFF800  }
0x191: {  	_ =	swait.ge [sflag:s17], $0x800  }
0x192: {  	[sflag:s17] =	ssyncset.done $0x0  }
0x193: {  	[sflag:s17] =	ssyncadd.s32 $0xFFFFF800  }
0x194: {  	_ =	swait.ge [sflag:s17], $0x800  }
0x195: {  	[sflag:s17] =	ssyncset.done $0x0  }
0x196: {  	[sflag:s17] =	ssyncadd.s32 $0xFFFFF800  }
0x197: {  	_ =	swait.ge [sflag:s17], $0x800  }
0x198: {  	[sflag:s17] =	ssyncset.done $0x0  }
0x199: {  	[sflag:s17] =	ssyncadd.s32 $0xFFFFF800  }
0x19a: {  	_ =	swait.ge [sflag:s17], $0x800  }
0x19b: {  	[sflag:s17] =	ssyncset.done $0x0  }
0x19c: {  	[sflag:s17] =	ssyncadd.s32 $0xFFFFF800  }
0x19d: {  	_ =	swait.ge [sflag:s17], $0x800  }
0x19e: {  	[sflag:s17] =	ssyncset.done $0x0  }
0x19f: {  	[sflag:s17] =	ssyncadd.s32 $0xFFFFF800  }
0x1a0: {  	_ =	swait.ge [sflag:s17], $0x800  }
0x1a1: {  	[sflag:s17] =	ssyncset.done $0x0  }
0x1a2: {  	[sflag:s17] =	ssyncadd.s32 $0xFFFFF800  }
0x1a3: {  	_ =	swait.ge [sflag:s17], $0x800  }
0x1a4: {  	[sflag:s17] =	ssyncset.done $0x0  }
0x1a5: {  	[sflag:s17] =	ssyncadd.s32 $0xFFFFF800  }
0x1a6: {  	_ =	swait.ge [sflag:s17], $0x800  }
0x1a7: {  	[sflag:s17] =	ssyncset.done $0x0  }
0x1a8: {  	[sflag:s17] =	ssyncadd.s32 $0xFFFFF800  }
0x1a9: {  	_ =	swait.ge [sflag:s17], $0x800  }
0x1aa: {  	[sflag:s17] =	ssyncset.done $0x0  }
0x1ab: {  	[sflag:s17] =	ssyncadd.s32 $0xFFFFF800  }
0x1ac: {  	_ =	swait.ge [sflag:s17], $0x800  }
0x1ad: {  	[sflag:s17] =	ssyncset.done $0x0  }
0x1ae: {  	[sflag:s17] =	ssyncadd.s32 $0xFFFFF800  }
0x1af: {  	_ =	swait.ge [sflag:s17], $0x800  }
0x1b0: {  	[sflag:s17] =	ssyncset.done $0x0  }
0x1b1: {  	[sflag:s17] =	ssyncadd.s32 $0xFFFFF800  }
0x1b2: {  	_ =	swait.ge [sflag:s10], $0x50  }
0x1b3: {  	[sflag:s10] =	ssyncset.done $0x0  }
0x1b4: {  	[sflag:s10] =	ssyncadd.s32 $0xFFFFFFB0  }
0x1b5: {  	_ =	swait.ge [sflag:s10], $0x50  }
0x1b6: {  	[sflag:s10] =	ssyncset.done $0x0  }
0x1b7: {  	s14 =	simm.s32 $0x0;
	[sflag:s10] =	ssyncadd.s32 $0xFFFFFFB0  }
0x1b8: {  	[tilespmem:s12], [sflag:$0x5] =	stream.indirect.gather [hbm4b:s1+s11], $0x80, s14, s11, $0xb8;
	[tilespmem:$0x1E680] =	vst v63  }
0x1b9: {  	_ =	swait.ge [sflag:s21], $0x50  }
0x1ba: {  	[sflag:s21] =	ssyncset.done $0x0  }
0x1bb: {  	[sflag:s21] =	ssyncadd.s32 $0xFFFFFFB0  }
0x1bc: {  	_ =	swait.ge [sflag:s21], $0x50  }
0x1bd: {  	[sflag:s21] =	ssyncset.done $0x0  }
0x1be: {  	[sflag:s21] =	ssyncadd.s32 $0xFFFFFFB0  }
0x1bf: {  	[tilespmem:s22], [sflag:$0x6] =	stream.indirect.gather [hbm4b:s1+s11], $0x80, s24, s11, $0xb8;
	[tilespmem:$0x1E680] =	vst v63  }
0x1c0: {  	[bflag:$0x0] =	sbarrier.arrive $0xFFFF  }
0x1c1: {  	_ =	swait.ge [sflag:s25], $0x2800  }
0x1c2: {  	[sflag:s25] =	ssyncset.done $0x0  }
0x1c3: {  	[sflag:s25] =	ssyncadd.s32 $0xFFFFD800  }
0x1c4: {  	v1 =	vld [tilespmem:$0x200]  }
0x1c5: {  	v2 =	vld [tilespmem:$0x210]  }
0x1c6: {  	v3 =	vld [tilespmem:$0x220]  }
0x1c7: {  	v4 =	vld [tilespmem:$0x230]  }
0x1c8: {  	v5 =	vld [tilespmem:$0x240]  }
0x1c9: {  	[tilespmem:$0x400] =	vst v1  }
0x1ca: {  	[tilespmem:$0x410] =	vst v2  }
0x1cb: {  	[tilespmem:$0x420] =	vst v3  }
0x1cc: {  	[tilespmem:$0x430] =	vst v4  }
0x1cd: {  	s0 =	sld [smem:$0x7F4];
	[tilespmem:$0x440] =	vst v5  }
0x1ce: {  	[spmem:s3] =	stream.indirect.scatter.add.f32 [tilespmem:s12], [sflag:$0x9], $0x80, s16, s11, $0xb8;
	[tilespmem:$0x1E680] =	vst v63  }
0x1cf: {  	s17 =	sld [smem:$0x7F5]  }
0x1d0: {  	[tilespmem:s14], [sflag:$0x1] =	stream.linear.gather [hbm4b:s0+s14], $0x50, $0x38;
	[tilespmem:$0x1E680] =	vst v63  }
0x1d1: {  	_ = 	snop  }
0x1d2: {  	[tilespmem:s19], [sflag:$0x1] =	stream.linear.gather [hbm4b:s17+s14], $0x50, $0x38;
	[tilespmem:$0x1E680] =	vst v63  }
0x1d3: {  	_ =	swait.ge [sflag:s20], $0x50  }
0x1d4: {  	[sflag:s20] =	ssyncset.done $0x0  }
0x1d5: {  	[sflag:s20] =	ssyncadd.s32 $0xFFFFFFB0  }
0x1d6: {  	_ =	swait.ge [sflag:s20], $0x50  }
0x1d7: {  	[sflag:s20] =	ssyncset.done $0x0  }
0x1d8: {  	[sflag:s20] =	ssyncadd.s32 $0xFFFFFFB0  }
0x1d9: {  	[tilespmem:s29], [sflag:$0x7] =	stream.indirect.gather [hbm4b:s1+s11], $0x80, s18, s11, $0xb8;
	[tilespmem:$0x1E680] =	vst v63  }
0x1da: {  	_ =	swait.ge [sflag:s23], $0x2800  }
0x1db: {  	[sflag:s23] =	ssyncset.done $0x0  }
0x1dc: {  	[sflag:s23] =	ssyncadd.s32 $0xFFFFD800  }
0x1dd: {  	v1 =	vld [tilespmem:$0x280]  }
0x1de: {  	v2 =	vld [tilespmem:$0x290]  }
0x1df: {  	v3 =	vld [tilespmem:$0x2A0]  }
0x1e0: {  	v51 =	vld [tilespmem:$0x2B0]  }
0x1e1: {  	v52 =	vld [tilespmem:$0x2C0]  }
0x1e2: {  	[tilespmem:$0x480] =	vst v1  }
0x1e3: {  	[tilespmem:$0x490] =	vst v2  }
0x1e4: {  	[tilespmem:$0x4A0] =	vst v3  }
0x1e5: {  	[tilespmem:$0x4B0] =	vst v51  }
0x1e6: {  	s17 =	simm.s32 $0x480;
	s0 =	sld [smem:$0x7F6];
	[tilespmem:$0x4C0] =	vst v52  }
0x1e7: {  	[spmem:s3] =	stream.indirect.scatter.add.f32 [tilespmem:s22], [sflag:$0xA], $0x80, s17, s11, $0xb8;
	[tilespmem:$0x1E680] =	vst v63  }
0x1e8: {  	_ = 	snop  }
0x1e9: {  	[tilespmem:s24], [sflag:$0x2] =	stream.linear.gather [hbm4b:s0+s14], $0x50, $0x38;
	[tilespmem:$0x1E680] =	vst v63  }
0x1ea: {  	s0 =	sld [smem:$0x7F7];
	_ =	sdelay $0x2  }
0x1eb: {  	[tilespmem:s7], [sflag:$0x2] =	stream.linear.gather [hbm4b:s0+s14], $0x50, $0x38;
	[tilespmem:$0x1E680] =	vst v63  }
0x1ec: {  	_ =	swait.ge [sflag:s28], $0x50  }
0x1ed: {  	[sflag:s28] =	ssyncset.done $0x0  }
0x1ee: {  	[sflag:s28] =	ssyncadd.s32 $0xFFFFFFB0  }
0x1ef: {  	_ =	swait.ge [sflag:s28], $0x50  }
0x1f0: {  	[sflag:s28] =	ssyncset.done $0x0  }
0x1f1: {  	[sflag:s28] =	ssyncadd.s32 $0xFFFFFFB0  }
0x1f2: {  	[tilespmem:s15], [sflag:$0x8] =	stream.indirect.gather [hbm4b:s1+s11], $0x80, s6, s11, $0xb8;
	[tilespmem:$0x1E680] =	vst v63  }
0x1f3: {  	_ =	swait.ge [sflag:s30], $0x2800  }
0x1f4: {  	[sflag:s30] =	ssyncset.done $0x0  }
0x1f5: {  	[sflag:s30] =	ssyncadd.s32 $0xFFFFD800  }
0x1f6: {  	v1 =	vld [tilespmem:$0x300]  }
0x1f7: {  	v2 =	vld [tilespmem:$0x310]  }
0x1f8: {  	v3 =	vld [tilespmem:$0x320]  }
0x1f9: {  	v53 =	vld [tilespmem:$0x330]  }
0x1fa: {  	v54 =	vld [tilespmem:$0x340]  }
0x1fb: {  	[tilespmem:$0x500] =	vst v1  }
0x1fc: {  	[tilespmem:$0x510] =	vst v2  }
0x1fd: {  	[tilespmem:$0x520] =	vst v3  }
0x1fe: {  	[tilespmem:$0x530] =	vst v53  }
0x1ff: {  	s0 =	simm.s32 $0x500;
	[tilespmem:$0x540] =	vst v54  }
0x200: {  	[spmem:s3] =	stream.indirect.scatter.add.f32 [tilespmem:s29], [sflag:$0xB], $0x80, s0, s11, $0xb8;
	[tilespmem:$0x1E680] =	vst v63  }
0x201: {  	_ =	swait.ge [sflag:s2], $0x2800  }
0x202: {  	s0 =	sld [smem:$0x7F8]  }
0x203: {  	[sflag:s2] =	ssyncset.done $0x0  }
0x204: {  	[sflag:s2] =	ssyncadd.s32 $0xFFFFD800  }
0x205: {  	[tilespmem:s18], [sflag:$0x3] =	stream.linear.gather [hbm4b:s0+s14], $0x50, $0x38;
	[tilespmem:$0x1E680] =	vst v63  }
0x206: {  	s0 =	sld [smem:$0x7F9];
	_ =	sdelay $0x2  }
0x207: {  	[tilespmem:s26], [sflag:$0x3] =	stream.linear.gather [hbm4b:s0+s14], $0x50, $0x38;
	[tilespmem:$0x1E680] =	vst v63  }
0x208: {  	_ =	swait.ge [sflag:s10], $0x50  }
0x209: {  	[sflag:s10] =	ssyncset.done $0x0  }
0x20a: {  	[sflag:s10] =	ssyncadd.s32 $0xFFFFFFB0  }
0x20b: {  	_ =	swait.ge [sflag:s10], $0x50  }
0x20c: {  	[sflag:s10] =	ssyncset.done $0x0  }
0x20d: {  	[sflag:s10] =	ssyncadd.s32 $0xFFFFFFB0  }
0x20e: {  	[tilespmem:s12], [sflag:$0x5] =	stream.indirect.gather [hbm4b:s1+s11], $0x80, s14, s11, $0xb8;
	[tilespmem:$0x1E680] =	vst v63  }
0x20f: {  	_ =	swait.ge [sflag:s5], $0x2800  }
0x210: {  	[sflag:s5] =	ssyncset.done $0x0  }
0x211: {  	[sflag:s5] =	ssyncadd.s32 $0xFFFFD800  }
0x212: {  	v1 =	vld [tilespmem:$0x380]  }
0x213: {  	v2 =	vld [tilespmem:$0x390]  }
0x214: {  	v3 =	vld [tilespmem:$0x3A0]  }
0x215: {  	v55 =	vld [tilespmem:$0x3B0]  }
0x216: {  	v56 =	vld [tilespmem:$0x3C0]  }
0x217: {  	[tilespmem:$0x580] =	vst v1  }
0x218: {  	[tilespmem:$0x590] =	vst v2  }
0x219: {  	[tilespmem:$0x5A0] =	vst v3  }
0x21a: {  	[tilespmem:$0x5B0] =	vst v55  }
0x21b: {  	s0 =	simm.s32 $0x580;
	[tilespmem:$0x5C0] =	vst v56  }
0x21c: {  	[spmem:s3] =	stream.indirect.scatter.add.f32 [tilespmem:s15], [sflag:$0xC], $0x80, s0, s11, $0xb8;
	[tilespmem:$0x1E680] =	vst v63  }
0x21d: {  	_ =	swait.ge [sflag:s13], $0x2800  }
0x21e: {  	s0 =	sld [smem:$0x7FA]  }
0x21f: {  	[sflag:s13] =	ssyncset.done $0x0  }
0x220: {  	[sflag:s13] =	ssyncadd.s32 $0xFFFFD800  }
0x221: {  	[tilespmem:s6], [sflag:$0x4] =	stream.linear.gather [hbm4b:s0+s14], $0x50, $0x38;
	[tilespmem:$0x1E680] =	vst v63  }
0x222: {  	s0 =	sld [smem:$0x7FB];
	_ =	sdelay $0x2  }
0x223: {  	[tilespmem:s31], [sflag:$0x4] =	stream.linear.gather [hbm4b:s0+s14], $0x50, $0x38;
	[tilespmem:$0x1E680] =	vst v63  }
0x224: {  	_ =	swait.ge [sflag:s21], $0x50  }
0x225: {  	[sflag:s21] =	ssyncset.done $0x0  }
0x226: {  	[sflag:s21] =	ssyncadd.s32 $0xFFFFFFB0  }
0x227: {  	_ =	swait.ge [sflag:s21], $0x50  }
0x228: {  	[sflag:s21] =	ssyncset.done $0x0  }
0x229: {  	[sflag:s21] =	ssyncadd.s32 $0xFFFFFFB0  }
0x22a: {  	[tilespmem:s22], [sflag:$0x6] =	stream.indirect.gather [hbm4b:s1+s11], $0x80, s24, s11, $0xb8;
	[tilespmem:$0x1E680] =	vst v63  }
0x22b: {  	_ =	swait.ge [sflag:s25], $0x2800  }
0x22c: {  	[sflag:s25] =	ssyncset.done $0x0  }
0x22d: {  	[sflag:s25] =	ssyncadd.s32 $0xFFFFD800  }
0x22e: {  	v1 =	vld [tilespmem:$0x240]  }
0x22f: {  	v2 =	vld [tilespmem:$0x230]  }
0x230: {  	v3 =	vld [tilespmem:$0x200]  }
0x231: {  	v57 =	vld [tilespmem:$0x220]  }
0x232: {  	v58 =	vld [tilespmem:$0x210]  }
0x233: {  	[tilespmem:$0x440] =	vst v1  }
0x234: {  	[tilespmem:$0x430] =	vst v2  }
0x235: {  	[tilespmem:$0x400] =	vst v3  }
0x236: {  	[tilespmem:$0x420] =	vst v57  }
0x237: {  	[tilespmem:$0x410] =	vst v58  }
0x238: {  	[spmem:s3] =	stream.indirect.scatter.add.f32 [tilespmem:s12], [sflag:$0x9], $0x80, s16, s11, $0xb8;
	[tilespmem:$0x1E680] =	vst v63  }
0x239: {  	_ =	swait.ge [sflag:s8], $0x2800  }
0x23a: {  	s0 =	rddreg [dreg:$0xb];
	[sflag:s8] =	ssyncset.done $0x0  }
0x23b: {  	s12 =	rddreg [dreg:$0xc];
	[sflag:s8] =	ssyncadd.s32 $0xFFFFD800;
	s16 =	sadd.s32 $0x0, s0  }
0x23c: {  	[tilespmem:s4], [sflag:$0x1] =	stream.linear.gather [hbm4b:s16+s4], $0x50, $0x38;
	[tilespmem:$0x1E680] =	vst v63  }
0x23d: {  	s0 =	sadd.s32 $0x0, s12  }
0x23e: {  	[tilespmem:s19], [sflag:$0x1] =	stream.linear.gather [hbm4b:s0+s4], $0x50, $0x38;
	[tilespmem:$0x1E680] =	vst v63  }
0x23f: {  	_ =	swait.ge [sflag:s20], $0x50  }
0x240: {  	[sflag:s20] =	ssyncset.done $0x0  }
0x241: {  	[sflag:s20] =	ssyncadd.s32 $0xFFFFFFB0  }
0x242: {  	_ =	swait.ge [sflag:s20], $0x50  }
0x243: {  	[sflag:s20] =	ssyncset.done $0x0  }
0x244: {  	[sflag:s20] =	ssyncadd.s32 $0xFFFFFFB0  }
0x245: {  	[tilespmem:s29], [sflag:$0x7] =	stream.indirect.gather [hbm4b:s1+s11], $0x80, s18, s11, $0xb8;
	[tilespmem:$0x1E680] =	vst v63  }
0x246: {  	_ =	swait.ge [sflag:s23], $0x2800  }
0x247: {  	[sflag:s23] =	ssyncset.done $0x0  }
0x248: {  	[sflag:s23] =	ssyncadd.s32 $0xFFFFD800  }
0x249: {  	v1 =	vld [tilespmem:$0x2B0]  }
0x24a: {  	v2 =	vld [tilespmem:$0x290]  }
0x24b: {  	v3 =	vld [tilespmem:$0x2C0]  }
0x24c: {  	v59 =	vld [tilespmem:$0x280]  }
0x24d: {  	v60 =	vld [tilespmem:$0x2A0]  }
0x24e: {  	[tilespmem:$0x4B0] =	vst v1  }
0x24f: {  	[tilespmem:$0x490] =	vst v2  }
0x250: {  	[tilespmem:$0x4C0] =	vst v3  }
0x251: {  	[tilespmem:$0x480] =	vst v59  }
0x252: {  	[tilespmem:$0x4A0] =	vst v60  }
0x253: {  	[spmem:s3] =	stream.indirect.scatter.add.f32 [tilespmem:s22], [sflag:$0xA], $0x80, s17, s11, $0xb8;
	[tilespmem:$0x1E680] =	vst v63  }
0x254: {  	_ =	swait.ge [sflag:s9], $0x2800  }
0x255: {  	s12 =	rddreg [dreg:$0x9];
	[sflag:s9] =	ssyncset.done $0x0  }
0x256: {  	s17 =	rddreg [dreg:$0xa];
	[sflag:s9] =	ssyncadd.s32 $0xFFFFD800;
	s16 =	sadd.s32 $0x0, s12  }
0x257: {  	[tilespmem:s24], [sflag:$0x2] =	stream.linear.gather [hbm4b:s16+s4], $0x50, $0x38;
	[tilespmem:$0x1E680] =	vst v63  }
0x258: {  	s18 =	sadd.s32 $0x0, s17  }
0x259: {  	[tilespmem:s7], [sflag:$0x2] =	stream.linear.gather [hbm4b:s18+s4], $0x50, $0x38;
	[tilespmem:$0x1E680] =	vst v63  }
0x25a: {  	_ =	swait.ge [sflag:s28], $0x50  }
0x25b: {  	[sflag:s28] =	ssyncset.done $0x0  }
0x25c: {  	[sflag:s28] =	ssyncadd.s32 $0xFFFFFFB0  }
0x25d: {  	_ =	swait.ge [sflag:s28], $0x50  }
0x25e: {  	[sflag:s28] =	ssyncset.done $0x0  }
0x25f: {  	[sflag:s28] =	ssyncadd.s32 $0xFFFFFFB0  }
0x260: {  	[tilespmem:s15], [sflag:$0x8] =	stream.indirect.gather [hbm4b:s1+s11], $0x80, s6, s11, $0xb8;
	[tilespmem:$0x1E680] =	vst v63  }
0x261: {  	_ =	swait.ge [sflag:s30], $0x2800  }
0x262: {  	[sflag:s30] =	ssyncset.done $0x0  }
0x263: {  	[sflag:s30] =	ssyncadd.s32 $0xFFFFD800  }
0x264: {  	v1 =	vld [tilespmem:$0x300]  }
0x265: {  	v2 =	vld [tilespmem:$0x310]  }
0x266: {  	v3 =	vld [tilespmem:$0x320]  }
0x267: {  	v61 =	vld [tilespmem:$0x330]  }
0x268: {  	v62 =	vld [tilespmem:$0x340]  }
0x269: {  	[tilespmem:$0x500] =	vst v1  }
0x26a: {  	[tilespmem:$0x510] =	vst v2  }
0x26b: {  	[tilespmem:$0x520] =	vst v3  }
0x26c: {  	[tilespmem:$0x530] =	vst v61  }
0x26d: {  	s19 =	simm.s32 $0x500;
	[tilespmem:$0x540] =	vst v62  }
0x26e: {  	[spmem:s3] =	stream.indirect.scatter.add.f32 [tilespmem:s29], [sflag:$0xB], $0x80, s19, s11, $0xb8;
	[tilespmem:$0x1E680] =	vst v63  }
0x26f: {  	_ =	swait.ge [sflag:s2], $0x2800  }
0x270: {  	s6 =	simm.s32 $0x100;
	s7 =	rddreg [dreg:$0x7];
	[sflag:s2] =	ssyncset.done $0x0  }
0x271: {  	s17 =	rddreg [dreg:$0x8];
	[sflag:s2] =	ssyncadd.s32 $0xFFFFD800;
	s16 =	sadd.s32 $0x0, s7  }
0x272: {  	[tilespmem:s6], [sflag:$0x3] =	stream.linear.gather [hbm4b:s16+s4], $0x50, $0x38;
	[tilespmem:$0x1E680] =	vst v63  }
0x273: {  	s19 =	sadd.s32 $0x0, s17  }
0x274: {  	[tilespmem:s26], [sflag:$0x3] =	stream.linear.gather [hbm4b:s19+s4], $0x50, $0x38;
	[tilespmem:$0x1E680] =	vst v63  }
0x275: {  	_ =	swait.ge [sflag:s10], $0x50  }
0x276: {  	[sflag:s10] =	ssyncset.done $0x0  }
0x277: {  	[sflag:s10] =	ssyncadd.s32 $0xFFFFFFB0  }
0x278: {  	_ =	swait.ge [sflag:s10], $0x50  }
0x279: {  	[sflag:s10] =	ssyncset.done $0x0  }
0x27a: {  	s24 =	simm.s32 $0x600;
	[sflag:s10] =	ssyncadd.s32 $0xFFFFFFB0  }
0x27b: {  	[tilespmem:s24], [sflag:$0x5] =	stream.indirect.gather [hbm4b:s1+s11], $0x80, s4, s11, $0xb8;
	[tilespmem:$0x1E680] =	vst v63  }
0x27c: {  	_ =	swait.ge [sflag:s5], $0x2800  }
0x27d: {  	[sflag:s5] =	ssyncset.done $0x0  }
0x27e: {  	[sflag:s5] =	ssyncadd.s32 $0xFFFFD800  }
0x27f: {  	v1 =	vld [tilespmem:$0x380]  }
0x280: {  	v2 =	vld [tilespmem:$0x3C0]  }
0x281: {  	v3 =	vld [tilespmem:$0x3B0]  }
0x282: {  	v63 =	vld [tilespmem:$0x390];
	_ =	sdelay $0x1  }
0x283: {  	[tilespmem:$0x580] =	vst v1  }
0x284: {  	[tilespmem:$0x5C0] =	vst v2  }
0x285: {  	s31 =	simm.s32 $0x300;
	s12 =	simm.s32 $0x180;
	s18 =	simm.s32 $0x80;
	[tilespmem:$0x5B0] =	vst v3  }
0x286: {  	s17 =	simm.s32 $0x380;
	s16 =	simm.s32 $0x28;
	s26 =	simm.s32 $0x280;
	v1 =	vld [tilespmem:$0x3A0];
	[tilespmem:$0x590] =	vst v63  }
.LBB2_7:
0x287: {  	_ =	sdelay $0x3  }
0x288: {  	s7 =	simm.s32 $0x580;
	[tilespmem:$0x5A0] =	vst v1  }
0x289: {  	[spmem:s3] =	stream.indirect.scatter.add.f32 [tilespmem:s15], [sflag:$0xC], $0x80, s7, s11, $0xb8;
	[tilespmem:$0x1E680] =	vst v63  }
0x28a: {  	_ =	swait.ge [sflag:s13], $0x2800  }
0x28b: {  	s7 =	rddreg [dreg:$0x5];
	[sflag:s13] =	ssyncset.done $0x0  }
0x28c: {  	s19 =	rddreg [dreg:$0x6];
	[sflag:s13] =	ssyncadd.s32 $0xFFFFD800;
	s7 =	sadd.s32 s14, s7  }
0x28d: {  	[tilespmem:s12], [sflag:$0x4] =	stream.linear.gather [hbm4b:s7+s4], $0x50, $0x38;
	[tilespmem:$0x1E680] =	vst v63  }
0x28e: {  	s7 =	sadd.s32 s14, s19  }
0x28f: {  	[tilespmem:s17], [sflag:$0x4] =	stream.linear.gather [hbm4b:s7+s4], $0x50, $0x38;
	[tilespmem:$0x1E680] =	vst v63  }
0x290: {  	_ =	swait.ge [sflag:s21], $0x50  }
0x291: {  	[sflag:s21] =	ssyncset.done $0x0  }
0x292: {  	[sflag:s21] =	ssyncadd.s32 $0xFFFFFFB0  }
0x293: {  	_ =	swait.ge [sflag:s21], $0x50  }
0x294: {  	[sflag:s21] =	ssyncset.done $0x0  }
0x295: {  	[sflag:s21] =	ssyncadd.s32 $0xFFFFFFB0  }
0x296: {  	[tilespmem:s22], [sflag:$0x6] =	stream.indirect.gather [hbm4b:s1+s11], $0x80, s18, s11, $0xb8;
	[tilespmem:$0x1E680] =	vst v63  }
0x297: {  	_ =	swait.ge [sflag:s25], $0x2800  }
0x298: {  	[sflag:s25] =	ssyncset.done $0x0  }
0x299: {  	[sflag:s25] =	ssyncadd.s32 $0xFFFFD800  }
0x29a: {  	v1 =	vld [tilespmem:$0x240]  }
0x29b: {  	v2 =	vld [tilespmem:$0x230]  }
0x29c: {  	v3 =	vld [tilespmem:$0x200]  }
0x29d: {  	v4 =	vld [tilespmem:$0x220]  }
0x29e: {  	v5 =	vld [tilespmem:$0x210]  }
0x29f: {  	[tilespmem:$0x440] =	vst v1  }
0x2a0: {  	[tilespmem:$0x430] =	vst v2  }
0x2a1: {  	[tilespmem:$0x400] =	vst v3  }
0x2a2: {  	[tilespmem:$0x420] =	vst v4  }
0x2a3: {  	s7 =	simm.s32 $0x400;
	[tilespmem:$0x410] =	vst v5  }
0x2a4: {  	[spmem:s3] =	stream.indirect.scatter.add.f32 [tilespmem:s24], [sflag:$0x9], $0x80, s7, s11, $0xb8;
	[tilespmem:$0x1E680] =	vst v63  }
0x2a5: {  	s0 =	smov.u32 s16;
	_ =	swait.ge [sflag:s8], $0x2800  }
0x2a6: {  	s14 =	smov.u32 s0;
	s0 =	rddreg [dreg:$0xb];
	[sflag:s8] =	ssyncset.done $0x0  }
0x2a7: {  	s7 =	rddreg [dreg:$0xc];
	[sflag:s8] =	ssyncadd.s32 $0xFFFFD800;
	s0 =	sadd.s32 s14, s0  }
0x2a8: {  	[tilespmem:s4], [sflag:$0x1] =	stream.linear.gather [hbm4b:s0+s4], $0x50, $0x38;
	[tilespmem:$0x1E680] =	vst v63  }
0x2a9: {  	s19 =	simm.s32 $0x200;
	s7 =	sadd.s32 s14, s7  }
0x2aa: {  	[tilespmem:s19], [sflag:$0x1] =	stream.linear.gather [hbm4b:s7+s4], $0x50, $0x38;
	[tilespmem:$0x1E680] =	vst v63  }
0x2ab: {  	_ =	swait.ge [sflag:s20], $0x50  }
0x2ac: {  	[sflag:s20] =	ssyncset.done $0x0  }
0x2ad: {  	[sflag:s20] =	ssyncadd.s32 $0xFFFFFFB0  }
0x2ae: {  	_ =	swait.ge [sflag:s20], $0x50  }
0x2af: {  	[sflag:s20] =	ssyncset.done $0x0  }
0x2b0: {  	[sflag:s20] =	ssyncadd.s32 $0xFFFFFFB0  }
0x2b1: {  	[tilespmem:s29], [sflag:$0x7] =	stream.indirect.gather [hbm4b:s1+s11], $0x80, s6, s11, $0xb8;
	[tilespmem:$0x1E680] =	vst v63  }
0x2b2: {  	_ =	swait.ge [sflag:s23], $0x2800  }
0x2b3: {  	[sflag:s23] =	ssyncset.done $0x0  }
0x2b4: {  	[sflag:s23] =	ssyncadd.s32 $0xFFFFD800  }
0x2b5: {  	v1 =	vld [tilespmem:$0x2B0]  }
0x2b6: {  	v2 =	vld [tilespmem:$0x290]  }
0x2b7: {  	v3 =	vld [tilespmem:$0x2C0]  }
0x2b8: {  	v58 =	vld [tilespmem:$0x280]  }
0x2b9: {  	v59 =	vld [tilespmem:$0x2A0]  }
0x2ba: {  	[tilespmem:$0x4B0] =	vst v1  }
0x2bb: {  	[tilespmem:$0x490] =	vst v2  }
0x2bc: {  	[tilespmem:$0x4C0] =	vst v3  }
0x2bd: {  	[tilespmem:$0x480] =	vst v58  }
0x2be: {  	s7 =	simm.s32 $0x480;
	[tilespmem:$0x4A0] =	vst v59  }
0x2bf: {  	[spmem:s3] =	stream.indirect.scatter.add.f32 [tilespmem:s22], [sflag:$0xA], $0x80, s7, s11, $0xb8;
	[tilespmem:$0x1E680] =	vst v63  }
0x2c0: {  	_ =	swait.ge [sflag:s9], $0x2800  }
0x2c1: {  	s0 =	rddreg [dreg:$0x9];
	[sflag:s9] =	ssyncset.done $0x0  }
0x2c2: {  	s7 =	rddreg [dreg:$0xa];
	[sflag:s9] =	ssyncadd.s32 $0xFFFFD800;
	s0 =	sadd.s32 s14, s0  }
0x2c3: {  	[tilespmem:s18], [sflag:$0x2] =	stream.linear.gather [hbm4b:s0+s4], $0x50, $0x38;
	[tilespmem:$0x1E680] =	vst v63  }
0x2c4: {  	s7 =	sadd.s32 s14, s7  }
0x2c5: {  	[tilespmem:s26], [sflag:$0x2] =	stream.linear.gather [hbm4b:s7+s4], $0x50, $0x38;
	[tilespmem:$0x1E680] =	vst v63  }
0x2c6: {  	_ =	swait.ge [sflag:s28], $0x50  }
0x2c7: {  	[sflag:s28] =	ssyncset.done $0x0  }
0x2c8: {  	[sflag:s28] =	ssyncadd.s32 $0xFFFFFFB0  }
0x2c9: {  	_ =	swait.ge [sflag:s28], $0x50  }
0x2ca: {  	[sflag:s28] =	ssyncset.done $0x0  }
0x2cb: {  	[sflag:s28] =	ssyncadd.s32 $0xFFFFFFB0  }
0x2cc: {  	[tilespmem:s15], [sflag:$0x8] =	stream.indirect.gather [hbm4b:s1+s11], $0x80, s12, s11, $0xb8;
	[tilespmem:$0x1E680] =	vst v63  }
0x2cd: {  	_ =	swait.ge [sflag:s30], $0x2800  }
0x2ce: {  	[sflag:s30] =	ssyncset.done $0x0  }
0x2cf: {  	[sflag:s30] =	ssyncadd.s32 $0xFFFFD800  }
0x2d0: {  	v1 =	vld [tilespmem:$0x300]  }
0x2d1: {  	v2 =	vld [tilespmem:$0x310]  }
0x2d2: {  	v3 =	vld [tilespmem:$0x320]  }
0x2d3: {  	v60 =	vld [tilespmem:$0x330]  }
0x2d4: {  	v61 =	vld [tilespmem:$0x340]  }
0x2d5: {  	[tilespmem:$0x500] =	vst v1  }
0x2d6: {  	[tilespmem:$0x510] =	vst v2  }
0x2d7: {  	[tilespmem:$0x520] =	vst v3  }
0x2d8: {  	[tilespmem:$0x530] =	vst v60  }
0x2d9: {  	s7 =	simm.s32 $0x500;
	[tilespmem:$0x540] =	vst v61  }
0x2da: {  	[spmem:s3] =	stream.indirect.scatter.add.f32 [tilespmem:s29], [sflag:$0xB], $0x80, s7, s11, $0xb8;
	[tilespmem:$0x1E680] =	vst v63  }
0x2db: {  	_ =	swait.ge [sflag:s2], $0x2800  }
0x2dc: {  	s0 =	rddreg [dreg:$0x7];
	[sflag:s2] =	ssyncset.done $0x0  }
0x2dd: {  	s7 =	rddreg [dreg:$0x8];
	[sflag:s2] =	ssyncadd.s32 $0xFFFFD800;
	s0 =	sadd.s32 s14, s0  }
0x2de: {  	[tilespmem:s6], [sflag:$0x3] =	stream.linear.gather [hbm4b:s0+s4], $0x50, $0x38;
	[tilespmem:$0x1E680] =	vst v63  }
0x2df: {  	s7 =	sadd.s32 s14, s7  }
0x2e0: {  	[tilespmem:s31], [sflag:$0x3] =	stream.linear.gather [hbm4b:s7+s4], $0x50, $0x38;
	[tilespmem:$0x1E680] =	vst v63  }
0x2e1: {  	_ =	swait.ge [sflag:s10], $0x50  }
0x2e2: {  	[sflag:s10] =	ssyncset.done $0x0  }
0x2e3: {  	[sflag:s10] =	ssyncadd.s32 $0xFFFFFFB0  }
0x2e4: {  	_ =	swait.ge [sflag:s10], $0x50  }
0x2e5: {  	[sflag:s10] =	ssyncset.done $0x0  }
0x2e6: {  	[sflag:s10] =	ssyncadd.s32 $0xFFFFFFB0  }
0x2e7: {  	[tilespmem:s24], [sflag:$0x5] =	stream.indirect.gather [hbm4b:s1+s11], $0x80, s4, s11, $0xb8;
	[tilespmem:$0x1E680] =	vst v63  }
0x2e8: {  	_ =	swait.ge [sflag:s5], $0x2800  }
0x2e9: {  	[sflag:s5] =	ssyncset.done $0x0  }
0x2ea: {  	[sflag:s5] =	ssyncadd.s32 $0xFFFFD800  }
0x2eb: {  	v2 =	vld [tilespmem:$0x380]  }
0x2ec: {  	v3 =	vld [tilespmem:$0x3C0]  }
0x2ed: {  	v62 =	vld [tilespmem:$0x3B0]  }
0x2ee: {  	p1 =	sne.s32 s16, $0x460;
	v63 =	vld [tilespmem:$0x390]  }
.Ltmp3:
0x2ef: {  	_ = 	snop;
	(pc) =	sbr.rel @p1 .LBB2_7-.Ltmp3, $4  }
0x2f0: {  	[tilespmem:$0x580] =	vst v2  }
0x2f1: {  	[tilespmem:$0x5C0] =	vst v3  }
0x2f2: {  	[tilespmem:$0x5B0] =	vst v62  }
0x2f3: {  	s16 =	sadd.s32 $0x28, s16;
	v1 =	vld [tilespmem:$0x3A0];
	[tilespmem:$0x590] =	vst v63  }
0x2f4: {  	_ =	sdelay $0x3  }
0x2f5: {  	s16 =	simm.s32 $0x580;
	[tilespmem:$0x5A0] =	vst v1  }
0x2f6: {  	[spmem:s3] =	stream.indirect.scatter.add.f32 [tilespmem:s15], [sflag:$0xC], $0x80, s16, s11, $0xb8;
	[tilespmem:$0x1E680] =	vst v63  }
0x2f7: {  	_ =	swait.ge [sflag:s13], $0x2800  }
0x2f8: {  	s0 =	rddreg [dreg:$0x5];
	[sflag:s13] =	ssyncset.done $0x0  }
0x2f9: {  	s7 =	rddreg [dreg:$0x6];
	[sflag:s13] =	ssyncadd.s32 $0xFFFFD800;
	s0 =	sadd.s32 s14, s0  }
0x2fa: {  	[tilespmem:s12], [sflag:$0x4] =	stream.linear.gather [hbm4b:s0+s4], $0x50, $0x38;
	[tilespmem:$0x1E680] =	vst v63  }
0x2fb: {  	s14 =	sadd.s32 s14, s7  }
0x2fc: {  	[tilespmem:s17], [sflag:$0x4] =	stream.linear.gather [hbm4b:s14+s4], $0x50, $0x38;
	[tilespmem:$0x1E680] =	vst v63  }
0x2fd: {  	_ =	swait.ge [sflag:s21], $0x50  }
0x2fe: {  	[sflag:s21] =	ssyncset.done $0x0  }
0x2ff: {  	[sflag:s21] =	ssyncadd.s32 $0xFFFFFFB0  }
0x300: {  	_ =	swait.ge [sflag:s21], $0x50  }
0x301: {  	[sflag:s21] =	ssyncset.done $0x0  }
0x302: {  	[sflag:s21] =	ssyncadd.s32 $0xFFFFFFB0  }
0x303: {  	[tilespmem:s22], [sflag:$0x6] =	stream.indirect.gather [hbm4b:s1+s11], $0x80, s18, s11, $0xb8;
	[tilespmem:$0x1E680] =	vst v63  }
0x304: {  	_ =	swait.ge [sflag:s25], $0x2800  }
0x305: {  	[sflag:s25] =	ssyncset.done $0x0  }
0x306: {  	[sflag:s25] =	ssyncadd.s32 $0xFFFFD800  }
0x307: {  	v1 =	vld [tilespmem:$0x200]  }
0x308: {  	v2 =	vld [tilespmem:$0x210]  }
0x309: {  	v3 =	vld [tilespmem:$0x220]  }
0x30a: {  	v4 =	vld [tilespmem:$0x230]  }
0x30b: {  	v5 =	vld [tilespmem:$0x240]  }
0x30c: {  	[tilespmem:$0x400] =	vst v1  }
0x30d: {  	[tilespmem:$0x410] =	vst v2  }
0x30e: {  	[tilespmem:$0x420] =	vst v3  }
0x30f: {  	[tilespmem:$0x430] =	vst v4  }
0x310: {  	s7 =	simm.s32 $0x400;
	[tilespmem:$0x440] =	vst v5  }
0x311: {  	[spmem:s3] =	stream.indirect.scatter.add.f32 [tilespmem:s24], [sflag:$0x9], $0x80, s7, s11, $0xb8;
	[tilespmem:$0x1E680] =	vst v63  }
0x312: {  	_ =	swait.ge [sflag:s8], $0x2800  }
0x313: {  	s26 =	sld [smem:$0x7FC]  }
0x314: {  	[sflag:s8] =	ssyncset.done $0x0  }
0x315: {  	s14 =	sld [smem:$0x7FD];
	[sflag:s8] =	ssyncadd.s32 $0xFFFFD800  }
0x316: {  	[tilespmem:s4], [sflag:$0x1] =	stream.linear.gather [hbm4b:s26+s4], $0x50, $0x38;
	[tilespmem:$0x1E680] =	vst v63  }
0x317: {  	_ = 	snop  }
0x318: {  	[tilespmem:s19], [sflag:$0x1] =	stream.linear.gather [hbm4b:s14+s4], $0x50, $0x38;
	[tilespmem:$0x1E680] =	vst v63  }
0x319: {  	_ =	swait.ge [sflag:s20], $0x50  }
0x31a: {  	[sflag:s20] =	ssyncset.done $0x0  }
0x31b: {  	[sflag:s20] =	ssyncadd.s32 $0xFFFFFFB0  }
0x31c: {  	_ =	swait.ge [sflag:s20], $0x50  }
0x31d: {  	[sflag:s20] =	ssyncset.done $0x0  }
0x31e: {  	[sflag:s20] =	ssyncadd.s32 $0xFFFFFFB0  }
0x31f: {  	[tilespmem:s29], [sflag:$0x7] =	stream.indirect.gather [hbm4b:s1+s11], $0x80, s6, s11, $0xb8;
	[tilespmem:$0x1E680] =	vst v63  }
0x320: {  	_ =	swait.ge [sflag:s23], $0x2800  }
0x321: {  	[sflag:s23] =	ssyncset.done $0x0  }
0x322: {  	[sflag:s23] =	ssyncadd.s32 $0xFFFFD800  }
0x323: {  	v1 =	vld [tilespmem:$0x280]  }
0x324: {  	v2 =	vld [tilespmem:$0x290]  }
0x325: {  	v3 =	vld [tilespmem:$0x2A0]  }
0x326: {  	v56 =	vld [tilespmem:$0x2B0]  }
0x327: {  	v57 =	vld [tilespmem:$0x2C0]  }
0x328: {  	[tilespmem:$0x480] =	vst v1  }
0x329: {  	[tilespmem:$0x490] =	vst v2  }
0x32a: {  	[tilespmem:$0x4A0] =	vst v3  }
0x32b: {  	[tilespmem:$0x4B0] =	vst v56  }
0x32c: {  	s17 =	simm.s32 $0x480;
	[tilespmem:$0x4C0] =	vst v57  }
0x32d: {  	[spmem:s3] =	stream.indirect.scatter.add.f32 [tilespmem:s22], [sflag:$0xA], $0x80, s17, s11, $0xb8;
	[tilespmem:$0x1E680] =	vst v63  }
0x32e: {  	_ =	swait.ge [sflag:s9], $0x2800  }
0x32f: {  	[sflag:s9] =	ssyncset.done $0x0  }
0x330: {  	[sflag:s9] =	ssyncadd.s32 $0xFFFFD800  }
0x331: {  	_ =	swait.ge [sflag:s28], $0x50  }
0x332: {  	[sflag:s28] =	ssyncset.done $0x0  }
0x333: {  	[sflag:s28] =	ssyncadd.s32 $0xFFFFFFB0  }
0x334: {  	_ =	swait.ge [sflag:s28], $0x50  }
0x335: {  	[sflag:s28] =	ssyncset.done $0x0  }
0x336: {  	[sflag:s28] =	ssyncadd.s32 $0xFFFFFFB0  }
0x337: {  	[tilespmem:s15], [sflag:$0x8] =	stream.indirect.gather [hbm4b:s1+s11], $0x80, s12, s11, $0xb8;
	[tilespmem:$0x1E680] =	vst v63  }
0x338: {  	_ =	swait.ge [sflag:s30], $0x2800  }
0x339: {  	[sflag:s30] =	ssyncset.done $0x0  }
0x33a: {  	[sflag:s30] =	ssyncadd.s32 $0xFFFFD800  }
0x33b: {  	v1 =	vld [tilespmem:$0x300]  }
0x33c: {  	v2 =	vld [tilespmem:$0x310]  }
0x33d: {  	v3 =	vld [tilespmem:$0x320]  }
0x33e: {  	v58 =	vld [tilespmem:$0x330]  }
0x33f: {  	v59 =	vld [tilespmem:$0x340]  }
0x340: {  	[tilespmem:$0x500] =	vst v1  }
0x341: {  	[tilespmem:$0x510] =	vst v2  }
0x342: {  	[tilespmem:$0x520] =	vst v3  }
0x343: {  	[tilespmem:$0x530] =	vst v58  }
0x344: {  	s18 =	simm.s32 $0x500;
	[tilespmem:$0x540] =	vst v59  }
0x345: {  	[spmem:s3] =	stream.indirect.scatter.add.f32 [tilespmem:s29], [sflag:$0xB], $0x80, s18, s11, $0xb8;
	[tilespmem:$0x1E680] =	vst v63  }
0x346: {  	_ =	swait.ge [sflag:s2], $0x2800  }
0x347: {  	[sflag:s2] =	ssyncset.done $0x0  }
0x348: {  	[sflag:s2] =	ssyncadd.s32 $0xFFFFD800  }
0x349: {  	_ =	swait.ge [sflag:s10], $0x50  }
0x34a: {  	[sflag:s10] =	ssyncset.done $0x0  }
0x34b: {  	[sflag:s10] =	ssyncadd.s32 $0xFFFFFFB0  }
0x34c: {  	_ =	swait.ge [sflag:s10], $0x50  }
0x34d: {  	[sflag:s10] =	ssyncset.done $0x0  }
0x34e: {  	[sflag:s10] =	ssyncadd.s32 $0xFFFFFFB0  }
0x34f: {  	[tilespmem:s24], [sflag:$0x5] =	stream.indirect.gather [hbm4b:s1+s11], $0x80, s4, s11, $0xb8;
	[tilespmem:$0x1E680] =	vst v63  }
0x350: {  	_ =	swait.ge [sflag:s5], $0x2800  }
0x351: {  	[sflag:s5] =	ssyncset.done $0x0  }
0x352: {  	[sflag:s5] =	ssyncadd.s32 $0xFFFFD800  }
0x353: {  	v1 =	vld [tilespmem:$0x380]  }
0x354: {  	v2 =	vld [tilespmem:$0x390]  }
0x355: {  	v3 =	vld [tilespmem:$0x3A0]  }
0x356: {  	v60 =	vld [tilespmem:$0x3B0]  }
0x357: {  	v61 =	vld [tilespmem:$0x3C0]  }
0x358: {  	[tilespmem:$0x580] =	vst v1  }
0x359: {  	[tilespmem:$0x590] =	vst v2  }
0x35a: {  	[tilespmem:$0x5A0] =	vst v3  }
0x35b: {  	[tilespmem:$0x5B0] =	vst v60  }
0x35c: {  	[tilespmem:$0x5C0] =	vst v61  }
0x35d: {  	[spmem:s3] =	stream.indirect.scatter.add.f32 [tilespmem:s15], [sflag:$0xC], $0x80, s16, s11, $0xb8;
	[tilespmem:$0x1E680] =	vst v63  }
0x35e: {  	_ =	swait.ge [sflag:s13], $0x2800  }
0x35f: {  	[sflag:s13] =	ssyncset.done $0x0  }
0x360: {  	[sflag:s13] =	ssyncadd.s32 $0xFFFFD800  }
0x361: {  	_ =	swait.ge [sflag:s25], $0x2800  }
0x362: {  	[sflag:s25] =	ssyncset.done $0x0  }
0x363: {  	[sflag:s25] =	ssyncadd.s32 $0xFFFFD800  }
0x364: {  	v1 =	vld [tilespmem:$0x200]  }
0x365: {  	v2 =	vld [tilespmem:$0x210]  }
0x366: {  	v3 =	vld [tilespmem:$0x220]  }
0x367: {  	v62 =	vld [tilespmem:$0x230]  }
0x368: {  	v63 =	vld [tilespmem:$0x240]  }
0x369: {  	[tilespmem:$0x400] =	vst v1  }
0x36a: {  	[tilespmem:$0x410] =	vst v2  }
0x36b: {  	[tilespmem:$0x420] =	vst v3  }
0x36c: {  	[tilespmem:$0x430] =	vst v62  }
0x36d: {  	[tilespmem:$0x440] =	vst v63  }
0x36e: {  	[spmem:s3] =	stream.indirect.scatter.add.f32 [tilespmem:s24], [sflag:$0x9], $0x80, s7, s11, $0xb8;
	[tilespmem:$0x1E680] =	vst v63  }
0x36f: {  	_ =	swait.ge [sflag:s8], $0x2800  }
0x370: {  	[sflag:s8] =	ssyncset.done $0x0  }
0x371: {  	[sflag:s8] =	ssyncadd.s32 $0xFFFFD800  }
0x372: {  	_ =	swait.ge [sflag:s9], $0x2800  }
0x373: {  	[sflag:s9] =	ssyncset.done $0x0  }
0x374: {  	[sflag:s9] =	ssyncadd.s32 $0xFFFFD800  }
0x375: {  	_ =	swait.ge [sflag:s2], $0x2800  }
0x376: {  	[sflag:s2] =	ssyncset.done $0x0  }
0x377: {  	[sflag:s2] =	ssyncadd.s32 $0xFFFFD800  }
0x378: {  	[bflag:$0x0] =	sbarrier.arrive $0xFFFF  }
0x379: {  	s0 =	sld [smem:$0x7C7]  }
0x37a: {  	s14 =	sld [smem:$0x7AD];
	_ =	sdelay $0x1  }
0x37b: {  	s7 =	simm.s32 @p0 $0x1FCE;
	s0 =	sshrl.u32 @p0 s0, $0x3  }
0x37c: {  	[hbm:s14], [sflag:s7] =	dma.local @p0 [spmem:s0], $0x2800  }
0x37d: {  	s0 =	simm.s32 @p0 $0xE  }
0x37e: {  	s7 =	stileid.u32;
	_ =	swait.ge @p0 [sflag:s0], $0x2800  }
0x37f: {  	s7 =	sshll.u32 @!p0 s7, $0x6;
	[sflag:s0] =	ssyncset.done @p0 $0x0  }
0x380: {  	[sflag:s0] =	ssyncadd.s32 @p0 $0xFFFFD800;
	s0 =	sor.u32 @!p0 $0x1C0E, s7;
	s7 =	rddreg [dreg:$0x15]  }
0x381: {  	s14 =	rddreg [dreg:$0x1d];
	s7 =	sshrl.u32 @!p0 s7, $0x3  }
0x382: {  	[hbm:s14], [sflag:s0] =	dma.local @!p0 [spmem:s7], $0x2700  }
0x383: {  	s0 =	simm.s32 @!p0 $0xE  }
0x384: {  	_ =	swait.ge @!p0 [sflag:s0], $0x2700  }
0x385: {  	s24 =	sld [smem:$0x7AC]  }
0x386: {  	s26 =	sld [smem:$0x7AE];
	_ =	sdelay $0x1  }
0x387: {  	s14 =	sadd.s32 $0x1, s24  }
0x388: {  	p1 =	sne.s32 s14, s26  }
.Ltmp4:
0x389: {  	_ = 	snop;
	(pc) =	sbr.rel @p1 .LBB2_1-.Ltmp4, $4  }
0x38a: {  	s31 =	simm.s32 $0x380  }
0x38b: {  	s6 =	simm.s32 $0x180;
	s17 =	simm.s32 $0xD;
	s12 =	simm.s32 $0x600  }
0x38c: {  	s18 =	simm.s32 $0x100;
	s7 =	simm.s32 $0x280;
	[sflag:s0] =	ssyncset.done @!p0 $0x0  }
0x38d: {  	[sflag:s0] =	ssyncadd.s32 @!p0 $0xFFFFD900;
	s24 =	simm.s32 $0x80;
	s26 =	simm.s32 $0x300  }
0x38e: {  	_ =	sfence.sel $0x180000  }
0x38f: {  	[bflag:$0x0] =	sbarrier.arrive $0xFFFF  }
0x390: {  	_ =	strace $0x90000047  }
0x391: {  	s0 =	stileid.u32;
	[bflag:$0x2] =	sbarrier.arrive $0xFFFF  }
0x392: {  	p0 =	sne.s32 s0, $0x0;
	s0 =	rddreg [dreg:$0x4]  }
0x393: {  	s0 =	sadd.s32 @!p0 $0x100000, s0  }
0x394: {  	[sflag:s0] =	ssyncadd.tile.s32 @!p0 $0x1;
	_ =	shalt  }
.Lfunc_end2:
_tile_overlayer_lowered:
.L_overlay_start_2:
0x395: {  	(tag) =	ssettag $0x2  }
0x396: {  	s0 =	rddreg [dreg:$0x0];
	s2 =	stileid.u32  }
0x397: {  	s1 =	rddreg [dreg:$0x1];
	p0 =	sne.s32 s2, $0x0  }
0x398: {  	s3 =	rddreg [dreg:$0x2];
	[bflag:$0x3] =	sbarrier.arrive $0xFFFF;
	s2 =	simm.s32 @!p0 $0x1C0E  }
0x399: {  	[timem:s3], [sflag:s2] =	dma.local @!p0 [hbm:s0], s1  }
0x39a: {  	s0 =	simm.s32 @!p0 $0xE  }
0x39b: {  	_ =	swait.ge @!p0 [sflag:s0], s1  }
0x39c: {  	s1 =	ssub.s32 @!p0 $0x0, s1;
	[sflag:s0] =	ssyncset.done @!p0 $0x0  }
0x39d: {  	[sflag:s0] =	ssyncadd.s32 @!p0 s1  }
0x39e: {  	[bflag:$0x3] =	sbarrier.arrive $0xFFFF  }
0x39f: {  	_ =	shalt  }

</sc_bundles>
